<compile_context>
chip_gen: v7x
topology: tpu7x:2x2x1
jax: 0.10.2.dev20260603
libtpu: 0.0.44.dev20260713+nightly
codegen_flags: <defaults>
</compile_context>

<pallas_src>
import jax
import jax.numpy as jnp
from jax import lax
from jax.experimental import pallas as pl
from jax.experimental.pallas import tpu as pltpu
from jax.experimental.pallas import tpu_sc as plsc

N = 10000
E = 320000
D = 128
CW = 16
SHIFT = 14

NC = 2
NS = 16
NW = NC * NS
EPW = E // NW
C = 80
CHUNKS = EPW // C
RPT = 624
RLAST = N - (NS - 1) * RPT
WCH = 80


def _agg_body(x_hbm, eidx_hbm, outp_hbm, outc_hbm,
              idx_v, src_v, dst_v, rows_v, idx2_v, src2_v, dst2_v, rows2_v,
              idx3_v, src3_v, dst3_v, rows3_v,
              ones_v, cbuf_v, acc_sh, cnt_sh,
              sem, sem2, sem3, ssem, ssem2, ssem3, isem, isem2, isem3):
    obuf_v = rows3_v
    cid = lax.axis_index("c")
    sid = lax.axis_index("s")
    wid = sid * NC + cid
    zbase = sid * RPT
    base_e = wid * EPW
    last = sid == NS - 1

    z16 = jnp.zeros((16,), jnp.float32)
    o16 = jnp.ones((16,), jnp.float32)

    @pl.loop(0, WCH)
    def _zrow(r):
        for j in range(D // 16):
            obuf_v[r, pl.ds(j * 16, 16)] = z16
        cbuf_v[r, :] = z16
        ones_v[r, :] = o16

    for k in range(7):
        pltpu.sync_copy(obuf_v, acc_sh.at[pl.ds(zbase + k * WCH, WCH)])
        pltpu.sync_copy(cbuf_v, cnt_sh.at[pl.ds(zbase + k * WCH, WCH)])

    @pl.when(~last)
    def _():
        pltpu.sync_copy(obuf_v.at[pl.ds(0, RPT - 7 * WCH)],
                        acc_sh.at[pl.ds(zbase + 7 * WCH, RPT - 7 * WCH)])
        pltpu.sync_copy(cbuf_v.at[pl.ds(0, RPT - 7 * WCH)],
                        cnt_sh.at[pl.ds(zbase + 7 * WCH, RPT - 7 * WCH)])

    @pl.when(last)
    def _():
        pltpu.sync_copy(obuf_v, acc_sh.at[pl.ds(zbase + 7 * WCH, WCH)])
        pltpu.sync_copy(cbuf_v, cnt_sh.at[pl.ds(zbase + 7 * WCH, WCH)])

    plsc.subcore_barrier()

    bufs = ((idx_v, src_v, dst_v, rows_v, sem, ssem, isem),
            (idx2_v, src2_v, dst2_v, rows2_v, sem2, ssem2, isem2),
            (idx3_v, src3_v, dst3_v, rows3_v, sem3, ssem3, isem3))

    def ifetch(i, b):
        idxb, _, _, _, _, _, isemb = bufs[b]
        pltpu.async_copy(eidx_hbm.at[pl.ds(base_e + i * C, C)], idxb, isemb)

    def unpack(b):
        idxb, srcb, dstb, _, _, _, isemb = bufs[b]
        pltpu.make_async_copy(eidx_hbm.at[pl.ds(base_e, C)], idxb, isemb).wait()
        for k in range(C // 16):
            w = idxb[pl.ds(k * 16, 16)]
            srcb[pl.ds(k * 16, 16)] = lax.shift_right_logical(w, SHIFT)
            dstb[0, pl.ds(k * 16, 16)] = lax.bitwise_and(w, (1 << SHIFT) - 1)

    def gstart(b):
        _, srcb, _, rowsb, semb, _, _ = bufs[b]
        pltpu.async_copy(x_hbm.at[srcb], rowsb, semb)

    def gwait(b):
        _, srcb, _, rowsb, semb, _, _ = bufs[b]
        pltpu.make_async_copy(x_hbm.at[srcb], rowsb, semb).wait()

    def sstart(b):
        _, _, dstb, rowsb, _, ssemb, _ = bufs[b]
        pltpu.async_copy(rowsb, acc_sh.at[dstb.at[0]], ssemb, add=True)
        pltpu.async_copy(ones_v, cnt_sh.at[dstb.at[0]], ssemb, add=True)

    def swait(b):
        _, _, dstb, rowsb, _, ssemb, _ = bufs[b]
        pltpu.make_async_copy(rowsb, acc_sh.at[dstb.at[0]], ssemb).wait()
        pltpu.make_async_copy(ones_v, cnt_sh.at[dstb.at[0]], ssemb).wait()

    ifetch(0, 0)
    ifetch(1, 1)
    ifetch(2, 2)
    unpack(0)
    gstart(0)
    unpack(1)
    gstart(1)

    T = 40

    @pl.loop(0, T)
    def _trip(t):
        i = 3 * t
        for k in range(3):
            j = i + k
            b = k % 3
            bf = (k + 2) % 3
            gwait(b)
            sstart(b)
            if k == 0:
                @pl.when(t != 0)
                def _():
                    swait(bf)
            else:
                swait(bf)
            unpack(bf)
            gstart(bf)
            ifetch(j + 3, b)

    for j in range(120, CHUNKS):
        b = j % 3
        bf = (j + 2) % 3
        gwait(b)
        sstart(b)
        swait(bf)
        if j + 2 < CHUNKS:
            unpack(bf)
            gstart(bf)
        if j + 3 < CHUNKS:
            ifetch(j + 3, (j + 3) % 3)
    swait((CHUNKS - 1) % 3)

    plsc.subcore_barrier()

    def out_chunk(rbase, nrows):
        pltpu.sync_copy(acc_sh.at[pl.ds(rbase, nrows)],
                        obuf_v.at[pl.ds(0, nrows)])
        pltpu.sync_copy(obuf_v.at[pl.ds(0, nrows)],
                        outp_hbm.at[cid, pl.ds(rbase, nrows)])
        pltpu.sync_copy(cnt_sh.at[pl.ds(rbase, nrows)],
                        cbuf_v.at[pl.ds(0, nrows)])
        pltpu.sync_copy(cbuf_v.at[pl.ds(0, nrows)],
                        outc_hbm.at[cid, pl.ds(rbase, nrows)])

    for k in range(7):
        out_chunk(zbase + k * WCH, WCH)

    @pl.when(~last)
    def _():
        out_chunk(zbase + 7 * WCH, RPT - 7 * WCH)

    @pl.when(last)
    def _():
        out_chunk(zbase + 7 * WCH, WCH)


_MESH = plsc.VectorSubcoreMesh(core_axis_name="c", subcore_axis_name="s")
_AGG = pl.kernel(
    _agg_body,
    out_type=[
        jax.ShapeDtypeStruct((NC, N, D), jnp.float32),
        jax.ShapeDtypeStruct((NC, N, CW), jnp.float32),
    ],
    mesh=_MESH,
    compiler_params=pltpu.CompilerParams(use_tc_tiling_on_sc=False),
    scratch_types=[
        pltpu.VMEM((C,), jnp.int32),
        pltpu.VMEM((C,), jnp.int32),
        pltpu.VMEM((1, C), jnp.int32),
        pltpu.VMEM((C, D), jnp.float32),
        pltpu.VMEM((C,), jnp.int32),
        pltpu.VMEM((C,), jnp.int32),
        pltpu.VMEM((1, C), jnp.int32),
        pltpu.VMEM((C, D), jnp.float32),
        pltpu.VMEM((C,), jnp.int32),
        pltpu.VMEM((C,), jnp.int32),
        pltpu.VMEM((1, C), jnp.int32),
        pltpu.VMEM((C, D), jnp.float32),
        pltpu.VMEM((WCH, CW), jnp.float32),
        pltpu.VMEM((WCH, CW), jnp.float32),
        pltpu.VMEM_SHARED((N, D), jnp.float32),
        pltpu.VMEM_SHARED((N, CW), jnp.float32),
        pltpu.SemaphoreType.DMA,
        pltpu.SemaphoreType.DMA,
        pltpu.SemaphoreType.DMA,
        pltpu.SemaphoreType.DMA,
        pltpu.SemaphoreType.DMA,
        pltpu.SemaphoreType.DMA,
        pltpu.SemaphoreType.DMA,
        pltpu.SemaphoreType.DMA,
        pltpu.SemaphoreType.DMA,
    ],
)


R = 2000


def _tc_layer_body(p_ref, c_ref, x_ref, wlT_ref, bl_ref, wrT_ref, th_ref,
                   o_ref, m_ref):
    s = p_ref[0] + p_ref[1]
    cnt = c_ref[0, :, 0:1] + c_ref[1, :, 0:1]
    mean = s / jnp.maximum(cnt, 1.0)
    h = (jnp.dot(mean, wlT_ref[...], preferred_element_type=jnp.float32)
         + bl_ref[...]
         + jnp.dot(x_ref[...], wrT_ref[...], preferred_element_type=jnp.float32))
    h = jnp.maximum(h, th_ref[0, 0])
    o_ref[...] = h
    m = jnp.min(h, axis=0, keepdims=True)
    i = pl.program_id(0)

    @pl.when(i == 0)
    def _():
        m_ref[...] = m

    @pl.when(i != 0)
    def _():
        m_ref[...] = jnp.minimum(m_ref[...], m)


def _tc_layer(p, c, x, wlT, bl2, wrT, thresh):
    grid = (N // R,)
    in_specs = [
        pl.BlockSpec((NC, R, D), lambda i: (0, i, 0)),
        pl.BlockSpec((NC, R, CW), lambda i: (0, i, 0)),
        pl.BlockSpec((R, D), lambda i: (i, 0)),
        pl.BlockSpec((D, D), lambda i: (0, 0)),
        pl.BlockSpec((1, D), lambda i: (0, 0)),
        pl.BlockSpec((D, D), lambda i: (0, 0)),
        pl.BlockSpec((1, 1), lambda i: (0, 0)),
    ]
    return pl.pallas_call(
        _tc_layer_body,
        grid=grid,
        in_specs=in_specs,
        out_specs=[pl.BlockSpec((R, D), lambda i: (i, 0)),
                   pl.BlockSpec((1, D), lambda i: (0, 0))],
        out_shape=[jax.ShapeDtypeStruct((N, D), jnp.float32),
                   jax.ShapeDtypeStruct((1, D), jnp.float32)],
    )(p, c, x, wlT, bl2, wrT, thresh)


def kernel(x, edge_index, Wl0, bl0, Wr0, Wl1, bl1, Wr1):
    eidx = jnp.left_shift(edge_index[0], SHIFT) | edge_index[1]
    wlTs = jnp.stack([Wl0.T, Wl1.T])
    wrTs = jnp.stack([Wr0.T, Wr1.T])
    bls = jnp.stack([bl0.reshape(1, D), bl1.reshape(1, D)])
    ths = jnp.stack([jnp.zeros((1, 1), jnp.float32),
                     jnp.full((1, 1), -jnp.inf, jnp.float32)])

    def body(h, ws):
        wlT, bl2, wrT, th = ws
        p, c = _AGG(h, eidx)
        h2, m = _tc_layer(p, c, h, wlT, bl2, wrT, th)
        return h2, m

    _, ms = lax.scan(body, x, (wlTs, bls, wrTs, ths))
    return ms[1].reshape(D)

# --- scband reference (transcript-rebuilt; emitter-appended) ---
"""Pipeline reference for scband-sagemol-gcn-48962627175092 (READ-ONLY COPY).

The authoritative reference and input builder live on the scoring server;
editing this copy changes nothing except your own understanding.
"""

import jax, jax.numpy as jnp
import numpy as np

N = 10000
E = 320000
D_IN = 128
D_OUT = 128
NUM_LAYERS = 2


def setup_inputs(seed: int = 0) -> dict:
    key = jax.random.key(seed)
    ks = jax.random.split(key, 10)
    x = jax.random.normal(ks[0], (N, D_IN), dtype=jnp.float32)
    edge_index = jax.random.randint(ks[1], (2, E), 0, N, dtype=jnp.int32)
    # SAGEConv params per layer: lin_l (weight+bias, applied to aggregated neighbors),
    # lin_r (weight only, applied to root/self features)
    s0 = 1.0 / np.sqrt(D_IN)
    s1 = 1.0 / np.sqrt(D_OUT)
    Wl0 = jax.random.uniform(ks[2], (D_OUT, D_IN), dtype=jnp.float32, minval=-s0, maxval=s0)
    bl0 = jax.random.uniform(ks[3], (D_OUT,), dtype=jnp.float32, minval=-s0, maxval=s0)
    Wr0 = jax.random.uniform(ks[4], (D_OUT, D_IN), dtype=jnp.float32, minval=-s0, maxval=s0)
    Wl1 = jax.random.uniform(ks[5], (D_OUT, D_OUT), dtype=jnp.float32, minval=-s1, maxval=s1)
    bl1 = jax.random.uniform(ks[6], (D_OUT,), dtype=jnp.float32, minval=-s1, maxval=s1)
    Wr1 = jax.random.uniform(ks[7], (D_OUT, D_OUT), dtype=jnp.float32, minval=-s1, maxval=s1)
    return {"x": x, "edge_index": edge_index, "Wl0": Wl0, "bl0": bl0, "Wr0": Wr0,
            "Wl1": Wl1, "bl1": bl1, "Wr1": Wr1}


def _sage_conv(x, src, dst, Wl, bl, Wr, num_nodes):
    # mean aggregation of source-node features at destination nodes
    msg = jnp.take(x, src, axis=0)                                   # gather [E, d]
    agg = jax.ops.segment_sum(msg, dst, num_segments=num_nodes)      # scatter-add
    cnt = jax.ops.segment_sum(jnp.ones((src.shape[0], 1), dtype=x.dtype), dst,
                              num_segments=num_nodes)
    mean = agg / jnp.maximum(cnt, 1.0)
    return mean @ Wl.T + bl + x @ Wr.T


def reference(x, edge_index, Wl0, bl0, Wr0, Wl1, bl1, Wr1):
    src = edge_index[0]
    dst = edge_index[1]
    n = x.shape[0]
    # layer 0
    h = _sage_conv(x, src, dst, Wl0, bl0, Wr0, n)
    h = jax.nn.relu(h)
    # dropout is identity in eval mode
    # layer 1 (last layer: no relu/dropout)
    h = _sage_conv(h, src, dst, Wl1, bl1, Wr1, n)
    out = jnp.min(h, axis=0)
    return out

if __name__ == "__main__":
    import jax
    _d = setup_inputs()
    print(jax.jit(kernel)(*tuple(_d.values())))

</pallas_src>

<mosaic_0001>
#map = affine_map<(d0, d1) -> (0, 0)>
#map1 = affine_map<(d0, d1) -> (0)>
#map2 = affine_map<(d0, d1) -> (0, 0, 0)>
module attributes {stable_mosaic.version = 14 : i64} {
  func.func @_agg_body(%arg0: i32, %arg1: i32, %arg2: memref<10000x128xf32, #tpu.memory_space<hbm>>, %arg3: memref<320000xi32, #tpu.memory_space<hbm>>, %arg4: memref<2x10000x128xf32, #tpu.memory_space<hbm>>, %arg5: memref<2x10000x16xf32, #tpu.memory_space<hbm>>, %arg6: memref<80xi32, #tpu.memory_space<vmem>>, %arg7: memref<80xi32, #tpu.memory_space<vmem>>, %arg8: memref<1x80xi32, #tpu.memory_space<vmem>>, %arg9: memref<80x128xf32, #tpu.memory_space<vmem>>, %arg10: memref<80xi32, #tpu.memory_space<vmem>>, %arg11: memref<80xi32, #tpu.memory_space<vmem>>, %arg12: memref<1x80xi32, #tpu.memory_space<vmem>>, %arg13: memref<80x128xf32, #tpu.memory_space<vmem>>, %arg14: memref<80xi32, #tpu.memory_space<vmem>>, %arg15: memref<80xi32, #tpu.memory_space<vmem>>, %arg16: memref<1x80xi32, #tpu.memory_space<vmem>>, %arg17: memref<80x128xf32, #tpu.memory_space<vmem>>, %arg18: memref<80x16xf32, #tpu.memory_space<vmem>>, %arg19: memref<80x16xf32, #tpu.memory_space<vmem>>, %arg20: memref<10000x128xf32, #tpu.memory_space<vmem_shared>>, %arg21: memref<10000x16xf32, #tpu.memory_space<vmem_shared>>, %arg22: memref<!tpu.dma_semaphore, #tpu.memory_space<semaphore_mem>>, %arg23: memref<!tpu.dma_semaphore, #tpu.memory_space<semaphore_mem>>, %arg24: memref<!tpu.dma_semaphore, #tpu.memory_space<semaphore_mem>>, %arg25: memref<!tpu.dma_semaphore, #tpu.memory_space<semaphore_mem>>, %arg26: memref<!tpu.dma_semaphore, #tpu.memory_space<semaphore_mem>>, %arg27: memref<!tpu.dma_semaphore, #tpu.memory_space<semaphore_mem>>, %arg28: memref<!tpu.dma_semaphore, #tpu.memory_space<semaphore_mem>>, %arg29: memref<!tpu.dma_semaphore, #tpu.memory_space<semaphore_mem>>, %arg30: memref<!tpu.dma_semaphore, #tpu.memory_space<semaphore_mem>>) attributes {dimension_semantics = [#tpu.dimension_semantics<core_parallel>, #tpu.dimension_semantics<subcore_parallel>], iteration_bounds = array<i64: 2, 16>, scalar_prefetch = 0 : i64, scratch_operands = 25 : i64, tpu.core_type = #tpu.core_type<sc_vector_subcore>, window_params = [{transform_indices = #map}, {transform_indices = #map1}, {transform_indices = #map2}, {transform_indices = #map2}]} {
    %mul3A = arith.constant 2 : i32
    %mul3A_0 = arith.muli %arg1, %mul3A : i32
    %add3A = arith.addi %mul3A_0, %arg0 : i32
    %mul3A_1 = arith.constant 624 : i32
    %mul3A_2 = arith.muli %arg1, %mul3A_1 : i32
    %mul3A_3 = arith.constant 10000 : i32
    %mul3A_4 = arith.muli %add3A, %mul3A_3 : i32
    %eq3A = arith.constant 15 : i32
    %eq3A_5 = arith.cmpi eq, %arg1, %eq3A : i32
    %broadcast_in_dim3A = arith.constant 0.000000e+00 : f32
    %broadcast_in_dim3A_6 = vector.broadcast %broadcast_in_dim3A : f32 to vector<16xf32>
    %broadcast_in_dim3A_7 = arith.constant 1.000000e+00 : f32
    %broadcast_in_dim3A_8 = vector.broadcast %broadcast_in_dim3A_7 : f32 to vector<16xf32>
    %scan3A = arith.constant 0 : i32
    %scan3A_9 = arith.constant 80 : i32
    %scan3A_10 = arith.addi %scan3A, %scan3A_9 : i32
    %scan3A_11 = arith.constant 1 : i32
    scf.for %scan3A_757 = %scan3A to %scan3A_10 step %scan3A_11  : i32 {
      %mul3A_758 = arith.constant 1 : i32
      %mul3A_759 = arith.muli %scan3A_757, %mul3A_758 : i32
      %add3A_760 = arith.constant 0 : i32
      %add3A_761 = arith.addi %add3A_760, %mul3A_759 : i32
      %swap3A_762 = arith.index_cast %add3A_761 : i32 to index
      %swap3A_763 = arith.constant 0 : index
      %swap3A_764 = tpu.vector_load %arg17[%swap3A_762, %swap3A_763] {strides = array<i32>} : memref<80x128xf32, #tpu.memory_space<vmem>>, vector<1x16xf32>,
      %swap3A_765 = vector.shape_cast %swap3A_764 : vector<1x16xf32> to vector<16xf32>
      %swap3A_766 = vector.shape_cast %broadcast_in_dim3A_6 : vector<16xf32> to vector<1x16xf32>
      tpu.vector_store %arg17[%swap3A_762, %swap3A_763], %swap3A_766 {strides = array<i32>} : memref<80x128xf32, #tpu.memory_space<vmem>>, vector<1x16xf32>,
      %swap3A_767 = arith.index_cast %add3A_761 : i32 to index
      %swap3A_768 = arith.constant 16 : index
      %swap3A_769 = tpu.vector_load %arg17[%swap3A_767, %swap3A_768] {strides = array<i32>} : memref<80x128xf32, #tpu.memory_space<vmem>>, vector<1x16xf32>,
      %swap3A_770 = vector.shape_cast %swap3A_769 : vector<1x16xf32> to vector<16xf32>
      %swap3A_771 = vector.shape_cast %broadcast_in_dim3A_6 : vector<16xf32> to vector<1x16xf32>
      tpu.vector_store %arg17[%swap3A_767, %swap3A_768], %swap3A_771 {strides = array<i32>} : memref<80x128xf32, #tpu.memory_space<vmem>>, vector<1x16xf32>,
      %swap3A_772 = arith.index_cast %add3A_761 : i32 to index
      %swap3A_773 = arith.constant 32 : index
      %swap3A_774 = tpu.vector_load %arg17[%swap3A_772, %swap3A_773] {strides = array<i32>} : memref<80x128xf32, #tpu.memory_space<vmem>>, vector<1x16xf32>,
      %swap3A_775 = vector.shape_cast %swap3A_774 : vector<1x16xf32> to vector<16xf32>
      %swap3A_776 = vector.shape_cast %broadcast_in_dim3A_6 : vector<16xf32> to vector<1x16xf32>
      tpu.vector_store %arg17[%swap3A_772, %swap3A_773], %swap3A_776 {strides = array<i32>} : memref<80x128xf32, #tpu.memory_space<vmem>>, vector<1x16xf32>,
      %swap3A_777 = arith.index_cast %add3A_761 : i32 to index
      %swap3A_778 = arith.constant 48 : index
      %swap3A_779 = tpu.vector_load %arg17[%swap3A_777, %swap3A_778] {strides = array<i32>} : memref<80x128xf32, #tpu.memory_space<vmem>>, vector<1x16xf32>,
      %swap3A_780 = vector.shape_cast %swap3A_779 : vector<1x16xf32> to vector<16xf32>
      %swap3A_781 = vector.shape_cast %broadcast_in_dim3A_6 : vector<16xf32> to vector<1x16xf32>
      tpu.vector_store %arg17[%swap3A_777, %swap3A_778], %swap3A_781 {strides = array<i32>} : memref<80x128xf32, #tpu.memory_space<vmem>>, vector<1x16xf32>,
      %swap3A_782 = arith.index_cast %add3A_761 : i32 to index
      %swap3A_783 = arith.constant 64 : index
      %swap3A_784 = tpu.vector_load %arg17[%swap3A_782, %swap3A_783] {strides = array<i32>} : memref<80x128xf32, #tpu.memory_space<vmem>>, vector<1x16xf32>,
      %swap3A_785 = vector.shape_cast %swap3A_784 : vector<1x16xf32> to vector<16xf32>
      %swap3A_786 = vector.shape_cast %broadcast_in_dim3A_6 : vector<16xf32> to vector<1x16xf32>
      tpu.vector_store %arg17[%swap3A_782, %swap3A_783], %swap3A_786 {strides = array<i32>} : memref<80x128xf32, #tpu.memory_space<vmem>>, vector<1x16xf32>,
      %swap3A_787 = arith.index_cast %add3A_761 : i32 to index
      %swap3A_788 = arith.constant 80 : index
      %swap3A_789 = tpu.vector_load %arg17[%swap3A_787, %swap3A_788] {strides = array<i32>} : memref<80x128xf32, #tpu.memory_space<vmem>>, vector<1x16xf32>,
      %swap3A_790 = vector.shape_cast %swap3A_789 : vector<1x16xf32> to vector<16xf32>
      %swap3A_791 = vector.shape_cast %broadcast_in_dim3A_6 : vector<16xf32> to vector<1x16xf32>
      tpu.vector_store %arg17[%swap3A_787, %swap3A_788], %swap3A_791 {strides = array<i32>} : memref<80x128xf32, #tpu.memory_space<vmem>>, vector<1x16xf32>,
      %swap3A_792 = arith.index_cast %add3A_761 : i32 to index
      %swap3A_793 = arith.constant 96 : index
      %swap3A_794 = tpu.vector_load %arg17[%swap3A_792, %swap3A_793] {strides = array<i32>} : memref<80x128xf32, #tpu.memory_space<vmem>>, vector<1x16xf32>,
      %swap3A_795 = vector.shape_cast %swap3A_794 : vector<1x16xf32> to vector<16xf32>
      %swap3A_796 = vector.shape_cast %broadcast_in_dim3A_6 : vector<16xf32> to vector<1x16xf32>
      tpu.vector_store %arg17[%swap3A_792, %swap3A_793], %swap3A_796 {strides = array<i32>} : memref<80x128xf32, #tpu.memory_space<vmem>>, vector<1x16xf32>,
      %swap3A_797 = arith.index_cast %add3A_761 : i32 to index
      %swap3A_798 = arith.constant 112 : index
      %swap3A_799 = tpu.vector_load %arg17[%swap3A_797, %swap3A_798] {strides = array<i32>} : memref<80x128xf32, #tpu.memory_space<vmem>>, vector<1x16xf32>,
      %swap3A_800 = vector.shape_cast %swap3A_799 : vector<1x16xf32> to vector<16xf32>
      %swap3A_801 = vector.shape_cast %broadcast_in_dim3A_6 : vector<16xf32> to vector<1x16xf32>
      tpu.vector_store %arg17[%swap3A_797, %swap3A_798], %swap3A_801 {strides = array<i32>} : memref<80x128xf32, #tpu.memory_space<vmem>>, vector<1x16xf32>,
      %swap3A_802 = arith.index_cast %add3A_761 : i32 to index
      %swap3A_803 = arith.constant 0 : index
      %swap3A_804 = tpu.vector_load %arg19[%swap3A_802, %swap3A_803] {strides = array<i32>} : memref<80x16xf32, #tpu.memory_space<vmem>>, vector<1x16xf32>,
      %swap3A_805 = vector.shape_cast %swap3A_804 : vector<1x16xf32> to vector<16xf32>
      %swap3A_806 = vector.shape_cast %broadcast_in_dim3A_6 : vector<16xf32> to vector<1x16xf32>
      tpu.vector_store %arg19[%swap3A_802, %swap3A_803], %swap3A_806 {strides = array<i32>} : memref<80x16xf32, #tpu.memory_space<vmem>>, vector<1x16xf32>,
      %swap3A_807 = arith.index_cast %add3A_761 : i32 to index
      %swap3A_808 = arith.constant 0 : index
      %swap3A_809 = tpu.vector_load %arg18[%swap3A_807, %swap3A_808] {strides = array<i32>} : memref<80x16xf32, #tpu.memory_space<vmem>>, vector<1x16xf32>,
      %swap3A_810 = vector.shape_cast %swap3A_809 : vector<1x16xf32> to vector<16xf32>
      %swap3A_811 = vector.shape_cast %broadcast_in_dim3A_8 : vector<16xf32> to vector<1x16xf32>
      tpu.vector_store %arg18[%swap3A_807, %swap3A_808], %swap3A_811 {strides = array<i32>} : memref<80x16xf32, #tpu.memory_space<vmem>>, vector<1x16xf32>,
    }
    %scan3A_12 = arith.constant 80 : i32
    %add3A_13 = arith.constant 0 : i32
    %add3A_14 = arith.addi %mul3A_2, %add3A_13 : i32
    "tpu.region"() ({
      %run_scoped3A = tpu.sem_alloc : memref<!tpu.dma_semaphore, #tpu.memory_space<semaphore_mem>>
      %dma_start3A_757 = arith.constant 0 : i32
      %dma_start3A_758 = tpu.memref_slice %arg20[%add3A_14, %dma_start3A_757] : memref<10000x128xf32, #tpu.memory_space<vmem_shared>> -> memref<80x128xf32, #tpu.memory_space<vmem_shared>>
      %dma_start3A_759 = arith.constant 0 : i32
      %dma_start3A_760 = tpu.memref_slice %arg20[%add3A_14, %dma_start3A_759] : memref<10000x128xf32, #tpu.memory_space<vmem_shared>> -> memref<80x128xf32, #tpu.memory_space<vmem_shared>>
      tpu.enqueue_dma source(%arg17 : memref<80x128xf32, #tpu.memory_space<vmem>>) target(%dma_start3A_760 : memref<80x128xf32, #tpu.memory_space<vmem_shared>>) target_semaphore(%run_scoped3A : memref<!tpu.dma_semaphore, #tpu.memory_space<semaphore_mem>>)
      %dma_wait3A_761 = arith.constant 0 : i32
      %dma_wait3A_762 = tpu.memref_slice %arg20[%add3A_14, %dma_wait3A_761] : memref<10000x128xf32, #tpu.memory_space<vmem_shared>> -> memref<80x128xf32, #tpu.memory_space<vmem_shared>>
      %dma_wait3A_763 = arith.constant 0 : i32
      %dma_wait3A_764 = tpu.memref_slice %arg20[%add3A_14, %dma_wait3A_763] : memref<10000x128xf32, #tpu.memory_space<vmem_shared>> -> memref<80x128xf32, #tpu.memory_space<vmem_shared>>
      tpu.wait_dma2 semaphore(%run_scoped3A : memref<!tpu.dma_semaphore, #tpu.memory_space<semaphore_mem>>) src(%arg17 : memref<80x128xf32, #tpu.memory_space<vmem>>) dst(%dma_wait3A_764 : memref<80x128xf32, #tpu.memory_space<vmem_shared>>)
      tpu.yield
    }) : () -> ()
    %add3A_15 = arith.constant 0 : i32
    %add3A_16 = arith.addi %mul3A_2, %add3A_15 : i32
    "tpu.region"() ({
      %run_scoped3A = tpu.sem_alloc : memref<!tpu.dma_semaphore, #tpu.memory_space<semaphore_mem>>
      %dma_start3A_757 = arith.constant 0 : i32
      %dma_start3A_758 = tpu.memref_slice %arg21[%add3A_16, %dma_start3A_757] : memref<10000x16xf32, #tpu.memory_space<vmem_shared>> -> memref<80x16xf32, #tpu.memory_space<vmem_shared>>
      %dma_start3A_759 = arith.constant 0 : i32
      %dma_start3A_760 = tpu.memref_slice %arg21[%add3A_16, %dma_start3A_759] : memref<10000x16xf32, #tpu.memory_space<vmem_shared>> -> memref<80x16xf32, #tpu.memory_space<vmem_shared>>
      tpu.enqueue_dma source(%arg19 : memref<80x16xf32, #tpu.memory_space<vmem>>) target(%dma_start3A_760 : memref<80x16xf32, #tpu.memory_space<vmem_shared>>) target_semaphore(%run_scoped3A : memref<!tpu.dma_semaphore, #tpu.memory_space<semaphore_mem>>)
      %dma_wait3A_761 = arith.constant 0 : i32
      %dma_wait3A_762 = tpu.memref_slice %arg21[%add3A_16, %dma_wait3A_761] : memref<10000x16xf32, #tpu.memory_space<vmem_shared>> -> memref<80x16xf32, #tpu.memory_space<vmem_shared>>
      %dma_wait3A_763 = arith.constant 0 : i32
      %dma_wait3A_764 = tpu.memref_slice %arg21[%add3A_16, %dma_wait3A_763] : memref<10000x16xf32, #tpu.memory_space<vmem_shared>> -> memref<80x16xf32, #tpu.memory_space<vmem_shared>>
      tpu.wait_dma2 semaphore(%run_scoped3A : memref<!tpu.dma_semaphore, #tpu.memory_space<semaphore_mem>>) src(%arg19 : memref<80x16xf32, #tpu.memory_space<vmem>>) dst(%dma_wait3A_764 : memref<80x16xf32, #tpu.memory_space<vmem_shared>>)
      tpu.yield
    }) : () -> ()
    %add3A_17 = arith.constant 80 : i32
    %add3A_18 = arith.addi %mul3A_2, %add3A_17 : i32
    "tpu.region"() ({
      %run_scoped3A = tpu.sem_alloc : memref<!tpu.dma_semaphore, #tpu.memory_space<semaphore_mem>>
      %dma_start3A_757 = arith.constant 0 : i32
      %dma_start3A_758 = tpu.memref_slice %arg20[%add3A_18, %dma_start3A_757] : memref<10000x128xf32, #tpu.memory_space<vmem_shared>> -> memref<80x128xf32, #tpu.memory_space<vmem_shared>>
      %dma_start3A_759 = arith.constant 0 : i32
      %dma_start3A_760 = tpu.memref_slice %arg20[%add3A_18, %dma_start3A_759] : memref<10000x128xf32, #tpu.memory_space<vmem_shared>> -> memref<80x128xf32, #tpu.memory_space<vmem_shared>>
      tpu.enqueue_dma source(%arg17 : memref<80x128xf32, #tpu.memory_space<vmem>>) target(%dma_start3A_760 : memref<80x128xf32, #tpu.memory_space<vmem_shared>>) target_semaphore(%run_scoped3A : memref<!tpu.dma_semaphore, #tpu.memory_space<semaphore_mem>>)
      %dma_wait3A_761 = arith.constant 0 : i32
      %dma_wait3A_762 = tpu.memref_slice %arg20[%add3A_18, %dma_wait3A_761] : memref<10000x128xf32, #tpu.memory_space<vmem_shared>> -> memref<80x128xf32, #tpu.memory_space<vmem_shared>>
      %dma_wait3A_763 = arith.constant 0 : i32
      %dma_wait3A_764 = tpu.memref_slice %arg20[%add3A_18, %dma_wait3A_763] : memref<10000x128xf32, #tpu.memory_space<vmem_shared>> -> memref<80x128xf32, #tpu.memory_space<vmem_shared>>
      tpu.wait_dma2 semaphore(%run_scoped3A : memref<!tpu.dma_semaphore, #tpu.memory_space<semaphore_mem>>) src(%arg17 : memref<80x128xf32, #tpu.memory_space<vmem>>) dst(%dma_wait3A_764 : memref<80x128xf32, #tpu.memory_space<vmem_shared>>)
      tpu.yield
    }) : () -> ()
    %add3A_19 = arith.constant 80 : i32
    %add3A_20 = arith.addi %mul3A_2, %add3A_19 : i32
    "tpu.region"() ({
      %run_scoped3A = tpu.sem_alloc : memref<!tpu.dma_semaphore, #tpu.memory_space<semaphore_mem>>
      %dma_start3A_757 = arith.constant 0 : i32
      %dma_start3A_758 = tpu.memref_slice %arg21[%add3A_20, %dma_start3A_757] : memref<10000x16xf32, #tpu.memory_space<vmem_shared>> -> memref<80x16xf32, #tpu.memory_space<vmem_shared>>
      %dma_start3A_759 = arith.constant 0 : i32
      %dma_start3A_760 = tpu.memref_slice %arg21[%add3A_20, %dma_start3A_759] : memref<10000x16xf32, #tpu.memory_space<vmem_shared>> -> memref<80x16xf32, #tpu.memory_space<vmem_shared>>
      tpu.enqueue_dma source(%arg19 : memref<80x16xf32, #tpu.memory_space<vmem>>) target(%dma_start3A_760 : memref<80x16xf32, #tpu.memory_space<vmem_shared>>) target_semaphore(%run_scoped3A : memref<!tpu.dma_semaphore, #tpu.memory_space<semaphore_mem>>)
      %dma_wait3A_761 = arith.constant 0 : i32
      %dma_wait3A_762 = tpu.memref_slice %arg21[%add3A_20, %dma_wait3A_761] : memref<10000x16xf32, #tpu.memory_space<vmem_shared>> -> memref<80x16xf32, #tpu.memory_space<vmem_shared>>
      %dma_wait3A_763 = arith.constant 0 : i32
      %dma_wait3A_764 = tpu.memref_slice %arg21[%add3A_20, %dma_wait3A_763] : memref<10000x16xf32, #tpu.memory_space<vmem_shared>> -> memref<80x16xf32, #tpu.memory_space<vmem_shared>>
      tpu.wait_dma2 semaphore(%run_scoped3A : memref<!tpu.dma_semaphore, #tpu.memory_space<semaphore_mem>>) src(%arg19 : memref<80x16xf32, #tpu.memory_space<vmem>>) dst(%dma_wait3A_764 : memref<80x16xf32, #tpu.memory_space<vmem_shared>>)
      tpu.yield
    }) : () -> ()
    %add3A_21 = arith.constant 160 : i32
    %add3A_22 = arith.addi %mul3A_2, %add3A_21 : i32
    "tpu.region"() ({
      %run_scoped3A = tpu.sem_alloc : memref<!tpu.dma_semaphore, #tpu.memory_space<semaphore_mem>>
      %dma_start3A_757 = arith.constant 0 : i32
      %dma_start3A_758 = tpu.memref_slice %arg20[%add3A_22, %dma_start3A_757] : memref<10000x128xf32, #tpu.memory_space<vmem_shared>> -> memref<80x128xf32, #tpu.memory_space<vmem_shared>>
      %dma_start3A_759 = arith.constant 0 : i32
      %dma_start3A_760 = tpu.memref_slice %arg20[%add3A_22, %dma_start3A_759] : memref<10000x128xf32, #tpu.memory_space<vmem_shared>> -> memref<80x128xf32, #tpu.memory_space<vmem_shared>>
      tpu.enqueue_dma source(%arg17 : memref<80x128xf32, #tpu.memory_space<vmem>>) target(%dma_start3A_760 : memref<80x128xf32, #tpu.memory_space<vmem_shared>>) target_semaphore(%run_scoped3A : memref<!tpu.dma_semaphore, #tpu.memory_space<semaphore_mem>>)
      %dma_wait3A_761 = arith.constant 0 : i32
      %dma_wait3A_762 = tpu.memref_slice %arg20[%add3A_22, %dma_wait3A_761] : memref<10000x128xf32, #tpu.memory_space<vmem_shared>> -> memref<80x128xf32, #tpu.memory_space<vmem_shared>>
      %dma_wait3A_763 = arith.constant 0 : i32
      %dma_wait3A_764 = tpu.memref_slice %arg20[%add3A_22, %dma_wait3A_763] : memref<10000x128xf32, #tpu.memory_space<vmem_shared>> -> memref<80x128xf32, #tpu.memory_space<vmem_shared>>
      tpu.wait_dma2 semaphore(%run_scoped3A : memref<!tpu.dma_semaphore, #tpu.memory_space<semaphore_mem>>) src(%arg17 : memref<80x128xf32, #tpu.memory_space<vmem>>) dst(%dma_wait3A_764 : memref<80x128xf32, #tpu.memory_space<vmem_shared>>)
      tpu.yield
    }) : () -> ()
    %add3A_23 = arith.constant 160 : i32
    %add3A_24 = arith.addi %mul3A_2, %add3A_23 : i32
    "tpu.region"() ({
      %run_scoped3A = tpu.sem_alloc : memref<!tpu.dma_semaphore, #tpu.memory_space<semaphore_mem>>
      %dma_start3A_757 = arith.constant 0 : i32
      %dma_start3A_758 = tpu.memref_slice %arg21[%add3A_24, %dma_start3A_757] : memref<10000x16xf32, #tpu.memory_space<vmem_shared>> -> memref<80x16xf32, #tpu.memory_space<vmem_shared>>
      %dma_start3A_759 = arith.constant 0 : i32
      %dma_start3A_760 = tpu.memref_slice %arg21[%add3A_24, %dma_start3A_759] : memref<10000x16xf32, #tpu.memory_space<vmem_shared>> -> memref<80x16xf32, #tpu.memory_space<vmem_shared>>
      tpu.enqueue_dma source(%arg19 : memref<80x16xf32, #tpu.memory_space<vmem>>) target(%dma_start3A_760 : memref<80x16xf32, #tpu.memory_space<vmem_shared>>) target_semaphore(%run_scoped3A : memref<!tpu.dma_semaphore, #tpu.memory_space<semaphore_mem>>)
      %dma_wait3A_761 = arith.constant 0 : i32
      %dma_wait3A_762 = tpu.memref_slice %arg21[%add3A_24, %dma_wait3A_761] : memref<10000x16xf32, #tpu.memory_space<vmem_shared>> -> memref<80x16xf32, #tpu.memory_space<vmem_shared>>
      %dma_wait3A_763 = arith.constant 0 : i32
      %dma_wait3A_764 = tpu.memref_slice %arg21[%add3A_24, %dma_wait3A_763] : memref<10000x16xf32, #tpu.memory_space<vmem_shared>> -> memref<80x16xf32, #tpu.memory_space<vmem_shared>>
      tpu.wait_dma2 semaphore(%run_scoped3A : memref<!tpu.dma_semaphore, #tpu.memory_space<semaphore_mem>>) src(%arg19 : memref<80x16xf32, #tpu.memory_space<vmem>>) dst(%dma_wait3A_764 : memref<80x16xf32, #tpu.memory_space<vmem_shared>>)
      tpu.yield
    }) : () -> ()
    %add3A_25 = arith.constant 240 : i32
    %add3A_26 = arith.addi %mul3A_2, %add3A_25 : i32
    "tpu.region"() ({
      %run_scoped3A = tpu.sem_alloc : memref<!tpu.dma_semaphore, #tpu.memory_space<semaphore_mem>>
      %dma_start3A_757 = arith.constant 0 : i32
      %dma_start3A_758 = tpu.memref_slice %arg20[%add3A_26, %dma_start3A_757] : memref<10000x128xf32, #tpu.memory_space<vmem_shared>> -> memref<80x128xf32, #tpu.memory_space<vmem_shared>>
      %dma_start3A_759 = arith.constant 0 : i32
      %dma_start3A_760 = tpu.memref_slice %arg20[%add3A_26, %dma_start3A_759] : memref<10000x128xf32, #tpu.memory_space<vmem_shared>> -> memref<80x128xf32, #tpu.memory_space<vmem_shared>>
      tpu.enqueue_dma source(%arg17 : memref<80x128xf32, #tpu.memory_space<vmem>>) target(%dma_start3A_760 : memref<80x128xf32, #tpu.memory_space<vmem_shared>>) target_semaphore(%run_scoped3A : memref<!tpu.dma_semaphore, #tpu.memory_space<semaphore_mem>>)
      %dma_wait3A_761 = arith.constant 0 : i32
      %dma_wait3A_762 = tpu.memref_slice %arg20[%add3A_26, %dma_wait3A_761] : memref<10000x128xf32, #tpu.memory_space<vmem_shared>> -> memref<80x128xf32, #tpu.memory_space<vmem_shared>>
      %dma_wait3A_763 = arith.constant 0 : i32
      %dma_wait3A_764 = tpu.memref_slice %arg20[%add3A_26, %dma_wait3A_763] : memref<10000x128xf32, #tpu.memory_space<vmem_shared>> -> memref<80x128xf32, #tpu.memory_space<vmem_shared>>
      tpu.wait_dma2 semaphore(%run_scoped3A : memref<!tpu.dma_semaphore, #tpu.memory_space<semaphore_mem>>) src(%arg17 : memref<80x128xf32, #tpu.memory_space<vmem>>) dst(%dma_wait3A_764 : memref<80x128xf32, #tpu.memory_space<vmem_shared>>)
      tpu.yield
    }) : () -> ()
    %add3A_27 = arith.constant 240 : i32
    %add3A_28 = arith.addi %mul3A_2, %add3A_27 : i32
    "tpu.region"() ({
      %run_scoped3A = tpu.sem_alloc : memref<!tpu.dma_semaphore, #tpu.memory_space<semaphore_mem>>
      %dma_start3A_757 = arith.constant 0 : i32
      %dma_start3A_758 = tpu.memref_slice %arg21[%add3A_28, %dma_start3A_757] : memref<10000x16xf32, #tpu.memory_space<vmem_shared>> -> memref<80x16xf32, #tpu.memory_space<vmem_shared>>
      %dma_start3A_759 = arith.constant 0 : i32
      %dma_start3A_760 = tpu.memref_slice %arg21[%add3A_28, %dma_start3A_759] : memref<10000x16xf32, #tpu.memory_space<vmem_shared>> -> memref<80x16xf32, #tpu.memory_space<vmem_shared>>
      tpu.enqueue_dma source(%arg19 : memref<80x16xf32, #tpu.memory_space<vmem>>) target(%dma_start3A_760 : memref<80x16xf32, #tpu.memory_space<vmem_shared>>) target_semaphore(%run_scoped3A : memref<!tpu.dma_semaphore, #tpu.memory_space<semaphore_mem>>)
      %dma_wait3A_761 = arith.constant 0 : i32
      %dma_wait3A_762 = tpu.memref_slice %arg21[%add3A_28, %dma_wait3A_761] : memref<10000x16xf32, #tpu.memory_space<vmem_shared>> -> memref<80x16xf32, #tpu.memory_space<vmem_shared>>
      %dma_wait3A_763 = arith.constant 0 : i32
      %dma_wait3A_764 = tpu.memref_slice %arg21[%add3A_28, %dma_wait3A_763] : memref<10000x16xf32, #tpu.memory_space<vmem_shared>> -> memref<80x16xf32, #tpu.memory_space<vmem_shared>>
      tpu.wait_dma2 semaphore(%run_scoped3A : memref<!tpu.dma_semaphore, #tpu.memory_space<semaphore_mem>>) src(%arg19 : memref<80x16xf32, #tpu.memory_space<vmem>>) dst(%dma_wait3A_764 : memref<80x16xf32, #tpu.memory_space<vmem_shared>>)
      tpu.yield
    }) : () -> ()
    %add3A_29 = arith.constant 320 : i32
    %add3A_30 = arith.addi %mul3A_2, %add3A_29 : i32
    "tpu.region"() ({
      %run_scoped3A = tpu.sem_alloc : memref<!tpu.dma_semaphore, #tpu.memory_space<semaphore_mem>>
      %dma_start3A_757 = arith.constant 0 : i32
      %dma_start3A_758 = tpu.memref_slice %arg20[%add3A_30, %dma_start3A_757] : memref<10000x128xf32, #tpu.memory_space<vmem_shared>> -> memref<80x128xf32, #tpu.memory_space<vmem_shared>>
      %dma_start3A_759 = arith.constant 0 : i32
      %dma_start3A_760 = tpu.memref_slice %arg20[%add3A_30, %dma_start3A_759] : memref<10000x128xf32, #tpu.memory_space<vmem_shared>> -> memref<80x128xf32, #tpu.memory_space<vmem_shared>>
      tpu.enqueue_dma source(%arg17 : memref<80x128xf32, #tpu.memory_space<vmem>>) target(%dma_start3A_760 : memref<80x128xf32, #tpu.memory_space<vmem_shared>>) target_semaphore(%run_scoped3A : memref<!tpu.dma_semaphore, #tpu.memory_space<semaphore_mem>>)
      %dma_wait3A_761 = arith.constant 0 : i32
      %dma_wait3A_762 = tpu.memref_slice %arg20[%add3A_30, %dma_wait3A_761] : memref<10000x128xf32, #tpu.memory_space<vmem_shared>> -> memref<80x128xf32, #tpu.memory_space<vmem_shared>>
      %dma_wait3A_763 = arith.constant 0 : i32
      %dma_wait3A_764 = tpu.memref_slice %arg20[%add3A_30, %dma_wait3A_763] : memref<10000x128xf32, #tpu.memory_space<vmem_shared>> -> memref<80x128xf32, #tpu.memory_space<vmem_shared>>
      tpu.wait_dma2 semaphore(%run_scoped3A : memref<!tpu.dma_semaphore, #tpu.memory_space<semaphore_mem>>) src(%arg17 : memref<80x128xf32, #tpu.memory_space<vmem>>) dst(%dma_wait3A_764 : memref<80x128xf32, #tpu.memory_space<vmem_shared>>)
      tpu.yield
    }) : () -> ()
    %add3A_31 = arith.constant 320 : i32
    %add3A_32 = arith.addi %mul3A_2, %add3A_31 : i32
    "tpu.region"() ({
      %run_scoped3A = tpu.sem_alloc : memref<!tpu.dma_semaphore, #tpu.memory_space<semaphore_mem>>
      %dma_start3A_757 = arith.constant 0 : i32
      %dma_start3A_758 = tpu.memref_slice %arg21[%add3A_32, %dma_start3A_757] : memref<10000x16xf32, #tpu.memory_space<vmem_shared>> -> memref<80x16xf32, #tpu.memory_space<vmem_shared>>
      %dma_start3A_759 = arith.constant 0 : i32
      %dma_start3A_760 = tpu.memref_slice %arg21[%add3A_32, %dma_start3A_759] : memref<10000x16xf32, #tpu.memory_space<vmem_shared>> -> memref<80x16xf32, #tpu.memory_space<vmem_shared>>
      tpu.enqueue_dma source(%arg19 : memref<80x16xf32, #tpu.memory_space<vmem>>) target(%dma_start3A_760 : memref<80x16xf32, #tpu.memory_space<vmem_shared>>) target_semaphore(%run_scoped3A : memref<!tpu.dma_semaphore, #tpu.memory_space<semaphore_mem>>)
      %dma_wait3A_761 = arith.constant 0 : i32
      %dma_wait3A_762 = tpu.memref_slice %arg21[%add3A_32, %dma_wait3A_761] : memref<10000x16xf32, #tpu.memory_space<vmem_shared>> -> memref<80x16xf32, #tpu.memory_space<vmem_shared>>
      %dma_wait3A_763 = arith.constant 0 : i32
      %dma_wait3A_764 = tpu.memref_slice %arg21[%add3A_32, %dma_wait3A_763] : memref<10000x16xf32, #tpu.memory_space<vmem_shared>> -> memref<80x16xf32, #tpu.memory_space<vmem_shared>>
      tpu.wait_dma2 semaphore(%run_scoped3A : memref<!tpu.dma_semaphore, #tpu.memory_space<semaphore_mem>>) src(%arg19 : memref<80x16xf32, #tpu.memory_space<vmem>>) dst(%dma_wait3A_764 : memref<80x16xf32, #tpu.memory_space<vmem_shared>>)
      tpu.yield
    }) : () -> ()
    %add3A_33 = arith.constant 400 : i32
    %add3A_34 = arith.addi %mul3A_2, %add3A_33 : i32
    "tpu.region"() ({
      %run_scoped3A = tpu.sem_alloc : memref<!tpu.dma_semaphore, #tpu.memory_space<semaphore_mem>>
      %dma_start3A_757 = arith.constant 0 : i32
      %dma_start3A_758 = tpu.memref_slice %arg20[%add3A_34, %dma_start3A_757] : memref<10000x128xf32, #tpu.memory_space<vmem_shared>> -> memref<80x128xf32, #tpu.memory_space<vmem_shared>>
      %dma_start3A_759 = arith.constant 0 : i32
      %dma_start3A_760 = tpu.memref_slice %arg20[%add3A_34, %dma_start3A_759] : memref<10000x128xf32, #tpu.memory_space<vmem_shared>> -> memref<80x128xf32, #tpu.memory_space<vmem_shared>>
      tpu.enqueue_dma source(%arg17 : memref<80x128xf32, #tpu.memory_space<vmem>>) target(%dma_start3A_760 : memref<80x128xf32, #tpu.memory_space<vmem_shared>>) target_semaphore(%run_scoped3A : memref<!tpu.dma_semaphore, #tpu.memory_space<semaphore_mem>>)
      %dma_wait3A_761 = arith.constant 0 : i32
      %dma_wait3A_762 = tpu.memref_slice %arg20[%add3A_34, %dma_wait3A_761] : memref<10000x128xf32, #tpu.memory_space<vmem_shared>> -> memref<80x128xf32, #tpu.memory_space<vmem_shared>>
      %dma_wait3A_763 = arith.constant 0 : i32
      %dma_wait3A_764 = tpu.memref_slice %arg20[%add3A_34, %dma_wait3A_763] : memref<10000x128xf32, #tpu.memory_space<vmem_shared>> -> memref<80x128xf32, #tpu.memory_space<vmem_shared>>
      tpu.wait_dma2 semaphore(%run_scoped3A : memref<!tpu.dma_semaphore, #tpu.memory_space<semaphore_mem>>) src(%arg17 : memref<80x128xf32, #tpu.memory_space<vmem>>) dst(%dma_wait3A_764 : memref<80x128xf32, #tpu.memory_space<vmem_shared>>)
      tpu.yield
    }) : () -> ()
    %add3A_35 = arith.constant 400 : i32
    %add3A_36 = arith.addi %mul3A_2, %add3A_35 : i32
    "tpu.region"() ({
      %run_scoped3A = tpu.sem_alloc : memref<!tpu.dma_semaphore, #tpu.memory_space<semaphore_mem>>
      %dma_start3A_757 = arith.constant 0 : i32
      %dma_start3A_758 = tpu.memref_slice %arg21[%add3A_36, %dma_start3A_757] : memref<10000x16xf32, #tpu.memory_space<vmem_shared>> -> memref<80x16xf32, #tpu.memory_space<vmem_shared>>
      %dma_start3A_759 = arith.constant 0 : i32
      %dma_start3A_760 = tpu.memref_slice %arg21[%add3A_36, %dma_start3A_759] : memref<10000x16xf32, #tpu.memory_space<vmem_shared>> -> memref<80x16xf32, #tpu.memory_space<vmem_shared>>
      tpu.enqueue_dma source(%arg19 : memref<80x16xf32, #tpu.memory_space<vmem>>) target(%dma_start3A_760 : memref<80x16xf32, #tpu.memory_space<vmem_shared>>) target_semaphore(%run_scoped3A : memref<!tpu.dma_semaphore, #tpu.memory_space<semaphore_mem>>)
      %dma_wait3A_761 = arith.constant 0 : i32
      %dma_wait3A_762 = tpu.memref_slice %arg21[%add3A_36, %dma_wait3A_761] : memref<10000x16xf32, #tpu.memory_space<vmem_shared>> -> memref<80x16xf32, #tpu.memory_space<vmem_shared>>
      %dma_wait3A_763 = arith.constant 0 : i32
      %dma_wait3A_764 = tpu.memref_slice %arg21[%add3A_36, %dma_wait3A_763] : memref<10000x16xf32, #tpu.memory_space<vmem_shared>> -> memref<80x16xf32, #tpu.memory_space<vmem_shared>>
      tpu.wait_dma2 semaphore(%run_scoped3A : memref<!tpu.dma_semaphore, #tpu.memory_space<semaphore_mem>>) src(%arg19 : memref<80x16xf32, #tpu.memory_space<vmem>>) dst(%dma_wait3A_764 : memref<80x16xf32, #tpu.memory_space<vmem_shared>>)
      tpu.yield
    }) : () -> ()
    %add3A_37 = arith.constant 480 : i32
    %add3A_38 = arith.addi %mul3A_2, %add3A_37 : i32
    "tpu.region"() ({
      %run_scoped3A = tpu.sem_alloc : memref<!tpu.dma_semaphore, #tpu.memory_space<semaphore_mem>>
      %dma_start3A_757 = arith.constant 0 : i32
      %dma_start3A_758 = tpu.memref_slice %arg20[%add3A_38, %dma_start3A_757] : memref<10000x128xf32, #tpu.memory_space<vmem_shared>> -> memref<80x128xf32, #tpu.memory_space<vmem_shared>>
      %dma_start3A_759 = arith.constant 0 : i32
      %dma_start3A_760 = tpu.memref_slice %arg20[%add3A_38, %dma_start3A_759] : memref<10000x128xf32, #tpu.memory_space<vmem_shared>> -> memref<80x128xf32, #tpu.memory_space<vmem_shared>>
      tpu.enqueue_dma source(%arg17 : memref<80x128xf32, #tpu.memory_space<vmem>>) target(%dma_start3A_760 : memref<80x128xf32, #tpu.memory_space<vmem_shared>>) target_semaphore(%run_scoped3A : memref<!tpu.dma_semaphore, #tpu.memory_space<semaphore_mem>>)
      %dma_wait3A_761 = arith.constant 0 : i32
      %dma_wait3A_762 = tpu.memref_slice %arg20[%add3A_38, %dma_wait3A_761] : memref<10000x128xf32, #tpu.memory_space<vmem_shared>> -> memref<80x128xf32, #tpu.memory_space<vmem_shared>>
      %dma_wait3A_763 = arith.constant 0 : i32
      %dma_wait3A_764 = tpu.memref_slice %arg20[%add3A_38, %dma_wait3A_763] : memref<10000x128xf32, #tpu.memory_space<vmem_shared>> -> memref<80x128xf32, #tpu.memory_space<vmem_shared>>
      tpu.wait_dma2 semaphore(%run_scoped3A : memref<!tpu.dma_semaphore, #tpu.memory_space<semaphore_mem>>) src(%arg17 : memref<80x128xf32, #tpu.memory_space<vmem>>) dst(%dma_wait3A_764 : memref<80x128xf32, #tpu.memory_space<vmem_shared>>)
      tpu.yield
    }) : () -> ()
    %add3A_39 = arith.constant 480 : i32
    %add3A_40 = arith.addi %mul3A_2, %add3A_39 : i32
    "tpu.region"() ({
      %run_scoped3A = tpu.sem_alloc : memref<!tpu.dma_semaphore, #tpu.memory_space<semaphore_mem>>
      %dma_start3A_757 = arith.constant 0 : i32
      %dma_start3A_758 = tpu.memref_slice %arg21[%add3A_40, %dma_start3A_757] : memref<10000x16xf32, #tpu.memory_space<vmem_shared>> -> memref<80x16xf32, #tpu.memory_space<vmem_shared>>
      %dma_start3A_759 = arith.constant 0 : i32
      %dma_start3A_760 = tpu.memref_slice %arg21[%add3A_40, %dma_start3A_759] : memref<10000x16xf32, #tpu.memory_space<vmem_shared>> -> memref<80x16xf32, #tpu.memory_space<vmem_shared>>
      tpu.enqueue_dma source(%arg19 : memref<80x16xf32, #tpu.memory_space<vmem>>) target(%dma_start3A_760 : memref<80x16xf32, #tpu.memory_space<vmem_shared>>) target_semaphore(%run_scoped3A : memref<!tpu.dma_semaphore, #tpu.memory_space<semaphore_mem>>)
      %dma_wait3A_761 = arith.constant 0 : i32
      %dma_wait3A_762 = tpu.memref_slice %arg21[%add3A_40, %dma_wait3A_761] : memref<10000x16xf32, #tpu.memory_space<vmem_shared>> -> memref<80x16xf32, #tpu.memory_space<vmem_shared>>
      %dma_wait3A_763 = arith.constant 0 : i32
      %dma_wait3A_764 = tpu.memref_slice %arg21[%add3A_40, %dma_wait3A_763] : memref<10000x16xf32, #tpu.memory_space<vmem_shared>> -> memref<80x16xf32, #tpu.memory_space<vmem_shared>>
      tpu.wait_dma2 semaphore(%run_scoped3A : memref<!tpu.dma_semaphore, #tpu.memory_space<semaphore_mem>>) src(%arg19 : memref<80x16xf32, #tpu.memory_space<vmem>>) dst(%dma_wait3A_764 : memref<80x16xf32, #tpu.memory_space<vmem_shared>>)
      tpu.yield
    }) : () -> ()
    %not3A = arith.constant true
    %not3A_41 = arith.xori %eq3A_5, %not3A : i1
    %convert_element_type3A = arith.extui %not3A_41 : i1 to i32
    %cond3A = arith.constant 0 : i32
    %cond3A_42 = arith.cmpi ne, %convert_element_type3A, %cond3A : i32
    scf.if %cond3A_42 {
      %add3A_757 = arith.constant 560 : i32
      %add3A_758 = arith.addi %mul3A_2, %add3A_757 : i32
      "tpu.region"() ({
        %run_scoped3A = tpu.sem_alloc : memref<!tpu.dma_semaphore, #tpu.memory_space<semaphore_mem>>
        %dma_start3A_761 = arith.constant 0 : i32
        %dma_start3A_762 = arith.constant 0 : i32
        %dma_start3A_763 = tpu.memref_slice %arg17[%dma_start3A_761, %dma_start3A_762] : memref<80x128xf32, #tpu.memory_space<vmem>> -> memref<64x128xf32, #tpu.memory_space<vmem>>
        %dma_start3A_764 = arith.constant 0 : i32
        %dma_start3A_765 = tpu.memref_slice %arg20[%add3A_758, %dma_start3A_764] : memref<10000x128xf32, #tpu.memory_space<vmem_shared>> -> memref<64x128xf32, #tpu.memory_space<vmem_shared>>
        %dma_start3A_766 = arith.constant 0 : i32
        %dma_start3A_767 = tpu.memref_slice %arg20[%add3A_758, %dma_start3A_766] : memref<10000x128xf32, #tpu.memory_space<vmem_shared>> -> memref<64x128xf32, #tpu.memory_space<vmem_shared>>
        %dma_start3A_768 = arith.constant 0 : i32
        %dma_start3A_769 = arith.constant 0 : i32
        %dma_start3A_770 = tpu.memref_slice %arg17[%dma_start3A_768, %dma_start3A_769] : memref<80x128xf32, #tpu.memory_space<vmem>> -> memref<64x128xf32, #tpu.memory_space<vmem>>
        tpu.enqueue_dma source(%dma_start3A_770 : memref<64x128xf32, #tpu.memory_space<vmem>>) target(%dma_start3A_767 : memref<64x128xf32, #tpu.memory_space<vmem_shared>>) target_semaphore(%run_scoped3A : memref<!tpu.dma_semaphore, #tpu.memory_space<semaphore_mem>>)
        %dma_wait3A_771 = arith.constant 0 : i32
        %dma_wait3A_772 = arith.constant 0 : i32
        %dma_wait3A_773 = tpu.memref_slice %arg17[%dma_wait3A_771, %dma_wait3A_772] : memref<80x128xf32, #tpu.memory_space<vmem>> -> memref<64x128xf32, #tpu.memory_space<vmem>>
        %dma_wait3A_774 = arith.constant 0 : i32
        %dma_wait3A_775 = tpu.memref_slice %arg20[%add3A_758, %dma_wait3A_774] : memref<10000x128xf32, #tpu.memory_space<vmem_shared>> -> memref<64x128xf32, #tpu.memory_space<vmem_shared>>
        %dma_wait3A_776 = arith.constant 0 : i32
        %dma_wait3A_777 = tpu.memref_slice %arg20[%add3A_758, %dma_wait3A_776] : memref<10000x128xf32, #tpu.memory_space<vmem_shared>> -> memref<64x128xf32, #tpu.memory_space<vmem_shared>>
        %dma_wait3A_778 = arith.constant 0 : i32
        %dma_wait3A_779 = arith.constant 0 : i32
        %dma_wait3A_780 = tpu.memref_slice %arg17[%dma_wait3A_778, %dma_wait3A_779] : memref<80x128xf32, #tpu.memory_space<vmem>> -> memref<64x128xf32, #tpu.memory_space<vmem>>
        tpu.wait_dma2 semaphore(%run_scoped3A : memref<!tpu.dma_semaphore, #tpu.memory_space<semaphore_mem>>) src(%dma_wait3A_780 : memref<64x128xf32, #tpu.memory_space<vmem>>) dst(%dma_wait3A_777 : memref<64x128xf32, #tpu.memory_space<vmem_shared>>)
        tpu.yield
      }) : () -> ()
      %add3A_759 = arith.constant 560 : i32
      %add3A_760 = arith.addi %mul3A_2, %add3A_759 : i32
      "tpu.region"() ({
        %run_scoped3A = tpu.sem_alloc : memref<!tpu.dma_semaphore, #tpu.memory_space<semaphore_mem>>
        %dma_start3A_761 = arith.constant 0 : i32
        %dma_start3A_762 = arith.constant 0 : i32
        %dma_start3A_763 = tpu.memref_slice %arg19[%dma_start3A_761, %dma_start3A_762] : memref<80x16xf32, #tpu.memory_space<vmem>> -> memref<64x16xf32, #tpu.memory_space<vmem>>
        %dma_start3A_764 = arith.constant 0 : i32
        %dma_start3A_765 = tpu.memref_slice %arg21[%add3A_760, %dma_start3A_764] : memref<10000x16xf32, #tpu.memory_space<vmem_shared>> -> memref<64x16xf32, #tpu.memory_space<vmem_shared>>
        %dma_start3A_766 = arith.constant 0 : i32
        %dma_start3A_767 = tpu.memref_slice %arg21[%add3A_760, %dma_start3A_766] : memref<10000x16xf32, #tpu.memory_space<vmem_shared>> -> memref<64x16xf32, #tpu.memory_space<vmem_shared>>
        %dma_start3A_768 = arith.constant 0 : i32
        %dma_start3A_769 = arith.constant 0 : i32
        %dma_start3A_770 = tpu.memref_slice %arg19[%dma_start3A_768, %dma_start3A_769] : memref<80x16xf32, #tpu.memory_space<vmem>> -> memref<64x16xf32, #tpu.memory_space<vmem>>
        tpu.enqueue_dma source(%dma_start3A_770 : memref<64x16xf32, #tpu.memory_space<vmem>>) target(%dma_start3A_767 : memref<64x16xf32, #tpu.memory_space<vmem_shared>>) target_semaphore(%run_scoped3A : memref<!tpu.dma_semaphore, #tpu.memory_space<semaphore_mem>>)
        %dma_wait3A_771 = arith.constant 0 : i32
        %dma_wait3A_772 = arith.constant 0 : i32
        %dma_wait3A_773 = tpu.memref_slice %arg19[%dma_wait3A_771, %dma_wait3A_772] : memref<80x16xf32, #tpu.memory_space<vmem>> -> memref<64x16xf32, #tpu.memory_space<vmem>>
        %dma_wait3A_774 = arith.constant 0 : i32
        %dma_wait3A_775 = tpu.memref_slice %arg21[%add3A_760, %dma_wait3A_774] : memref<10000x16xf32, #tpu.memory_space<vmem_shared>> -> memref<64x16xf32, #tpu.memory_space<vmem_shared>>
        %dma_wait3A_776 = arith.constant 0 : i32
        %dma_wait3A_777 = tpu.memref_slice %arg21[%add3A_760, %dma_wait3A_776] : memref<10000x16xf32, #tpu.memory_space<vmem_shared>> -> memref<64x16xf32, #tpu.memory_space<vmem_shared>>
        %dma_wait3A_778 = arith.constant 0 : i32
        %dma_wait3A_779 = arith.constant 0 : i32
        %dma_wait3A_780 = tpu.memref_slice %arg19[%dma_wait3A_778, %dma_wait3A_779] : memref<80x16xf32, #tpu.memory_space<vmem>> -> memref<64x16xf32, #tpu.memory_space<vmem>>
        tpu.wait_dma2 semaphore(%run_scoped3A : memref<!tpu.dma_semaphore, #tpu.memory_space<semaphore_mem>>) src(%dma_wait3A_780 : memref<64x16xf32, #tpu.memory_space<vmem>>) dst(%dma_wait3A_777 : memref<64x16xf32, #tpu.memory_space<vmem_shared>>)
        tpu.yield
      }) : () -> ()
    } else {
    }
    %convert_element_type3A_43 = arith.extui %eq3A_5 : i1 to i32
    %cond3A_44 = arith.constant 0 : i32
    %cond3A_45 = arith.cmpi ne, %convert_element_type3A_43, %cond3A_44 : i32
    scf.if %cond3A_45 {
      %add3A_757 = arith.constant 560 : i32
      %add3A_758 = arith.addi %mul3A_2, %add3A_757 : i32
      "tpu.region"() ({
        %run_scoped3A = tpu.sem_alloc : memref<!tpu.dma_semaphore, #tpu.memory_space<semaphore_mem>>
        %dma_start3A_761 = arith.constant 0 : i32
        %dma_start3A_762 = tpu.memref_slice %arg20[%add3A_758, %dma_start3A_761] : memref<10000x128xf32, #tpu.memory_space<vmem_shared>> -> memref<80x128xf32, #tpu.memory_space<vmem_shared>>
        %dma_start3A_763 = arith.constant 0 : i32
        %dma_start3A_764 = tpu.memref_slice %arg20[%add3A_758, %dma_start3A_763] : memref<10000x128xf32, #tpu.memory_space<vmem_shared>> -> memref<80x128xf32, #tpu.memory_space<vmem_shared>>
        tpu.enqueue_dma source(%arg17 : memref<80x128xf32, #tpu.memory_space<vmem>>) target(%dma_start3A_764 : memref<80x128xf32, #tpu.memory_space<vmem_shared>>) target_semaphore(%run_scoped3A : memref<!tpu.dma_semaphore, #tpu.memory_space<semaphore_mem>>)
        %dma_wait3A_765 = arith.constant 0 : i32
        %dma_wait3A_766 = tpu.memref_slice %arg20[%add3A_758, %dma_wait3A_765] : memref<10000x128xf32, #tpu.memory_space<vmem_shared>> -> memref<80x128xf32, #tpu.memory_space<vmem_shared>>
        %dma_wait3A_767 = arith.constant 0 : i32
        %dma_wait3A_768 = tpu.memref_slice %arg20[%add3A_758, %dma_wait3A_767] : memref<10000x128xf32, #tpu.memory_space<vmem_shared>> -> memref<80x128xf32, #tpu.memory_space<vmem_shared>>
        tpu.wait_dma2 semaphore(%run_scoped3A : memref<!tpu.dma_semaphore, #tpu.memory_space<semaphore_mem>>) src(%arg17 : memref<80x128xf32, #tpu.memory_space<vmem>>) dst(%dma_wait3A_768 : memref<80x128xf32, #tpu.memory_space<vmem_shared>>)
        tpu.yield
      }) : () -> ()
      %add3A_759 = arith.constant 560 : i32
      %add3A_760 = arith.addi %mul3A_2, %add3A_759 : i32
      "tpu.region"() ({
        %run_scoped3A = tpu.sem_alloc : memref<!tpu.dma_semaphore, #tpu.memory_space<semaphore_mem>>
        %dma_start3A_761 = arith.constant 0 : i32
        %dma_start3A_762 = tpu.memref_slice %arg21[%add3A_760, %dma_start3A_761] : memref<10000x16xf32, #tpu.memory_space<vmem_shared>> -> memref<80x16xf32, #tpu.memory_space<vmem_shared>>
        %dma_start3A_763 = arith.constant 0 : i32
        %dma_start3A_764 = tpu.memref_slice %arg21[%add3A_760, %dma_start3A_763] : memref<10000x16xf32, #tpu.memory_space<vmem_shared>> -> memref<80x16xf32, #tpu.memory_space<vmem_shared>>
        tpu.enqueue_dma source(%arg19 : memref<80x16xf32, #tpu.memory_space<vmem>>) target(%dma_start3A_764 : memref<80x16xf32, #tpu.memory_space<vmem_shared>>) target_semaphore(%run_scoped3A : memref<!tpu.dma_semaphore, #tpu.memory_space<semaphore_mem>>)
        %dma_wait3A_765 = arith.constant 0 : i32
        %dma_wait3A_766 = tpu.memref_slice %arg21[%add3A_760, %dma_wait3A_765] : memref<10000x16xf32, #tpu.memory_space<vmem_shared>> -> memref<80x16xf32, #tpu.memory_space<vmem_shared>>
        %dma_wait3A_767 = arith.constant 0 : i32
        %dma_wait3A_768 = tpu.memref_slice %arg21[%add3A_760, %dma_wait3A_767] : memref<10000x16xf32, #tpu.memory_space<vmem_shared>> -> memref<80x16xf32, #tpu.memory_space<vmem_shared>>
        tpu.wait_dma2 semaphore(%run_scoped3A : memref<!tpu.dma_semaphore, #tpu.memory_space<semaphore_mem>>) src(%arg19 : memref<80x16xf32, #tpu.memory_space<vmem>>) dst(%dma_wait3A_768 : memref<80x16xf32, #tpu.memory_space<vmem_shared>>)
        tpu.yield
      }) : () -> ()
    } else {
    }
    %barrier3A = arith.constant 0 : index
    tpu.barrier barrier_id(%barrier3A)
    %add3A_46 = arith.constant 0 : i32
    %add3A_47 = arith.addi %mul3A_4, %add3A_46 : i32
    %dma_start3A = tpu.memref_slice %arg3[%add3A_47] : memref<320000xi32, #tpu.memory_space<hbm>> -> memref<80xi32, #tpu.memory_space<hbm>>
    %dma_start3A_48 = tpu.memref_slice %arg3[%add3A_47] : memref<320000xi32, #tpu.memory_space<hbm>> -> memref<80xi32, #tpu.memory_space<hbm>>
    tpu.enqueue_dma source(%dma_start3A_48 : memref<80xi32, #tpu.memory_space<hbm>>) target(%arg6 : memref<80xi32, #tpu.memory_space<vmem>>) target_semaphore(%arg28 : memref<!tpu.dma_semaphore, #tpu.memory_space<semaphore_mem>>)
    %add3A_49 = arith.constant 80 : i32
    %add3A_50 = arith.addi %mul3A_4, %add3A_49 : i32
    %dma_start3A_51 = tpu.memref_slice %arg3[%add3A_50] : memref<320000xi32, #tpu.memory_space<hbm>> -> memref<80xi32, #tpu.memory_space<hbm>>
    %dma_start3A_52 = tpu.memref_slice %arg3[%add3A_50] : memref<320000xi32, #tpu.memory_space<hbm>> -> memref<80xi32, #tpu.memory_space<hbm>>
    tpu.enqueue_dma source(%dma_start3A_52 : memref<80xi32, #tpu.memory_space<hbm>>) target(%arg10 : memref<80xi32, #tpu.memory_space<vmem>>) target_semaphore(%arg29 : memref<!tpu.dma_semaphore, #tpu.memory_space<semaphore_mem>>)
    %add3A_53 = arith.constant 160 : i32
    %add3A_54 = arith.addi %mul3A_4, %add3A_53 : i32
    %dma_start3A_55 = tpu.memref_slice %arg3[%add3A_54] : memref<320000xi32, #tpu.memory_space<hbm>> -> memref<80xi32, #tpu.memory_space<hbm>>
    %dma_start3A_56 = tpu.memref_slice %arg3[%add3A_54] : memref<320000xi32, #tpu.memory_space<hbm>> -> memref<80xi32, #tpu.memory_space<hbm>>
    tpu.enqueue_dma source(%dma_start3A_56 : memref<80xi32, #tpu.memory_space<hbm>>) target(%arg14 : memref<80xi32, #tpu.memory_space<vmem>>) target_semaphore(%arg30 : memref<!tpu.dma_semaphore, #tpu.memory_space<semaphore_mem>>)
    %dma_wait3A = tpu.memref_slice %arg3[%mul3A_4] : memref<320000xi32, #tpu.memory_space<hbm>> -> memref<80xi32, #tpu.memory_space<hbm>>
    %dma_wait3A_57 = tpu.memref_slice %arg3[%mul3A_4] : memref<320000xi32, #tpu.memory_space<hbm>> -> memref<80xi32, #tpu.memory_space<hbm>>
    tpu.wait_dma2 semaphore(%arg28 : memref<!tpu.dma_semaphore, #tpu.memory_space<semaphore_mem>>) src(%dma_wait3A_57 : memref<80xi32, #tpu.memory_space<hbm>>) dst(%arg6 : memref<80xi32, #tpu.memory_space<vmem>>)
    %get3A = arith.constant 0 : index
    %get3A_58 = tpu.vector_load %arg6[%get3A] {strides = array<i32>} : memref<80xi32, #tpu.memory_space<vmem>>, vector<16xi32>,
    %get3A_59 = vector.shape_cast %get3A_58 : vector<16xi32> to vector<16xi32>
    %shift_right_logical3A = arith.constant 14 : i32
    %shift_right_logical3A_60 = vector.broadcast %shift_right_logical3A : i32 to vector<16xi32>
    %shift_right_logical3A_61 = arith.shrui %get3A_59, %shift_right_logical3A_60 : vector<16xi32>
    %swap3A = arith.constant 0 : index
    %swap3A_62 = tpu.vector_load %arg7[%swap3A] {strides = array<i32>} : memref<80xi32, #tpu.memory_space<vmem>>, vector<16xi32>,
    %swap3A_63 = vector.shape_cast %swap3A_62 : vector<16xi32> to vector<16xi32>
    %swap3A_64 = vector.shape_cast %shift_right_logical3A_61 : vector<16xi32> to vector<16xi32>
    tpu.vector_store %arg7[%swap3A], %swap3A_64 {strides = array<i32>} : memref<80xi32, #tpu.memory_space<vmem>>, vector<16xi32>,
    %and3A = arith.constant 16383 : i32
    %and3A_65 = vector.broadcast %and3A : i32 to vector<16xi32>
    %and3A_66 = arith.andi %get3A_59, %and3A_65 : vector<16xi32>
    %swap3A_67 = arith.constant 0 : i32
    %swap3A_68 = arith.index_cast %swap3A_67 : i32 to index
    %swap3A_69 = arith.constant 0 : index
    %swap3A_70 = tpu.vector_load %arg8[%swap3A_68, %swap3A_69] {strides = array<i32>} : memref<1x80xi32, #tpu.memory_space<vmem>>, vector<1x16xi32>,
    %swap3A_71 = vector.shape_cast %swap3A_70 : vector<1x16xi32> to vector<16xi32>
    %swap3A_72 = vector.shape_cast %and3A_66 : vector<16xi32> to vector<1x16xi32>
    tpu.vector_store %arg8[%swap3A_68, %swap3A_69], %swap3A_72 {strides = array<i32>} : memref<1x80xi32, #tpu.memory_space<vmem>>, vector<1x16xi32>,
    %get3A_73 = arith.constant 16 : index
    %get3A_74 = tpu.vector_load %arg6[%get3A_73] {strides = array<i32>} : memref<80xi32, #tpu.memory_space<vmem>>, vector<16xi32>,
    %get3A_75 = vector.shape_cast %get3A_74 : vector<16xi32> to vector<16xi32>
    %shift_right_logical3A_76 = arith.constant 14 : i32
    %shift_right_logical3A_77 = vector.broadcast %shift_right_logical3A_76 : i32 to vector<16xi32>
    %shift_right_logical3A_78 = arith.shrui %get3A_75, %shift_right_logical3A_77 : vector<16xi32>
    %swap3A_79 = arith.constant 16 : index
    %swap3A_80 = tpu.vector_load %arg7[%swap3A_79] {strides = array<i32>} : memref<80xi32, #tpu.memory_space<vmem>>, vector<16xi32>,
    %swap3A_81 = vector.shape_cast %swap3A_80 : vector<16xi32> to vector<16xi32>
    %swap3A_82 = vector.shape_cast %shift_right_logical3A_78 : vector<16xi32> to vector<16xi32>
    tpu.vector_store %arg7[%swap3A_79], %swap3A_82 {strides = array<i32>} : memref<80xi32, #tpu.memory_space<vmem>>, vector<16xi32>,
    %and3A_83 = arith.constant 16383 : i32
    %and3A_84 = vector.broadcast %and3A_83 : i32 to vector<16xi32>
    %and3A_85 = arith.andi %get3A_75, %and3A_84 : vector<16xi32>
    %swap3A_86 = arith.constant 0 : i32
    %swap3A_87 = arith.index_cast %swap3A_86 : i32 to index
    %swap3A_88 = arith.constant 16 : index
    %swap3A_89 = tpu.vector_load %arg8[%swap3A_87, %swap3A_88] {strides = array<i32>} : memref<1x80xi32, #tpu.memory_space<vmem>>, vector<1x16xi32>,
    %swap3A_90 = vector.shape_cast %swap3A_89 : vector<1x16xi32> to vector<16xi32>
    %swap3A_91 = vector.shape_cast %and3A_85 : vector<16xi32> to vector<1x16xi32>
    tpu.vector_store %arg8[%swap3A_87, %swap3A_88], %swap3A_91 {strides = array<i32>} : memref<1x80xi32, #tpu.memory_space<vmem>>, vector<1x16xi32>,
    %get3A_92 = arith.constant 32 : index
    %get3A_93 = tpu.vector_load %arg6[%get3A_92] {strides = array<i32>} : memref<80xi32, #tpu.memory_space<vmem>>, vector<16xi32>,
    %get3A_94 = vector.shape_cast %get3A_93 : vector<16xi32> to vector<16xi32>
    %shift_right_logical3A_95 = arith.constant 14 : i32
    %shift_right_logical3A_96 = vector.broadcast %shift_right_logical3A_95 : i32 to vector<16xi32>
    %shift_right_logical3A_97 = arith.shrui %get3A_94, %shift_right_logical3A_96 : vector<16xi32>
    %swap3A_98 = arith.constant 32 : index
    %swap3A_99 = tpu.vector_load %arg7[%swap3A_98] {strides = array<i32>} : memref<80xi32, #tpu.memory_space<vmem>>, vector<16xi32>,
    %swap3A_100 = vector.shape_cast %swap3A_99 : vector<16xi32> to vector<16xi32>
    %swap3A_101 = vector.shape_cast %shift_right_logical3A_97 : vector<16xi32> to vector<16xi32>
    tpu.vector_store %arg7[%swap3A_98], %swap3A_101 {strides = array<i32>} : memref<80xi32, #tpu.memory_space<vmem>>, vector<16xi32>,
    %and3A_102 = arith.constant 16383 : i32
    %and3A_103 = vector.broadcast %and3A_102 : i32 to vector<16xi32>
    %and3A_104 = arith.andi %get3A_94, %and3A_103 : vector<16xi32>
    %swap3A_105 = arith.constant 0 : i32
    %swap3A_106 = arith.index_cast %swap3A_105 : i32 to index
    %swap3A_107 = arith.constant 32 : index
    %swap3A_108 = tpu.vector_load %arg8[%swap3A_106, %swap3A_107] {strides = array<i32>} : memref<1x80xi32, #tpu.memory_space<vmem>>, vector<1x16xi32>,
    %swap3A_109 = vector.shape_cast %swap3A_108 : vector<1x16xi32> to vector<16xi32>
    %swap3A_110 = vector.shape_cast %and3A_104 : vector<16xi32> to vector<1x16xi32>
    tpu.vector_store %arg8[%swap3A_106, %swap3A_107], %swap3A_110 {strides = array<i32>} : memref<1x80xi32, #tpu.memory_space<vmem>>, vector<1x16xi32>,
    %get3A_111 = arith.constant 48 : index
    %get3A_112 = tpu.vector_load %arg6[%get3A_111] {strides = array<i32>} : memref<80xi32, #tpu.memory_space<vmem>>, vector<16xi32>,
    %get3A_113 = vector.shape_cast %get3A_112 : vector<16xi32> to vector<16xi32>
    %shift_right_logical3A_114 = arith.constant 14 : i32
    %shift_right_logical3A_115 = vector.broadcast %shift_right_logical3A_114 : i32 to vector<16xi32>
    %shift_right_logical3A_116 = arith.shrui %get3A_113, %shift_right_logical3A_115 : vector<16xi32>
    %swap3A_117 = arith.constant 48 : index
    %swap3A_118 = tpu.vector_load %arg7[%swap3A_117] {strides = array<i32>} : memref<80xi32, #tpu.memory_space<vmem>>, vector<16xi32>,
    %swap3A_119 = vector.shape_cast %swap3A_118 : vector<16xi32> to vector<16xi32>
    %swap3A_120 = vector.shape_cast %shift_right_logical3A_116 : vector<16xi32> to vector<16xi32>
    tpu.vector_store %arg7[%swap3A_117], %swap3A_120 {strides = array<i32>} : memref<80xi32, #tpu.memory_space<vmem>>, vector<16xi32>,
    %and3A_121 = arith.constant 16383 : i32
    %and3A_122 = vector.broadcast %and3A_121 : i32 to vector<16xi32>
    %and3A_123 = arith.andi %get3A_113, %and3A_122 : vector<16xi32>
    %swap3A_124 = arith.constant 0 : i32
    %swap3A_125 = arith.index_cast %swap3A_124 : i32 to index
    %swap3A_126 = arith.constant 48 : index
    %swap3A_127 = tpu.vector_load %arg8[%swap3A_125, %swap3A_126] {strides = array<i32>} : memref<1x80xi32, #tpu.memory_space<vmem>>, vector<1x16xi32>,
    %swap3A_128 = vector.shape_cast %swap3A_127 : vector<1x16xi32> to vector<16xi32>
    %swap3A_129 = vector.shape_cast %and3A_123 : vector<16xi32> to vector<1x16xi32>
    tpu.vector_store %arg8[%swap3A_125, %swap3A_126], %swap3A_129 {strides = array<i32>} : memref<1x80xi32, #tpu.memory_space<vmem>>, vector<1x16xi32>,
    %get3A_130 = arith.constant 64 : index
    %get3A_131 = tpu.vector_load %arg6[%get3A_130] {strides = array<i32>} : memref<80xi32, #tpu.memory_space<vmem>>, vector<16xi32>,
    %get3A_132 = vector.shape_cast %get3A_131 : vector<16xi32> to vector<16xi32>
    %shift_right_logical3A_133 = arith.constant 14 : i32
    %shift_right_logical3A_134 = vector.broadcast %shift_right_logical3A_133 : i32 to vector<16xi32>
    %shift_right_logical3A_135 = arith.shrui %get3A_132, %shift_right_logical3A_134 : vector<16xi32>
    %swap3A_136 = arith.constant 64 : index
    %swap3A_137 = tpu.vector_load %arg7[%swap3A_136] {strides = array<i32>} : memref<80xi32, #tpu.memory_space<vmem>>, vector<16xi32>,
    %swap3A_138 = vector.shape_cast %swap3A_137 : vector<16xi32> to vector<16xi32>
    %swap3A_139 = vector.shape_cast %shift_right_logical3A_135 : vector<16xi32> to vector<16xi32>
    tpu.vector_store %arg7[%swap3A_136], %swap3A_139 {strides = array<i32>} : memref<80xi32, #tpu.memory_space<vmem>>, vector<16xi32>,
    %and3A_140 = arith.constant 16383 : i32
    %and3A_141 = vector.broadcast %and3A_140 : i32 to vector<16xi32>
    %and3A_142 = arith.andi %get3A_132, %and3A_141 : vector<16xi32>
    %swap3A_143 = arith.constant 0 : i32
    %swap3A_144 = arith.index_cast %swap3A_143 : i32 to index
    %swap3A_145 = arith.constant 64 : index
    %swap3A_146 = tpu.vector_load %arg8[%swap3A_144, %swap3A_145] {strides = array<i32>} : memref<1x80xi32, #tpu.memory_space<vmem>>, vector<1x16xi32>,
    %swap3A_147 = vector.shape_cast %swap3A_146 : vector<1x16xi32> to vector<16xi32>
    %swap3A_148 = vector.shape_cast %and3A_142 : vector<16xi32> to vector<1x16xi32>
    tpu.vector_store %arg8[%swap3A_144, %swap3A_145], %swap3A_148 {strides = array<i32>} : memref<1x80xi32, #tpu.memory_space<vmem>>, vector<1x16xi32>,
    %dma_start3A_149 = arith.constant 0 : i32
    %dma_start3A_150 = arith.constant 0 : i32
    %dma_start3A_151 = tpu.memref_slice %arg2[%dma_start3A_149, %dma_start3A_150] : memref<10000x128xf32, #tpu.memory_space<hbm>> -> memref<10000x128xf32, #tpu.memory_space<hbm>>
    tpu.enqueue_indirect_dma source(%dma_start3A_151 : memref<10000x128xf32, #tpu.memory_space<hbm>>) target(%arg9 : memref<80x128xf32, #tpu.memory_space<vmem>>) offsets(%arg7 : memref<80xi32, #tpu.memory_space<vmem>>) semaphore(%arg22 : memref<!tpu.dma_semaphore, #tpu.memory_space<semaphore_mem>>)
    %dma_wait3A_152 = tpu.memref_slice %arg3[%mul3A_4] : memref<320000xi32, #tpu.memory_space<hbm>> -> memref<80xi32, #tpu.memory_space<hbm>>
    %dma_wait3A_153 = tpu.memref_slice %arg3[%mul3A_4] : memref<320000xi32, #tpu.memory_space<hbm>> -> memref<80xi32, #tpu.memory_space<hbm>>
    tpu.wait_dma2 semaphore(%arg29 : memref<!tpu.dma_semaphore, #tpu.memory_space<semaphore_mem>>) src(%dma_wait3A_153 : memref<80xi32, #tpu.memory_space<hbm>>) dst(%arg10 : memref<80xi32, #tpu.memory_space<vmem>>)
    %get3A_154 = arith.constant 0 : index
    %get3A_155 = tpu.vector_load %arg10[%get3A_154] {strides = array<i32>} : memref<80xi32, #tpu.memory_space<vmem>>, vector<16xi32>,
    %get3A_156 = vector.shape_cast %get3A_155 : vector<16xi32> to vector<16xi32>
    %shift_right_logical3A_157 = arith.constant 14 : i32
    %shift_right_logical3A_158 = vector.broadcast %shift_right_logical3A_157 : i32 to vector<16xi32>
    %shift_right_logical3A_159 = arith.shrui %get3A_156, %shift_right_logical3A_158 : vector<16xi32>
    %swap3A_160 = arith.constant 0 : index
    %swap3A_161 = tpu.vector_load %arg11[%swap3A_160] {strides = array<i32>} : memref<80xi32, #tpu.memory_space<vmem>>, vector<16xi32>,
    %swap3A_162 = vector.shape_cast %swap3A_161 : vector<16xi32> to vector<16xi32>
    %swap3A_163 = vector.shape_cast %shift_right_logical3A_159 : vector<16xi32> to vector<16xi32>
    tpu.vector_store %arg11[%swap3A_160], %swap3A_163 {strides = array<i32>} : memref<80xi32, #tpu.memory_space<vmem>>, vector<16xi32>,
    %and3A_164 = arith.constant 16383 : i32
    %and3A_165 = vector.broadcast %and3A_164 : i32 to vector<16xi32>
    %and3A_166 = arith.andi %get3A_156, %and3A_165 : vector<16xi32>
    %swap3A_167 = arith.constant 0 : i32
    %swap3A_168 = arith.index_cast %swap3A_167 : i32 to index
    %swap3A_169 = arith.constant 0 : index
    %swap3A_170 = tpu.vector_load %arg12[%swap3A_168, %swap3A_169] {strides = array<i32>} : memref<1x80xi32, #tpu.memory_space<vmem>>, vector<1x16xi32>,
    %swap3A_171 = vector.shape_cast %swap3A_170 : vector<1x16xi32> to vector<16xi32>
    %swap3A_172 = vector.shape_cast %and3A_166 : vector<16xi32> to vector<1x16xi32>
    tpu.vector_store %arg12[%swap3A_168, %swap3A_169], %swap3A_172 {strides = array<i32>} : memref<1x80xi32, #tpu.memory_space<vmem>>, vector<1x16xi32>,
    %get3A_173 = arith.constant 16 : index
    %get3A_174 = tpu.vector_load %arg10[%get3A_173] {strides = array<i32>} : memref<80xi32, #tpu.memory_space<vmem>>, vector<16xi32>,
    %get3A_175 = vector.shape_cast %get3A_174 : vector<16xi32> to vector<16xi32>
    %shift_right_logical3A_176 = arith.constant 14 : i32
    %shift_right_logical3A_177 = vector.broadcast %shift_right_logical3A_176 : i32 to vector<16xi32>
    %shift_right_logical3A_178 = arith.shrui %get3A_175, %shift_right_logical3A_177 : vector<16xi32>
    %swap3A_179 = arith.constant 16 : index
    %swap3A_180 = tpu.vector_load %arg11[%swap3A_179] {strides = array<i32>} : memref<80xi32, #tpu.memory_space<vmem>>, vector<16xi32>,
    %swap3A_181 = vector.shape_cast %swap3A_180 : vector<16xi32> to vector<16xi32>
    %swap3A_182 = vector.shape_cast %shift_right_logical3A_178 : vector<16xi32> to vector<16xi32>
    tpu.vector_store %arg11[%swap3A_179], %swap3A_182 {strides = array<i32>} : memref<80xi32, #tpu.memory_space<vmem>>, vector<16xi32>,
    %and3A_183 = arith.constant 16383 : i32
    %and3A_184 = vector.broadcast %and3A_183 : i32 to vector<16xi32>
    %and3A_185 = arith.andi %get3A_175, %and3A_184 : vector<16xi32>
    %swap3A_186 = arith.constant 0 : i32
    %swap3A_187 = arith.index_cast %swap3A_186 : i32 to index
    %swap3A_188 = arith.constant 16 : index
    %swap3A_189 = tpu.vector_load %arg12[%swap3A_187, %swap3A_188] {strides = array<i32>} : memref<1x80xi32, #tpu.memory_space<vmem>>, vector<1x16xi32>,
    %swap3A_190 = vector.shape_cast %swap3A_189 : vector<1x16xi32> to vector<16xi32>
    %swap3A_191 = vector.shape_cast %and3A_185 : vector<16xi32> to vector<1x16xi32>
    tpu.vector_store %arg12[%swap3A_187, %swap3A_188], %swap3A_191 {strides = array<i32>} : memref<1x80xi32, #tpu.memory_space<vmem>>, vector<1x16xi32>,
    %get3A_192 = arith.constant 32 : index
    %get3A_193 = tpu.vector_load %arg10[%get3A_192] {strides = array<i32>} : memref<80xi32, #tpu.memory_space<vmem>>, vector<16xi32>,
    %get3A_194 = vector.shape_cast %get3A_193 : vector<16xi32> to vector<16xi32>
    %shift_right_logical3A_195 = arith.constant 14 : i32
    %shift_right_logical3A_196 = vector.broadcast %shift_right_logical3A_195 : i32 to vector<16xi32>
    %shift_right_logical3A_197 = arith.shrui %get3A_194, %shift_right_logical3A_196 : vector<16xi32>
    %swap3A_198 = arith.constant 32 : index
    %swap3A_199 = tpu.vector_load %arg11[%swap3A_198] {strides = array<i32>} : memref<80xi32, #tpu.memory_space<vmem>>, vector<16xi32>,
    %swap3A_200 = vector.shape_cast %swap3A_199 : vector<16xi32> to vector<16xi32>
    %swap3A_201 = vector.shape_cast %shift_right_logical3A_197 : vector<16xi32> to vector<16xi32>
    tpu.vector_store %arg11[%swap3A_198], %swap3A_201 {strides = array<i32>} : memref<80xi32, #tpu.memory_space<vmem>>, vector<16xi32>,
    %and3A_202 = arith.constant 16383 : i32
    %and3A_203 = vector.broadcast %and3A_202 : i32 to vector<16xi32>
    %and3A_204 = arith.andi %get3A_194, %and3A_203 : vector<16xi32>
    %swap3A_205 = arith.constant 0 : i32
    %swap3A_206 = arith.index_cast %swap3A_205 : i32 to index
    %swap3A_207 = arith.constant 32 : index
    %swap3A_208 = tpu.vector_load %arg12[%swap3A_206, %swap3A_207] {strides = array<i32>} : memref<1x80xi32, #tpu.memory_space<vmem>>, vector<1x16xi32>,
    %swap3A_209 = vector.shape_cast %swap3A_208 : vector<1x16xi32> to vector<16xi32>
    %swap3A_210 = vector.shape_cast %and3A_204 : vector<16xi32> to vector<1x16xi32>
    tpu.vector_store %arg12[%swap3A_206, %swap3A_207], %swap3A_210 {strides = array<i32>} : memref<1x80xi32, #tpu.memory_space<vmem>>, vector<1x16xi32>,
    %get3A_211 = arith.constant 48 : index
    %get3A_212 = tpu.vector_load %arg10[%get3A_211] {strides = array<i32>} : memref<80xi32, #tpu.memory_space<vmem>>, vector<16xi32>,
    %get3A_213 = vector.shape_cast %get3A_212 : vector<16xi32> to vector<16xi32>
    %shift_right_logical3A_214 = arith.constant 14 : i32
    %shift_right_logical3A_215 = vector.broadcast %shift_right_logical3A_214 : i32 to vector<16xi32>
    %shift_right_logical3A_216 = arith.shrui %get3A_213, %shift_right_logical3A_215 : vector<16xi32>
    %swap3A_217 = arith.constant 48 : index
    %swap3A_218 = tpu.vector_load %arg11[%swap3A_217] {strides = array<i32>} : memref<80xi32, #tpu.memory_space<vmem>>, vector<16xi32>,
    %swap3A_219 = vector.shape_cast %swap3A_218 : vector<16xi32> to vector<16xi32>
    %swap3A_220 = vector.shape_cast %shift_right_logical3A_216 : vector<16xi32> to vector<16xi32>
    tpu.vector_store %arg11[%swap3A_217], %swap3A_220 {strides = array<i32>} : memref<80xi32, #tpu.memory_space<vmem>>, vector<16xi32>,
    %and3A_221 = arith.constant 16383 : i32
    %and3A_222 = vector.broadcast %and3A_221 : i32 to vector<16xi32>
    %and3A_223 = arith.andi %get3A_213, %and3A_222 : vector<16xi32>
    %swap3A_224 = arith.constant 0 : i32
    %swap3A_225 = arith.index_cast %swap3A_224 : i32 to index
    %swap3A_226 = arith.constant 48 : index
    %swap3A_227 = tpu.vector_load %arg12[%swap3A_225, %swap3A_226] {strides = array<i32>} : memref<1x80xi32, #tpu.memory_space<vmem>>, vector<1x16xi32>,
    %swap3A_228 = vector.shape_cast %swap3A_227 : vector<1x16xi32> to vector<16xi32>
    %swap3A_229 = vector.shape_cast %and3A_223 : vector<16xi32> to vector<1x16xi32>
    tpu.vector_store %arg12[%swap3A_225, %swap3A_226], %swap3A_229 {strides = array<i32>} : memref<1x80xi32, #tpu.memory_space<vmem>>, vector<1x16xi32>,
    %get3A_230 = arith.constant 64 : index
    %get3A_231 = tpu.vector_load %arg10[%get3A_230] {strides = array<i32>} : memref<80xi32, #tpu.memory_space<vmem>>, vector<16xi32>,
    %get3A_232 = vector.shape_cast %get3A_231 : vector<16xi32> to vector<16xi32>
    %shift_right_logical3A_233 = arith.constant 14 : i32
    %shift_right_logical3A_234 = vector.broadcast %shift_right_logical3A_233 : i32 to vector<16xi32>
    %shift_right_logical3A_235 = arith.shrui %get3A_232, %shift_right_logical3A_234 : vector<16xi32>
    %swap3A_236 = arith.constant 64 : index
    %swap3A_237 = tpu.vector_load %arg11[%swap3A_236] {strides = array<i32>} : memref<80xi32, #tpu.memory_space<vmem>>, vector<16xi32>,
    %swap3A_238 = vector.shape_cast %swap3A_237 : vector<16xi32> to vector<16xi32>
    %swap3A_239 = vector.shape_cast %shift_right_logical3A_235 : vector<16xi32> to vector<16xi32>
    tpu.vector_store %arg11[%swap3A_236], %swap3A_239 {strides = array<i32>} : memref<80xi32, #tpu.memory_space<vmem>>, vector<16xi32>,
    %and3A_240 = arith.constant 16383 : i32
    %and3A_241 = vector.broadcast %and3A_240 : i32 to vector<16xi32>
    %and3A_242 = arith.andi %get3A_232, %and3A_241 : vector<16xi32>
    %swap3A_243 = arith.constant 0 : i32
    %swap3A_244 = arith.index_cast %swap3A_243 : i32 to index
    %swap3A_245 = arith.constant 64 : index
    %swap3A_246 = tpu.vector_load %arg12[%swap3A_244, %swap3A_245] {strides = array<i32>} : memref<1x80xi32, #tpu.memory_space<vmem>>, vector<1x16xi32>,
    %swap3A_247 = vector.shape_cast %swap3A_246 : vector<1x16xi32> to vector<16xi32>
    %swap3A_248 = vector.shape_cast %and3A_242 : vector<16xi32> to vector<1x16xi32>
    tpu.vector_store %arg12[%swap3A_244, %swap3A_245], %swap3A_248 {strides = array<i32>} : memref<1x80xi32, #tpu.memory_space<vmem>>, vector<1x16xi32>,
    %dma_start3A_249 = arith.constant 0 : i32
    %dma_start3A_250 = arith.constant 0 : i32
    %dma_start3A_251 = tpu.memref_slice %arg2[%dma_start3A_249, %dma_start3A_250] : memref<10000x128xf32, #tpu.memory_space<hbm>> -> memref<10000x128xf32, #tpu.memory_space<hbm>>
    tpu.enqueue_indirect_dma source(%dma_start3A_251 : memref<10000x128xf32, #tpu.memory_space<hbm>>) target(%arg13 : memref<80x128xf32, #tpu.memory_space<vmem>>) offsets(%arg11 : memref<80xi32, #tpu.memory_space<vmem>>) semaphore(%arg23 : memref<!tpu.dma_semaphore, #tpu.memory_space<semaphore_mem>>)
    %scan3A_252 = arith.constant 0 : i32
    %scan3A_253 = arith.constant 40 : i32
    %scan3A_254 = arith.addi %scan3A_252, %scan3A_253 : i32
    %scan3A_255 = arith.constant 1 : i32
    scf.for %scan3A_757 = %scan3A_252 to %scan3A_254 step %scan3A_255  : i32 {
      %mul3A_758 = arith.constant 1 : i32
      %mul3A_759 = arith.muli %scan3A_757, %mul3A_758 : i32
      %add3A_760 = arith.constant 0 : i32
      %add3A_761 = arith.addi %add3A_760, %mul3A_759 : i32
      %mul3A_762 = arith.constant 3 : i32
      %mul3A_763 = arith.muli %mul3A_762, %add3A_761 : i32
      %add3A_764 = arith.constant 0 : i32
      %add3A_765 = arith.addi %mul3A_763, %add3A_764 : i32
      %dma_wait3A_766 = arith.constant 0 : i32
      %dma_wait3A_767 = arith.constant 0 : i32
      %dma_wait3A_768 = tpu.memref_slice %arg2[%dma_wait3A_766, %dma_wait3A_767] : memref<10000x128xf32, #tpu.memory_space<hbm>> -> memref<10000x128xf32, #tpu.memory_space<hbm>>
      tpu.wait_indirect_dma semaphore(%arg22 : memref<!tpu.dma_semaphore, #tpu.memory_space<semaphore_mem>>) src(%dma_wait3A_768 : memref<10000x128xf32, #tpu.memory_space<hbm>>) dst(%arg9 : memref<80x128xf32, #tpu.memory_space<vmem>>)
      %dma_start3A_769 = arith.constant 0 : i32
      %dma_start3A_770 = arith.constant 0 : i32
      %dma_start3A_771 = tpu.memref_slice %arg8[%dma_start3A_769, %dma_start3A_770] : memref<1x80xi32, #tpu.memory_space<vmem>> -> memref<1x80xi32, #tpu.memory_space<vmem>>
      %dma_start3A_772 = tpu.memref_squeeze %dma_start3A_771 : memref<1x80xi32, #tpu.memory_space<vmem>> -> memref<80xi32, #tpu.memory_space<vmem>>
      %dma_start3A_773 = arith.constant 0 : i32
      %dma_start3A_774 = arith.constant 0 : i32
      %dma_start3A_775 = tpu.memref_slice %arg20[%dma_start3A_773, %dma_start3A_774] : memref<10000x128xf32, #tpu.memory_space<vmem_shared>> -> memref<10000x128xf32, #tpu.memory_space<vmem_shared>>
      tpu.enqueue_indirect_dma source(%arg9 : memref<80x128xf32, #tpu.memory_space<vmem>>) target(%dma_start3A_775 : memref<10000x128xf32, #tpu.memory_space<vmem_shared>>) offsets(%dma_start3A_772 : memref<80xi32, #tpu.memory_space<vmem>>) semaphore(%arg25 : memref<!tpu.dma_semaphore, #tpu.memory_space<semaphore_mem>>) {add = true}
      %dma_start3A_776 = arith.constant 0 : i32
      %dma_start3A_777 = arith.constant 0 : i32
      %dma_start3A_778 = tpu.memref_slice %arg8[%dma_start3A_776, %dma_start3A_777] : memref<1x80xi32, #tpu.memory_space<vmem>> -> memref<1x80xi32, #tpu.memory_space<vmem>>
      %dma_start3A_779 = tpu.memref_squeeze %dma_start3A_778 : memref<1x80xi32, #tpu.memory_space<vmem>> -> memref<80xi32, #tpu.memory_space<vmem>>
      %dma_start3A_780 = arith.constant 0 : i32
      %dma_start3A_781 = arith.constant 0 : i32
      %dma_start3A_782 = tpu.memref_slice %arg21[%dma_start3A_780, %dma_start3A_781] : memref<10000x16xf32, #tpu.memory_space<vmem_shared>> -> memref<10000x16xf32, #tpu.memory_space<vmem_shared>>
      tpu.enqueue_indirect_dma source(%arg18 : memref<80x16xf32, #tpu.memory_space<vmem>>) target(%dma_start3A_782 : memref<10000x16xf32, #tpu.memory_space<vmem_shared>>) offsets(%dma_start3A_779 : memref<80xi32, #tpu.memory_space<vmem>>) semaphore(%arg25 : memref<!tpu.dma_semaphore, #tpu.memory_space<semaphore_mem>>) {add = true}
      %ne3A = arith.constant 0 : i32
      %ne3A_783 = arith.cmpi ne, %add3A_761, %ne3A : i32
      %convert_element_type3A_784 = arith.extui %ne3A_783 : i1 to i32
      %cond3A_785 = arith.constant 0 : i32
      %cond3A_786 = arith.cmpi ne, %convert_element_type3A_784, %cond3A_785 : i32
      scf.if %cond3A_786 {
        %dma_wait3A_1174 = arith.constant 0 : i32
        %dma_wait3A_1175 = arith.constant 0 : i32
        %dma_wait3A_1176 = tpu.memref_slice %arg16[%dma_wait3A_1174, %dma_wait3A_1175] : memref<1x80xi32, #tpu.memory_space<vmem>> -> memref<1x80xi32, #tpu.memory_space<vmem>>
        %dma_wait3A_1177 = tpu.memref_squeeze %dma_wait3A_1176 : memref<1x80xi32, #tpu.memory_space<vmem>> -> memref<80xi32, #tpu.memory_space<vmem>>
        %dma_wait3A_1178 = arith.constant 0 : i32
        %dma_wait3A_1179 = arith.constant 0 : i32
        %dma_wait3A_1180 = tpu.memref_slice %arg20[%dma_wait3A_1178, %dma_wait3A_1179] : memref<10000x128xf32, #tpu.memory_space<vmem_shared>> -> memref<10000x128xf32, #tpu.memory_space<vmem_shared>>
        tpu.wait_indirect_dma semaphore(%arg27 : memref<!tpu.dma_semaphore, #tpu.memory_space<semaphore_mem>>) src(%arg17 : memref<80x128xf32, #tpu.memory_space<vmem>>) dst(%dma_wait3A_1180 : memref<10000x128xf32, #tpu.memory_space<vmem_shared>>)
        %dma_wait3A_1181 = arith.constant 0 : i32
        %dma_wait3A_1182 = arith.constant 0 : i32
        %dma_wait3A_1183 = tpu.memref_slice %arg16[%dma_wait3A_1181, %dma_wait3A_1182] : memref<1x80xi32, #tpu.memory_space<vmem>> -> memref<1x80xi32, #tpu.memory_space<vmem>>
        %dma_wait3A_1184 = tpu.memref_squeeze %dma_wait3A_1183 : memref<1x80xi32, #tpu.memory_space<vmem>> -> memref<80xi32, #tpu.memory_space<vmem>>
        %dma_wait3A_1185 = arith.constant 0 : i32
        %dma_wait3A_1186 = arith.constant 0 : i32
        %dma_wait3A_1187 = tpu.memref_slice %arg21[%dma_wait3A_1185, %dma_wait3A_1186] : memref<10000x16xf32, #tpu.memory_space<vmem_shared>> -> memref<10000x16xf32, #tpu.memory_space<vmem_shared>>
        tpu.wait_indirect_dma semaphore(%arg27 : memref<!tpu.dma_semaphore, #tpu.memory_space<semaphore_mem>>) src(%arg18 : memref<80x16xf32, #tpu.memory_space<vmem>>) dst(%dma_wait3A_1187 : memref<10000x16xf32, #tpu.memory_space<vmem_shared>>)
      } else {
      }
      %dma_wait3A_787 = tpu.memref_slice %arg3[%mul3A_4] : memref<320000xi32, #tpu.memory_space<hbm>> -> memref<80xi32, #tpu.memory_space<hbm>>
      %dma_wait3A_788 = tpu.memref_slice %arg3[%mul3A_4] : memref<320000xi32, #tpu.memory_space<hbm>> -> memref<80xi32, #tpu.memory_space<hbm>>
      tpu.wait_dma2 semaphore(%arg30 : memref<!tpu.dma_semaphore, #tpu.memory_space<semaphore_mem>>) src(%dma_wait3A_788 : memref<80xi32, #tpu.memory_space<hbm>>) dst(%arg14 : memref<80xi32, #tpu.memory_space<vmem>>)
      %get3A_789 = arith.constant 0 : index
      %get3A_790 = tpu.vector_load %arg14[%get3A_789] {strides = array<i32>} : memref<80xi32, #tpu.memory_space<vmem>>, vector<16xi32>,
      %get3A_791 = vector.shape_cast %get3A_790 : vector<16xi32> to vector<16xi32>
      %shift_right_logical3A_792 = arith.constant 14 : i32
      %shift_right_logical3A_793 = vector.broadcast %shift_right_logical3A_792 : i32 to vector<16xi32>
      %shift_right_logical3A_794 = arith.shrui %get3A_791, %shift_right_logical3A_793 : vector<16xi32>
      %swap3A_795 = arith.constant 0 : index
      %swap3A_796 = tpu.vector_load %arg15[%swap3A_795] {strides = array<i32>} : memref<80xi32, #tpu.memory_space<vmem>>, vector<16xi32>,
      %swap3A_797 = vector.shape_cast %swap3A_796 : vector<16xi32> to vector<16xi32>
      %swap3A_798 = vector.shape_cast %shift_right_logical3A_794 : vector<16xi32> to vector<16xi32>
      tpu.vector_store %arg15[%swap3A_795], %swap3A_798 {strides = array<i32>} : memref<80xi32, #tpu.memory_space<vmem>>, vector<16xi32>,
      %and3A_799 = arith.constant 16383 : i32
      %and3A_800 = vector.broadcast %and3A_799 : i32 to vector<16xi32>
      %and3A_801 = arith.andi %get3A_791, %and3A_800 : vector<16xi32>
      %swap3A_802 = arith.constant 0 : i32
      %swap3A_803 = arith.index_cast %swap3A_802 : i32 to index
      %swap3A_804 = arith.constant 0 : index
      %swap3A_805 = tpu.vector_load %arg16[%swap3A_803, %swap3A_804] {strides = array<i32>} : memref<1x80xi32, #tpu.memory_space<vmem>>, vector<1x16xi32>,
      %swap3A_806 = vector.shape_cast %swap3A_805 : vector<1x16xi32> to vector<16xi32>
      %swap3A_807 = vector.shape_cast %and3A_801 : vector<16xi32> to vector<1x16xi32>
      tpu.vector_store %arg16[%swap3A_803, %swap3A_804], %swap3A_807 {strides = array<i32>} : memref<1x80xi32, #tpu.memory_space<vmem>>, vector<1x16xi32>,
      %get3A_808 = arith.constant 16 : index
      %get3A_809 = tpu.vector_load %arg14[%get3A_808] {strides = array<i32>} : memref<80xi32, #tpu.memory_space<vmem>>, vector<16xi32>,
      %get3A_810 = vector.shape_cast %get3A_809 : vector<16xi32> to vector<16xi32>
      %shift_right_logical3A_811 = arith.constant 14 : i32
      %shift_right_logical3A_812 = vector.broadcast %shift_right_logical3A_811 : i32 to vector<16xi32>
      %shift_right_logical3A_813 = arith.shrui %get3A_810, %shift_right_logical3A_812 : vector<16xi32>
      %swap3A_814 = arith.constant 16 : index
      %swap3A_815 = tpu.vector_load %arg15[%swap3A_814] {strides = array<i32>} : memref<80xi32, #tpu.memory_space<vmem>>, vector<16xi32>,
      %swap3A_816 = vector.shape_cast %swap3A_815 : vector<16xi32> to vector<16xi32>
      %swap3A_817 = vector.shape_cast %shift_right_logical3A_813 : vector<16xi32> to vector<16xi32>
      tpu.vector_store %arg15[%swap3A_814], %swap3A_817 {strides = array<i32>} : memref<80xi32, #tpu.memory_space<vmem>>, vector<16xi32>,
      %and3A_818 = arith.constant 16383 : i32
      %and3A_819 = vector.broadcast %and3A_818 : i32 to vector<16xi32>
      %and3A_820 = arith.andi %get3A_810, %and3A_819 : vector<16xi32>
      %swap3A_821 = arith.constant 0 : i32
      %swap3A_822 = arith.index_cast %swap3A_821 : i32 to index
      %swap3A_823 = arith.constant 16 : index
      %swap3A_824 = tpu.vector_load %arg16[%swap3A_822, %swap3A_823] {strides = array<i32>} : memref<1x80xi32, #tpu.memory_space<vmem>>, vector<1x16xi32>,
      %swap3A_825 = vector.shape_cast %swap3A_824 : vector<1x16xi32> to vector<16xi32>
      %swap3A_826 = vector.shape_cast %and3A_820 : vector<16xi32> to vector<1x16xi32>
      tpu.vector_store %arg16[%swap3A_822, %swap3A_823], %swap3A_826 {strides = array<i32>} : memref<1x80xi32, #tpu.memory_space<vmem>>, vector<1x16xi32>,
      %get3A_827 = arith.constant 32 : index
      %get3A_828 = tpu.vector_load %arg14[%get3A_827] {strides = array<i32>} : memref<80xi32, #tpu.memory_space<vmem>>, vector<16xi32>,
      %get3A_829 = vector.shape_cast %get3A_828 : vector<16xi32> to vector<16xi32>
      %shift_right_logical3A_830 = arith.constant 14 : i32
      %shift_right_logical3A_831 = vector.broadcast %shift_right_logical3A_830 : i32 to vector<16xi32>
      %shift_right_logical3A_832 = arith.shrui %get3A_829, %shift_right_logical3A_831 : vector<16xi32>
      %swap3A_833 = arith.constant 32 : index
      %swap3A_834 = tpu.vector_load %arg15[%swap3A_833] {strides = array<i32>} : memref<80xi32, #tpu.memory_space<vmem>>, vector<16xi32>,
      %swap3A_835 = vector.shape_cast %swap3A_834 : vector<16xi32> to vector<16xi32>
      %swap3A_836 = vector.shape_cast %shift_right_logical3A_832 : vector<16xi32> to vector<16xi32>
      tpu.vector_store %arg15[%swap3A_833], %swap3A_836 {strides = array<i32>} : memref<80xi32, #tpu.memory_space<vmem>>, vector<16xi32>,
      %and3A_837 = arith.constant 16383 : i32
      %and3A_838 = vector.broadcast %and3A_837 : i32 to vector<16xi32>
      %and3A_839 = arith.andi %get3A_829, %and3A_838 : vector<16xi32>
      %swap3A_840 = arith.constant 0 : i32
      %swap3A_841 = arith.index_cast %swap3A_840 : i32 to index
      %swap3A_842 = arith.constant 32 : index
      %swap3A_843 = tpu.vector_load %arg16[%swap3A_841, %swap3A_842] {strides = array<i32>} : memref<1x80xi32, #tpu.memory_space<vmem>>, vector<1x16xi32>,
      %swap3A_844 = vector.shape_cast %swap3A_843 : vector<1x16xi32> to vector<16xi32>
      %swap3A_845 = vector.shape_cast %and3A_839 : vector<16xi32> to vector<1x16xi32>
      tpu.vector_store %arg16[%swap3A_841, %swap3A_842], %swap3A_845 {strides = array<i32>} : memref<1x80xi32, #tpu.memory_space<vmem>>, vector<1x16xi32>,
      %get3A_846 = arith.constant 48 : index
      %get3A_847 = tpu.vector_load %arg14[%get3A_846] {strides = array<i32>} : memref<80xi32, #tpu.memory_space<vmem>>, vector<16xi32>,
      %get3A_848 = vector.shape_cast %get3A_847 : vector<16xi32> to vector<16xi32>
      %shift_right_logical3A_849 = arith.constant 14 : i32
      %shift_right_logical3A_850 = vector.broadcast %shift_right_logical3A_849 : i32 to vector<16xi32>
      %shift_right_logical3A_851 = arith.shrui %get3A_848, %shift_right_logical3A_850 : vector<16xi32>
      %swap3A_852 = arith.constant 48 : index
      %swap3A_853 = tpu.vector_load %arg15[%swap3A_852] {strides = array<i32>} : memref<80xi32, #tpu.memory_space<vmem>>, vector<16xi32>,
      %swap3A_854 = vector.shape_cast %swap3A_853 : vector<16xi32> to vector<16xi32>
      %swap3A_855 = vector.shape_cast %shift_right_logical3A_851 : vector<16xi32> to vector<16xi32>
      tpu.vector_store %arg15[%swap3A_852], %swap3A_855 {strides = array<i32>} : memref<80xi32, #tpu.memory_space<vmem>>, vector<16xi32>,
      %and3A_856 = arith.constant 16383 : i32
      %and3A_857 = vector.broadcast %and3A_856 : i32 to vector<16xi32>
      %and3A_858 = arith.andi %get3A_848, %and3A_857 : vector<16xi32>
      %swap3A_859 = arith.constant 0 : i32
      %swap3A_860 = arith.index_cast %swap3A_859 : i32 to index
      %swap3A_861 = arith.constant 48 : index
      %swap3A_862 = tpu.vector_load %arg16[%swap3A_860, %swap3A_861] {strides = array<i32>} : memref<1x80xi32, #tpu.memory_space<vmem>>, vector<1x16xi32>,
      %swap3A_863 = vector.shape_cast %swap3A_862 : vector<1x16xi32> to vector<16xi32>
      %swap3A_864 = vector.shape_cast %and3A_858 : vector<16xi32> to vector<1x16xi32>
      tpu.vector_store %arg16[%swap3A_860, %swap3A_861], %swap3A_864 {strides = array<i32>} : memref<1x80xi32, #tpu.memory_space<vmem>>, vector<1x16xi32>,
      %get3A_865 = arith.constant 64 : index
      %get3A_866 = tpu.vector_load %arg14[%get3A_865] {strides = array<i32>} : memref<80xi32, #tpu.memory_space<vmem>>, vector<16xi32>,
      %get3A_867 = vector.shape_cast %get3A_866 : vector<16xi32> to vector<16xi32>
      %shift_right_logical3A_868 = arith.constant 14 : i32
      %shift_right_logical3A_869 = vector.broadcast %shift_right_logical3A_868 : i32 to vector<16xi32>
      %shift_right_logical3A_870 = arith.shrui %get3A_867, %shift_right_logical3A_869 : vector<16xi32>
      %swap3A_871 = arith.constant 64 : index
      %swap3A_872 = tpu.vector_load %arg15[%swap3A_871] {strides = array<i32>} : memref<80xi32, #tpu.memory_space<vmem>>, vector<16xi32>,
      %swap3A_873 = vector.shape_cast %swap3A_872 : vector<16xi32> to vector<16xi32>
      %swap3A_874 = vector.shape_cast %shift_right_logical3A_870 : vector<16xi32> to vector<16xi32>
      tpu.vector_store %arg15[%swap3A_871], %swap3A_874 {strides = array<i32>} : memref<80xi32, #tpu.memory_space<vmem>>, vector<16xi32>,
      %and3A_875 = arith.constant 16383 : i32
      %and3A_876 = vector.broadcast %and3A_875 : i32 to vector<16xi32>
      %and3A_877 = arith.andi %get3A_867, %and3A_876 : vector<16xi32>
      %swap3A_878 = arith.constant 0 : i32
      %swap3A_879 = arith.index_cast %swap3A_878 : i32 to index
      %swap3A_880 = arith.constant 64 : index
      %swap3A_881 = tpu.vector_load %arg16[%swap3A_879, %swap3A_880] {strides = array<i32>} : memref<1x80xi32, #tpu.memory_space<vmem>>, vector<1x16xi32>,
      %swap3A_882 = vector.shape_cast %swap3A_881 : vector<1x16xi32> to vector<16xi32>
      %swap3A_883 = vector.shape_cast %and3A_877 : vector<16xi32> to vector<1x16xi32>
      tpu.vector_store %arg16[%swap3A_879, %swap3A_880], %swap3A_883 {strides = array<i32>} : memref<1x80xi32, #tpu.memory_space<vmem>>, vector<1x16xi32>,
      %dma_start3A_884 = arith.constant 0 : i32
      %dma_start3A_885 = arith.constant 0 : i32
      %dma_start3A_886 = tpu.memref_slice %arg2[%dma_start3A_884, %dma_start3A_885] : memref<10000x128xf32, #tpu.memory_space<hbm>> -> memref<10000x128xf32, #tpu.memory_space<hbm>>
      tpu.enqueue_indirect_dma source(%dma_start3A_886 : memref<10000x128xf32, #tpu.memory_space<hbm>>) target(%arg17 : memref<80x128xf32, #tpu.memory_space<vmem>>) offsets(%arg15 : memref<80xi32, #tpu.memory_space<vmem>>) semaphore(%arg24 : memref<!tpu.dma_semaphore, #tpu.memory_space<semaphore_mem>>)
      %add3A_887 = arith.constant 3 : i32
      %add3A_888 = arith.addi %add3A_765, %add3A_887 : i32
      %mul3A_889 = arith.constant 80 : i32
      %mul3A_890 = arith.muli %add3A_888, %mul3A_889 : i32
      %add3A_891 = arith.addi %mul3A_4, %mul3A_890 : i32
      %dma_start3A_892 = tpu.memref_slice %arg3[%add3A_891] : memref<320000xi32, #tpu.memory_space<hbm>> -> memref<80xi32, #tpu.memory_space<hbm>>
      %dma_start3A_893 = tpu.memref_slice %arg3[%add3A_891] : memref<320000xi32, #tpu.memory_space<hbm>> -> memref<80xi32, #tpu.memory_space<hbm>>
      tpu.enqueue_dma source(%dma_start3A_893 : memref<80xi32, #tpu.memory_space<hbm>>) target(%arg6 : memref<80xi32, #tpu.memory_space<vmem>>) target_semaphore(%arg28 : memref<!tpu.dma_semaphore, #tpu.memory_space<semaphore_mem>>)
      %add3A_894 = arith.constant 1 : i32
      %add3A_895 = arith.addi %mul3A_763, %add3A_894 : i32
      %dma_wait3A_896 = arith.constant 0 : i32
      %dma_wait3A_897 = arith.constant 0 : i32
      %dma_wait3A_898 = tpu.memref_slice %arg2[%dma_wait3A_896, %dma_wait3A_897] : memref<10000x128xf32, #tpu.memory_space<hbm>> -> memref<10000x128xf32, #tpu.memory_space<hbm>>
      tpu.wait_indirect_dma semaphore(%arg23 : memref<!tpu.dma_semaphore, #tpu.memory_space<semaphore_mem>>) src(%dma_wait3A_898 : memref<10000x128xf32, #tpu.memory_space<hbm>>) dst(%arg13 : memref<80x128xf32, #tpu.memory_space<vmem>>)
      %dma_start3A_899 = arith.constant 0 : i32
      %dma_start3A_900 = arith.constant 0 : i32
      %dma_start3A_901 = tpu.memref_slice %arg12[%dma_start3A_899, %dma_start3A_900] : memref<1x80xi32, #tpu.memory_space<vmem>> -> memref<1x80xi32, #tpu.memory_space<vmem>>
      %dma_start3A_902 = tpu.memref_squeeze %dma_start3A_901 : memref<1x80xi32, #tpu.memory_space<vmem>> -> memref<80xi32, #tpu.memory_space<vmem>>
      %dma_start3A_903 = arith.constant 0 : i32
      %dma_start3A_904 = arith.constant 0 : i32
      %dma_start3A_905 = tpu.memref_slice %arg20[%dma_start3A_903, %dma_start3A_904] : memref<10000x128xf32, #tpu.memory_space<vmem_shared>> -> memref<10000x128xf32, #tpu.memory_space<vmem_shared>>
      tpu.enqueue_indirect_dma source(%arg13 : memref<80x128xf32, #tpu.memory_space<vmem>>) target(%dma_start3A_905 : memref<10000x128xf32, #tpu.memory_space<vmem_shared>>) offsets(%dma_start3A_902 : memref<80xi32, #tpu.memory_space<vmem>>) semaphore(%arg26 : memref<!tpu.dma_semaphore, #tpu.memory_space<semaphore_mem>>) {add = true}
      %dma_start3A_906 = arith.constant 0 : i32
      %dma_start3A_907 = arith.constant 0 : i32
      %dma_start3A_908 = tpu.memref_slice %arg12[%dma_start3A_906, %dma_start3A_907] : memref<1x80xi32, #tpu.memory_space<vmem>> -> memref<1x80xi32, #tpu.memory_space<vmem>>
      %dma_start3A_909 = tpu.memref_squeeze %dma_start3A_908 : memref<1x80xi32, #tpu.memory_space<vmem>> -> memref<80xi32, #tpu.memory_space<vmem>>
      %dma_start3A_910 = arith.constant 0 : i32
      %dma_start3A_911 = arith.constant 0 : i32
      %dma_start3A_912 = tpu.memref_slice %arg21[%dma_start3A_910, %dma_start3A_911] : memref<10000x16xf32, #tpu.memory_space<vmem_shared>> -> memref<10000x16xf32, #tpu.memory_space<vmem_shared>>
      tpu.enqueue_indirect_dma source(%arg18 : memref<80x16xf32, #tpu.memory_space<vmem>>) target(%dma_start3A_912 : memref<10000x16xf32, #tpu.memory_space<vmem_shared>>) offsets(%dma_start3A_909 : memref<80xi32, #tpu.memory_space<vmem>>) semaphore(%arg26 : memref<!tpu.dma_semaphore, #tpu.memory_space<semaphore_mem>>) {add = true}
      %dma_wait3A_913 = arith.constant 0 : i32
      %dma_wait3A_914 = arith.constant 0 : i32
      %dma_wait3A_915 = tpu.memref_slice %arg8[%dma_wait3A_913, %dma_wait3A_914] : memref<1x80xi32, #tpu.memory_space<vmem>> -> memref<1x80xi32, #tpu.memory_space<vmem>>
      %dma_wait3A_916 = tpu.memref_squeeze %dma_wait3A_915 : memref<1x80xi32, #tpu.memory_space<vmem>> -> memref<80xi32, #tpu.memory_space<vmem>>
      %dma_wait3A_917 = arith.constant 0 : i32
      %dma_wait3A_918 = arith.constant 0 : i32
      %dma_wait3A_919 = tpu.memref_slice %arg20[%dma_wait3A_917, %dma_wait3A_918] : memref<10000x128xf32, #tpu.memory_space<vmem_shared>> -> memref<10000x128xf32, #tpu.memory_space<vmem_shared>>
      tpu.wait_indirect_dma semaphore(%arg25 : memref<!tpu.dma_semaphore, #tpu.memory_space<semaphore_mem>>) src(%arg9 : memref<80x128xf32, #tpu.memory_space<vmem>>) dst(%dma_wait3A_919 : memref<10000x128xf32, #tpu.memory_space<vmem_shared>>)
      %dma_wait3A_920 = arith.constant 0 : i32
      %dma_wait3A_921 = arith.constant 0 : i32
      %dma_wait3A_922 = tpu.memref_slice %arg8[%dma_wait3A_920, %dma_wait3A_921] : memref<1x80xi32, #tpu.memory_space<vmem>> -> memref<1x80xi32, #tpu.memory_space<vmem>>
      %dma_wait3A_923 = tpu.memref_squeeze %dma_wait3A_922 : memref<1x80xi32, #tpu.memory_space<vmem>> -> memref<80xi32, #tpu.memory_space<vmem>>
      %dma_wait3A_924 = arith.constant 0 : i32
      %dma_wait3A_925 = arith.constant 0 : i32
      %dma_wait3A_926 = tpu.memref_slice %arg21[%dma_wait3A_924, %dma_wait3A_925] : memref<10000x16xf32, #tpu.memory_space<vmem_shared>> -> memref<10000x16xf32, #tpu.memory_space<vmem_shared>>
      tpu.wait_indirect_dma semaphore(%arg25 : memref<!tpu.dma_semaphore, #tpu.memory_space<semaphore_mem>>) src(%arg18 : memref<80x16xf32, #tpu.memory_space<vmem>>) dst(%dma_wait3A_926 : memref<10000x16xf32, #tpu.memory_space<vmem_shared>>)
      %dma_wait3A_927 = tpu.memref_slice %arg3[%mul3A_4] : memref<320000xi32, #tpu.memory_space<hbm>> -> memref<80xi32, #tpu.memory_space<hbm>>
      %dma_wait3A_928 = tpu.memref_slice %arg3[%mul3A_4] : memref<320000xi32, #tpu.memory_space<hbm>> -> memref<80xi32, #tpu.memory_space<hbm>>
      tpu.wait_dma2 semaphore(%arg28 : memref<!tpu.dma_semaphore, #tpu.memory_space<semaphore_mem>>) src(%dma_wait3A_928 : memref<80xi32, #tpu.memory_space<hbm>>) dst(%arg6 : memref<80xi32, #tpu.memory_space<vmem>>)
      %get3A_929 = arith.constant 0 : index
      %get3A_930 = tpu.vector_load %arg6[%get3A_929] {strides = array<i32>} : memref<80xi32, #tpu.memory_space<vmem>>, vector<16xi32>,
      %get3A_931 = vector.shape_cast %get3A_930 : vector<16xi32> to vector<16xi32>
      %shift_right_logical3A_932 = arith.constant 14 : i32
      %shift_right_logical3A_933 = vector.broadcast %shift_right_logical3A_932 : i32 to vector<16xi32>
      %shift_right_logical3A_934 = arith.shrui %get3A_931, %shift_right_logical3A_933 : vector<16xi32>
      %swap3A_935 = arith.constant 0 : index
      %swap3A_936 = tpu.vector_load %arg7[%swap3A_935] {strides = array<i32>} : memref<80xi32, #tpu.memory_space<vmem>>, vector<16xi32>,
      %swap3A_937 = vector.shape_cast %swap3A_936 : vector<16xi32> to vector<16xi32>
      %swap3A_938 = vector.shape_cast %shift_right_logical3A_934 : vector<16xi32> to vector<16xi32>
      tpu.vector_store %arg7[%swap3A_935], %swap3A_938 {strides = array<i32>} : memref<80xi32, #tpu.memory_space<vmem>>, vector<16xi32>,
      %and3A_939 = arith.constant 16383 : i32
      %and3A_940 = vector.broadcast %and3A_939 : i32 to vector<16xi32>
      %and3A_941 = arith.andi %get3A_931, %and3A_940 : vector<16xi32>
      %swap3A_942 = arith.constant 0 : i32
      %swap3A_943 = arith.index_cast %swap3A_942 : i32 to index
      %swap3A_944 = arith.constant 0 : index
      %swap3A_945 = tpu.vector_load %arg8[%swap3A_943, %swap3A_944] {strides = array<i32>} : memref<1x80xi32, #tpu.memory_space<vmem>>, vector<1x16xi32>,
      %swap3A_946 = vector.shape_cast %swap3A_945 : vector<1x16xi32> to vector<16xi32>
      %swap3A_947 = vector.shape_cast %and3A_941 : vector<16xi32> to vector<1x16xi32>
      tpu.vector_store %arg8[%swap3A_943, %swap3A_944], %swap3A_947 {strides = array<i32>} : memref<1x80xi32, #tpu.memory_space<vmem>>, vector<1x16xi32>,
      %get3A_948 = arith.constant 16 : index
      %get3A_949 = tpu.vector_load %arg6[%get3A_948] {strides = array<i32>} : memref<80xi32, #tpu.memory_space<vmem>>, vector<16xi32>,
      %get3A_950 = vector.shape_cast %get3A_949 : vector<16xi32> to vector<16xi32>
      %shift_right_logical3A_951 = arith.constant 14 : i32
      %shift_right_logical3A_952 = vector.broadcast %shift_right_logical3A_951 : i32 to vector<16xi32>
      %shift_right_logical3A_953 = arith.shrui %get3A_950, %shift_right_logical3A_952 : vector<16xi32>
      %swap3A_954 = arith.constant 16 : index
      %swap3A_955 = tpu.vector_load %arg7[%swap3A_954] {strides = array<i32>} : memref<80xi32, #tpu.memory_space<vmem>>, vector<16xi32>,
      %swap3A_956 = vector.shape_cast %swap3A_955 : vector<16xi32> to vector<16xi32>
      %swap3A_957 = vector.shape_cast %shift_right_logical3A_953 : vector<16xi32> to vector<16xi32>
      tpu.vector_store %arg7[%swap3A_954], %swap3A_957 {strides = array<i32>} : memref<80xi32, #tpu.memory_space<vmem>>, vector<16xi32>,
      %and3A_958 = arith.constant 16383 : i32
      %and3A_959 = vector.broadcast %and3A_958 : i32 to vector<16xi32>
      %and3A_960 = arith.andi %get3A_950, %and3A_959 : vector<16xi32>
      %swap3A_961 = arith.constant 0 : i32
      %swap3A_962 = arith.index_cast %swap3A_961 : i32 to index
      %swap3A_963 = arith.constant 16 : index
      %swap3A_964 = tpu.vector_load %arg8[%swap3A_962, %swap3A_963] {strides = array<i32>} : memref<1x80xi32, #tpu.memory_space<vmem>>, vector<1x16xi32>,
      %swap3A_965 = vector.shape_cast %swap3A_964 : vector<1x16xi32> to vector<16xi32>
      %swap3A_966 = vector.shape_cast %and3A_960 : vector<16xi32> to vector<1x16xi32>
      tpu.vector_store %arg8[%swap3A_962, %swap3A_963], %swap3A_966 {strides = array<i32>} : memref<1x80xi32, #tpu.memory_space<vmem>>, vector<1x16xi32>,
      %get3A_967 = arith.constant 32 : index
      %get3A_968 = tpu.vector_load %arg6[%get3A_967] {strides = array<i32>} : memref<80xi32, #tpu.memory_space<vmem>>, vector<16xi32>,
      %get3A_969 = vector.shape_cast %get3A_968 : vector<16xi32> to vector<16xi32>
      %shift_right_logical3A_970 = arith.constant 14 : i32
      %shift_right_logical3A_971 = vector.broadcast %shift_right_logical3A_970 : i32 to vector<16xi32>
      %shift_right_logical3A_972 = arith.shrui %get3A_969, %shift_right_logical3A_971 : vector<16xi32>
      %swap3A_973 = arith.constant 32 : index
      %swap3A_974 = tpu.vector_load %arg7[%swap3A_973] {strides = array<i32>} : memref<80xi32, #tpu.memory_space<vmem>>, vector<16xi32>,
      %swap3A_975 = vector.shape_cast %swap3A_974 : vector<16xi32> to vector<16xi32>
      %swap3A_976 = vector.shape_cast %shift_right_logical3A_972 : vector<16xi32> to vector<16xi32>
      tpu.vector_store %arg7[%swap3A_973], %swap3A_976 {strides = array<i32>} : memref<80xi32, #tpu.memory_space<vmem>>, vector<16xi32>,
      %and3A_977 = arith.constant 16383 : i32
      %and3A_978 = vector.broadcast %and3A_977 : i32 to vector<16xi32>
      %and3A_979 = arith.andi %get3A_969, %and3A_978 : vector<16xi32>
      %swap3A_980 = arith.constant 0 : i32
      %swap3A_981 = arith.index_cast %swap3A_980 : i32 to index
      %swap3A_982 = arith.constant 32 : index
      %swap3A_983 = tpu.vector_load %arg8[%swap3A_981, %swap3A_982] {strides = array<i32>} : memref<1x80xi32, #tpu.memory_space<vmem>>, vector<1x16xi32>,
      %swap3A_984 = vector.shape_cast %swap3A_983 : vector<1x16xi32> to vector<16xi32>
      %swap3A_985 = vector.shape_cast %and3A_979 : vector<16xi32> to vector<1x16xi32>
      tpu.vector_store %arg8[%swap3A_981, %swap3A_982], %swap3A_985 {strides = array<i32>} : memref<1x80xi32, #tpu.memory_space<vmem>>, vector<1x16xi32>,
      %get3A_986 = arith.constant 48 : index
      %get3A_987 = tpu.vector_load %arg6[%get3A_986] {strides = array<i32>} : memref<80xi32, #tpu.memory_space<vmem>>, vector<16xi32>,
      %get3A_988 = vector.shape_cast %get3A_987 : vector<16xi32> to vector<16xi32>
      %shift_right_logical3A_989 = arith.constant 14 : i32
      %shift_right_logical3A_990 = vector.broadcast %shift_right_logical3A_989 : i32 to vector<16xi32>
      %shift_right_logical3A_991 = arith.shrui %get3A_988, %shift_right_logical3A_990 : vector<16xi32>
      %swap3A_992 = arith.constant 48 : index
      %swap3A_993 = tpu.vector_load %arg7[%swap3A_992] {strides = array<i32>} : memref<80xi32, #tpu.memory_space<vmem>>, vector<16xi32>,
      %swap3A_994 = vector.shape_cast %swap3A_993 : vector<16xi32> to vector<16xi32>
      %swap3A_995 = vector.shape_cast %shift_right_logical3A_991 : vector<16xi32> to vector<16xi32>
      tpu.vector_store %arg7[%swap3A_992], %swap3A_995 {strides = array<i32>} : memref<80xi32, #tpu.memory_space<vmem>>, vector<16xi32>,
      %and3A_996 = arith.constant 16383 : i32
      %and3A_997 = vector.broadcast %and3A_996 : i32 to vector<16xi32>
      %and3A_998 = arith.andi %get3A_988, %and3A_997 : vector<16xi32>
      %swap3A_999 = arith.constant 0 : i32
      %swap3A_1000 = arith.index_cast %swap3A_999 : i32 to index
      %swap3A_1001 = arith.constant 48 : index
      %swap3A_1002 = tpu.vector_load %arg8[%swap3A_1000, %swap3A_1001] {strides = array<i32>} : memref<1x80xi32, #tpu.memory_space<vmem>>, vector<1x16xi32>,
      %swap3A_1003 = vector.shape_cast %swap3A_1002 : vector<1x16xi32> to vector<16xi32>
      %swap3A_1004 = vector.shape_cast %and3A_998 : vector<16xi32> to vector<1x16xi32>
      tpu.vector_store %arg8[%swap3A_1000, %swap3A_1001], %swap3A_1004 {strides = array<i32>} : memref<1x80xi32, #tpu.memory_space<vmem>>, vector<1x16xi32>,
      %get3A_1005 = arith.constant 64 : index
      %get3A_1006 = tpu.vector_load %arg6[%get3A_1005] {strides = array<i32>} : memref<80xi32, #tpu.memory_space<vmem>>, vector<16xi32>,
      %get3A_1007 = vector.shape_cast %get3A_1006 : vector<16xi32> to vector<16xi32>
      %shift_right_logical3A_1008 = arith.constant 14 : i32
      %shift_right_logical3A_1009 = vector.broadcast %shift_right_logical3A_1008 : i32 to vector<16xi32>
      %shift_right_logical3A_1010 = arith.shrui %get3A_1007, %shift_right_logical3A_1009 : vector<16xi32>
      %swap3A_1011 = arith.constant 64 : index
      %swap3A_1012 = tpu.vector_load %arg7[%swap3A_1011] {strides = array<i32>} : memref<80xi32, #tpu.memory_space<vmem>>, vector<16xi32>,
      %swap3A_1013 = vector.shape_cast %swap3A_1012 : vector<16xi32> to vector<16xi32>
      %swap3A_1014 = vector.shape_cast %shift_right_logical3A_1010 : vector<16xi32> to vector<16xi32>
      tpu.vector_store %arg7[%swap3A_1011], %swap3A_1014 {strides = array<i32>} : memref<80xi32, #tpu.memory_space<vmem>>, vector<16xi32>,
      %and3A_1015 = arith.constant 16383 : i32
      %and3A_1016 = vector.broadcast %and3A_1015 : i32 to vector<16xi32>
      %and3A_1017 = arith.andi %get3A_1007, %and3A_1016 : vector<16xi32>
      %swap3A_1018 = arith.constant 0 : i32
      %swap3A_1019 = arith.index_cast %swap3A_1018 : i32 to index
      %swap3A_1020 = arith.constant 64 : index
      %swap3A_1021 = tpu.vector_load %arg8[%swap3A_1019, %swap3A_1020] {strides = array<i32>} : memref<1x80xi32, #tpu.memory_space<vmem>>, vector<1x16xi32>,
      %swap3A_1022 = vector.shape_cast %swap3A_1021 : vector<1x16xi32> to vector<16xi32>
      %swap3A_1023 = vector.shape_cast %and3A_1017 : vector<16xi32> to vector<1x16xi32>
      tpu.vector_store %arg8[%swap3A_1019, %swap3A_1020], %swap3A_1023 {strides = array<i32>} : memref<1x80xi32, #tpu.memory_space<vmem>>, vector<1x16xi32>,
      %dma_start3A_1024 = arith.constant 0 : i32
      %dma_start3A_1025 = arith.constant 0 : i32
      %dma_start3A_1026 = tpu.memref_slice %arg2[%dma_start3A_1024, %dma_start3A_1025] : memref<10000x128xf32, #tpu.memory_space<hbm>> -> memref<10000x128xf32, #tpu.memory_space<hbm>>
      tpu.enqueue_indirect_dma source(%dma_start3A_1026 : memref<10000x128xf32, #tpu.memory_space<hbm>>) target(%arg9 : memref<80x128xf32, #tpu.memory_space<vmem>>) offsets(%arg7 : memref<80xi32, #tpu.memory_space<vmem>>) semaphore(%arg22 : memref<!tpu.dma_semaphore, #tpu.memory_space<semaphore_mem>>)
      %add3A_1027 = arith.constant 3 : i32
      %add3A_1028 = arith.addi %add3A_895, %add3A_1027 : i32
      %mul3A_1029 = arith.constant 80 : i32
      %mul3A_1030 = arith.muli %add3A_1028, %mul3A_1029 : i32
      %add3A_1031 = arith.addi %mul3A_4, %mul3A_1030 : i32
      %dma_start3A_1032 = tpu.memref_slice %arg3[%add3A_1031] : memref<320000xi32, #tpu.memory_space<hbm>> -> memref<80xi32, #tpu.memory_space<hbm>>
      %dma_start3A_1033 = tpu.memref_slice %arg3[%add3A_1031] : memref<320000xi32, #tpu.memory_space<hbm>> -> memref<80xi32, #tpu.memory_space<hbm>>
      tpu.enqueue_dma source(%dma_start3A_1033 : memref<80xi32, #tpu.memory_space<hbm>>) target(%arg10 : memref<80xi32, #tpu.memory_space<vmem>>) target_semaphore(%arg29 : memref<!tpu.dma_semaphore, #tpu.memory_space<semaphore_mem>>)
      %add3A_1034 = arith.constant 2 : i32
      %add3A_1035 = arith.addi %mul3A_763, %add3A_1034 : i32
      %dma_wait3A_1036 = arith.constant 0 : i32
      %dma_wait3A_1037 = arith.constant 0 : i32
      %dma_wait3A_1038 = tpu.memref_slice %arg2[%dma_wait3A_1036, %dma_wait3A_1037] : memref<10000x128xf32, #tpu.memory_space<hbm>> -> memref<10000x128xf32, #tpu.memory_space<hbm>>
      tpu.wait_indirect_dma semaphore(%arg24 : memref<!tpu.dma_semaphore, #tpu.memory_space<semaphore_mem>>) src(%dma_wait3A_1038 : memref<10000x128xf32, #tpu.memory_space<hbm>>) dst(%arg17 : memref<80x128xf32, #tpu.memory_space<vmem>>)
      %dma_start3A_1039 = arith.constant 0 : i32
      %dma_start3A_1040 = arith.constant 0 : i32
      %dma_start3A_1041 = tpu.memref_slice %arg16[%dma_start3A_1039, %dma_start3A_1040] : memref<1x80xi32, #tpu.memory_space<vmem>> -> memref<1x80xi32, #tpu.memory_space<vmem>>
      %dma_start3A_1042 = tpu.memref_squeeze %dma_start3A_1041 : memref<1x80xi32, #tpu.memory_space<vmem>> -> memref<80xi32, #tpu.memory_space<vmem>>
      %dma_start3A_1043 = arith.constant 0 : i32
      %dma_start3A_1044 = arith.constant 0 : i32
      %dma_start3A_1045 = tpu.memref_slice %arg20[%dma_start3A_1043, %dma_start3A_1044] : memref<10000x128xf32, #tpu.memory_space<vmem_shared>> -> memref<10000x128xf32, #tpu.memory_space<vmem_shared>>
      tpu.enqueue_indirect_dma source(%arg17 : memref<80x128xf32, #tpu.memory_space<vmem>>) target(%dma_start3A_1045 : memref<10000x128xf32, #tpu.memory_space<vmem_shared>>) offsets(%dma_start3A_1042 : memref<80xi32, #tpu.memory_space<vmem>>) semaphore(%arg27 : memref<!tpu.dma_semaphore, #tpu.memory_space<semaphore_mem>>) {add = true}
      %dma_start3A_1046 = arith.constant 0 : i32
      %dma_start3A_1047 = arith.constant 0 : i32
      %dma_start3A_1048 = tpu.memref_slice %arg16[%dma_start3A_1046, %dma_start3A_1047] : memref<1x80xi32, #tpu.memory_space<vmem>> -> memref<1x80xi32, #tpu.memory_space<vmem>>
      %dma_start3A_1049 = tpu.memref_squeeze %dma_start3A_1048 : memref<1x80xi32, #tpu.memory_space<vmem>> -> memref<80xi32, #tpu.memory_space<vmem>>
      %dma_start3A_1050 = arith.constant 0 : i32
      %dma_start3A_1051 = arith.constant 0 : i32
      %dma_start3A_1052 = tpu.memref_slice %arg21[%dma_start3A_1050, %dma_start3A_1051] : memref<10000x16xf32, #tpu.memory_space<vmem_shared>> -> memref<10000x16xf32, #tpu.memory_space<vmem_shared>>
      tpu.enqueue_indirect_dma source(%arg18 : memref<80x16xf32, #tpu.memory_space<vmem>>) target(%dma_start3A_1052 : memref<10000x16xf32, #tpu.memory_space<vmem_shared>>) offsets(%dma_start3A_1049 : memref<80xi32, #tpu.memory_space<vmem>>) semaphore(%arg27 : memref<!tpu.dma_semaphore, #tpu.memory_space<semaphore_mem>>) {add = true}
      %dma_wait3A_1053 = arith.constant 0 : i32
      %dma_wait3A_1054 = arith.constant 0 : i32
      %dma_wait3A_1055 = tpu.memref_slice %arg12[%dma_wait3A_1053, %dma_wait3A_1054] : memref<1x80xi32, #tpu.memory_space<vmem>> -> memref<1x80xi32, #tpu.memory_space<vmem>>
      %dma_wait3A_1056 = tpu.memref_squeeze %dma_wait3A_1055 : memref<1x80xi32, #tpu.memory_space<vmem>> -> memref<80xi32, #tpu.memory_space<vmem>>
      %dma_wait3A_1057 = arith.constant 0 : i32
      %dma_wait3A_1058 = arith.constant 0 : i32
      %dma_wait3A_1059 = tpu.memref_slice %arg20[%dma_wait3A_1057, %dma_wait3A_1058] : memref<10000x128xf32, #tpu.memory_space<vmem_shared>> -> memref<10000x128xf32, #tpu.memory_space<vmem_shared>>
      tpu.wait_indirect_dma semaphore(%arg26 : memref<!tpu.dma_semaphore, #tpu.memory_space<semaphore_mem>>) src(%arg13 : memref<80x128xf32, #tpu.memory_space<vmem>>) dst(%dma_wait3A_1059 : memref<10000x128xf32, #tpu.memory_space<vmem_shared>>)
      %dma_wait3A_1060 = arith.constant 0 : i32
      %dma_wait3A_1061 = arith.constant 0 : i32
      %dma_wait3A_1062 = tpu.memref_slice %arg12[%dma_wait3A_1060, %dma_wait3A_1061] : memref<1x80xi32, #tpu.memory_space<vmem>> -> memref<1x80xi32, #tpu.memory_space<vmem>>
      %dma_wait3A_1063 = tpu.memref_squeeze %dma_wait3A_1062 : memref<1x80xi32, #tpu.memory_space<vmem>> -> memref<80xi32, #tpu.memory_space<vmem>>
      %dma_wait3A_1064 = arith.constant 0 : i32
      %dma_wait3A_1065 = arith.constant 0 : i32
      %dma_wait3A_1066 = tpu.memref_slice %arg21[%dma_wait3A_1064, %dma_wait3A_1065] : memref<10000x16xf32, #tpu.memory_space<vmem_shared>> -> memref<10000x16xf32, #tpu.memory_space<vmem_shared>>
      tpu.wait_indirect_dma semaphore(%arg26 : memref<!tpu.dma_semaphore, #tpu.memory_space<semaphore_mem>>) src(%arg18 : memref<80x16xf32, #tpu.memory_space<vmem>>) dst(%dma_wait3A_1066 : memref<10000x16xf32, #tpu.memory_space<vmem_shared>>)
      %dma_wait3A_1067 = tpu.memref_slice %arg3[%mul3A_4] : memref<320000xi32, #tpu.memory_space<hbm>> -> memref<80xi32, #tpu.memory_space<hbm>>
      %dma_wait3A_1068 = tpu.memref_slice %arg3[%mul3A_4] : memref<320000xi32, #tpu.memory_space<hbm>> -> memref<80xi32, #tpu.memory_space<hbm>>
      tpu.wait_dma2 semaphore(%arg29 : memref<!tpu.dma_semaphore, #tpu.memory_space<semaphore_mem>>) src(%dma_wait3A_1068 : memref<80xi32, #tpu.memory_space<hbm>>) dst(%arg10 : memref<80xi32, #tpu.memory_space<vmem>>)
      %get3A_1069 = arith.constant 0 : index
      %get3A_1070 = tpu.vector_load %arg10[%get3A_1069] {strides = array<i32>} : memref<80xi32, #tpu.memory_space<vmem>>, vector<16xi32>,
      %get3A_1071 = vector.shape_cast %get3A_1070 : vector<16xi32> to vector<16xi32>
      %shift_right_logical3A_1072 = arith.constant 14 : i32
      %shift_right_logical3A_1073 = vector.broadcast %shift_right_logical3A_1072 : i32 to vector<16xi32>
      %shift_right_logical3A_1074 = arith.shrui %get3A_1071, %shift_right_logical3A_1073 : vector<16xi32>
      %swap3A_1075 = arith.constant 0 : index
      %swap3A_1076 = tpu.vector_load %arg11[%swap3A_1075] {strides = array<i32>} : memref<80xi32, #tpu.memory_space<vmem>>, vector<16xi32>,
      %swap3A_1077 = vector.shape_cast %swap3A_1076 : vector<16xi32> to vector<16xi32>
      %swap3A_1078 = vector.shape_cast %shift_right_logical3A_1074 : vector<16xi32> to vector<16xi32>
      tpu.vector_store %arg11[%swap3A_1075], %swap3A_1078 {strides = array<i32>} : memref<80xi32, #tpu.memory_space<vmem>>, vector<16xi32>,
      %and3A_1079 = arith.constant 16383 : i32
      %and3A_1080 = vector.broadcast %and3A_1079 : i32 to vector<16xi32>
      %and3A_1081 = arith.andi %get3A_1071, %and3A_1080 : vector<16xi32>
      %swap3A_1082 = arith.constant 0 : i32
      %swap3A_1083 = arith.index_cast %swap3A_1082 : i32 to index
      %swap3A_1084 = arith.constant 0 : index
      %swap3A_1085 = tpu.vector_load %arg12[%swap3A_1083, %swap3A_1084] {strides = array<i32>} : memref<1x80xi32, #tpu.memory_space<vmem>>, vector<1x16xi32>,
      %swap3A_1086 = vector.shape_cast %swap3A_1085 : vector<1x16xi32> to vector<16xi32>
      %swap3A_1087 = vector.shape_cast %and3A_1081 : vector<16xi32> to vector<1x16xi32>
      tpu.vector_store %arg12[%swap3A_1083, %swap3A_1084], %swap3A_1087 {strides = array<i32>} : memref<1x80xi32, #tpu.memory_space<vmem>>, vector<1x16xi32>,
      %get3A_1088 = arith.constant 16 : index
      %get3A_1089 = tpu.vector_load %arg10[%get3A_1088] {strides = array<i32>} : memref<80xi32, #tpu.memory_space<vmem>>, vector<16xi32>,
      %get3A_1090 = vector.shape_cast %get3A_1089 : vector<16xi32> to vector<16xi32>
      %shift_right_logical3A_1091 = arith.constant 14 : i32
      %shift_right_logical3A_1092 = vector.broadcast %shift_right_logical3A_1091 : i32 to vector<16xi32>
      %shift_right_logical3A_1093 = arith.shrui %get3A_1090, %shift_right_logical3A_1092 : vector<16xi32>
      %swap3A_1094 = arith.constant 16 : index
      %swap3A_1095 = tpu.vector_load %arg11[%swap3A_1094] {strides = array<i32>} : memref<80xi32, #tpu.memory_space<vmem>>, vector<16xi32>,
      %swap3A_1096 = vector.shape_cast %swap3A_1095 : vector<16xi32> to vector<16xi32>
      %swap3A_1097 = vector.shape_cast %shift_right_logical3A_1093 : vector<16xi32> to vector<16xi32>
      tpu.vector_store %arg11[%swap3A_1094], %swap3A_1097 {strides = array<i32>} : memref<80xi32, #tpu.memory_space<vmem>>, vector<16xi32>,
      %and3A_1098 = arith.constant 16383 : i32
      %and3A_1099 = vector.broadcast %and3A_1098 : i32 to vector<16xi32>
      %and3A_1100 = arith.andi %get3A_1090, %and3A_1099 : vector<16xi32>
      %swap3A_1101 = arith.constant 0 : i32
      %swap3A_1102 = arith.index_cast %swap3A_1101 : i32 to index
      %swap3A_1103 = arith.constant 16 : index
      %swap3A_1104 = tpu.vector_load %arg12[%swap3A_1102, %swap3A_1103] {strides = array<i32>} : memref<1x80xi32, #tpu.memory_space<vmem>>, vector<1x16xi32>,
      %swap3A_1105 = vector.shape_cast %swap3A_1104 : vector<1x16xi32> to vector<16xi32>
      %swap3A_1106 = vector.shape_cast %and3A_1100 : vector<16xi32> to vector<1x16xi32>
      tpu.vector_store %arg12[%swap3A_1102, %swap3A_1103], %swap3A_1106 {strides = array<i32>} : memref<1x80xi32, #tpu.memory_space<vmem>>, vector<1x16xi32>,
      %get3A_1107 = arith.constant 32 : index
      %get3A_1108 = tpu.vector_load %arg10[%get3A_1107] {strides = array<i32>} : memref<80xi32, #tpu.memory_space<vmem>>, vector<16xi32>,
      %get3A_1109 = vector.shape_cast %get3A_1108 : vector<16xi32> to vector<16xi32>
      %shift_right_logical3A_1110 = arith.constant 14 : i32
      %shift_right_logical3A_1111 = vector.broadcast %shift_right_logical3A_1110 : i32 to vector<16xi32>
      %shift_right_logical3A_1112 = arith.shrui %get3A_1109, %shift_right_logical3A_1111 : vector<16xi32>
      %swap3A_1113 = arith.constant 32 : index
      %swap3A_1114 = tpu.vector_load %arg11[%swap3A_1113] {strides = array<i32>} : memref<80xi32, #tpu.memory_space<vmem>>, vector<16xi32>,
      %swap3A_1115 = vector.shape_cast %swap3A_1114 : vector<16xi32> to vector<16xi32>
      %swap3A_1116 = vector.shape_cast %shift_right_logical3A_1112 : vector<16xi32> to vector<16xi32>
      tpu.vector_store %arg11[%swap3A_1113], %swap3A_1116 {strides = array<i32>} : memref<80xi32, #tpu.memory_space<vmem>>, vector<16xi32>,
      %and3A_1117 = arith.constant 16383 : i32
      %and3A_1118 = vector.broadcast %and3A_1117 : i32 to vector<16xi32>
      %and3A_1119 = arith.andi %get3A_1109, %and3A_1118 : vector<16xi32>
      %swap3A_1120 = arith.constant 0 : i32
      %swap3A_1121 = arith.index_cast %swap3A_1120 : i32 to index
      %swap3A_1122 = arith.constant 32 : index
      %swap3A_1123 = tpu.vector_load %arg12[%swap3A_1121, %swap3A_1122] {strides = array<i32>} : memref<1x80xi32, #tpu.memory_space<vmem>>, vector<1x16xi32>,
      %swap3A_1124 = vector.shape_cast %swap3A_1123 : vector<1x16xi32> to vector<16xi32>
      %swap3A_1125 = vector.shape_cast %and3A_1119 : vector<16xi32> to vector<1x16xi32>
      tpu.vector_store %arg12[%swap3A_1121, %swap3A_1122], %swap3A_1125 {strides = array<i32>} : memref<1x80xi32, #tpu.memory_space<vmem>>, vector<1x16xi32>,
      %get3A_1126 = arith.constant 48 : index
      %get3A_1127 = tpu.vector_load %arg10[%get3A_1126] {strides = array<i32>} : memref<80xi32, #tpu.memory_space<vmem>>, vector<16xi32>,
      %get3A_1128 = vector.shape_cast %get3A_1127 : vector<16xi32> to vector<16xi32>
      %shift_right_logical3A_1129 = arith.constant 14 : i32
      %shift_right_logical3A_1130 = vector.broadcast %shift_right_logical3A_1129 : i32 to vector<16xi32>
      %shift_right_logical3A_1131 = arith.shrui %get3A_1128, %shift_right_logical3A_1130 : vector<16xi32>
      %swap3A_1132 = arith.constant 48 : index
      %swap3A_1133 = tpu.vector_load %arg11[%swap3A_1132] {strides = array<i32>} : memref<80xi32, #tpu.memory_space<vmem>>, vector<16xi32>,
      %swap3A_1134 = vector.shape_cast %swap3A_1133 : vector<16xi32> to vector<16xi32>
      %swap3A_1135 = vector.shape_cast %shift_right_logical3A_1131 : vector<16xi32> to vector<16xi32>
      tpu.vector_store %arg11[%swap3A_1132], %swap3A_1135 {strides = array<i32>} : memref<80xi32, #tpu.memory_space<vmem>>, vector<16xi32>,
      %and3A_1136 = arith.constant 16383 : i32
      %and3A_1137 = vector.broadcast %and3A_1136 : i32 to vector<16xi32>
      %and3A_1138 = arith.andi %get3A_1128, %and3A_1137 : vector<16xi32>
      %swap3A_1139 = arith.constant 0 : i32
      %swap3A_1140 = arith.index_cast %swap3A_1139 : i32 to index
      %swap3A_1141 = arith.constant 48 : index
      %swap3A_1142 = tpu.vector_load %arg12[%swap3A_1140, %swap3A_1141] {strides = array<i32>} : memref<1x80xi32, #tpu.memory_space<vmem>>, vector<1x16xi32>,
      %swap3A_1143 = vector.shape_cast %swap3A_1142 : vector<1x16xi32> to vector<16xi32>
      %swap3A_1144 = vector.shape_cast %and3A_1138 : vector<16xi32> to vector<1x16xi32>
      tpu.vector_store %arg12[%swap3A_1140, %swap3A_1141], %swap3A_1144 {strides = array<i32>} : memref<1x80xi32, #tpu.memory_space<vmem>>, vector<1x16xi32>,
      %get3A_1145 = arith.constant 64 : index
      %get3A_1146 = tpu.vector_load %arg10[%get3A_1145] {strides = array<i32>} : memref<80xi32, #tpu.memory_space<vmem>>, vector<16xi32>,
      %get3A_1147 = vector.shape_cast %get3A_1146 : vector<16xi32> to vector<16xi32>
      %shift_right_logical3A_1148 = arith.constant 14 : i32
      %shift_right_logical3A_1149 = vector.broadcast %shift_right_logical3A_1148 : i32 to vector<16xi32>
      %shift_right_logical3A_1150 = arith.shrui %get3A_1147, %shift_right_logical3A_1149 : vector<16xi32>
      %swap3A_1151 = arith.constant 64 : index
      %swap3A_1152 = tpu.vector_load %arg11[%swap3A_1151] {strides = array<i32>} : memref<80xi32, #tpu.memory_space<vmem>>, vector<16xi32>,
      %swap3A_1153 = vector.shape_cast %swap3A_1152 : vector<16xi32> to vector<16xi32>
      %swap3A_1154 = vector.shape_cast %shift_right_logical3A_1150 : vector<16xi32> to vector<16xi32>
      tpu.vector_store %arg11[%swap3A_1151], %swap3A_1154 {strides = array<i32>} : memref<80xi32, #tpu.memory_space<vmem>>, vector<16xi32>,
      %and3A_1155 = arith.constant 16383 : i32
      %and3A_1156 = vector.broadcast %and3A_1155 : i32 to vector<16xi32>
      %and3A_1157 = arith.andi %get3A_1147, %and3A_1156 : vector<16xi32>
      %swap3A_1158 = arith.constant 0 : i32
      %swap3A_1159 = arith.index_cast %swap3A_1158 : i32 to index
      %swap3A_1160 = arith.constant 64 : index
      %swap3A_1161 = tpu.vector_load %arg12[%swap3A_1159, %swap3A_1160] {strides = array<i32>} : memref<1x80xi32, #tpu.memory_space<vmem>>, vector<1x16xi32>,
      %swap3A_1162 = vector.shape_cast %swap3A_1161 : vector<1x16xi32> to vector<16xi32>
      %swap3A_1163 = vector.shape_cast %and3A_1157 : vector<16xi32> to vector<1x16xi32>
      tpu.vector_store %arg12[%swap3A_1159, %swap3A_1160], %swap3A_1163 {strides = array<i32>} : memref<1x80xi32, #tpu.memory_space<vmem>>, vector<1x16xi32>,
      %dma_start3A_1164 = arith.constant 0 : i32
      %dma_start3A_1165 = arith.constant 0 : i32
      %dma_start3A_1166 = tpu.memref_slice %arg2[%dma_start3A_1164, %dma_start3A_1165] : memref<10000x128xf32, #tpu.memory_space<hbm>> -> memref<10000x128xf32, #tpu.memory_space<hbm>>
      tpu.enqueue_indirect_dma source(%dma_start3A_1166 : memref<10000x128xf32, #tpu.memory_space<hbm>>) target(%arg13 : memref<80x128xf32, #tpu.memory_space<vmem>>) offsets(%arg11 : memref<80xi32, #tpu.memory_space<vmem>>) semaphore(%arg23 : memref<!tpu.dma_semaphore, #tpu.memory_space<semaphore_mem>>)
      %add3A_1167 = arith.constant 3 : i32
      %add3A_1168 = arith.addi %add3A_1035, %add3A_1167 : i32
      %mul3A_1169 = arith.constant 80 : i32
      %mul3A_1170 = arith.muli %add3A_1168, %mul3A_1169 : i32
      %add3A_1171 = arith.addi %mul3A_4, %mul3A_1170 : i32
      %dma_start3A_1172 = tpu.memref_slice %arg3[%add3A_1171] : memref<320000xi32, #tpu.memory_space<hbm>> -> memref<80xi32, #tpu.memory_space<hbm>>
      %dma_start3A_1173 = tpu.memref_slice %arg3[%add3A_1171] : memref<320000xi32, #tpu.memory_space<hbm>> -> memref<80xi32, #tpu.memory_space<hbm>>
      tpu.enqueue_dma source(%dma_start3A_1173 : memref<80xi32, #tpu.memory_space<hbm>>) target(%arg14 : memref<80xi32, #tpu.memory_space<vmem>>) target_semaphore(%arg30 : memref<!tpu.dma_semaphore, #tpu.memory_space<semaphore_mem>>)
    }
    %scan3A_256 = arith.constant 40 : i32
    %dma_wait3A_257 = arith.constant 0 : i32
    %dma_wait3A_258 = arith.constant 0 : i32
    %dma_wait3A_259 = tpu.memref_slice %arg2[%dma_wait3A_257, %dma_wait3A_258] : memref<10000x128xf32, #tpu.memory_space<hbm>> -> memref<10000x128xf32, #tpu.memory_space<hbm>>
    tpu.wait_indirect_dma semaphore(%arg22 : memref<!tpu.dma_semaphore, #tpu.memory_space<semaphore_mem>>) src(%dma_wait3A_259 : memref<10000x128xf32, #tpu.memory_space<hbm>>) dst(%arg9 : memref<80x128xf32, #tpu.memory_space<vmem>>)
    %dma_start3A_260 = arith.constant 0 : i32
    %dma_start3A_261 = arith.constant 0 : i32
    %dma_start3A_262 = tpu.memref_slice %arg8[%dma_start3A_260, %dma_start3A_261] : memref<1x80xi32, #tpu.memory_space<vmem>> -> memref<1x80xi32, #tpu.memory_space<vmem>>
    %dma_start3A_263 = tpu.memref_squeeze %dma_start3A_262 : memref<1x80xi32, #tpu.memory_space<vmem>> -> memref<80xi32, #tpu.memory_space<vmem>>
    %dma_start3A_264 = arith.constant 0 : i32
    %dma_start3A_265 = arith.constant 0 : i32
    %dma_start3A_266 = tpu.memref_slice %arg20[%dma_start3A_264, %dma_start3A_265] : memref<10000x128xf32, #tpu.memory_space<vmem_shared>> -> memref<10000x128xf32, #tpu.memory_space<vmem_shared>>
    tpu.enqueue_indirect_dma source(%arg9 : memref<80x128xf32, #tpu.memory_space<vmem>>) target(%dma_start3A_266 : memref<10000x128xf32, #tpu.memory_space<vmem_shared>>) offsets(%dma_start3A_263 : memref<80xi32, #tpu.memory_space<vmem>>) semaphore(%arg25 : memref<!tpu.dma_semaphore, #tpu.memory_space<semaphore_mem>>) {add = true}
    %dma_start3A_267 = arith.constant 0 : i32
    %dma_start3A_268 = arith.constant 0 : i32
    %dma_start3A_269 = tpu.memref_slice %arg8[%dma_start3A_267, %dma_start3A_268] : memref<1x80xi32, #tpu.memory_space<vmem>> -> memref<1x80xi32, #tpu.memory_space<vmem>>
    %dma_start3A_270 = tpu.memref_squeeze %dma_start3A_269 : memref<1x80xi32, #tpu.memory_space<vmem>> -> memref<80xi32, #tpu.memory_space<vmem>>
    %dma_start3A_271 = arith.constant 0 : i32
    %dma_start3A_272 = arith.constant 0 : i32
    %dma_start3A_273 = tpu.memref_slice %arg21[%dma_start3A_271, %dma_start3A_272] : memref<10000x16xf32, #tpu.memory_space<vmem_shared>> -> memref<10000x16xf32, #tpu.memory_space<vmem_shared>>
    tpu.enqueue_indirect_dma source(%arg18 : memref<80x16xf32, #tpu.memory_space<vmem>>) target(%dma_start3A_273 : memref<10000x16xf32, #tpu.memory_space<vmem_shared>>) offsets(%dma_start3A_270 : memref<80xi32, #tpu.memory_space<vmem>>) semaphore(%arg25 : memref<!tpu.dma_semaphore, #tpu.memory_space<semaphore_mem>>) {add = true}
    %dma_wait3A_274 = arith.constant 0 : i32
    %dma_wait3A_275 = arith.constant 0 : i32
    %dma_wait3A_276 = tpu.memref_slice %arg16[%dma_wait3A_274, %dma_wait3A_275] : memref<1x80xi32, #tpu.memory_space<vmem>> -> memref<1x80xi32, #tpu.memory_space<vmem>>
    %dma_wait3A_277 = tpu.memref_squeeze %dma_wait3A_276 : memref<1x80xi32, #tpu.memory_space<vmem>> -> memref<80xi32, #tpu.memory_space<vmem>>
    %dma_wait3A_278 = arith.constant 0 : i32
    %dma_wait3A_279 = arith.constant 0 : i32
    %dma_wait3A_280 = tpu.memref_slice %arg20[%dma_wait3A_278, %dma_wait3A_279] : memref<10000x128xf32, #tpu.memory_space<vmem_shared>> -> memref<10000x128xf32, #tpu.memory_space<vmem_shared>>
    tpu.wait_indirect_dma semaphore(%arg27 : memref<!tpu.dma_semaphore, #tpu.memory_space<semaphore_mem>>) src(%arg17 : memref<80x128xf32, #tpu.memory_space<vmem>>) dst(%dma_wait3A_280 : memref<10000x128xf32, #tpu.memory_space<vmem_shared>>)
    %dma_wait3A_281 = arith.constant 0 : i32
    %dma_wait3A_282 = arith.constant 0 : i32
    %dma_wait3A_283 = tpu.memref_slice %arg16[%dma_wait3A_281, %dma_wait3A_282] : memref<1x80xi32, #tpu.memory_space<vmem>> -> memref<1x80xi32, #tpu.memory_space<vmem>>
    %dma_wait3A_284 = tpu.memref_squeeze %dma_wait3A_283 : memref<1x80xi32, #tpu.memory_space<vmem>> -> memref<80xi32, #tpu.memory_space<vmem>>
    %dma_wait3A_285 = arith.constant 0 : i32
    %dma_wait3A_286 = arith.constant 0 : i32
    %dma_wait3A_287 = tpu.memref_slice %arg21[%dma_wait3A_285, %dma_wait3A_286] : memref<10000x16xf32, #tpu.memory_space<vmem_shared>> -> memref<10000x16xf32, #tpu.memory_space<vmem_shared>>
    tpu.wait_indirect_dma semaphore(%arg27 : memref<!tpu.dma_semaphore, #tpu.memory_space<semaphore_mem>>) src(%arg18 : memref<80x16xf32, #tpu.memory_space<vmem>>) dst(%dma_wait3A_287 : memref<10000x16xf32, #tpu.memory_space<vmem_shared>>)
    %dma_wait3A_288 = tpu.memref_slice %arg3[%mul3A_4] : memref<320000xi32, #tpu.memory_space<hbm>> -> memref<80xi32, #tpu.memory_space<hbm>>
    %dma_wait3A_289 = tpu.memref_slice %arg3[%mul3A_4] : memref<320000xi32, #tpu.memory_space<hbm>> -> memref<80xi32, #tpu.memory_space<hbm>>
    tpu.wait_dma2 semaphore(%arg30 : memref<!tpu.dma_semaphore, #tpu.memory_space<semaphore_mem>>) src(%dma_wait3A_289 : memref<80xi32, #tpu.memory_space<hbm>>) dst(%arg14 : memref<80xi32, #tpu.memory_space<vmem>>)
    %get3A_290 = arith.constant 0 : index
    %get3A_291 = tpu.vector_load %arg14[%get3A_290] {strides = array<i32>} : memref<80xi32, #tpu.memory_space<vmem>>, vector<16xi32>,
    %get3A_292 = vector.shape_cast %get3A_291 : vector<16xi32> to vector<16xi32>
    %shift_right_logical3A_293 = arith.constant 14 : i32
    %shift_right_logical3A_294 = vector.broadcast %shift_right_logical3A_293 : i32 to vector<16xi32>
    %shift_right_logical3A_295 = arith.shrui %get3A_292, %shift_right_logical3A_294 : vector<16xi32>
    %swap3A_296 = arith.constant 0 : index
    %swap3A_297 = tpu.vector_load %arg15[%swap3A_296] {strides = array<i32>} : memref<80xi32, #tpu.memory_space<vmem>>, vector<16xi32>,
    %swap3A_298 = vector.shape_cast %swap3A_297 : vector<16xi32> to vector<16xi32>
    %swap3A_299 = vector.shape_cast %shift_right_logical3A_295 : vector<16xi32> to vector<16xi32>
    tpu.vector_store %arg15[%swap3A_296], %swap3A_299 {strides = array<i32>} : memref<80xi32, #tpu.memory_space<vmem>>, vector<16xi32>,
    %and3A_300 = arith.constant 16383 : i32
    %and3A_301 = vector.broadcast %and3A_300 : i32 to vector<16xi32>
    %and3A_302 = arith.andi %get3A_292, %and3A_301 : vector<16xi32>
    %swap3A_303 = arith.constant 0 : i32
    %swap3A_304 = arith.index_cast %swap3A_303 : i32 to index
    %swap3A_305 = arith.constant 0 : index
    %swap3A_306 = tpu.vector_load %arg16[%swap3A_304, %swap3A_305] {strides = array<i32>} : memref<1x80xi32, #tpu.memory_space<vmem>>, vector<1x16xi32>,
    %swap3A_307 = vector.shape_cast %swap3A_306 : vector<1x16xi32> to vector<16xi32>
    %swap3A_308 = vector.shape_cast %and3A_302 : vector<16xi32> to vector<1x16xi32>
    tpu.vector_store %arg16[%swap3A_304, %swap3A_305], %swap3A_308 {strides = array<i32>} : memref<1x80xi32, #tpu.memory_space<vmem>>, vector<1x16xi32>,
    %get3A_309 = arith.constant 16 : index
    %get3A_310 = tpu.vector_load %arg14[%get3A_309] {strides = array<i32>} : memref<80xi32, #tpu.memory_space<vmem>>, vector<16xi32>,
    %get3A_311 = vector.shape_cast %get3A_310 : vector<16xi32> to vector<16xi32>
    %shift_right_logical3A_312 = arith.constant 14 : i32
    %shift_right_logical3A_313 = vector.broadcast %shift_right_logical3A_312 : i32 to vector<16xi32>
    %shift_right_logical3A_314 = arith.shrui %get3A_311, %shift_right_logical3A_313 : vector<16xi32>
    %swap3A_315 = arith.constant 16 : index
    %swap3A_316 = tpu.vector_load %arg15[%swap3A_315] {strides = array<i32>} : memref<80xi32, #tpu.memory_space<vmem>>, vector<16xi32>,
    %swap3A_317 = vector.shape_cast %swap3A_316 : vector<16xi32> to vector<16xi32>
    %swap3A_318 = vector.shape_cast %shift_right_logical3A_314 : vector<16xi32> to vector<16xi32>
    tpu.vector_store %arg15[%swap3A_315], %swap3A_318 {strides = array<i32>} : memref<80xi32, #tpu.memory_space<vmem>>, vector<16xi32>,
    %and3A_319 = arith.constant 16383 : i32
    %and3A_320 = vector.broadcast %and3A_319 : i32 to vector<16xi32>
    %and3A_321 = arith.andi %get3A_311, %and3A_320 : vector<16xi32>
    %swap3A_322 = arith.constant 0 : i32
    %swap3A_323 = arith.index_cast %swap3A_322 : i32 to index
    %swap3A_324 = arith.constant 16 : index
    %swap3A_325 = tpu.vector_load %arg16[%swap3A_323, %swap3A_324] {strides = array<i32>} : memref<1x80xi32, #tpu.memory_space<vmem>>, vector<1x16xi32>,
    %swap3A_326 = vector.shape_cast %swap3A_325 : vector<1x16xi32> to vector<16xi32>
    %swap3A_327 = vector.shape_cast %and3A_321 : vector<16xi32> to vector<1x16xi32>
    tpu.vector_store %arg16[%swap3A_323, %swap3A_324], %swap3A_327 {strides = array<i32>} : memref<1x80xi32, #tpu.memory_space<vmem>>, vector<1x16xi32>,
    %get3A_328 = arith.constant 32 : index
    %get3A_329 = tpu.vector_load %arg14[%get3A_328] {strides = array<i32>} : memref<80xi32, #tpu.memory_space<vmem>>, vector<16xi32>,
    %get3A_330 = vector.shape_cast %get3A_329 : vector<16xi32> to vector<16xi32>
    %shift_right_logical3A_331 = arith.constant 14 : i32
    %shift_right_logical3A_332 = vector.broadcast %shift_right_logical3A_331 : i32 to vector<16xi32>
    %shift_right_logical3A_333 = arith.shrui %get3A_330, %shift_right_logical3A_332 : vector<16xi32>
    %swap3A_334 = arith.constant 32 : index
    %swap3A_335 = tpu.vector_load %arg15[%swap3A_334] {strides = array<i32>} : memref<80xi32, #tpu.memory_space<vmem>>, vector<16xi32>,
    %swap3A_336 = vector.shape_cast %swap3A_335 : vector<16xi32> to vector<16xi32>
    %swap3A_337 = vector.shape_cast %shift_right_logical3A_333 : vector<16xi32> to vector<16xi32>
    tpu.vector_store %arg15[%swap3A_334], %swap3A_337 {strides = array<i32>} : memref<80xi32, #tpu.memory_space<vmem>>, vector<16xi32>,
    %and3A_338 = arith.constant 16383 : i32
    %and3A_339 = vector.broadcast %and3A_338 : i32 to vector<16xi32>
    %and3A_340 = arith.andi %get3A_330, %and3A_339 : vector<16xi32>
    %swap3A_341 = arith.constant 0 : i32
    %swap3A_342 = arith.index_cast %swap3A_341 : i32 to index
    %swap3A_343 = arith.constant 32 : index
    %swap3A_344 = tpu.vector_load %arg16[%swap3A_342, %swap3A_343] {strides = array<i32>} : memref<1x80xi32, #tpu.memory_space<vmem>>, vector<1x16xi32>,
    %swap3A_345 = vector.shape_cast %swap3A_344 : vector<1x16xi32> to vector<16xi32>
    %swap3A_346 = vector.shape_cast %and3A_340 : vector<16xi32> to vector<1x16xi32>
    tpu.vector_store %arg16[%swap3A_342, %swap3A_343], %swap3A_346 {strides = array<i32>} : memref<1x80xi32, #tpu.memory_space<vmem>>, vector<1x16xi32>,
    %get3A_347 = arith.constant 48 : index
    %get3A_348 = tpu.vector_load %arg14[%get3A_347] {strides = array<i32>} : memref<80xi32, #tpu.memory_space<vmem>>, vector<16xi32>,
    %get3A_349 = vector.shape_cast %get3A_348 : vector<16xi32> to vector<16xi32>
    %shift_right_logical3A_350 = arith.constant 14 : i32
    %shift_right_logical3A_351 = vector.broadcast %shift_right_logical3A_350 : i32 to vector<16xi32>
    %shift_right_logical3A_352 = arith.shrui %get3A_349, %shift_right_logical3A_351 : vector<16xi32>
    %swap3A_353 = arith.constant 48 : index
    %swap3A_354 = tpu.vector_load %arg15[%swap3A_353] {strides = array<i32>} : memref<80xi32, #tpu.memory_space<vmem>>, vector<16xi32>,
    %swap3A_355 = vector.shape_cast %swap3A_354 : vector<16xi32> to vector<16xi32>
    %swap3A_356 = vector.shape_cast %shift_right_logical3A_352 : vector<16xi32> to vector<16xi32>
    tpu.vector_store %arg15[%swap3A_353], %swap3A_356 {strides = array<i32>} : memref<80xi32, #tpu.memory_space<vmem>>, vector<16xi32>,
    %and3A_357 = arith.constant 16383 : i32
    %and3A_358 = vector.broadcast %and3A_357 : i32 to vector<16xi32>
    %and3A_359 = arith.andi %get3A_349, %and3A_358 : vector<16xi32>
    %swap3A_360 = arith.constant 0 : i32
    %swap3A_361 = arith.index_cast %swap3A_360 : i32 to index
    %swap3A_362 = arith.constant 48 : index
    %swap3A_363 = tpu.vector_load %arg16[%swap3A_361, %swap3A_362] {strides = array<i32>} : memref<1x80xi32, #tpu.memory_space<vmem>>, vector<1x16xi32>,
    %swap3A_364 = vector.shape_cast %swap3A_363 : vector<1x16xi32> to vector<16xi32>
    %swap3A_365 = vector.shape_cast %and3A_359 : vector<16xi32> to vector<1x16xi32>
    tpu.vector_store %arg16[%swap3A_361, %swap3A_362], %swap3A_365 {strides = array<i32>} : memref<1x80xi32, #tpu.memory_space<vmem>>, vector<1x16xi32>,
    %get3A_366 = arith.constant 64 : index
    %get3A_367 = tpu.vector_load %arg14[%get3A_366] {strides = array<i32>} : memref<80xi32, #tpu.memory_space<vmem>>, vector<16xi32>,
    %get3A_368 = vector.shape_cast %get3A_367 : vector<16xi32> to vector<16xi32>
    %shift_right_logical3A_369 = arith.constant 14 : i32
    %shift_right_logical3A_370 = vector.broadcast %shift_right_logical3A_369 : i32 to vector<16xi32>
    %shift_right_logical3A_371 = arith.shrui %get3A_368, %shift_right_logical3A_370 : vector<16xi32>
    %swap3A_372 = arith.constant 64 : index
    %swap3A_373 = tpu.vector_load %arg15[%swap3A_372] {strides = array<i32>} : memref<80xi32, #tpu.memory_space<vmem>>, vector<16xi32>,
    %swap3A_374 = vector.shape_cast %swap3A_373 : vector<16xi32> to vector<16xi32>
    %swap3A_375 = vector.shape_cast %shift_right_logical3A_371 : vector<16xi32> to vector<16xi32>
    tpu.vector_store %arg15[%swap3A_372], %swap3A_375 {strides = array<i32>} : memref<80xi32, #tpu.memory_space<vmem>>, vector<16xi32>,
    %and3A_376 = arith.constant 16383 : i32
    %and3A_377 = vector.broadcast %and3A_376 : i32 to vector<16xi32>
    %and3A_378 = arith.andi %get3A_368, %and3A_377 : vector<16xi32>
    %swap3A_379 = arith.constant 0 : i32
    %swap3A_380 = arith.index_cast %swap3A_379 : i32 to index
    %swap3A_381 = arith.constant 64 : index
    %swap3A_382 = tpu.vector_load %arg16[%swap3A_380, %swap3A_381] {strides = array<i32>} : memref<1x80xi32, #tpu.memory_space<vmem>>, vector<1x16xi32>,
    %swap3A_383 = vector.shape_cast %swap3A_382 : vector<1x16xi32> to vector<16xi32>
    %swap3A_384 = vector.shape_cast %and3A_378 : vector<16xi32> to vector<1x16xi32>
    tpu.vector_store %arg16[%swap3A_380, %swap3A_381], %swap3A_384 {strides = array<i32>} : memref<1x80xi32, #tpu.memory_space<vmem>>, vector<1x16xi32>,
    %dma_start3A_385 = arith.constant 0 : i32
    %dma_start3A_386 = arith.constant 0 : i32
    %dma_start3A_387 = tpu.memref_slice %arg2[%dma_start3A_385, %dma_start3A_386] : memref<10000x128xf32, #tpu.memory_space<hbm>> -> memref<10000x128xf32, #tpu.memory_space<hbm>>
    tpu.enqueue_indirect_dma source(%dma_start3A_387 : memref<10000x128xf32, #tpu.memory_space<hbm>>) target(%arg17 : memref<80x128xf32, #tpu.memory_space<vmem>>) offsets(%arg15 : memref<80xi32, #tpu.memory_space<vmem>>) semaphore(%arg24 : memref<!tpu.dma_semaphore, #tpu.memory_space<semaphore_mem>>)
    %add3A_388 = arith.constant 9840 : i32
    %add3A_389 = arith.addi %mul3A_4, %add3A_388 : i32
    %dma_start3A_390 = tpu.memref_slice %arg3[%add3A_389] : memref<320000xi32, #tpu.memory_space<hbm>> -> memref<80xi32, #tpu.memory_space<hbm>>
    %dma_start3A_391 = tpu.memref_slice %arg3[%add3A_389] : memref<320000xi32, #tpu.memory_space<hbm>> -> memref<80xi32, #tpu.memory_space<hbm>>
    tpu.enqueue_dma source(%dma_start3A_391 : memref<80xi32, #tpu.memory_space<hbm>>) target(%arg6 : memref<80xi32, #tpu.memory_space<vmem>>) target_semaphore(%arg28 : memref<!tpu.dma_semaphore, #tpu.memory_space<semaphore_mem>>)
    %dma_wait3A_392 = arith.constant 0 : i32
    %dma_wait3A_393 = arith.constant 0 : i32
    %dma_wait3A_394 = tpu.memref_slice %arg2[%dma_wait3A_392, %dma_wait3A_393] : memref<10000x128xf32, #tpu.memory_space<hbm>> -> memref<10000x128xf32, #tpu.memory_space<hbm>>
    tpu.wait_indirect_dma semaphore(%arg23 : memref<!tpu.dma_semaphore, #tpu.memory_space<semaphore_mem>>) src(%dma_wait3A_394 : memref<10000x128xf32, #tpu.memory_space<hbm>>) dst(%arg13 : memref<80x128xf32, #tpu.memory_space<vmem>>)
    %dma_start3A_395 = arith.constant 0 : i32
    %dma_start3A_396 = arith.constant 0 : i32
    %dma_start3A_397 = tpu.memref_slice %arg12[%dma_start3A_395, %dma_start3A_396] : memref<1x80xi32, #tpu.memory_space<vmem>> -> memref<1x80xi32, #tpu.memory_space<vmem>>
    %dma_start3A_398 = tpu.memref_squeeze %dma_start3A_397 : memref<1x80xi32, #tpu.memory_space<vmem>> -> memref<80xi32, #tpu.memory_space<vmem>>
    %dma_start3A_399 = arith.constant 0 : i32
    %dma_start3A_400 = arith.constant 0 : i32
    %dma_start3A_401 = tpu.memref_slice %arg20[%dma_start3A_399, %dma_start3A_400] : memref<10000x128xf32, #tpu.memory_space<vmem_shared>> -> memref<10000x128xf32, #tpu.memory_space<vmem_shared>>
    tpu.enqueue_indirect_dma source(%arg13 : memref<80x128xf32, #tpu.memory_space<vmem>>) target(%dma_start3A_401 : memref<10000x128xf32, #tpu.memory_space<vmem_shared>>) offsets(%dma_start3A_398 : memref<80xi32, #tpu.memory_space<vmem>>) semaphore(%arg26 : memref<!tpu.dma_semaphore, #tpu.memory_space<semaphore_mem>>) {add = true}
    %dma_start3A_402 = arith.constant 0 : i32
    %dma_start3A_403 = arith.constant 0 : i32
    %dma_start3A_404 = tpu.memref_slice %arg12[%dma_start3A_402, %dma_start3A_403] : memref<1x80xi32, #tpu.memory_space<vmem>> -> memref<1x80xi32, #tpu.memory_space<vmem>>
    %dma_start3A_405 = tpu.memref_squeeze %dma_start3A_404 : memref<1x80xi32, #tpu.memory_space<vmem>> -> memref<80xi32, #tpu.memory_space<vmem>>
    %dma_start3A_406 = arith.constant 0 : i32
    %dma_start3A_407 = arith.constant 0 : i32
    %dma_start3A_408 = tpu.memref_slice %arg21[%dma_start3A_406, %dma_start3A_407] : memref<10000x16xf32, #tpu.memory_space<vmem_shared>> -> memref<10000x16xf32, #tpu.memory_space<vmem_shared>>
    tpu.enqueue_indirect_dma source(%arg18 : memref<80x16xf32, #tpu.memory_space<vmem>>) target(%dma_start3A_408 : memref<10000x16xf32, #tpu.memory_space<vmem_shared>>) offsets(%dma_start3A_405 : memref<80xi32, #tpu.memory_space<vmem>>) semaphore(%arg26 : memref<!tpu.dma_semaphore, #tpu.memory_space<semaphore_mem>>) {add = true}
    %dma_wait3A_409 = arith.constant 0 : i32
    %dma_wait3A_410 = arith.constant 0 : i32
    %dma_wait3A_411 = tpu.memref_slice %arg8[%dma_wait3A_409, %dma_wait3A_410] : memref<1x80xi32, #tpu.memory_space<vmem>> -> memref<1x80xi32, #tpu.memory_space<vmem>>
    %dma_wait3A_412 = tpu.memref_squeeze %dma_wait3A_411 : memref<1x80xi32, #tpu.memory_space<vmem>> -> memref<80xi32, #tpu.memory_space<vmem>>
    %dma_wait3A_413 = arith.constant 0 : i32
    %dma_wait3A_414 = arith.constant 0 : i32
    %dma_wait3A_415 = tpu.memref_slice %arg20[%dma_wait3A_413, %dma_wait3A_414] : memref<10000x128xf32, #tpu.memory_space<vmem_shared>> -> memref<10000x128xf32, #tpu.memory_space<vmem_shared>>
    tpu.wait_indirect_dma semaphore(%arg25 : memref<!tpu.dma_semaphore, #tpu.memory_space<semaphore_mem>>) src(%arg9 : memref<80x128xf32, #tpu.memory_space<vmem>>) dst(%dma_wait3A_415 : memref<10000x128xf32, #tpu.memory_space<vmem_shared>>)
    %dma_wait3A_416 = arith.constant 0 : i32
    %dma_wait3A_417 = arith.constant 0 : i32
    %dma_wait3A_418 = tpu.memref_slice %arg8[%dma_wait3A_416, %dma_wait3A_417] : memref<1x80xi32, #tpu.memory_space<vmem>> -> memref<1x80xi32, #tpu.memory_space<vmem>>
    %dma_wait3A_419 = tpu.memref_squeeze %dma_wait3A_418 : memref<1x80xi32, #tpu.memory_space<vmem>> -> memref<80xi32, #tpu.memory_space<vmem>>
    %dma_wait3A_420 = arith.constant 0 : i32
    %dma_wait3A_421 = arith.constant 0 : i32
    %dma_wait3A_422 = tpu.memref_slice %arg21[%dma_wait3A_420, %dma_wait3A_421] : memref<10000x16xf32, #tpu.memory_space<vmem_shared>> -> memref<10000x16xf32, #tpu.memory_space<vmem_shared>>
    tpu.wait_indirect_dma semaphore(%arg25 : memref<!tpu.dma_semaphore, #tpu.memory_space<semaphore_mem>>) src(%arg18 : memref<80x16xf32, #tpu.memory_space<vmem>>) dst(%dma_wait3A_422 : memref<10000x16xf32, #tpu.memory_space<vmem_shared>>)
    %dma_wait3A_423 = tpu.memref_slice %arg3[%mul3A_4] : memref<320000xi32, #tpu.memory_space<hbm>> -> memref<80xi32, #tpu.memory_space<hbm>>
    %dma_wait3A_424 = tpu.memref_slice %arg3[%mul3A_4] : memref<320000xi32, #tpu.memory_space<hbm>> -> memref<80xi32, #tpu.memory_space<hbm>>
    tpu.wait_dma2 semaphore(%arg28 : memref<!tpu.dma_semaphore, #tpu.memory_space<semaphore_mem>>) src(%dma_wait3A_424 : memref<80xi32, #tpu.memory_space<hbm>>) dst(%arg6 : memref<80xi32, #tpu.memory_space<vmem>>)
    %get3A_425 = arith.constant 0 : index
    %get3A_426 = tpu.vector_load %arg6[%get3A_425] {strides = array<i32>} : memref<80xi32, #tpu.memory_space<vmem>>, vector<16xi32>,
    %get3A_427 = vector.shape_cast %get3A_426 : vector<16xi32> to vector<16xi32>
    %shift_right_logical3A_428 = arith.constant 14 : i32
    %shift_right_logical3A_429 = vector.broadcast %shift_right_logical3A_428 : i32 to vector<16xi32>
    %shift_right_logical3A_430 = arith.shrui %get3A_427, %shift_right_logical3A_429 : vector<16xi32>
    %swap3A_431 = arith.constant 0 : index
    %swap3A_432 = tpu.vector_load %arg7[%swap3A_431] {strides = array<i32>} : memref<80xi32, #tpu.memory_space<vmem>>, vector<16xi32>,
    %swap3A_433 = vector.shape_cast %swap3A_432 : vector<16xi32> to vector<16xi32>
    %swap3A_434 = vector.shape_cast %shift_right_logical3A_430 : vector<16xi32> to vector<16xi32>
    tpu.vector_store %arg7[%swap3A_431], %swap3A_434 {strides = array<i32>} : memref<80xi32, #tpu.memory_space<vmem>>, vector<16xi32>,
    %and3A_435 = arith.constant 16383 : i32
    %and3A_436 = vector.broadcast %and3A_435 : i32 to vector<16xi32>
    %and3A_437 = arith.andi %get3A_427, %and3A_436 : vector<16xi32>
    %swap3A_438 = arith.constant 0 : i32
    %swap3A_439 = arith.index_cast %swap3A_438 : i32 to index
    %swap3A_440 = arith.constant 0 : index
    %swap3A_441 = tpu.vector_load %arg8[%swap3A_439, %swap3A_440] {strides = array<i32>} : memref<1x80xi32, #tpu.memory_space<vmem>>, vector<1x16xi32>,
    %swap3A_442 = vector.shape_cast %swap3A_441 : vector<1x16xi32> to vector<16xi32>
    %swap3A_443 = vector.shape_cast %and3A_437 : vector<16xi32> to vector<1x16xi32>
    tpu.vector_store %arg8[%swap3A_439, %swap3A_440], %swap3A_443 {strides = array<i32>} : memref<1x80xi32, #tpu.memory_space<vmem>>, vector<1x16xi32>,
    %get3A_444 = arith.constant 16 : index
    %get3A_445 = tpu.vector_load %arg6[%get3A_444] {strides = array<i32>} : memref<80xi32, #tpu.memory_space<vmem>>, vector<16xi32>,
    %get3A_446 = vector.shape_cast %get3A_445 : vector<16xi32> to vector<16xi32>
    %shift_right_logical3A_447 = arith.constant 14 : i32
    %shift_right_logical3A_448 = vector.broadcast %shift_right_logical3A_447 : i32 to vector<16xi32>
    %shift_right_logical3A_449 = arith.shrui %get3A_446, %shift_right_logical3A_448 : vector<16xi32>
    %swap3A_450 = arith.constant 16 : index
    %swap3A_451 = tpu.vector_load %arg7[%swap3A_450] {strides = array<i32>} : memref<80xi32, #tpu.memory_space<vmem>>, vector<16xi32>,
    %swap3A_452 = vector.shape_cast %swap3A_451 : vector<16xi32> to vector<16xi32>
    %swap3A_453 = vector.shape_cast %shift_right_logical3A_449 : vector<16xi32> to vector<16xi32>
    tpu.vector_store %arg7[%swap3A_450], %swap3A_453 {strides = array<i32>} : memref<80xi32, #tpu.memory_space<vmem>>, vector<16xi32>,
    %and3A_454 = arith.constant 16383 : i32
    %and3A_455 = vector.broadcast %and3A_454 : i32 to vector<16xi32>
    %and3A_456 = arith.andi %get3A_446, %and3A_455 : vector<16xi32>
    %swap3A_457 = arith.constant 0 : i32
    %swap3A_458 = arith.index_cast %swap3A_457 : i32 to index
    %swap3A_459 = arith.constant 16 : index
    %swap3A_460 = tpu.vector_load %arg8[%swap3A_458, %swap3A_459] {strides = array<i32>} : memref<1x80xi32, #tpu.memory_space<vmem>>, vector<1x16xi32>,
    %swap3A_461 = vector.shape_cast %swap3A_460 : vector<1x16xi32> to vector<16xi32>
    %swap3A_462 = vector.shape_cast %and3A_456 : vector<16xi32> to vector<1x16xi32>
    tpu.vector_store %arg8[%swap3A_458, %swap3A_459], %swap3A_462 {strides = array<i32>} : memref<1x80xi32, #tpu.memory_space<vmem>>, vector<1x16xi32>,
    %get3A_463 = arith.constant 32 : index
    %get3A_464 = tpu.vector_load %arg6[%get3A_463] {strides = array<i32>} : memref<80xi32, #tpu.memory_space<vmem>>, vector<16xi32>,
    %get3A_465 = vector.shape_cast %get3A_464 : vector<16xi32> to vector<16xi32>
    %shift_right_logical3A_466 = arith.constant 14 : i32
    %shift_right_logical3A_467 = vector.broadcast %shift_right_logical3A_466 : i32 to vector<16xi32>
    %shift_right_logical3A_468 = arith.shrui %get3A_465, %shift_right_logical3A_467 : vector<16xi32>
    %swap3A_469 = arith.constant 32 : index
    %swap3A_470 = tpu.vector_load %arg7[%swap3A_469] {strides = array<i32>} : memref<80xi32, #tpu.memory_space<vmem>>, vector<16xi32>,
    %swap3A_471 = vector.shape_cast %swap3A_470 : vector<16xi32> to vector<16xi32>
    %swap3A_472 = vector.shape_cast %shift_right_logical3A_468 : vector<16xi32> to vector<16xi32>
    tpu.vector_store %arg7[%swap3A_469], %swap3A_472 {strides = array<i32>} : memref<80xi32, #tpu.memory_space<vmem>>, vector<16xi32>,
    %and3A_473 = arith.constant 16383 : i32
    %and3A_474 = vector.broadcast %and3A_473 : i32 to vector<16xi32>
    %and3A_475 = arith.andi %get3A_465, %and3A_474 : vector<16xi32>
    %swap3A_476 = arith.constant 0 : i32
    %swap3A_477 = arith.index_cast %swap3A_476 : i32 to index
    %swap3A_478 = arith.constant 32 : index
    %swap3A_479 = tpu.vector_load %arg8[%swap3A_477, %swap3A_478] {strides = array<i32>} : memref<1x80xi32, #tpu.memory_space<vmem>>, vector<1x16xi32>,
    %swap3A_480 = vector.shape_cast %swap3A_479 : vector<1x16xi32> to vector<16xi32>
    %swap3A_481 = vector.shape_cast %and3A_475 : vector<16xi32> to vector<1x16xi32>
    tpu.vector_store %arg8[%swap3A_477, %swap3A_478], %swap3A_481 {strides = array<i32>} : memref<1x80xi32, #tpu.memory_space<vmem>>, vector<1x16xi32>,
    %get3A_482 = arith.constant 48 : index
    %get3A_483 = tpu.vector_load %arg6[%get3A_482] {strides = array<i32>} : memref<80xi32, #tpu.memory_space<vmem>>, vector<16xi32>,
    %get3A_484 = vector.shape_cast %get3A_483 : vector<16xi32> to vector<16xi32>
    %shift_right_logical3A_485 = arith.constant 14 : i32
    %shift_right_logical3A_486 = vector.broadcast %shift_right_logical3A_485 : i32 to vector<16xi32>
    %shift_right_logical3A_487 = arith.shrui %get3A_484, %shift_right_logical3A_486 : vector<16xi32>
    %swap3A_488 = arith.constant 48 : index
    %swap3A_489 = tpu.vector_load %arg7[%swap3A_488] {strides = array<i32>} : memref<80xi32, #tpu.memory_space<vmem>>, vector<16xi32>,
    %swap3A_490 = vector.shape_cast %swap3A_489 : vector<16xi32> to vector<16xi32>
    %swap3A_491 = vector.shape_cast %shift_right_logical3A_487 : vector<16xi32> to vector<16xi32>
    tpu.vector_store %arg7[%swap3A_488], %swap3A_491 {strides = array<i32>} : memref<80xi32, #tpu.memory_space<vmem>>, vector<16xi32>,
    %and3A_492 = arith.constant 16383 : i32
    %and3A_493 = vector.broadcast %and3A_492 : i32 to vector<16xi32>
    %and3A_494 = arith.andi %get3A_484, %and3A_493 : vector<16xi32>
    %swap3A_495 = arith.constant 0 : i32
    %swap3A_496 = arith.index_cast %swap3A_495 : i32 to index
    %swap3A_497 = arith.constant 48 : index
    %swap3A_498 = tpu.vector_load %arg8[%swap3A_496, %swap3A_497] {strides = array<i32>} : memref<1x80xi32, #tpu.memory_space<vmem>>, vector<1x16xi32>,
    %swap3A_499 = vector.shape_cast %swap3A_498 : vector<1x16xi32> to vector<16xi32>
    %swap3A_500 = vector.shape_cast %and3A_494 : vector<16xi32> to vector<1x16xi32>
    tpu.vector_store %arg8[%swap3A_496, %swap3A_497], %swap3A_500 {strides = array<i32>} : memref<1x80xi32, #tpu.memory_space<vmem>>, vector<1x16xi32>,
    %get3A_501 = arith.constant 64 : index
    %get3A_502 = tpu.vector_load %arg6[%get3A_501] {strides = array<i32>} : memref<80xi32, #tpu.memory_space<vmem>>, vector<16xi32>,
    %get3A_503 = vector.shape_cast %get3A_502 : vector<16xi32> to vector<16xi32>
    %shift_right_logical3A_504 = arith.constant 14 : i32
    %shift_right_logical3A_505 = vector.broadcast %shift_right_logical3A_504 : i32 to vector<16xi32>
    %shift_right_logical3A_506 = arith.shrui %get3A_503, %shift_right_logical3A_505 : vector<16xi32>
    %swap3A_507 = arith.constant 64 : index
    %swap3A_508 = tpu.vector_load %arg7[%swap3A_507] {strides = array<i32>} : memref<80xi32, #tpu.memory_space<vmem>>, vector<16xi32>,
    %swap3A_509 = vector.shape_cast %swap3A_508 : vector<16xi32> to vector<16xi32>
    %swap3A_510 = vector.shape_cast %shift_right_logical3A_506 : vector<16xi32> to vector<16xi32>
    tpu.vector_store %arg7[%swap3A_507], %swap3A_510 {strides = array<i32>} : memref<80xi32, #tpu.memory_space<vmem>>, vector<16xi32>,
    %and3A_511 = arith.constant 16383 : i32
    %and3A_512 = vector.broadcast %and3A_511 : i32 to vector<16xi32>
    %and3A_513 = arith.andi %get3A_503, %and3A_512 : vector<16xi32>
    %swap3A_514 = arith.constant 0 : i32
    %swap3A_515 = arith.index_cast %swap3A_514 : i32 to index
    %swap3A_516 = arith.constant 64 : index
    %swap3A_517 = tpu.vector_load %arg8[%swap3A_515, %swap3A_516] {strides = array<i32>} : memref<1x80xi32, #tpu.memory_space<vmem>>, vector<1x16xi32>,
    %swap3A_518 = vector.shape_cast %swap3A_517 : vector<1x16xi32> to vector<16xi32>
    %swap3A_519 = vector.shape_cast %and3A_513 : vector<16xi32> to vector<1x16xi32>
    tpu.vector_store %arg8[%swap3A_515, %swap3A_516], %swap3A_519 {strides = array<i32>} : memref<1x80xi32, #tpu.memory_space<vmem>>, vector<1x16xi32>,
    %dma_start3A_520 = arith.constant 0 : i32
    %dma_start3A_521 = arith.constant 0 : i32
    %dma_start3A_522 = tpu.memref_slice %arg2[%dma_start3A_520, %dma_start3A_521] : memref<10000x128xf32, #tpu.memory_space<hbm>> -> memref<10000x128xf32, #tpu.memory_space<hbm>>
    tpu.enqueue_indirect_dma source(%dma_start3A_522 : memref<10000x128xf32, #tpu.memory_space<hbm>>) target(%arg9 : memref<80x128xf32, #tpu.memory_space<vmem>>) offsets(%arg7 : memref<80xi32, #tpu.memory_space<vmem>>) semaphore(%arg22 : memref<!tpu.dma_semaphore, #tpu.memory_space<semaphore_mem>>)
    %add3A_523 = arith.constant 9920 : i32
    %add3A_524 = arith.addi %mul3A_4, %add3A_523 : i32
    %dma_start3A_525 = tpu.memref_slice %arg3[%add3A_524] : memref<320000xi32, #tpu.memory_space<hbm>> -> memref<80xi32, #tpu.memory_space<hbm>>
    %dma_start3A_526 = tpu.memref_slice %arg3[%add3A_524] : memref<320000xi32, #tpu.memory_space<hbm>> -> memref<80xi32, #tpu.memory_space<hbm>>
    tpu.enqueue_dma source(%dma_start3A_526 : memref<80xi32, #tpu.memory_space<hbm>>) target(%arg10 : memref<80xi32, #tpu.memory_space<vmem>>) target_semaphore(%arg29 : memref<!tpu.dma_semaphore, #tpu.memory_space<semaphore_mem>>)
    %dma_wait3A_527 = arith.constant 0 : i32
    %dma_wait3A_528 = arith.constant 0 : i32
    %dma_wait3A_529 = tpu.memref_slice %arg2[%dma_wait3A_527, %dma_wait3A_528] : memref<10000x128xf32, #tpu.memory_space<hbm>> -> memref<10000x128xf32, #tpu.memory_space<hbm>>
    tpu.wait_indirect_dma semaphore(%arg24 : memref<!tpu.dma_semaphore, #tpu.memory_space<semaphore_mem>>) src(%dma_wait3A_529 : memref<10000x128xf32, #tpu.memory_space<hbm>>) dst(%arg17 : memref<80x128xf32, #tpu.memory_space<vmem>>)
    %dma_start3A_530 = arith.constant 0 : i32
    %dma_start3A_531 = arith.constant 0 : i32
    %dma_start3A_532 = tpu.memref_slice %arg16[%dma_start3A_530, %dma_start3A_531] : memref<1x80xi32, #tpu.memory_space<vmem>> -> memref<1x80xi32, #tpu.memory_space<vmem>>
    %dma_start3A_533 = tpu.memref_squeeze %dma_start3A_532 : memref<1x80xi32, #tpu.memory_space<vmem>> -> memref<80xi32, #tpu.memory_space<vmem>>
    %dma_start3A_534 = arith.constant 0 : i32
    %dma_start3A_535 = arith.constant 0 : i32
    %dma_start3A_536 = tpu.memref_slice %arg20[%dma_start3A_534, %dma_start3A_535] : memref<10000x128xf32, #tpu.memory_space<vmem_shared>> -> memref<10000x128xf32, #tpu.memory_space<vmem_shared>>
    tpu.enqueue_indirect_dma source(%arg17 : memref<80x128xf32, #tpu.memory_space<vmem>>) target(%dma_start3A_536 : memref<10000x128xf32, #tpu.memory_space<vmem_shared>>) offsets(%dma_start3A_533 : memref<80xi32, #tpu.memory_space<vmem>>) semaphore(%arg27 : memref<!tpu.dma_semaphore, #tpu.memory_space<semaphore_mem>>) {add = true}
    %dma_start3A_537 = arith.constant 0 : i32
    %dma_start3A_538 = arith.constant 0 : i32
    %dma_start3A_539 = tpu.memref_slice %arg16[%dma_start3A_537, %dma_start3A_538] : memref<1x80xi32, #tpu.memory_space<vmem>> -> memref<1x80xi32, #tpu.memory_space<vmem>>
    %dma_start3A_540 = tpu.memref_squeeze %dma_start3A_539 : memref<1x80xi32, #tpu.memory_space<vmem>> -> memref<80xi32, #tpu.memory_space<vmem>>
    %dma_start3A_541 = arith.constant 0 : i32
    %dma_start3A_542 = arith.constant 0 : i32
    %dma_start3A_543 = tpu.memref_slice %arg21[%dma_start3A_541, %dma_start3A_542] : memref<10000x16xf32, #tpu.memory_space<vmem_shared>> -> memref<10000x16xf32, #tpu.memory_space<vmem_shared>>
    tpu.enqueue_indirect_dma source(%arg18 : memref<80x16xf32, #tpu.memory_space<vmem>>) target(%dma_start3A_543 : memref<10000x16xf32, #tpu.memory_space<vmem_shared>>) offsets(%dma_start3A_540 : memref<80xi32, #tpu.memory_space<vmem>>) semaphore(%arg27 : memref<!tpu.dma_semaphore, #tpu.memory_space<semaphore_mem>>) {add = true}
    %dma_wait3A_544 = arith.constant 0 : i32
    %dma_wait3A_545 = arith.constant 0 : i32
    %dma_wait3A_546 = tpu.memref_slice %arg12[%dma_wait3A_544, %dma_wait3A_545] : memref<1x80xi32, #tpu.memory_space<vmem>> -> memref<1x80xi32, #tpu.memory_space<vmem>>
    %dma_wait3A_547 = tpu.memref_squeeze %dma_wait3A_546 : memref<1x80xi32, #tpu.memory_space<vmem>> -> memref<80xi32, #tpu.memory_space<vmem>>
    %dma_wait3A_548 = arith.constant 0 : i32
    %dma_wait3A_549 = arith.constant 0 : i32
    %dma_wait3A_550 = tpu.memref_slice %arg20[%dma_wait3A_548, %dma_wait3A_549] : memref<10000x128xf32, #tpu.memory_space<vmem_shared>> -> memref<10000x128xf32, #tpu.memory_space<vmem_shared>>
    tpu.wait_indirect_dma semaphore(%arg26 : memref<!tpu.dma_semaphore, #tpu.memory_space<semaphore_mem>>) src(%arg13 : memref<80x128xf32, #tpu.memory_space<vmem>>) dst(%dma_wait3A_550 : memref<10000x128xf32, #tpu.memory_space<vmem_shared>>)
    %dma_wait3A_551 = arith.constant 0 : i32
    %dma_wait3A_552 = arith.constant 0 : i32
    %dma_wait3A_553 = tpu.memref_slice %arg12[%dma_wait3A_551, %dma_wait3A_552] : memref<1x80xi32, #tpu.memory_space<vmem>> -> memref<1x80xi32, #tpu.memory_space<vmem>>
    %dma_wait3A_554 = tpu.memref_squeeze %dma_wait3A_553 : memref<1x80xi32, #tpu.memory_space<vmem>> -> memref<80xi32, #tpu.memory_space<vmem>>
    %dma_wait3A_555 = arith.constant 0 : i32
    %dma_wait3A_556 = arith.constant 0 : i32
    %dma_wait3A_557 = tpu.memref_slice %arg21[%dma_wait3A_555, %dma_wait3A_556] : memref<10000x16xf32, #tpu.memory_space<vmem_shared>> -> memref<10000x16xf32, #tpu.memory_space<vmem_shared>>
    tpu.wait_indirect_dma semaphore(%arg26 : memref<!tpu.dma_semaphore, #tpu.memory_space<semaphore_mem>>) src(%arg18 : memref<80x16xf32, #tpu.memory_space<vmem>>) dst(%dma_wait3A_557 : memref<10000x16xf32, #tpu.memory_space<vmem_shared>>)
    %dma_wait3A_558 = tpu.memref_slice %arg3[%mul3A_4] : memref<320000xi32, #tpu.memory_space<hbm>> -> memref<80xi32, #tpu.memory_space<hbm>>
    %dma_wait3A_559 = tpu.memref_slice %arg3[%mul3A_4] : memref<320000xi32, #tpu.memory_space<hbm>> -> memref<80xi32, #tpu.memory_space<hbm>>
    tpu.wait_dma2 semaphore(%arg29 : memref<!tpu.dma_semaphore, #tpu.memory_space<semaphore_mem>>) src(%dma_wait3A_559 : memref<80xi32, #tpu.memory_space<hbm>>) dst(%arg10 : memref<80xi32, #tpu.memory_space<vmem>>)
    %get3A_560 = arith.constant 0 : index
    %get3A_561 = tpu.vector_load %arg10[%get3A_560] {strides = array<i32>} : memref<80xi32, #tpu.memory_space<vmem>>, vector<16xi32>,
    %get3A_562 = vector.shape_cast %get3A_561 : vector<16xi32> to vector<16xi32>
    %shift_right_logical3A_563 = arith.constant 14 : i32
    %shift_right_logical3A_564 = vector.broadcast %shift_right_logical3A_563 : i32 to vector<16xi32>
    %shift_right_logical3A_565 = arith.shrui %get3A_562, %shift_right_logical3A_564 : vector<16xi32>
    %swap3A_566 = arith.constant 0 : index
    %swap3A_567 = tpu.vector_load %arg11[%swap3A_566] {strides = array<i32>} : memref<80xi32, #tpu.memory_space<vmem>>, vector<16xi32>,
    %swap3A_568 = vector.shape_cast %swap3A_567 : vector<16xi32> to vector<16xi32>
    %swap3A_569 = vector.shape_cast %shift_right_logical3A_565 : vector<16xi32> to vector<16xi32>
    tpu.vector_store %arg11[%swap3A_566], %swap3A_569 {strides = array<i32>} : memref<80xi32, #tpu.memory_space<vmem>>, vector<16xi32>,
    %and3A_570 = arith.constant 16383 : i32
    %and3A_571 = vector.broadcast %and3A_570 : i32 to vector<16xi32>
    %and3A_572 = arith.andi %get3A_562, %and3A_571 : vector<16xi32>
    %swap3A_573 = arith.constant 0 : i32
    %swap3A_574 = arith.index_cast %swap3A_573 : i32 to index
    %swap3A_575 = arith.constant 0 : index
    %swap3A_576 = tpu.vector_load %arg12[%swap3A_574, %swap3A_575] {strides = array<i32>} : memref<1x80xi32, #tpu.memory_space<vmem>>, vector<1x16xi32>,
    %swap3A_577 = vector.shape_cast %swap3A_576 : vector<1x16xi32> to vector<16xi32>
    %swap3A_578 = vector.shape_cast %and3A_572 : vector<16xi32> to vector<1x16xi32>
    tpu.vector_store %arg12[%swap3A_574, %swap3A_575], %swap3A_578 {strides = array<i32>} : memref<1x80xi32, #tpu.memory_space<vmem>>, vector<1x16xi32>,
    %get3A_579 = arith.constant 16 : index
    %get3A_580 = tpu.vector_load %arg10[%get3A_579] {strides = array<i32>} : memref<80xi32, #tpu.memory_space<vmem>>, vector<16xi32>,
    %get3A_581 = vector.shape_cast %get3A_580 : vector<16xi32> to vector<16xi32>
    %shift_right_logical3A_582 = arith.constant 14 : i32
    %shift_right_logical3A_583 = vector.broadcast %shift_right_logical3A_582 : i32 to vector<16xi32>
    %shift_right_logical3A_584 = arith.shrui %get3A_581, %shift_right_logical3A_583 : vector<16xi32>
    %swap3A_585 = arith.constant 16 : index
    %swap3A_586 = tpu.vector_load %arg11[%swap3A_585] {strides = array<i32>} : memref<80xi32, #tpu.memory_space<vmem>>, vector<16xi32>,
    %swap3A_587 = vector.shape_cast %swap3A_586 : vector<16xi32> to vector<16xi32>
    %swap3A_588 = vector.shape_cast %shift_right_logical3A_584 : vector<16xi32> to vector<16xi32>
    tpu.vector_store %arg11[%swap3A_585], %swap3A_588 {strides = array<i32>} : memref<80xi32, #tpu.memory_space<vmem>>, vector<16xi32>,
    %and3A_589 = arith.constant 16383 : i32
    %and3A_590 = vector.broadcast %and3A_589 : i32 to vector<16xi32>
    %and3A_591 = arith.andi %get3A_581, %and3A_590 : vector<16xi32>
    %swap3A_592 = arith.constant 0 : i32
    %swap3A_593 = arith.index_cast %swap3A_592 : i32 to index
    %swap3A_594 = arith.constant 16 : index
    %swap3A_595 = tpu.vector_load %arg12[%swap3A_593, %swap3A_594] {strides = array<i32>} : memref<1x80xi32, #tpu.memory_space<vmem>>, vector<1x16xi32>,
    %swap3A_596 = vector.shape_cast %swap3A_595 : vector<1x16xi32> to vector<16xi32>
    %swap3A_597 = vector.shape_cast %and3A_591 : vector<16xi32> to vector<1x16xi32>
    tpu.vector_store %arg12[%swap3A_593, %swap3A_594], %swap3A_597 {strides = array<i32>} : memref<1x80xi32, #tpu.memory_space<vmem>>, vector<1x16xi32>,
    %get3A_598 = arith.constant 32 : index
    %get3A_599 = tpu.vector_load %arg10[%get3A_598] {strides = array<i32>} : memref<80xi32, #tpu.memory_space<vmem>>, vector<16xi32>,
    %get3A_600 = vector.shape_cast %get3A_599 : vector<16xi32> to vector<16xi32>
    %shift_right_logical3A_601 = arith.constant 14 : i32
    %shift_right_logical3A_602 = vector.broadcast %shift_right_logical3A_601 : i32 to vector<16xi32>
    %shift_right_logical3A_603 = arith.shrui %get3A_600, %shift_right_logical3A_602 : vector<16xi32>
    %swap3A_604 = arith.constant 32 : index
    %swap3A_605 = tpu.vector_load %arg11[%swap3A_604] {strides = array<i32>} : memref<80xi32, #tpu.memory_space<vmem>>, vector<16xi32>,
    %swap3A_606 = vector.shape_cast %swap3A_605 : vector<16xi32> to vector<16xi32>
    %swap3A_607 = vector.shape_cast %shift_right_logical3A_603 : vector<16xi32> to vector<16xi32>
    tpu.vector_store %arg11[%swap3A_604], %swap3A_607 {strides = array<i32>} : memref<80xi32, #tpu.memory_space<vmem>>, vector<16xi32>,
    %and3A_608 = arith.constant 16383 : i32
    %and3A_609 = vector.broadcast %and3A_608 : i32 to vector<16xi32>
    %and3A_610 = arith.andi %get3A_600, %and3A_609 : vector<16xi32>
    %swap3A_611 = arith.constant 0 : i32
    %swap3A_612 = arith.index_cast %swap3A_611 : i32 to index
    %swap3A_613 = arith.constant 32 : index
    %swap3A_614 = tpu.vector_load %arg12[%swap3A_612, %swap3A_613] {strides = array<i32>} : memref<1x80xi32, #tpu.memory_space<vmem>>, vector<1x16xi32>,
    %swap3A_615 = vector.shape_cast %swap3A_614 : vector<1x16xi32> to vector<16xi32>
    %swap3A_616 = vector.shape_cast %and3A_610 : vector<16xi32> to vector<1x16xi32>
    tpu.vector_store %arg12[%swap3A_612, %swap3A_613], %swap3A_616 {strides = array<i32>} : memref<1x80xi32, #tpu.memory_space<vmem>>, vector<1x16xi32>,
    %get3A_617 = arith.constant 48 : index
    %get3A_618 = tpu.vector_load %arg10[%get3A_617] {strides = array<i32>} : memref<80xi32, #tpu.memory_space<vmem>>, vector<16xi32>,
    %get3A_619 = vector.shape_cast %get3A_618 : vector<16xi32> to vector<16xi32>
    %shift_right_logical3A_620 = arith.constant 14 : i32
    %shift_right_logical3A_621 = vector.broadcast %shift_right_logical3A_620 : i32 to vector<16xi32>
    %shift_right_logical3A_622 = arith.shrui %get3A_619, %shift_right_logical3A_621 : vector<16xi32>
    %swap3A_623 = arith.constant 48 : index
    %swap3A_624 = tpu.vector_load %arg11[%swap3A_623] {strides = array<i32>} : memref<80xi32, #tpu.memory_space<vmem>>, vector<16xi32>,
    %swap3A_625 = vector.shape_cast %swap3A_624 : vector<16xi32> to vector<16xi32>
    %swap3A_626 = vector.shape_cast %shift_right_logical3A_622 : vector<16xi32> to vector<16xi32>
    tpu.vector_store %arg11[%swap3A_623], %swap3A_626 {strides = array<i32>} : memref<80xi32, #tpu.memory_space<vmem>>, vector<16xi32>,
    %and3A_627 = arith.constant 16383 : i32
    %and3A_628 = vector.broadcast %and3A_627 : i32 to vector<16xi32>
    %and3A_629 = arith.andi %get3A_619, %and3A_628 : vector<16xi32>
    %swap3A_630 = arith.constant 0 : i32
    %swap3A_631 = arith.index_cast %swap3A_630 : i32 to index
    %swap3A_632 = arith.constant 48 : index
    %swap3A_633 = tpu.vector_load %arg12[%swap3A_631, %swap3A_632] {strides = array<i32>} : memref<1x80xi32, #tpu.memory_space<vmem>>, vector<1x16xi32>,
    %swap3A_634 = vector.shape_cast %swap3A_633 : vector<1x16xi32> to vector<16xi32>
    %swap3A_635 = vector.shape_cast %and3A_629 : vector<16xi32> to vector<1x16xi32>
    tpu.vector_store %arg12[%swap3A_631, %swap3A_632], %swap3A_635 {strides = array<i32>} : memref<1x80xi32, #tpu.memory_space<vmem>>, vector<1x16xi32>,
    %get3A_636 = arith.constant 64 : index
    %get3A_637 = tpu.vector_load %arg10[%get3A_636] {strides = array<i32>} : memref<80xi32, #tpu.memory_space<vmem>>, vector<16xi32>,
    %get3A_638 = vector.shape_cast %get3A_637 : vector<16xi32> to vector<16xi32>
    %shift_right_logical3A_639 = arith.constant 14 : i32
    %shift_right_logical3A_640 = vector.broadcast %shift_right_logical3A_639 : i32 to vector<16xi32>
    %shift_right_logical3A_641 = arith.shrui %get3A_638, %shift_right_logical3A_640 : vector<16xi32>
    %swap3A_642 = arith.constant 64 : index
    %swap3A_643 = tpu.vector_load %arg11[%swap3A_642] {strides = array<i32>} : memref<80xi32, #tpu.memory_space<vmem>>, vector<16xi32>,
    %swap3A_644 = vector.shape_cast %swap3A_643 : vector<16xi32> to vector<16xi32>
    %swap3A_645 = vector.shape_cast %shift_right_logical3A_641 : vector<16xi32> to vector<16xi32>
    tpu.vector_store %arg11[%swap3A_642], %swap3A_645 {strides = array<i32>} : memref<80xi32, #tpu.memory_space<vmem>>, vector<16xi32>,
    %and3A_646 = arith.constant 16383 : i32
    %and3A_647 = vector.broadcast %and3A_646 : i32 to vector<16xi32>
    %and3A_648 = arith.andi %get3A_638, %and3A_647 : vector<16xi32>
    %swap3A_649 = arith.constant 0 : i32
    %swap3A_650 = arith.index_cast %swap3A_649 : i32 to index
    %swap3A_651 = arith.constant 64 : index
    %swap3A_652 = tpu.vector_load %arg12[%swap3A_650, %swap3A_651] {strides = array<i32>} : memref<1x80xi32, #tpu.memory_space<vmem>>, vector<1x16xi32>,
    %swap3A_653 = vector.shape_cast %swap3A_652 : vector<1x16xi32> to vector<16xi32>
    %swap3A_654 = vector.shape_cast %and3A_648 : vector<16xi32> to vector<1x16xi32>
    tpu.vector_store %arg12[%swap3A_650, %swap3A_651], %swap3A_654 {strides = array<i32>} : memref<1x80xi32, #tpu.memory_space<vmem>>, vector<1x16xi32>,
    %dma_start3A_655 = arith.constant 0 : i32
    %dma_start3A_656 = arith.constant 0 : i32
    %dma_start3A_657 = tpu.memref_slice %arg2[%dma_start3A_655, %dma_start3A_656] : memref<10000x128xf32, #tpu.memory_space<hbm>> -> memref<10000x128xf32, #tpu.memory_space<hbm>>
    tpu.enqueue_indirect_dma source(%dma_start3A_657 : memref<10000x128xf32, #tpu.memory_space<hbm>>) target(%arg13 : memref<80x128xf32, #tpu.memory_space<vmem>>) offsets(%arg11 : memref<80xi32, #tpu.memory_space<vmem>>) semaphore(%arg23 : memref<!tpu.dma_semaphore, #tpu.memory_space<semaphore_mem>>)
    %dma_wait3A_658 = arith.constant 0 : i32
    %dma_wait3A_659 = arith.constant 0 : i32
    %dma_wait3A_660 = tpu.memref_slice %arg2[%dma_wait3A_658, %dma_wait3A_659] : memref<10000x128xf32, #tpu.memory_space<hbm>> -> memref<10000x128xf32, #tpu.memory_space<hbm>>
    tpu.wait_indirect_dma semaphore(%arg22 : memref<!tpu.dma_semaphore, #tpu.memory_space<semaphore_mem>>) src(%dma_wait3A_660 : memref<10000x128xf32, #tpu.memory_space<hbm>>) dst(%arg9 : memref<80x128xf32, #tpu.memory_space<vmem>>)
    %dma_start3A_661 = arith.constant 0 : i32
    %dma_start3A_662 = arith.constant 0 : i32
    %dma_start3A_663 = tpu.memref_slice %arg8[%dma_start3A_661, %dma_start3A_662] : memref<1x80xi32, #tpu.memory_space<vmem>> -> memref<1x80xi32, #tpu.memory_space<vmem>>
    %dma_start3A_664 = tpu.memref_squeeze %dma_start3A_663 : memref<1x80xi32, #tpu.memory_space<vmem>> -> memref<80xi32, #tpu.memory_space<vmem>>
    %dma_start3A_665 = arith.constant 0 : i32
    %dma_start3A_666 = arith.constant 0 : i32
    %dma_start3A_667 = tpu.memref_slice %arg20[%dma_start3A_665, %dma_start3A_666] : memref<10000x128xf32, #tpu.memory_space<vmem_shared>> -> memref<10000x128xf32, #tpu.memory_space<vmem_shared>>
    tpu.enqueue_indirect_dma source(%arg9 : memref<80x128xf32, #tpu.memory_space<vmem>>) target(%dma_start3A_667 : memref<10000x128xf32, #tpu.memory_space<vmem_shared>>) offsets(%dma_start3A_664 : memref<80xi32, #tpu.memory_space<vmem>>) semaphore(%arg25 : memref<!tpu.dma_semaphore, #tpu.memory_space<semaphore_mem>>) {add = true}
    %dma_start3A_668 = arith.constant 0 : i32
    %dma_start3A_669 = arith.constant 0 : i32
    %dma_start3A_670 = tpu.memref_slice %arg8[%dma_start3A_668, %dma_start3A_669] : memref<1x80xi32, #tpu.memory_space<vmem>> -> memref<1x80xi32, #tpu.memory_space<vmem>>
    %dma_start3A_671 = tpu.memref_squeeze %dma_start3A_670 : memref<1x80xi32, #tpu.memory_space<vmem>> -> memref<80xi32, #tpu.memory_space<vmem>>
    %dma_start3A_672 = arith.constant 0 : i32
    %dma_start3A_673 = arith.constant 0 : i32
    %dma_start3A_674 = tpu.memref_slice %arg21[%dma_start3A_672, %dma_start3A_673] : memref<10000x16xf32, #tpu.memory_space<vmem_shared>> -> memref<10000x16xf32, #tpu.memory_space<vmem_shared>>
    tpu.enqueue_indirect_dma source(%arg18 : memref<80x16xf32, #tpu.memory_space<vmem>>) target(%dma_start3A_674 : memref<10000x16xf32, #tpu.memory_space<vmem_shared>>) offsets(%dma_start3A_671 : memref<80xi32, #tpu.memory_space<vmem>>) semaphore(%arg25 : memref<!tpu.dma_semaphore, #tpu.memory_space<semaphore_mem>>) {add = true}
    %dma_wait3A_675 = arith.constant 0 : i32
    %dma_wait3A_676 = arith.constant 0 : i32
    %dma_wait3A_677 = tpu.memref_slice %arg16[%dma_wait3A_675, %dma_wait3A_676] : memref<1x80xi32, #tpu.memory_space<vmem>> -> memref<1x80xi32, #tpu.memory_space<vmem>>
    %dma_wait3A_678 = tpu.memref_squeeze %dma_wait3A_677 : memref<1x80xi32, #tpu.memory_space<vmem>> -> memref<80xi32, #tpu.memory_space<vmem>>
    %dma_wait3A_679 = arith.constant 0 : i32
    %dma_wait3A_680 = arith.constant 0 : i32
    %dma_wait3A_681 = tpu.memref_slice %arg20[%dma_wait3A_679, %dma_wait3A_680] : memref<10000x128xf32, #tpu.memory_space<vmem_shared>> -> memref<10000x128xf32, #tpu.memory_space<vmem_shared>>
    tpu.wait_indirect_dma semaphore(%arg27 : memref<!tpu.dma_semaphore, #tpu.memory_space<semaphore_mem>>) src(%arg17 : memref<80x128xf32, #tpu.memory_space<vmem>>) dst(%dma_wait3A_681 : memref<10000x128xf32, #tpu.memory_space<vmem_shared>>)
    %dma_wait3A_682 = arith.constant 0 : i32
    %dma_wait3A_683 = arith.constant 0 : i32
    %dma_wait3A_684 = tpu.memref_slice %arg16[%dma_wait3A_682, %dma_wait3A_683] : memref<1x80xi32, #tpu.memory_space<vmem>> -> memref<1x80xi32, #tpu.memory_space<vmem>>
    %dma_wait3A_685 = tpu.memref_squeeze %dma_wait3A_684 : memref<1x80xi32, #tpu.memory_space<vmem>> -> memref<80xi32, #tpu.memory_space<vmem>>
    %dma_wait3A_686 = arith.constant 0 : i32
    %dma_wait3A_687 = arith.constant 0 : i32
    %dma_wait3A_688 = tpu.memref_slice %arg21[%dma_wait3A_686, %dma_wait3A_687] : memref<10000x16xf32, #tpu.memory_space<vmem_shared>> -> memref<10000x16xf32, #tpu.memory_space<vmem_shared>>
    tpu.wait_indirect_dma semaphore(%arg27 : memref<!tpu.dma_semaphore, #tpu.memory_space<semaphore_mem>>) src(%arg18 : memref<80x16xf32, #tpu.memory_space<vmem>>) dst(%dma_wait3A_688 : memref<10000x16xf32, #tpu.memory_space<vmem_shared>>)
    %dma_wait3A_689 = arith.constant 0 : i32
    %dma_wait3A_690 = arith.constant 0 : i32
    %dma_wait3A_691 = tpu.memref_slice %arg2[%dma_wait3A_689, %dma_wait3A_690] : memref<10000x128xf32, #tpu.memory_space<hbm>> -> memref<10000x128xf32, #tpu.memory_space<hbm>>
    tpu.wait_indirect_dma semaphore(%arg23 : memref<!tpu.dma_semaphore, #tpu.memory_space<semaphore_mem>>) src(%dma_wait3A_691 : memref<10000x128xf32, #tpu.memory_space<hbm>>) dst(%arg13 : memref<80x128xf32, #tpu.memory_space<vmem>>)
    %dma_start3A_692 = arith.constant 0 : i32
    %dma_start3A_693 = arith.constant 0 : i32
    %dma_start3A_694 = tpu.memref_slice %arg12[%dma_start3A_692, %dma_start3A_693] : memref<1x80xi32, #tpu.memory_space<vmem>> -> memref<1x80xi32, #tpu.memory_space<vmem>>
    %dma_start3A_695 = tpu.memref_squeeze %dma_start3A_694 : memref<1x80xi32, #tpu.memory_space<vmem>> -> memref<80xi32, #tpu.memory_space<vmem>>
    %dma_start3A_696 = arith.constant 0 : i32
    %dma_start3A_697 = arith.constant 0 : i32
    %dma_start3A_698 = tpu.memref_slice %arg20[%dma_start3A_696, %dma_start3A_697] : memref<10000x128xf32, #tpu.memory_space<vmem_shared>> -> memref<10000x128xf32, #tpu.memory_space<vmem_shared>>
    tpu.enqueue_indirect_dma source(%arg13 : memref<80x128xf32, #tpu.memory_space<vmem>>) target(%dma_start3A_698 : memref<10000x128xf32, #tpu.memory_space<vmem_shared>>) offsets(%dma_start3A_695 : memref<80xi32, #tpu.memory_space<vmem>>) semaphore(%arg26 : memref<!tpu.dma_semaphore, #tpu.memory_space<semaphore_mem>>) {add = true}
    %dma_start3A_699 = arith.constant 0 : i32
    %dma_start3A_700 = arith.constant 0 : i32
    %dma_start3A_701 = tpu.memref_slice %arg12[%dma_start3A_699, %dma_start3A_700] : memref<1x80xi32, #tpu.memory_space<vmem>> -> memref<1x80xi32, #tpu.memory_space<vmem>>
    %dma_start3A_702 = tpu.memref_squeeze %dma_start3A_701 : memref<1x80xi32, #tpu.memory_space<vmem>> -> memref<80xi32, #tpu.memory_space<vmem>>
    %dma_start3A_703 = arith.constant 0 : i32
    %dma_start3A_704 = arith.constant 0 : i32
    %dma_start3A_705 = tpu.memref_slice %arg21[%dma_start3A_703, %dma_start3A_704] : memref<10000x16xf32, #tpu.memory_space<vmem_shared>> -> memref<10000x16xf32, #tpu.memory_space<vmem_shared>>
    tpu.enqueue_indirect_dma source(%arg18 : memref<80x16xf32, #tpu.memory_space<vmem>>) target(%dma_start3A_705 : memref<10000x16xf32, #tpu.memory_space<vmem_shared>>) offsets(%dma_start3A_702 : memref<80xi32, #tpu.memory_space<vmem>>) semaphore(%arg26 : memref<!tpu.dma_semaphore, #tpu.memory_space<semaphore_mem>>) {add = true}
    %dma_wait3A_706 = arith.constant 0 : i32
    %dma_wait3A_707 = arith.constant 0 : i32
    %dma_wait3A_708 = tpu.memref_slice %arg8[%dma_wait3A_706, %dma_wait3A_707] : memref<1x80xi32, #tpu.memory_space<vmem>> -> memref<1x80xi32, #tpu.memory_space<vmem>>
    %dma_wait3A_709 = tpu.memref_squeeze %dma_wait3A_708 : memref<1x80xi32, #tpu.memory_space<vmem>> -> memref<80xi32, #tpu.memory_space<vmem>>
    %dma_wait3A_710 = arith.constant 0 : i32
    %dma_wait3A_711 = arith.constant 0 : i32
    %dma_wait3A_712 = tpu.memref_slice %arg20[%dma_wait3A_710, %dma_wait3A_711] : memref<10000x128xf32, #tpu.memory_space<vmem_shared>> -> memref<10000x128xf32, #tpu.memory_space<vmem_shared>>
    tpu.wait_indirect_dma semaphore(%arg25 : memref<!tpu.dma_semaphore, #tpu.memory_space<semaphore_mem>>) src(%arg9 : memref<80x128xf32, #tpu.memory_space<vmem>>) dst(%dma_wait3A_712 : memref<10000x128xf32, #tpu.memory_space<vmem_shared>>)
    %dma_wait3A_713 = arith.constant 0 : i32
    %dma_wait3A_714 = arith.constant 0 : i32
    %dma_wait3A_715 = tpu.memref_slice %arg8[%dma_wait3A_713, %dma_wait3A_714] : memref<1x80xi32, #tpu.memory_space<vmem>> -> memref<1x80xi32, #tpu.memory_space<vmem>>
    %dma_wait3A_716 = tpu.memref_squeeze %dma_wait3A_715 : memref<1x80xi32, #tpu.memory_space<vmem>> -> memref<80xi32, #tpu.memory_space<vmem>>
    %dma_wait3A_717 = arith.constant 0 : i32
    %dma_wait3A_718 = arith.constant 0 : i32
    %dma_wait3A_719 = tpu.memref_slice %arg21[%dma_wait3A_717, %dma_wait3A_718] : memref<10000x16xf32, #tpu.memory_space<vmem_shared>> -> memref<10000x16xf32, #tpu.memory_space<vmem_shared>>
    tpu.wait_indirect_dma semaphore(%arg25 : memref<!tpu.dma_semaphore, #tpu.memory_space<semaphore_mem>>) src(%arg18 : memref<80x16xf32, #tpu.memory_space<vmem>>) dst(%dma_wait3A_719 : memref<10000x16xf32, #tpu.memory_space<vmem_shared>>)
    %dma_wait3A_720 = arith.constant 0 : i32
    %dma_wait3A_721 = arith.constant 0 : i32
    %dma_wait3A_722 = tpu.memref_slice %arg12[%dma_wait3A_720, %dma_wait3A_721] : memref<1x80xi32, #tpu.memory_space<vmem>> -> memref<1x80xi32, #tpu.memory_space<vmem>>
    %dma_wait3A_723 = tpu.memref_squeeze %dma_wait3A_722 : memref<1x80xi32, #tpu.memory_space<vmem>> -> memref<80xi32, #tpu.memory_space<vmem>>
    %dma_wait3A_724 = arith.constant 0 : i32
    %dma_wait3A_725 = arith.constant 0 : i32
    %dma_wait3A_726 = tpu.memref_slice %arg20[%dma_wait3A_724, %dma_wait3A_725] : memref<10000x128xf32, #tpu.memory_space<vmem_shared>> -> memref<10000x128xf32, #tpu.memory_space<vmem_shared>>
    tpu.wait_indirect_dma semaphore(%arg26 : memref<!tpu.dma_semaphore, #tpu.memory_space<semaphore_mem>>) src(%arg13 : memref<80x128xf32, #tpu.memory_space<vmem>>) dst(%dma_wait3A_726 : memref<10000x128xf32, #tpu.memory_space<vmem_shared>>)
    %dma_wait3A_727 = arith.constant 0 : i32
    %dma_wait3A_728 = arith.constant 0 : i32
    %dma_wait3A_729 = tpu.memref_slice %arg12[%dma_wait3A_727, %dma_wait3A_728] : memref<1x80xi32, #tpu.memory_space<vmem>> -> memref<1x80xi32, #tpu.memory_space<vmem>>
    %dma_wait3A_730 = tpu.memref_squeeze %dma_wait3A_729 : memref<1x80xi32, #tpu.memory_space<vmem>> -> memref<80xi32, #tpu.memory_space<vmem>>
    %dma_wait3A_731 = arith.constant 0 : i32
    %dma_wait3A_732 = arith.constant 0 : i32
    %dma_wait3A_733 = tpu.memref_slice %arg21[%dma_wait3A_731, %dma_wait3A_732] : memref<10000x16xf32, #tpu.memory_space<vmem_shared>> -> memref<10000x16xf32, #tpu.memory_space<vmem_shared>>
    tpu.wait_indirect_dma semaphore(%arg26 : memref<!tpu.dma_semaphore, #tpu.memory_space<semaphore_mem>>) src(%arg18 : memref<80x16xf32, #tpu.memory_space<vmem>>) dst(%dma_wait3A_733 : memref<10000x16xf32, #tpu.memory_space<vmem_shared>>)
    %barrier3A_734 = arith.constant 0 : index
    tpu.barrier barrier_id(%barrier3A_734)
    %add3A_735 = arith.constant 0 : i32
    %add3A_736 = arith.addi %mul3A_2, %add3A_735 : i32
    "tpu.region"() ({
      %run_scoped3A = tpu.sem_alloc : memref<!tpu.dma_semaphore, #tpu.memory_space<semaphore_mem>>
      %dma_start3A_757 = arith.constant 0 : i32
      %dma_start3A_758 = arith.constant 0 : i32
      %dma_start3A_759 = tpu.memref_slice %arg17[%dma_start3A_757, %dma_start3A_758] : memref<80x128xf32, #tpu.memory_space<vmem>> -> memref<80x128xf32, #tpu.memory_space<vmem>>
      %dma_start3A_760 = arith.constant 0 : i32
      %dma_start3A_761 = tpu.memref_slice %arg20[%add3A_736, %dma_start3A_760] : memref<10000x128xf32, #tpu.memory_space<vmem_shared>> -> memref<80x128xf32, #tpu.memory_space<vmem_shared>>
      %dma_start3A_762 = arith.constant 0 : i32
      %dma_start3A_763 = arith.constant 0 : i32
      %dma_start3A_764 = tpu.memref_slice %arg17[%dma_start3A_762, %dma_start3A_763] : memref<80x128xf32, #tpu.memory_space<vmem>> -> memref<80x128xf32, #tpu.memory_space<vmem>>
      %dma_start3A_765 = arith.constant 0 : i32
      %dma_start3A_766 = tpu.memref_slice %arg20[%add3A_736, %dma_start3A_765] : memref<10000x128xf32, #tpu.memory_space<vmem_shared>> -> memref<80x128xf32, #tpu.memory_space<vmem_shared>>
      tpu.enqueue_dma source(%dma_start3A_766 : memref<80x128xf32, #tpu.memory_space<vmem_shared>>) target(%dma_start3A_764 : memref<80x128xf32, #tpu.memory_space<vmem>>) target_semaphore(%run_scoped3A : memref<!tpu.dma_semaphore, #tpu.memory_space<semaphore_mem>>)
      %dma_wait3A_767 = arith.constant 0 : i32
      %dma_wait3A_768 = arith.constant 0 : i32
      %dma_wait3A_769 = tpu.memref_slice %arg17[%dma_wait3A_767, %dma_wait3A_768] : memref<80x128xf32, #tpu.memory_space<vmem>> -> memref<80x128xf32, #tpu.memory_space<vmem>>
      %dma_wait3A_770 = arith.constant 0 : i32
      %dma_wait3A_771 = tpu.memref_slice %arg20[%add3A_736, %dma_wait3A_770] : memref<10000x128xf32, #tpu.memory_space<vmem_shared>> -> memref<80x128xf32, #tpu.memory_space<vmem_shared>>
      %dma_wait3A_772 = arith.constant 0 : i32
      %dma_wait3A_773 = arith.constant 0 : i32
      %dma_wait3A_774 = tpu.memref_slice %arg17[%dma_wait3A_772, %dma_wait3A_773] : memref<80x128xf32, #tpu.memory_space<vmem>> -> memref<80x128xf32, #tpu.memory_space<vmem>>
      %dma_wait3A_775 = arith.constant 0 : i32
      %dma_wait3A_776 = tpu.memref_slice %arg20[%add3A_736, %dma_wait3A_775] : memref<10000x128xf32, #tpu.memory_space<vmem_shared>> -> memref<80x128xf32, #tpu.memory_space<vmem_shared>>
      tpu.wait_dma2 semaphore(%run_scoped3A : memref<!tpu.dma_semaphore, #tpu.memory_space<semaphore_mem>>) src(%dma_wait3A_776 : memref<80x128xf32, #tpu.memory_space<vmem_shared>>) dst(%dma_wait3A_774 : memref<80x128xf32, #tpu.memory_space<vmem>>)
      tpu.yield
    }) : () -> ()
    "tpu.region"() ({
      %run_scoped3A = tpu.sem_alloc : memref<!tpu.dma_semaphore, #tpu.memory_space<semaphore_mem>>
      %dma_start3A_757 = arith.constant 0 : i32
      %dma_start3A_758 = arith.constant 0 : i32
      %dma_start3A_759 = tpu.memref_slice %arg17[%dma_start3A_757, %dma_start3A_758] : memref<80x128xf32, #tpu.memory_space<vmem>> -> memref<80x128xf32, #tpu.memory_space<vmem>>
      %dma_start3A_760 = arith.constant 0 : i32
      %dma_start3A_761 = tpu.memref_slice %arg4[%arg0, %add3A_736, %dma_start3A_760] : memref<2x10000x128xf32, #tpu.memory_space<hbm>> -> memref<1x80x128xf32, #tpu.memory_space<hbm>>
      %dma_start3A_762 = tpu.memref_squeeze %dma_start3A_761 : memref<1x80x128xf32, #tpu.memory_space<hbm>> -> memref<80x128xf32, #tpu.memory_space<hbm>>
      %dma_start3A_763 = arith.constant 0 : i32
      %dma_start3A_764 = tpu.memref_slice %arg4[%arg0, %add3A_736, %dma_start3A_763] : memref<2x10000x128xf32, #tpu.memory_space<hbm>> -> memref<1x80x128xf32, #tpu.memory_space<hbm>>
      %dma_start3A_765 = tpu.memref_squeeze %dma_start3A_764 : memref<1x80x128xf32, #tpu.memory_space<hbm>> -> memref<80x128xf32, #tpu.memory_space<hbm>>
      %dma_start3A_766 = arith.constant 0 : i32
      %dma_start3A_767 = arith.constant 0 : i32
      %dma_start3A_768 = tpu.memref_slice %arg17[%dma_start3A_766, %dma_start3A_767] : memref<80x128xf32, #tpu.memory_space<vmem>> -> memref<80x128xf32, #tpu.memory_space<vmem>>
      tpu.enqueue_dma source(%dma_start3A_768 : memref<80x128xf32, #tpu.memory_space<vmem>>) target(%dma_start3A_765 : memref<80x128xf32, #tpu.memory_space<hbm>>) target_semaphore(%run_scoped3A : memref<!tpu.dma_semaphore, #tpu.memory_space<semaphore_mem>>)
      %dma_wait3A_769 = arith.constant 0 : i32
      %dma_wait3A_770 = arith.constant 0 : i32
      %dma_wait3A_771 = tpu.memref_slice %arg17[%dma_wait3A_769, %dma_wait3A_770] : memref<80x128xf32, #tpu.memory_space<vmem>> -> memref<80x128xf32, #tpu.memory_space<vmem>>
      %dma_wait3A_772 = arith.constant 0 : i32
      %dma_wait3A_773 = tpu.memref_slice %arg4[%arg0, %add3A_736, %dma_wait3A_772] : memref<2x10000x128xf32, #tpu.memory_space<hbm>> -> memref<1x80x128xf32, #tpu.memory_space<hbm>>
      %dma_wait3A_774 = tpu.memref_squeeze %dma_wait3A_773 : memref<1x80x128xf32, #tpu.memory_space<hbm>> -> memref<80x128xf32, #tpu.memory_space<hbm>>
      %dma_wait3A_775 = arith.constant 0 : i32
      %dma_wait3A_776 = tpu.memref_slice %arg4[%arg0, %add3A_736, %dma_wait3A_775] : memref<2x10000x128xf32, #tpu.memory_space<hbm>> -> memref<1x80x128xf32, #tpu.memory_space<hbm>>
      %dma_wait3A_777 = tpu.memref_squeeze %dma_wait3A_776 : memref<1x80x128xf32, #tpu.memory_space<hbm>> -> memref<80x128xf32, #tpu.memory_space<hbm>>
      %dma_wait3A_778 = arith.constant 0 : i32
      %dma_wait3A_779 = arith.constant 0 : i32
      %dma_wait3A_780 = tpu.memref_slice %arg17[%dma_wait3A_778, %dma_wait3A_779] : memref<80x128xf32, #tpu.memory_space<vmem>> -> memref<80x128xf32, #tpu.memory_space<vmem>>
      tpu.wait_dma2 semaphore(%run_scoped3A : memref<!tpu.dma_semaphore, #tpu.memory_space<semaphore_mem>>) src(%dma_wait3A_780 : memref<80x128xf32, #tpu.memory_space<vmem>>) dst(%dma_wait3A_777 : memref<80x128xf32, #tpu.memory_space<hbm>>)
      tpu.yield
    }) : () -> ()
    "tpu.region"() ({
      %run_scoped3A = tpu.sem_alloc : memref<!tpu.dma_semaphore, #tpu.memory_space<semaphore_mem>>
      %dma_start3A_757 = arith.constant 0 : i32
      %dma_start3A_758 = arith.constant 0 : i32
      %dma_start3A_759 = tpu.memref_slice %arg19[%dma_start3A_757, %dma_start3A_758] : memref<80x16xf32, #tpu.memory_space<vmem>> -> memref<80x16xf32, #tpu.memory_space<vmem>>
      %dma_start3A_760 = arith.constant 0 : i32
      %dma_start3A_761 = tpu.memref_slice %arg21[%add3A_736, %dma_start3A_760] : memref<10000x16xf32, #tpu.memory_space<vmem_shared>> -> memref<80x16xf32, #tpu.memory_space<vmem_shared>>
      %dma_start3A_762 = arith.constant 0 : i32
      %dma_start3A_763 = arith.constant 0 : i32
      %dma_start3A_764 = tpu.memref_slice %arg19[%dma_start3A_762, %dma_start3A_763] : memref<80x16xf32, #tpu.memory_space<vmem>> -> memref<80x16xf32, #tpu.memory_space<vmem>>
      %dma_start3A_765 = arith.constant 0 : i32
      %dma_start3A_766 = tpu.memref_slice %arg21[%add3A_736, %dma_start3A_765] : memref<10000x16xf32, #tpu.memory_space<vmem_shared>> -> memref<80x16xf32, #tpu.memory_space<vmem_shared>>
      tpu.enqueue_dma source(%dma_start3A_766 : memref<80x16xf32, #tpu.memory_space<vmem_shared>>) target(%dma_start3A_764 : memref<80x16xf32, #tpu.memory_space<vmem>>) target_semaphore(%run_scoped3A : memref<!tpu.dma_semaphore, #tpu.memory_space<semaphore_mem>>)
      %dma_wait3A_767 = arith.constant 0 : i32
      %dma_wait3A_768 = arith.constant 0 : i32
      %dma_wait3A_769 = tpu.memref_slice %arg19[%dma_wait3A_767, %dma_wait3A_768] : memref<80x16xf32, #tpu.memory_space<vmem>> -> memref<80x16xf32, #tpu.memory_space<vmem>>
      %dma_wait3A_770 = arith.constant 0 : i32
      %dma_wait3A_771 = tpu.memref_slice %arg21[%add3A_736, %dma_wait3A_770] : memref<10000x16xf32, #tpu.memory_space<vmem_shared>> -> memref<80x16xf32, #tpu.memory_space<vmem_shared>>
      %dma_wait3A_772 = arith.constant 0 : i32
      %dma_wait3A_773 = arith.constant 0 : i32
      %dma_wait3A_774 = tpu.memref_slice %arg19[%dma_wait3A_772, %dma_wait3A_773] : memref<80x16xf32, #tpu.memory_space<vmem>> -> memref<80x16xf32, #tpu.memory_space<vmem>>
      %dma_wait3A_775 = arith.constant 0 : i32
      %dma_wait3A_776 = tpu.memref_slice %arg21[%add3A_736, %dma_wait3A_775] : memref<10000x16xf32, #tpu.memory_space<vmem_shared>> -> memref<80x16xf32, #tpu.memory_space<vmem_shared>>
      tpu.wait_dma2 semaphore(%run_scoped3A : memref<!tpu.dma_semaphore, #tpu.memory_space<semaphore_mem>>) src(%dma_wait3A_776 : memref<80x16xf32, #tpu.memory_space<vmem_shared>>) dst(%dma_wait3A_774 : memref<80x16xf32, #tpu.memory_space<vmem>>)
      tpu.yield
    }) : () -> ()
    "tpu.region"() ({
      %run_scoped3A = tpu.sem_alloc : memref<!tpu.dma_semaphore, #tpu.memory_space<semaphore_mem>>
      %dma_start3A_757 = arith.constant 0 : i32
      %dma_start3A_758 = arith.constant 0 : i32
      %dma_start3A_759 = tpu.memref_slice %arg19[%dma_start3A_757, %dma_start3A_758] : memref<80x16xf32, #tpu.memory_space<vmem>> -> memref<80x16xf32, #tpu.memory_space<vmem>>
      %dma_start3A_760 = arith.constant 0 : i32
      %dma_start3A_761 = tpu.memref_slice %arg5[%arg0, %add3A_736, %dma_start3A_760] : memref<2x10000x16xf32, #tpu.memory_space<hbm>> -> memref<1x80x16xf32, #tpu.memory_space<hbm>>
      %dma_start3A_762 = tpu.memref_squeeze %dma_start3A_761 : memref<1x80x16xf32, #tpu.memory_space<hbm>> -> memref<80x16xf32, #tpu.memory_space<hbm>>
      %dma_start3A_763 = arith.constant 0 : i32
      %dma_start3A_764 = tpu.memref_slice %arg5[%arg0, %add3A_736, %dma_start3A_763] : memref<2x10000x16xf32, #tpu.memory_space<hbm>> -> memref<1x80x16xf32, #tpu.memory_space<hbm>>
      %dma_start3A_765 = tpu.memref_squeeze %dma_start3A_764 : memref<1x80x16xf32, #tpu.memory_space<hbm>> -> memref<80x16xf32, #tpu.memory_space<hbm>>
      %dma_start3A_766 = arith.constant 0 : i32
      %dma_start3A_767 = arith.constant 0 : i32
      %dma_start3A_768 = tpu.memref_slice %arg19[%dma_start3A_766, %dma_start3A_767] : memref<80x16xf32, #tpu.memory_space<vmem>> -> memref<80x16xf32, #tpu.memory_space<vmem>>
      tpu.enqueue_dma source(%dma_start3A_768 : memref<80x16xf32, #tpu.memory_space<vmem>>) target(%dma_start3A_765 : memref<80x16xf32, #tpu.memory_space<hbm>>) target_semaphore(%run_scoped3A : memref<!tpu.dma_semaphore, #tpu.memory_space<semaphore_mem>>)
      %dma_wait3A_769 = arith.constant 0 : i32
      %dma_wait3A_770 = arith.constant 0 : i32
      %dma_wait3A_771 = tpu.memref_slice %arg19[%dma_wait3A_769, %dma_wait3A_770] : memref<80x16xf32, #tpu.memory_space<vmem>> -> memref<80x16xf32, #tpu.memory_space<vmem>>
      %dma_wait3A_772 = arith.constant 0 : i32
      %dma_wait3A_773 = tpu.memref_slice %arg5[%arg0, %add3A_736, %dma_wait3A_772] : memref<2x10000x16xf32, #tpu.memory_space<hbm>> -> memref<1x80x16xf32, #tpu.memory_space<hbm>>
      %dma_wait3A_774 = tpu.memref_squeeze %dma_wait3A_773 : memref<1x80x16xf32, #tpu.memory_space<hbm>> -> memref<80x16xf32, #tpu.memory_space<hbm>>
      %dma_wait3A_775 = arith.constant 0 : i32
      %dma_wait3A_776 = tpu.memref_slice %arg5[%arg0, %add3A_736, %dma_wait3A_775] : memref<2x10000x16xf32, #tpu.memory_space<hbm>> -> memref<1x80x16xf32, #tpu.memory_space<hbm>>
      %dma_wait3A_777 = tpu.memref_squeeze %dma_wait3A_776 : memref<1x80x16xf32, #tpu.memory_space<hbm>> -> memref<80x16xf32, #tpu.memory_space<hbm>>
      %dma_wait3A_778 = arith.constant 0 : i32
      %dma_wait3A_779 = arith.constant 0 : i32
      %dma_wait3A_780 = tpu.memref_slice %arg19[%dma_wait3A_778, %dma_wait3A_779] : memref<80x16xf32, #tpu.memory_space<vmem>> -> memref<80x16xf32, #tpu.memory_space<vmem>>
      tpu.wait_dma2 semaphore(%run_scoped3A : memref<!tpu.dma_semaphore, #tpu.memory_space<semaphore_mem>>) src(%dma_wait3A_780 : memref<80x16xf32, #tpu.memory_space<vmem>>) dst(%dma_wait3A_777 : memref<80x16xf32, #tpu.memory_space<hbm>>)
      tpu.yield
    }) : () -> ()
    %add3A_737 = arith.constant 80 : i32
    %add3A_738 = arith.addi %mul3A_2, %add3A_737 : i32
    "tpu.region"() ({
      %run_scoped3A = tpu.sem_alloc : memref<!tpu.dma_semaphore, #tpu.memory_space<semaphore_mem>>
      %dma_start3A_757 = arith.constant 0 : i32
      %dma_start3A_758 = arith.constant 0 : i32
      %dma_start3A_759 = tpu.memref_slice %arg17[%dma_start3A_757, %dma_start3A_758] : memref<80x128xf32, #tpu.memory_space<vmem>> -> memref<80x128xf32, #tpu.memory_space<vmem>>
      %dma_start3A_760 = arith.constant 0 : i32
      %dma_start3A_761 = tpu.memref_slice %arg20[%add3A_738, %dma_start3A_760] : memref<10000x128xf32, #tpu.memory_space<vmem_shared>> -> memref<80x128xf32, #tpu.memory_space<vmem_shared>>
      %dma_start3A_762 = arith.constant 0 : i32
      %dma_start3A_763 = arith.constant 0 : i32
      %dma_start3A_764 = tpu.memref_slice %arg17[%dma_start3A_762, %dma_start3A_763] : memref<80x128xf32, #tpu.memory_space<vmem>> -> memref<80x128xf32, #tpu.memory_space<vmem>>
      %dma_start3A_765 = arith.constant 0 : i32
      %dma_start3A_766 = tpu.memref_slice %arg20[%add3A_738, %dma_start3A_765] : memref<10000x128xf32, #tpu.memory_space<vmem_shared>> -> memref<80x128xf32, #tpu.memory_space<vmem_shared>>
      tpu.enqueue_dma source(%dma_start3A_766 : memref<80x128xf32, #tpu.memory_space<vmem_shared>>) target(%dma_start3A_764 : memref<80x128xf32, #tpu.memory_space<vmem>>) target_semaphore(%run_scoped3A : memref<!tpu.dma_semaphore, #tpu.memory_space<semaphore_mem>>)
      %dma_wait3A_767 = arith.constant 0 : i32
      %dma_wait3A_768 = arith.constant 0 : i32
      %dma_wait3A_769 = tpu.memref_slice %arg17[%dma_wait3A_767, %dma_wait3A_768] : memref<80x128xf32, #tpu.memory_space<vmem>> -> memref<80x128xf32, #tpu.memory_space<vmem>>
      %dma_wait3A_770 = arith.constant 0 : i32
      %dma_wait3A_771 = tpu.memref_slice %arg20[%add3A_738, %dma_wait3A_770] : memref<10000x128xf32, #tpu.memory_space<vmem_shared>> -> memref<80x128xf32, #tpu.memory_space<vmem_shared>>
      %dma_wait3A_772 = arith.constant 0 : i32
      %dma_wait3A_773 = arith.constant 0 : i32
      %dma_wait3A_774 = tpu.memref_slice %arg17[%dma_wait3A_772, %dma_wait3A_773] : memref<80x128xf32, #tpu.memory_space<vmem>> -> memref<80x128xf32, #tpu.memory_space<vmem>>
      %dma_wait3A_775 = arith.constant 0 : i32
      %dma_wait3A_776 = tpu.memref_slice %arg20[%add3A_738, %dma_wait3A_775] : memref<10000x128xf32, #tpu.memory_space<vmem_shared>> -> memref<80x128xf32, #tpu.memory_space<vmem_shared>>
      tpu.wait_dma2 semaphore(%run_scoped3A : memref<!tpu.dma_semaphore, #tpu.memory_space<semaphore_mem>>) src(%dma_wait3A_776 : memref<80x128xf32, #tpu.memory_space<vmem_shared>>) dst(%dma_wait3A_774 : memref<80x128xf32, #tpu.memory_space<vmem>>)
      tpu.yield
    }) : () -> ()
    "tpu.region"() ({
      %run_scoped3A = tpu.sem_alloc : memref<!tpu.dma_semaphore, #tpu.memory_space<semaphore_mem>>
      %dma_start3A_757 = arith.constant 0 : i32
      %dma_start3A_758 = arith.constant 0 : i32
      %dma_start3A_759 = tpu.memref_slice %arg17[%dma_start3A_757, %dma_start3A_758] : memref<80x128xf32, #tpu.memory_space<vmem>> -> memref<80x128xf32, #tpu.memory_space<vmem>>
      %dma_start3A_760 = arith.constant 0 : i32
      %dma_start3A_761 = tpu.memref_slice %arg4[%arg0, %add3A_738, %dma_start3A_760] : memref<2x10000x128xf32, #tpu.memory_space<hbm>> -> memref<1x80x128xf32, #tpu.memory_space<hbm>>
      %dma_start3A_762 = tpu.memref_squeeze %dma_start3A_761 : memref<1x80x128xf32, #tpu.memory_space<hbm>> -> memref<80x128xf32, #tpu.memory_space<hbm>>
      %dma_start3A_763 = arith.constant 0 : i32
      %dma_start3A_764 = tpu.memref_slice %arg4[%arg0, %add3A_738, %dma_start3A_763] : memref<2x10000x128xf32, #tpu.memory_space<hbm>> -> memref<1x80x128xf32, #tpu.memory_space<hbm>>
      %dma_start3A_765 = tpu.memref_squeeze %dma_start3A_764 : memref<1x80x128xf32, #tpu.memory_space<hbm>> -> memref<80x128xf32, #tpu.memory_space<hbm>>
      %dma_start3A_766 = arith.constant 0 : i32
      %dma_start3A_767 = arith.constant 0 : i32
      %dma_start3A_768 = tpu.memref_slice %arg17[%dma_start3A_766, %dma_start3A_767] : memref<80x128xf32, #tpu.memory_space<vmem>> -> memref<80x128xf32, #tpu.memory_space<vmem>>
      tpu.enqueue_dma source(%dma_start3A_768 : memref<80x128xf32, #tpu.memory_space<vmem>>) target(%dma_start3A_765 : memref<80x128xf32, #tpu.memory_space<hbm>>) target_semaphore(%run_scoped3A : memref<!tpu.dma_semaphore, #tpu.memory_space<semaphore_mem>>)
      %dma_wait3A_769 = arith.constant 0 : i32
      %dma_wait3A_770 = arith.constant 0 : i32
      %dma_wait3A_771 = tpu.memref_slice %arg17[%dma_wait3A_769, %dma_wait3A_770] : memref<80x128xf32, #tpu.memory_space<vmem>> -> memref<80x128xf32, #tpu.memory_space<vmem>>
      %dma_wait3A_772 = arith.constant 0 : i32
      %dma_wait3A_773 = tpu.memref_slice %arg4[%arg0, %add3A_738, %dma_wait3A_772] : memref<2x10000x128xf32, #tpu.memory_space<hbm>> -> memref<1x80x128xf32, #tpu.memory_space<hbm>>
      %dma_wait3A_774 = tpu.memref_squeeze %dma_wait3A_773 : memref<1x80x128xf32, #tpu.memory_space<hbm>> -> memref<80x128xf32, #tpu.memory_space<hbm>>
      %dma_wait3A_775 = arith.constant 0 : i32
      %dma_wait3A_776 = tpu.memref_slice %arg4[%arg0, %add3A_738, %dma_wait3A_775] : memref<2x10000x128xf32, #tpu.memory_space<hbm>> -> memref<1x80x128xf32, #tpu.memory_space<hbm>>
      %dma_wait3A_777 = tpu.memref_squeeze %dma_wait3A_776 : memref<1x80x128xf32, #tpu.memory_space<hbm>> -> memref<80x128xf32, #tpu.memory_space<hbm>>
      %dma_wait3A_778 = arith.constant 0 : i32
      %dma_wait3A_779 = arith.constant 0 : i32
      %dma_wait3A_780 = tpu.memref_slice %arg17[%dma_wait3A_778, %dma_wait3A_779] : memref<80x128xf32, #tpu.memory_space<vmem>> -> memref<80x128xf32, #tpu.memory_space<vmem>>
      tpu.wait_dma2 semaphore(%run_scoped3A : memref<!tpu.dma_semaphore, #tpu.memory_space<semaphore_mem>>) src(%dma_wait3A_780 : memref<80x128xf32, #tpu.memory_space<vmem>>) dst(%dma_wait3A_777 : memref<80x128xf32, #tpu.memory_space<hbm>>)
      tpu.yield
    }) : () -> ()
    "tpu.region"() ({
      %run_scoped3A = tpu.sem_alloc : memref<!tpu.dma_semaphore, #tpu.memory_space<semaphore_mem>>
      %dma_start3A_757 = arith.constant 0 : i32
      %dma_start3A_758 = arith.constant 0 : i32
      %dma_start3A_759 = tpu.memref_slice %arg19[%dma_start3A_757, %dma_start3A_758] : memref<80x16xf32, #tpu.memory_space<vmem>> -> memref<80x16xf32, #tpu.memory_space<vmem>>
      %dma_start3A_760 = arith.constant 0 : i32
      %dma_start3A_761 = tpu.memref_slice %arg21[%add3A_738, %dma_start3A_760] : memref<10000x16xf32, #tpu.memory_space<vmem_shared>> -> memref<80x16xf32, #tpu.memory_space<vmem_shared>>
      %dma_start3A_762 = arith.constant 0 : i32
      %dma_start3A_763 = arith.constant 0 : i32
      %dma_start3A_764 = tpu.memref_slice %arg19[%dma_start3A_762, %dma_start3A_763] : memref<80x16xf32, #tpu.memory_space<vmem>> -> memref<80x16xf32, #tpu.memory_space<vmem>>
      %dma_start3A_765 = arith.constant 0 : i32
      %dma_start3A_766 = tpu.memref_slice %arg21[%add3A_738, %dma_start3A_765] : memref<10000x16xf32, #tpu.memory_space<vmem_shared>> -> memref<80x16xf32, #tpu.memory_space<vmem_shared>>
      tpu.enqueue_dma source(%dma_start3A_766 : memref<80x16xf32, #tpu.memory_space<vmem_shared>>) target(%dma_start3A_764 : memref<80x16xf32, #tpu.memory_space<vmem>>) target_semaphore(%run_scoped3A : memref<!tpu.dma_semaphore, #tpu.memory_space<semaphore_mem>>)
      %dma_wait3A_767 = arith.constant 0 : i32
      %dma_wait3A_768 = arith.constant 0 : i32
      %dma_wait3A_769 = tpu.memref_slice %arg19[%dma_wait3A_767, %dma_wait3A_768] : memref<80x16xf32, #tpu.memory_space<vmem>> -> memref<80x16xf32, #tpu.memory_space<vmem>>
      %dma_wait3A_770 = arith.constant 0 : i32
      %dma_wait3A_771 = tpu.memref_slice %arg21[%add3A_738, %dma_wait3A_770] : memref<10000x16xf32, #tpu.memory_space<vmem_shared>> -> memref<80x16xf32, #tpu.memory_space<vmem_shared>>
      %dma_wait3A_772 = arith.constant 0 : i32
      %dma_wait3A_773 = arith.constant 0 : i32
      %dma_wait3A_774 = tpu.memref_slice %arg19[%dma_wait3A_772, %dma_wait3A_773] : memref<80x16xf32, #tpu.memory_space<vmem>> -> memref<80x16xf32, #tpu.memory_space<vmem>>
      %dma_wait3A_775 = arith.constant 0 : i32
      %dma_wait3A_776 = tpu.memref_slice %arg21[%add3A_738, %dma_wait3A_775] : memref<10000x16xf32, #tpu.memory_space<vmem_shared>> -> memref<80x16xf32, #tpu.memory_space<vmem_shared>>
      tpu.wait_dma2 semaphore(%run_scoped3A : memref<!tpu.dma_semaphore, #tpu.memory_space<semaphore_mem>>) src(%dma_wait3A_776 : memref<80x16xf32, #tpu.memory_space<vmem_shared>>) dst(%dma_wait3A_774 : memref<80x16xf32, #tpu.memory_space<vmem>>)
      tpu.yield
    }) : () -> ()
    "tpu.region"() ({
      %run_scoped3A = tpu.sem_alloc : memref<!tpu.dma_semaphore, #tpu.memory_space<semaphore_mem>>
      %dma_start3A_757 = arith.constant 0 : i32
      %dma_start3A_758 = arith.constant 0 : i32
      %dma_start3A_759 = tpu.memref_slice %arg19[%dma_start3A_757, %dma_start3A_758] : memref<80x16xf32, #tpu.memory_space<vmem>> -> memref<80x16xf32, #tpu.memory_space<vmem>>
      %dma_start3A_760 = arith.constant 0 : i32
      %dma_start3A_761 = tpu.memref_slice %arg5[%arg0, %add3A_738, %dma_start3A_760] : memref<2x10000x16xf32, #tpu.memory_space<hbm>> -> memref<1x80x16xf32, #tpu.memory_space<hbm>>
      %dma_start3A_762 = tpu.memref_squeeze %dma_start3A_761 : memref<1x80x16xf32, #tpu.memory_space<hbm>> -> memref<80x16xf32, #tpu.memory_space<hbm>>
      %dma_start3A_763 = arith.constant 0 : i32
      %dma_start3A_764 = tpu.memref_slice %arg5[%arg0, %add3A_738, %dma_start3A_763] : memref<2x10000x16xf32, #tpu.memory_space<hbm>> -> memref<1x80x16xf32, #tpu.memory_space<hbm>>
      %dma_start3A_765 = tpu.memref_squeeze %dma_start3A_764 : memref<1x80x16xf32, #tpu.memory_space<hbm>> -> memref<80x16xf32, #tpu.memory_space<hbm>>
      %dma_start3A_766 = arith.constant 0 : i32
      %dma_start3A_767 = arith.constant 0 : i32
      %dma_start3A_768 = tpu.memref_slice %arg19[%dma_start3A_766, %dma_start3A_767] : memref<80x16xf32, #tpu.memory_space<vmem>> -> memref<80x16xf32, #tpu.memory_space<vmem>>
      tpu.enqueue_dma source(%dma_start3A_768 : memref<80x16xf32, #tpu.memory_space<vmem>>) target(%dma_start3A_765 : memref<80x16xf32, #tpu.memory_space<hbm>>) target_semaphore(%run_scoped3A : memref<!tpu.dma_semaphore, #tpu.memory_space<semaphore_mem>>)
      %dma_wait3A_769 = arith.constant 0 : i32
      %dma_wait3A_770 = arith.constant 0 : i32
      %dma_wait3A_771 = tpu.memref_slice %arg19[%dma_wait3A_769, %dma_wait3A_770] : memref<80x16xf32, #tpu.memory_space<vmem>> -> memref<80x16xf32, #tpu.memory_space<vmem>>
      %dma_wait3A_772 = arith.constant 0 : i32
      %dma_wait3A_773 = tpu.memref_slice %arg5[%arg0, %add3A_738, %dma_wait3A_772] : memref<2x10000x16xf32, #tpu.memory_space<hbm>> -> memref<1x80x16xf32, #tpu.memory_space<hbm>>
      %dma_wait3A_774 = tpu.memref_squeeze %dma_wait3A_773 : memref<1x80x16xf32, #tpu.memory_space<hbm>> -> memref<80x16xf32, #tpu.memory_space<hbm>>
      %dma_wait3A_775 = arith.constant 0 : i32
      %dma_wait3A_776 = tpu.memref_slice %arg5[%arg0, %add3A_738, %dma_wait3A_775] : memref<2x10000x16xf32, #tpu.memory_space<hbm>> -> memref<1x80x16xf32, #tpu.memory_space<hbm>>
      %dma_wait3A_777 = tpu.memref_squeeze %dma_wait3A_776 : memref<1x80x16xf32, #tpu.memory_space<hbm>> -> memref<80x16xf32, #tpu.memory_space<hbm>>
      %dma_wait3A_778 = arith.constant 0 : i32
      %dma_wait3A_779 = arith.constant 0 : i32
      %dma_wait3A_780 = tpu.memref_slice %arg19[%dma_wait3A_778, %dma_wait3A_779] : memref<80x16xf32, #tpu.memory_space<vmem>> -> memref<80x16xf32, #tpu.memory_space<vmem>>
      tpu.wait_dma2 semaphore(%run_scoped3A : memref<!tpu.dma_semaphore, #tpu.memory_space<semaphore_mem>>) src(%dma_wait3A_780 : memref<80x16xf32, #tpu.memory_space<vmem>>) dst(%dma_wait3A_777 : memref<80x16xf32, #tpu.memory_space<hbm>>)
      tpu.yield
    }) : () -> ()
    %add3A_739 = arith.constant 160 : i32
    %add3A_740 = arith.addi %mul3A_2, %add3A_739 : i32
    "tpu.region"() ({
      %run_scoped3A = tpu.sem_alloc : memref<!tpu.dma_semaphore, #tpu.memory_space<semaphore_mem>>
      %dma_start3A_757 = arith.constant 0 : i32
      %dma_start3A_758 = arith.constant 0 : i32
      %dma_start3A_759 = tpu.memref_slice %arg17[%dma_start3A_757, %dma_start3A_758] : memref<80x128xf32, #tpu.memory_space<vmem>> -> memref<80x128xf32, #tpu.memory_space<vmem>>
      %dma_start3A_760 = arith.constant 0 : i32
      %dma_start3A_761 = tpu.memref_slice %arg20[%add3A_740, %dma_start3A_760] : memref<10000x128xf32, #tpu.memory_space<vmem_shared>> -> memref<80x128xf32, #tpu.memory_space<vmem_shared>>
      %dma_start3A_762 = arith.constant 0 : i32
      %dma_start3A_763 = arith.constant 0 : i32
      %dma_start3A_764 = tpu.memref_slice %arg17[%dma_start3A_762, %dma_start3A_763] : memref<80x128xf32, #tpu.memory_space<vmem>> -> memref<80x128xf32, #tpu.memory_space<vmem>>
      %dma_start3A_765 = arith.constant 0 : i32
      %dma_start3A_766 = tpu.memref_slice %arg20[%add3A_740, %dma_start3A_765] : memref<10000x128xf32, #tpu.memory_space<vmem_shared>> -> memref<80x128xf32, #tpu.memory_space<vmem_shared>>
      tpu.enqueue_dma source(%dma_start3A_766 : memref<80x128xf32, #tpu.memory_space<vmem_shared>>) target(%dma_start3A_764 : memref<80x128xf32, #tpu.memory_space<vmem>>) target_semaphore(%run_scoped3A : memref<!tpu.dma_semaphore, #tpu.memory_space<semaphore_mem>>)
      %dma_wait3A_767 = arith.constant 0 : i32
      %dma_wait3A_768 = arith.constant 0 : i32
      %dma_wait3A_769 = tpu.memref_slice %arg17[%dma_wait3A_767, %dma_wait3A_768] : memref<80x128xf32, #tpu.memory_space<vmem>> -> memref<80x128xf32, #tpu.memory_space<vmem>>
      %dma_wait3A_770 = arith.constant 0 : i32
      %dma_wait3A_771 = tpu.memref_slice %arg20[%add3A_740, %dma_wait3A_770] : memref<10000x128xf32, #tpu.memory_space<vmem_shared>> -> memref<80x128xf32, #tpu.memory_space<vmem_shared>>
      %dma_wait3A_772 = arith.constant 0 : i32
      %dma_wait3A_773 = arith.constant 0 : i32
      %dma_wait3A_774 = tpu.memref_slice %arg17[%dma_wait3A_772, %dma_wait3A_773] : memref<80x128xf32, #tpu.memory_space<vmem>> -> memref<80x128xf32, #tpu.memory_space<vmem>>
      %dma_wait3A_775 = arith.constant 0 : i32
      %dma_wait3A_776 = tpu.memref_slice %arg20[%add3A_740, %dma_wait3A_775] : memref<10000x128xf32, #tpu.memory_space<vmem_shared>> -> memref<80x128xf32, #tpu.memory_space<vmem_shared>>
      tpu.wait_dma2 semaphore(%run_scoped3A : memref<!tpu.dma_semaphore, #tpu.memory_space<semaphore_mem>>) src(%dma_wait3A_776 : memref<80x128xf32, #tpu.memory_space<vmem_shared>>) dst(%dma_wait3A_774 : memref<80x128xf32, #tpu.memory_space<vmem>>)
      tpu.yield
    }) : () -> ()
    "tpu.region"() ({
      %run_scoped3A = tpu.sem_alloc : memref<!tpu.dma_semaphore, #tpu.memory_space<semaphore_mem>>
      %dma_start3A_757 = arith.constant 0 : i32
      %dma_start3A_758 = arith.constant 0 : i32
      %dma_start3A_759 = tpu.memref_slice %arg17[%dma_start3A_757, %dma_start3A_758] : memref<80x128xf32, #tpu.memory_space<vmem>> -> memref<80x128xf32, #tpu.memory_space<vmem>>
      %dma_start3A_760 = arith.constant 0 : i32
      %dma_start3A_761 = tpu.memref_slice %arg4[%arg0, %add3A_740, %dma_start3A_760] : memref<2x10000x128xf32, #tpu.memory_space<hbm>> -> memref<1x80x128xf32, #tpu.memory_space<hbm>>
      %dma_start3A_762 = tpu.memref_squeeze %dma_start3A_761 : memref<1x80x128xf32, #tpu.memory_space<hbm>> -> memref<80x128xf32, #tpu.memory_space<hbm>>
      %dma_start3A_763 = arith.constant 0 : i32
      %dma_start3A_764 = tpu.memref_slice %arg4[%arg0, %add3A_740, %dma_start3A_763] : memref<2x10000x128xf32, #tpu.memory_space<hbm>> -> memref<1x80x128xf32, #tpu.memory_space<hbm>>
      %dma_start3A_765 = tpu.memref_squeeze %dma_start3A_764 : memref<1x80x128xf32, #tpu.memory_space<hbm>> -> memref<80x128xf32, #tpu.memory_space<hbm>>
      %dma_start3A_766 = arith.constant 0 : i32
      %dma_start3A_767 = arith.constant 0 : i32
      %dma_start3A_768 = tpu.memref_slice %arg17[%dma_start3A_766, %dma_start3A_767] : memref<80x128xf32, #tpu.memory_space<vmem>> -> memref<80x128xf32, #tpu.memory_space<vmem>>
      tpu.enqueue_dma source(%dma_start3A_768 : memref<80x128xf32, #tpu.memory_space<vmem>>) target(%dma_start3A_765 : memref<80x128xf32, #tpu.memory_space<hbm>>) target_semaphore(%run_scoped3A : memref<!tpu.dma_semaphore, #tpu.memory_space<semaphore_mem>>)
      %dma_wait3A_769 = arith.constant 0 : i32
      %dma_wait3A_770 = arith.constant 0 : i32
      %dma_wait3A_771 = tpu.memref_slice %arg17[%dma_wait3A_769, %dma_wait3A_770] : memref<80x128xf32, #tpu.memory_space<vmem>> -> memref<80x128xf32, #tpu.memory_space<vmem>>
      %dma_wait3A_772 = arith.constant 0 : i32
      %dma_wait3A_773 = tpu.memref_slice %arg4[%arg0, %add3A_740, %dma_wait3A_772] : memref<2x10000x128xf32, #tpu.memory_space<hbm>> -> memref<1x80x128xf32, #tpu.memory_space<hbm>>
      %dma_wait3A_774 = tpu.memref_squeeze %dma_wait3A_773 : memref<1x80x128xf32, #tpu.memory_space<hbm>> -> memref<80x128xf32, #tpu.memory_space<hbm>>
      %dma_wait3A_775 = arith.constant 0 : i32
      %dma_wait3A_776 = tpu.memref_slice %arg4[%arg0, %add3A_740, %dma_wait3A_775] : memref<2x10000x128xf32, #tpu.memory_space<hbm>> -> memref<1x80x128xf32, #tpu.memory_space<hbm>>
      %dma_wait3A_777 = tpu.memref_squeeze %dma_wait3A_776 : memref<1x80x128xf32, #tpu.memory_space<hbm>> -> memref<80x128xf32, #tpu.memory_space<hbm>>
      %dma_wait3A_778 = arith.constant 0 : i32
      %dma_wait3A_779 = arith.constant 0 : i32
      %dma_wait3A_780 = tpu.memref_slice %arg17[%dma_wait3A_778, %dma_wait3A_779] : memref<80x128xf32, #tpu.memory_space<vmem>> -> memref<80x128xf32, #tpu.memory_space<vmem>>
      tpu.wait_dma2 semaphore(%run_scoped3A : memref<!tpu.dma_semaphore, #tpu.memory_space<semaphore_mem>>) src(%dma_wait3A_780 : memref<80x128xf32, #tpu.memory_space<vmem>>) dst(%dma_wait3A_777 : memref<80x128xf32, #tpu.memory_space<hbm>>)
      tpu.yield
    }) : () -> ()
    "tpu.region"() ({
      %run_scoped3A = tpu.sem_alloc : memref<!tpu.dma_semaphore, #tpu.memory_space<semaphore_mem>>
      %dma_start3A_757 = arith.constant 0 : i32
      %dma_start3A_758 = arith.constant 0 : i32
      %dma_start3A_759 = tpu.memref_slice %arg19[%dma_start3A_757, %dma_start3A_758] : memref<80x16xf32, #tpu.memory_space<vmem>> -> memref<80x16xf32, #tpu.memory_space<vmem>>
      %dma_start3A_760 = arith.constant 0 : i32
      %dma_start3A_761 = tpu.memref_slice %arg21[%add3A_740, %dma_start3A_760] : memref<10000x16xf32, #tpu.memory_space<vmem_shared>> -> memref<80x16xf32, #tpu.memory_space<vmem_shared>>
      %dma_start3A_762 = arith.constant 0 : i32
      %dma_start3A_763 = arith.constant 0 : i32
      %dma_start3A_764 = tpu.memref_slice %arg19[%dma_start3A_762, %dma_start3A_763] : memref<80x16xf32, #tpu.memory_space<vmem>> -> memref<80x16xf32, #tpu.memory_space<vmem>>
      %dma_start3A_765 = arith.constant 0 : i32
      %dma_start3A_766 = tpu.memref_slice %arg21[%add3A_740, %dma_start3A_765] : memref<10000x16xf32, #tpu.memory_space<vmem_shared>> -> memref<80x16xf32, #tpu.memory_space<vmem_shared>>
      tpu.enqueue_dma source(%dma_start3A_766 : memref<80x16xf32, #tpu.memory_space<vmem_shared>>) target(%dma_start3A_764 : memref<80x16xf32, #tpu.memory_space<vmem>>) target_semaphore(%run_scoped3A : memref<!tpu.dma_semaphore, #tpu.memory_space<semaphore_mem>>)
      %dma_wait3A_767 = arith.constant 0 : i32
      %dma_wait3A_768 = arith.constant 0 : i32
      %dma_wait3A_769 = tpu.memref_slice %arg19[%dma_wait3A_767, %dma_wait3A_768] : memref<80x16xf32, #tpu.memory_space<vmem>> -> memref<80x16xf32, #tpu.memory_space<vmem>>
      %dma_wait3A_770 = arith.constant 0 : i32
      %dma_wait3A_771 = tpu.memref_slice %arg21[%add3A_740, %dma_wait3A_770] : memref<10000x16xf32, #tpu.memory_space<vmem_shared>> -> memref<80x16xf32, #tpu.memory_space<vmem_shared>>
      %dma_wait3A_772 = arith.constant 0 : i32
      %dma_wait3A_773 = arith.constant 0 : i32
      %dma_wait3A_774 = tpu.memref_slice %arg19[%dma_wait3A_772, %dma_wait3A_773] : memref<80x16xf32, #tpu.memory_space<vmem>> -> memref<80x16xf32, #tpu.memory_space<vmem>>
      %dma_wait3A_775 = arith.constant 0 : i32
      %dma_wait3A_776 = tpu.memref_slice %arg21[%add3A_740, %dma_wait3A_775] : memref<10000x16xf32, #tpu.memory_space<vmem_shared>> -> memref<80x16xf32, #tpu.memory_space<vmem_shared>>
      tpu.wait_dma2 semaphore(%run_scoped3A : memref<!tpu.dma_semaphore, #tpu.memory_space<semaphore_mem>>) src(%dma_wait3A_776 : memref<80x16xf32, #tpu.memory_space<vmem_shared>>) dst(%dma_wait3A_774 : memref<80x16xf32, #tpu.memory_space<vmem>>)
      tpu.yield
    }) : () -> ()
    "tpu.region"() ({
      %run_scoped3A = tpu.sem_alloc : memref<!tpu.dma_semaphore, #tpu.memory_space<semaphore_mem>>
      %dma_start3A_757 = arith.constant 0 : i32
      %dma_start3A_758 = arith.constant 0 : i32
      %dma_start3A_759 = tpu.memref_slice %arg19[%dma_start3A_757, %dma_start3A_758] : memref<80x16xf32, #tpu.memory_space<vmem>> -> memref<80x16xf32, #tpu.memory_space<vmem>>
      %dma_start3A_760 = arith.constant 0 : i32
      %dma_start3A_761 = tpu.memref_slice %arg5[%arg0, %add3A_740, %dma_start3A_760] : memref<2x10000x16xf32, #tpu.memory_space<hbm>> -> memref<1x80x16xf32, #tpu.memory_space<hbm>>
      %dma_start3A_762 = tpu.memref_squeeze %dma_start3A_761 : memref<1x80x16xf32, #tpu.memory_space<hbm>> -> memref<80x16xf32, #tpu.memory_space<hbm>>
      %dma_start3A_763 = arith.constant 0 : i32
      %dma_start3A_764 = tpu.memref_slice %arg5[%arg0, %add3A_740, %dma_start3A_763] : memref<2x10000x16xf32, #tpu.memory_space<hbm>> -> memref<1x80x16xf32, #tpu.memory_space<hbm>>
      %dma_start3A_765 = tpu.memref_squeeze %dma_start3A_764 : memref<1x80x16xf32, #tpu.memory_space<hbm>> -> memref<80x16xf32, #tpu.memory_space<hbm>>
      %dma_start3A_766 = arith.constant 0 : i32
      %dma_start3A_767 = arith.constant 0 : i32
      %dma_start3A_768 = tpu.memref_slice %arg19[%dma_start3A_766, %dma_start3A_767] : memref<80x16xf32, #tpu.memory_space<vmem>> -> memref<80x16xf32, #tpu.memory_space<vmem>>
      tpu.enqueue_dma source(%dma_start3A_768 : memref<80x16xf32, #tpu.memory_space<vmem>>) target(%dma_start3A_765 : memref<80x16xf32, #tpu.memory_space<hbm>>) target_semaphore(%run_scoped3A : memref<!tpu.dma_semaphore, #tpu.memory_space<semaphore_mem>>)
      %dma_wait3A_769 = arith.constant 0 : i32
      %dma_wait3A_770 = arith.constant 0 : i32
      %dma_wait3A_771 = tpu.memref_slice %arg19[%dma_wait3A_769, %dma_wait3A_770] : memref<80x16xf32, #tpu.memory_space<vmem>> -> memref<80x16xf32, #tpu.memory_space<vmem>>
      %dma_wait3A_772 = arith.constant 0 : i32
      %dma_wait3A_773 = tpu.memref_slice %arg5[%arg0, %add3A_740, %dma_wait3A_772] : memref<2x10000x16xf32, #tpu.memory_space<hbm>> -> memref<1x80x16xf32, #tpu.memory_space<hbm>>
      %dma_wait3A_774 = tpu.memref_squeeze %dma_wait3A_773 : memref<1x80x16xf32, #tpu.memory_space<hbm>> -> memref<80x16xf32, #tpu.memory_space<hbm>>
      %dma_wait3A_775 = arith.constant 0 : i32
      %dma_wait3A_776 = tpu.memref_slice %arg5[%arg0, %add3A_740, %dma_wait3A_775] : memref<2x10000x16xf32, #tpu.memory_space<hbm>> -> memref<1x80x16xf32, #tpu.memory_space<hbm>>
      %dma_wait3A_777 = tpu.memref_squeeze %dma_wait3A_776 : memref<1x80x16xf32, #tpu.memory_space<hbm>> -> memref<80x16xf32, #tpu.memory_space<hbm>>
      %dma_wait3A_778 = arith.constant 0 : i32
      %dma_wait3A_779 = arith.constant 0 : i32
      %dma_wait3A_780 = tpu.memref_slice %arg19[%dma_wait3A_778, %dma_wait3A_779] : memref<80x16xf32, #tpu.memory_space<vmem>> -> memref<80x16xf32, #tpu.memory_space<vmem>>
      tpu.wait_dma2 semaphore(%run_scoped3A : memref<!tpu.dma_semaphore, #tpu.memory_space<semaphore_mem>>) src(%dma_wait3A_780 : memref<80x16xf32, #tpu.memory_space<vmem>>) dst(%dma_wait3A_777 : memref<80x16xf32, #tpu.memory_space<hbm>>)
      tpu.yield
    }) : () -> ()
    %add3A_741 = arith.constant 240 : i32
    %add3A_742 = arith.addi %mul3A_2, %add3A_741 : i32
    "tpu.region"() ({
      %run_scoped3A = tpu.sem_alloc : memref<!tpu.dma_semaphore, #tpu.memory_space<semaphore_mem>>
      %dma_start3A_757 = arith.constant 0 : i32
      %dma_start3A_758 = arith.constant 0 : i32
      %dma_start3A_759 = tpu.memref_slice %arg17[%dma_start3A_757, %dma_start3A_758] : memref<80x128xf32, #tpu.memory_space<vmem>> -> memref<80x128xf32, #tpu.memory_space<vmem>>
      %dma_start3A_760 = arith.constant 0 : i32
      %dma_start3A_761 = tpu.memref_slice %arg20[%add3A_742, %dma_start3A_760] : memref<10000x128xf32, #tpu.memory_space<vmem_shared>> -> memref<80x128xf32, #tpu.memory_space<vmem_shared>>
      %dma_start3A_762 = arith.constant 0 : i32
      %dma_start3A_763 = arith.constant 0 : i32
      %dma_start3A_764 = tpu.memref_slice %arg17[%dma_start3A_762, %dma_start3A_763] : memref<80x128xf32, #tpu.memory_space<vmem>> -> memref<80x128xf32, #tpu.memory_space<vmem>>
      %dma_start3A_765 = arith.constant 0 : i32
      %dma_start3A_766 = tpu.memref_slice %arg20[%add3A_742, %dma_start3A_765] : memref<10000x128xf32, #tpu.memory_space<vmem_shared>> -> memref<80x128xf32, #tpu.memory_space<vmem_shared>>
      tpu.enqueue_dma source(%dma_start3A_766 : memref<80x128xf32, #tpu.memory_space<vmem_shared>>) target(%dma_start3A_764 : memref<80x128xf32, #tpu.memory_space<vmem>>) target_semaphore(%run_scoped3A : memref<!tpu.dma_semaphore, #tpu.memory_space<semaphore_mem>>)
      %dma_wait3A_767 = arith.constant 0 : i32
      %dma_wait3A_768 = arith.constant 0 : i32
      %dma_wait3A_769 = tpu.memref_slice %arg17[%dma_wait3A_767, %dma_wait3A_768] : memref<80x128xf32, #tpu.memory_space<vmem>> -> memref<80x128xf32, #tpu.memory_space<vmem>>
      %dma_wait3A_770 = arith.constant 0 : i32
      %dma_wait3A_771 = tpu.memref_slice %arg20[%add3A_742, %dma_wait3A_770] : memref<10000x128xf32, #tpu.memory_space<vmem_shared>> -> memref<80x128xf32, #tpu.memory_space<vmem_shared>>
      %dma_wait3A_772 = arith.constant 0 : i32
      %dma_wait3A_773 = arith.constant 0 : i32
      %dma_wait3A_774 = tpu.memref_slice %arg17[%dma_wait3A_772, %dma_wait3A_773] : memref<80x128xf32, #tpu.memory_space<vmem>> -> memref<80x128xf32, #tpu.memory_space<vmem>>
      %dma_wait3A_775 = arith.constant 0 : i32
      %dma_wait3A_776 = tpu.memref_slice %arg20[%add3A_742, %dma_wait3A_775] : memref<10000x128xf32, #tpu.memory_space<vmem_shared>> -> memref<80x128xf32, #tpu.memory_space<vmem_shared>>
      tpu.wait_dma2 semaphore(%run_scoped3A : memref<!tpu.dma_semaphore, #tpu.memory_space<semaphore_mem>>) src(%dma_wait3A_776 : memref<80x128xf32, #tpu.memory_space<vmem_shared>>) dst(%dma_wait3A_774 : memref<80x128xf32, #tpu.memory_space<vmem>>)
      tpu.yield
    }) : () -> ()
    "tpu.region"() ({
      %run_scoped3A = tpu.sem_alloc : memref<!tpu.dma_semaphore, #tpu.memory_space<semaphore_mem>>
      %dma_start3A_757 = arith.constant 0 : i32
      %dma_start3A_758 = arith.constant 0 : i32
      %dma_start3A_759 = tpu.memref_slice %arg17[%dma_start3A_757, %dma_start3A_758] : memref<80x128xf32, #tpu.memory_space<vmem>> -> memref<80x128xf32, #tpu.memory_space<vmem>>
      %dma_start3A_760 = arith.constant 0 : i32
      %dma_start3A_761 = tpu.memref_slice %arg4[%arg0, %add3A_742, %dma_start3A_760] : memref<2x10000x128xf32, #tpu.memory_space<hbm>> -> memref<1x80x128xf32, #tpu.memory_space<hbm>>
      %dma_start3A_762 = tpu.memref_squeeze %dma_start3A_761 : memref<1x80x128xf32, #tpu.memory_space<hbm>> -> memref<80x128xf32, #tpu.memory_space<hbm>>
      %dma_start3A_763 = arith.constant 0 : i32
      %dma_start3A_764 = tpu.memref_slice %arg4[%arg0, %add3A_742, %dma_start3A_763] : memref<2x10000x128xf32, #tpu.memory_space<hbm>> -> memref<1x80x128xf32, #tpu.memory_space<hbm>>
      %dma_start3A_765 = tpu.memref_squeeze %dma_start3A_764 : memref<1x80x128xf32, #tpu.memory_space<hbm>> -> memref<80x128xf32, #tpu.memory_space<hbm>>
      %dma_start3A_766 = arith.constant 0 : i32
      %dma_start3A_767 = arith.constant 0 : i32
      %dma_start3A_768 = tpu.memref_slice %arg17[%dma_start3A_766, %dma_start3A_767] : memref<80x128xf32, #tpu.memory_space<vmem>> -> memref<80x128xf32, #tpu.memory_space<vmem>>
      tpu.enqueue_dma source(%dma_start3A_768 : memref<80x128xf32, #tpu.memory_space<vmem>>) target(%dma_start3A_765 : memref<80x128xf32, #tpu.memory_space<hbm>>) target_semaphore(%run_scoped3A : memref<!tpu.dma_semaphore, #tpu.memory_space<semaphore_mem>>)
      %dma_wait3A_769 = arith.constant 0 : i32
      %dma_wait3A_770 = arith.constant 0 : i32
      %dma_wait3A_771 = tpu.memref_slice %arg17[%dma_wait3A_769, %dma_wait3A_770] : memref<80x128xf32, #tpu.memory_space<vmem>> -> memref<80x128xf32, #tpu.memory_space<vmem>>
      %dma_wait3A_772 = arith.constant 0 : i32
      %dma_wait3A_773 = tpu.memref_slice %arg4[%arg0, %add3A_742, %dma_wait3A_772] : memref<2x10000x128xf32, #tpu.memory_space<hbm>> -> memref<1x80x128xf32, #tpu.memory_space<hbm>>
      %dma_wait3A_774 = tpu.memref_squeeze %dma_wait3A_773 : memref<1x80x128xf32, #tpu.memory_space<hbm>> -> memref<80x128xf32, #tpu.memory_space<hbm>>
      %dma_wait3A_775 = arith.constant 0 : i32
      %dma_wait3A_776 = tpu.memref_slice %arg4[%arg0, %add3A_742, %dma_wait3A_775] : memref<2x10000x128xf32, #tpu.memory_space<hbm>> -> memref<1x80x128xf32, #tpu.memory_space<hbm>>
      %dma_wait3A_777 = tpu.memref_squeeze %dma_wait3A_776 : memref<1x80x128xf32, #tpu.memory_space<hbm>> -> memref<80x128xf32, #tpu.memory_space<hbm>>
      %dma_wait3A_778 = arith.constant 0 : i32
      %dma_wait3A_779 = arith.constant 0 : i32
      %dma_wait3A_780 = tpu.memref_slice %arg17[%dma_wait3A_778, %dma_wait3A_779] : memref<80x128xf32, #tpu.memory_space<vmem>> -> memref<80x128xf32, #tpu.memory_space<vmem>>
      tpu.wait_dma2 semaphore(%run_scoped3A : memref<!tpu.dma_semaphore, #tpu.memory_space<semaphore_mem>>) src(%dma_wait3A_780 : memref<80x128xf32, #tpu.memory_space<vmem>>) dst(%dma_wait3A_777 : memref<80x128xf32, #tpu.memory_space<hbm>>)
      tpu.yield
    }) : () -> ()
    "tpu.region"() ({
      %run_scoped3A = tpu.sem_alloc : memref<!tpu.dma_semaphore, #tpu.memory_space<semaphore_mem>>
      %dma_start3A_757 = arith.constant 0 : i32
      %dma_start3A_758 = arith.constant 0 : i32
      %dma_start3A_759 = tpu.memref_slice %arg19[%dma_start3A_757, %dma_start3A_758] : memref<80x16xf32, #tpu.memory_space<vmem>> -> memref<80x16xf32, #tpu.memory_space<vmem>>
      %dma_start3A_760 = arith.constant 0 : i32
      %dma_start3A_761 = tpu.memref_slice %arg21[%add3A_742, %dma_start3A_760] : memref<10000x16xf32, #tpu.memory_space<vmem_shared>> -> memref<80x16xf32, #tpu.memory_space<vmem_shared>>
      %dma_start3A_762 = arith.constant 0 : i32
      %dma_start3A_763 = arith.constant 0 : i32
      %dma_start3A_764 = tpu.memref_slice %arg19[%dma_start3A_762, %dma_start3A_763] : memref<80x16xf32, #tpu.memory_space<vmem>> -> memref<80x16xf32, #tpu.memory_space<vmem>>
      %dma_start3A_765 = arith.constant 0 : i32
      %dma_start3A_766 = tpu.memref_slice %arg21[%add3A_742, %dma_start3A_765] : memref<10000x16xf32, #tpu.memory_space<vmem_shared>> -> memref<80x16xf32, #tpu.memory_space<vmem_shared>>
      tpu.enqueue_dma source(%dma_start3A_766 : memref<80x16xf32, #tpu.memory_space<vmem_shared>>) target(%dma_start3A_764 : memref<80x16xf32, #tpu.memory_space<vmem>>) target_semaphore(%run_scoped3A : memref<!tpu.dma_semaphore, #tpu.memory_space<semaphore_mem>>)
      %dma_wait3A_767 = arith.constant 0 : i32
      %dma_wait3A_768 = arith.constant 0 : i32
      %dma_wait3A_769 = tpu.memref_slice %arg19[%dma_wait3A_767, %dma_wait3A_768] : memref<80x16xf32, #tpu.memory_space<vmem>> -> memref<80x16xf32, #tpu.memory_space<vmem>>
      %dma_wait3A_770 = arith.constant 0 : i32
      %dma_wait3A_771 = tpu.memref_slice %arg21[%add3A_742, %dma_wait3A_770] : memref<10000x16xf32, #tpu.memory_space<vmem_shared>> -> memref<80x16xf32, #tpu.memory_space<vmem_shared>>
      %dma_wait3A_772 = arith.constant 0 : i32
      %dma_wait3A_773 = arith.constant 0 : i32
      %dma_wait3A_774 = tpu.memref_slice %arg19[%dma_wait3A_772, %dma_wait3A_773] : memref<80x16xf32, #tpu.memory_space<vmem>> -> memref<80x16xf32, #tpu.memory_space<vmem>>
      %dma_wait3A_775 = arith.constant 0 : i32
      %dma_wait3A_776 = tpu.memref_slice %arg21[%add3A_742, %dma_wait3A_775] : memref<10000x16xf32, #tpu.memory_space<vmem_shared>> -> memref<80x16xf32, #tpu.memory_space<vmem_shared>>
      tpu.wait_dma2 semaphore(%run_scoped3A : memref<!tpu.dma_semaphore, #tpu.memory_space<semaphore_mem>>) src(%dma_wait3A_776 : memref<80x16xf32, #tpu.memory_space<vmem_shared>>) dst(%dma_wait3A_774 : memref<80x16xf32, #tpu.memory_space<vmem>>)
      tpu.yield
    }) : () -> ()
    "tpu.region"() ({
      %run_scoped3A = tpu.sem_alloc : memref<!tpu.dma_semaphore, #tpu.memory_space<semaphore_mem>>
      %dma_start3A_757 = arith.constant 0 : i32
      %dma_start3A_758 = arith.constant 0 : i32
      %dma_start3A_759 = tpu.memref_slice %arg19[%dma_start3A_757, %dma_start3A_758] : memref<80x16xf32, #tpu.memory_space<vmem>> -> memref<80x16xf32, #tpu.memory_space<vmem>>
      %dma_start3A_760 = arith.constant 0 : i32
      %dma_start3A_761 = tpu.memref_slice %arg5[%arg0, %add3A_742, %dma_start3A_760] : memref<2x10000x16xf32, #tpu.memory_space<hbm>> -> memref<1x80x16xf32, #tpu.memory_space<hbm>>
      %dma_start3A_762 = tpu.memref_squeeze %dma_start3A_761 : memref<1x80x16xf32, #tpu.memory_space<hbm>> -> memref<80x16xf32, #tpu.memory_space<hbm>>
      %dma_start3A_763 = arith.constant 0 : i32
      %dma_start3A_764 = tpu.memref_slice %arg5[%arg0, %add3A_742, %dma_start3A_763] : memref<2x10000x16xf32, #tpu.memory_space<hbm>> -> memref<1x80x16xf32, #tpu.memory_space<hbm>>
      %dma_start3A_765 = tpu.memref_squeeze %dma_start3A_764 : memref<1x80x16xf32, #tpu.memory_space<hbm>> -> memref<80x16xf32, #tpu.memory_space<hbm>>
      %dma_start3A_766 = arith.constant 0 : i32
      %dma_start3A_767 = arith.constant 0 : i32
      %dma_start3A_768 = tpu.memref_slice %arg19[%dma_start3A_766, %dma_start3A_767] : memref<80x16xf32, #tpu.memory_space<vmem>> -> memref<80x16xf32, #tpu.memory_space<vmem>>
      tpu.enqueue_dma source(%dma_start3A_768 : memref<80x16xf32, #tpu.memory_space<vmem>>) target(%dma_start3A_765 : memref<80x16xf32, #tpu.memory_space<hbm>>) target_semaphore(%run_scoped3A : memref<!tpu.dma_semaphore, #tpu.memory_space<semaphore_mem>>)
      %dma_wait3A_769 = arith.constant 0 : i32
      %dma_wait3A_770 = arith.constant 0 : i32
      %dma_wait3A_771 = tpu.memref_slice %arg19[%dma_wait3A_769, %dma_wait3A_770] : memref<80x16xf32, #tpu.memory_space<vmem>> -> memref<80x16xf32, #tpu.memory_space<vmem>>
      %dma_wait3A_772 = arith.constant 0 : i32
      %dma_wait3A_773 = tpu.memref_slice %arg5[%arg0, %add3A_742, %dma_wait3A_772] : memref<2x10000x16xf32, #tpu.memory_space<hbm>> -> memref<1x80x16xf32, #tpu.memory_space<hbm>>
      %dma_wait3A_774 = tpu.memref_squeeze %dma_wait3A_773 : memref<1x80x16xf32, #tpu.memory_space<hbm>> -> memref<80x16xf32, #tpu.memory_space<hbm>>
      %dma_wait3A_775 = arith.constant 0 : i32
      %dma_wait3A_776 = tpu.memref_slice %arg5[%arg0, %add3A_742, %dma_wait3A_775] : memref<2x10000x16xf32, #tpu.memory_space<hbm>> -> memref<1x80x16xf32, #tpu.memory_space<hbm>>
      %dma_wait3A_777 = tpu.memref_squeeze %dma_wait3A_776 : memref<1x80x16xf32, #tpu.memory_space<hbm>> -> memref<80x16xf32, #tpu.memory_space<hbm>>
      %dma_wait3A_778 = arith.constant 0 : i32
      %dma_wait3A_779 = arith.constant 0 : i32
      %dma_wait3A_780 = tpu.memref_slice %arg19[%dma_wait3A_778, %dma_wait3A_779] : memref<80x16xf32, #tpu.memory_space<vmem>> -> memref<80x16xf32, #tpu.memory_space<vmem>>
      tpu.wait_dma2 semaphore(%run_scoped3A : memref<!tpu.dma_semaphore, #tpu.memory_space<semaphore_mem>>) src(%dma_wait3A_780 : memref<80x16xf32, #tpu.memory_space<vmem>>) dst(%dma_wait3A_777 : memref<80x16xf32, #tpu.memory_space<hbm>>)
      tpu.yield
    }) : () -> ()
    %add3A_743 = arith.constant 320 : i32
    %add3A_744 = arith.addi %mul3A_2, %add3A_743 : i32
    "tpu.region"() ({
      %run_scoped3A = tpu.sem_alloc : memref<!tpu.dma_semaphore, #tpu.memory_space<semaphore_mem>>
      %dma_start3A_757 = arith.constant 0 : i32
      %dma_start3A_758 = arith.constant 0 : i32
      %dma_start3A_759 = tpu.memref_slice %arg17[%dma_start3A_757, %dma_start3A_758] : memref<80x128xf32, #tpu.memory_space<vmem>> -> memref<80x128xf32, #tpu.memory_space<vmem>>
      %dma_start3A_760 = arith.constant 0 : i32
      %dma_start3A_761 = tpu.memref_slice %arg20[%add3A_744, %dma_start3A_760] : memref<10000x128xf32, #tpu.memory_space<vmem_shared>> -> memref<80x128xf32, #tpu.memory_space<vmem_shared>>
      %dma_start3A_762 = arith.constant 0 : i32
      %dma_start3A_763 = arith.constant 0 : i32
      %dma_start3A_764 = tpu.memref_slice %arg17[%dma_start3A_762, %dma_start3A_763] : memref<80x128xf32, #tpu.memory_space<vmem>> -> memref<80x128xf32, #tpu.memory_space<vmem>>
      %dma_start3A_765 = arith.constant 0 : i32
      %dma_start3A_766 = tpu.memref_slice %arg20[%add3A_744, %dma_start3A_765] : memref<10000x128xf32, #tpu.memory_space<vmem_shared>> -> memref<80x128xf32, #tpu.memory_space<vmem_shared>>
      tpu.enqueue_dma source(%dma_start3A_766 : memref<80x128xf32, #tpu.memory_space<vmem_shared>>) target(%dma_start3A_764 : memref<80x128xf32, #tpu.memory_space<vmem>>) target_semaphore(%run_scoped3A : memref<!tpu.dma_semaphore, #tpu.memory_space<semaphore_mem>>)
      %dma_wait3A_767 = arith.constant 0 : i32
      %dma_wait3A_768 = arith.constant 0 : i32
      %dma_wait3A_769 = tpu.memref_slice %arg17[%dma_wait3A_767, %dma_wait3A_768] : memref<80x128xf32, #tpu.memory_space<vmem>> -> memref<80x128xf32, #tpu.memory_space<vmem>>
      %dma_wait3A_770 = arith.constant 0 : i32
      %dma_wait3A_771 = tpu.memref_slice %arg20[%add3A_744, %dma_wait3A_770] : memref<10000x128xf32, #tpu.memory_space<vmem_shared>> -> memref<80x128xf32, #tpu.memory_space<vmem_shared>>
      %dma_wait3A_772 = arith.constant 0 : i32
      %dma_wait3A_773 = arith.constant 0 : i32
      %dma_wait3A_774 = tpu.memref_slice %arg17[%dma_wait3A_772, %dma_wait3A_773] : memref<80x128xf32, #tpu.memory_space<vmem>> -> memref<80x128xf32, #tpu.memory_space<vmem>>
      %dma_wait3A_775 = arith.constant 0 : i32
      %dma_wait3A_776 = tpu.memref_slice %arg20[%add3A_744, %dma_wait3A_775] : memref<10000x128xf32, #tpu.memory_space<vmem_shared>> -> memref<80x128xf32, #tpu.memory_space<vmem_shared>>
      tpu.wait_dma2 semaphore(%run_scoped3A : memref<!tpu.dma_semaphore, #tpu.memory_space<semaphore_mem>>) src(%dma_wait3A_776 : memref<80x128xf32, #tpu.memory_space<vmem_shared>>) dst(%dma_wait3A_774 : memref<80x128xf32, #tpu.memory_space<vmem>>)
      tpu.yield
    }) : () -> ()
    "tpu.region"() ({
      %run_scoped3A = tpu.sem_alloc : memref<!tpu.dma_semaphore, #tpu.memory_space<semaphore_mem>>
      %dma_start3A_757 = arith.constant 0 : i32
      %dma_start3A_758 = arith.constant 0 : i32
      %dma_start3A_759 = tpu.memref_slice %arg17[%dma_start3A_757, %dma_start3A_758] : memref<80x128xf32, #tpu.memory_space<vmem>> -> memref<80x128xf32, #tpu.memory_space<vmem>>
      %dma_start3A_760 = arith.constant 0 : i32
      %dma_start3A_761 = tpu.memref_slice %arg4[%arg0, %add3A_744, %dma_start3A_760] : memref<2x10000x128xf32, #tpu.memory_space<hbm>> -> memref<1x80x128xf32, #tpu.memory_space<hbm>>
      %dma_start3A_762 = tpu.memref_squeeze %dma_start3A_761 : memref<1x80x128xf32, #tpu.memory_space<hbm>> -> memref<80x128xf32, #tpu.memory_space<hbm>>
      %dma_start3A_763 = arith.constant 0 : i32
      %dma_start3A_764 = tpu.memref_slice %arg4[%arg0, %add3A_744, %dma_start3A_763] : memref<2x10000x128xf32, #tpu.memory_space<hbm>> -> memref<1x80x128xf32, #tpu.memory_space<hbm>>
      %dma_start3A_765 = tpu.memref_squeeze %dma_start3A_764 : memref<1x80x128xf32, #tpu.memory_space<hbm>> -> memref<80x128xf32, #tpu.memory_space<hbm>>
      %dma_start3A_766 = arith.constant 0 : i32
      %dma_start3A_767 = arith.constant 0 : i32
      %dma_start3A_768 = tpu.memref_slice %arg17[%dma_start3A_766, %dma_start3A_767] : memref<80x128xf32, #tpu.memory_space<vmem>> -> memref<80x128xf32, #tpu.memory_space<vmem>>
      tpu.enqueue_dma source(%dma_start3A_768 : memref<80x128xf32, #tpu.memory_space<vmem>>) target(%dma_start3A_765 : memref<80x128xf32, #tpu.memory_space<hbm>>) target_semaphore(%run_scoped3A : memref<!tpu.dma_semaphore, #tpu.memory_space<semaphore_mem>>)
      %dma_wait3A_769 = arith.constant 0 : i32
      %dma_wait3A_770 = arith.constant 0 : i32
      %dma_wait3A_771 = tpu.memref_slice %arg17[%dma_wait3A_769, %dma_wait3A_770] : memref<80x128xf32, #tpu.memory_space<vmem>> -> memref<80x128xf32, #tpu.memory_space<vmem>>
      %dma_wait3A_772 = arith.constant 0 : i32
      %dma_wait3A_773 = tpu.memref_slice %arg4[%arg0, %add3A_744, %dma_wait3A_772] : memref<2x10000x128xf32, #tpu.memory_space<hbm>> -> memref<1x80x128xf32, #tpu.memory_space<hbm>>
      %dma_wait3A_774 = tpu.memref_squeeze %dma_wait3A_773 : memref<1x80x128xf32, #tpu.memory_space<hbm>> -> memref<80x128xf32, #tpu.memory_space<hbm>>
      %dma_wait3A_775 = arith.constant 0 : i32
      %dma_wait3A_776 = tpu.memref_slice %arg4[%arg0, %add3A_744, %dma_wait3A_775] : memref<2x10000x128xf32, #tpu.memory_space<hbm>> -> memref<1x80x128xf32, #tpu.memory_space<hbm>>
      %dma_wait3A_777 = tpu.memref_squeeze %dma_wait3A_776 : memref<1x80x128xf32, #tpu.memory_space<hbm>> -> memref<80x128xf32, #tpu.memory_space<hbm>>
      %dma_wait3A_778 = arith.constant 0 : i32
      %dma_wait3A_779 = arith.constant 0 : i32
      %dma_wait3A_780 = tpu.memref_slice %arg17[%dma_wait3A_778, %dma_wait3A_779] : memref<80x128xf32, #tpu.memory_space<vmem>> -> memref<80x128xf32, #tpu.memory_space<vmem>>
      tpu.wait_dma2 semaphore(%run_scoped3A : memref<!tpu.dma_semaphore, #tpu.memory_space<semaphore_mem>>) src(%dma_wait3A_780 : memref<80x128xf32, #tpu.memory_space<vmem>>) dst(%dma_wait3A_777 : memref<80x128xf32, #tpu.memory_space<hbm>>)
      tpu.yield
    }) : () -> ()
    "tpu.region"() ({
      %run_scoped3A = tpu.sem_alloc : memref<!tpu.dma_semaphore, #tpu.memory_space<semaphore_mem>>
      %dma_start3A_757 = arith.constant 0 : i32
      %dma_start3A_758 = arith.constant 0 : i32
      %dma_start3A_759 = tpu.memref_slice %arg19[%dma_start3A_757, %dma_start3A_758] : memref<80x16xf32, #tpu.memory_space<vmem>> -> memref<80x16xf32, #tpu.memory_space<vmem>>
      %dma_start3A_760 = arith.constant 0 : i32
      %dma_start3A_761 = tpu.memref_slice %arg21[%add3A_744, %dma_start3A_760] : memref<10000x16xf32, #tpu.memory_space<vmem_shared>> -> memref<80x16xf32, #tpu.memory_space<vmem_shared>>
      %dma_start3A_762 = arith.constant 0 : i32
      %dma_start3A_763 = arith.constant 0 : i32
      %dma_start3A_764 = tpu.memref_slice %arg19[%dma_start3A_762, %dma_start3A_763] : memref<80x16xf32, #tpu.memory_space<vmem>> -> memref<80x16xf32, #tpu.memory_space<vmem>>
      %dma_start3A_765 = arith.constant 0 : i32
      %dma_start3A_766 = tpu.memref_slice %arg21[%add3A_744, %dma_start3A_765] : memref<10000x16xf32, #tpu.memory_space<vmem_shared>> -> memref<80x16xf32, #tpu.memory_space<vmem_shared>>
      tpu.enqueue_dma source(%dma_start3A_766 : memref<80x16xf32, #tpu.memory_space<vmem_shared>>) target(%dma_start3A_764 : memref<80x16xf32, #tpu.memory_space<vmem>>) target_semaphore(%run_scoped3A : memref<!tpu.dma_semaphore, #tpu.memory_space<semaphore_mem>>)
      %dma_wait3A_767 = arith.constant 0 : i32
      %dma_wait3A_768 = arith.constant 0 : i32
      %dma_wait3A_769 = tpu.memref_slice %arg19[%dma_wait3A_767, %dma_wait3A_768] : memref<80x16xf32, #tpu.memory_space<vmem>> -> memref<80x16xf32, #tpu.memory_space<vmem>>
      %dma_wait3A_770 = arith.constant 0 : i32
      %dma_wait3A_771 = tpu.memref_slice %arg21[%add3A_744, %dma_wait3A_770] : memref<10000x16xf32, #tpu.memory_space<vmem_shared>> -> memref<80x16xf32, #tpu.memory_space<vmem_shared>>
      %dma_wait3A_772 = arith.constant 0 : i32
      %dma_wait3A_773 = arith.constant 0 : i32
      %dma_wait3A_774 = tpu.memref_slice %arg19[%dma_wait3A_772, %dma_wait3A_773] : memref<80x16xf32, #tpu.memory_space<vmem>> -> memref<80x16xf32, #tpu.memory_space<vmem>>
      %dma_wait3A_775 = arith.constant 0 : i32
      %dma_wait3A_776 = tpu.memref_slice %arg21[%add3A_744, %dma_wait3A_775] : memref<10000x16xf32, #tpu.memory_space<vmem_shared>> -> memref<80x16xf32, #tpu.memory_space<vmem_shared>>
      tpu.wait_dma2 semaphore(%run_scoped3A : memref<!tpu.dma_semaphore, #tpu.memory_space<semaphore_mem>>) src(%dma_wait3A_776 : memref<80x16xf32, #tpu.memory_space<vmem_shared>>) dst(%dma_wait3A_774 : memref<80x16xf32, #tpu.memory_space<vmem>>)
      tpu.yield
    }) : () -> ()
    "tpu.region"() ({
      %run_scoped3A = tpu.sem_alloc : memref<!tpu.dma_semaphore, #tpu.memory_space<semaphore_mem>>
      %dma_start3A_757 = arith.constant 0 : i32
      %dma_start3A_758 = arith.constant 0 : i32
      %dma_start3A_759 = tpu.memref_slice %arg19[%dma_start3A_757, %dma_start3A_758] : memref<80x16xf32, #tpu.memory_space<vmem>> -> memref<80x16xf32, #tpu.memory_space<vmem>>
      %dma_start3A_760 = arith.constant 0 : i32
      %dma_start3A_761 = tpu.memref_slice %arg5[%arg0, %add3A_744, %dma_start3A_760] : memref<2x10000x16xf32, #tpu.memory_space<hbm>> -> memref<1x80x16xf32, #tpu.memory_space<hbm>>
      %dma_start3A_762 = tpu.memref_squeeze %dma_start3A_761 : memref<1x80x16xf32, #tpu.memory_space<hbm>> -> memref<80x16xf32, #tpu.memory_space<hbm>>
      %dma_start3A_763 = arith.constant 0 : i32
      %dma_start3A_764 = tpu.memref_slice %arg5[%arg0, %add3A_744, %dma_start3A_763] : memref<2x10000x16xf32, #tpu.memory_space<hbm>> -> memref<1x80x16xf32, #tpu.memory_space<hbm>>
      %dma_start3A_765 = tpu.memref_squeeze %dma_start3A_764 : memref<1x80x16xf32, #tpu.memory_space<hbm>> -> memref<80x16xf32, #tpu.memory_space<hbm>>
      %dma_start3A_766 = arith.constant 0 : i32
      %dma_start3A_767 = arith.constant 0 : i32
      %dma_start3A_768 = tpu.memref_slice %arg19[%dma_start3A_766, %dma_start3A_767] : memref<80x16xf32, #tpu.memory_space<vmem>> -> memref<80x16xf32, #tpu.memory_space<vmem>>
      tpu.enqueue_dma source(%dma_start3A_768 : memref<80x16xf32, #tpu.memory_space<vmem>>) target(%dma_start3A_765 : memref<80x16xf32, #tpu.memory_space<hbm>>) target_semaphore(%run_scoped3A : memref<!tpu.dma_semaphore, #tpu.memory_space<semaphore_mem>>)
      %dma_wait3A_769 = arith.constant 0 : i32
      %dma_wait3A_770 = arith.constant 0 : i32
      %dma_wait3A_771 = tpu.memref_slice %arg19[%dma_wait3A_769, %dma_wait3A_770] : memref<80x16xf32, #tpu.memory_space<vmem>> -> memref<80x16xf32, #tpu.memory_space<vmem>>
      %dma_wait3A_772 = arith.constant 0 : i32
      %dma_wait3A_773 = tpu.memref_slice %arg5[%arg0, %add3A_744, %dma_wait3A_772] : memref<2x10000x16xf32, #tpu.memory_space<hbm>> -> memref<1x80x16xf32, #tpu.memory_space<hbm>>
      %dma_wait3A_774 = tpu.memref_squeeze %dma_wait3A_773 : memref<1x80x16xf32, #tpu.memory_space<hbm>> -> memref<80x16xf32, #tpu.memory_space<hbm>>
      %dma_wait3A_775 = arith.constant 0 : i32
      %dma_wait3A_776 = tpu.memref_slice %arg5[%arg0, %add3A_744, %dma_wait3A_775] : memref<2x10000x16xf32, #tpu.memory_space<hbm>> -> memref<1x80x16xf32, #tpu.memory_space<hbm>>
      %dma_wait3A_777 = tpu.memref_squeeze %dma_wait3A_776 : memref<1x80x16xf32, #tpu.memory_space<hbm>> -> memref<80x16xf32, #tpu.memory_space<hbm>>
      %dma_wait3A_778 = arith.constant 0 : i32
      %dma_wait3A_779 = arith.constant 0 : i32
      %dma_wait3A_780 = tpu.memref_slice %arg19[%dma_wait3A_778, %dma_wait3A_779] : memref<80x16xf32, #tpu.memory_space<vmem>> -> memref<80x16xf32, #tpu.memory_space<vmem>>
      tpu.wait_dma2 semaphore(%run_scoped3A : memref<!tpu.dma_semaphore, #tpu.memory_space<semaphore_mem>>) src(%dma_wait3A_780 : memref<80x16xf32, #tpu.memory_space<vmem>>) dst(%dma_wait3A_777 : memref<80x16xf32, #tpu.memory_space<hbm>>)
      tpu.yield
    }) : () -> ()
    %add3A_745 = arith.constant 400 : i32
    %add3A_746 = arith.addi %mul3A_2, %add3A_745 : i32
    "tpu.region"() ({
      %run_scoped3A = tpu.sem_alloc : memref<!tpu.dma_semaphore, #tpu.memory_space<semaphore_mem>>
      %dma_start3A_757 = arith.constant 0 : i32
      %dma_start3A_758 = arith.constant 0 : i32
      %dma_start3A_759 = tpu.memref_slice %arg17[%dma_start3A_757, %dma_start3A_758] : memref<80x128xf32, #tpu.memory_space<vmem>> -> memref<80x128xf32, #tpu.memory_space<vmem>>
      %dma_start3A_760 = arith.constant 0 : i32
      %dma_start3A_761 = tpu.memref_slice %arg20[%add3A_746, %dma_start3A_760] : memref<10000x128xf32, #tpu.memory_space<vmem_shared>> -> memref<80x128xf32, #tpu.memory_space<vmem_shared>>
      %dma_start3A_762 = arith.constant 0 : i32
      %dma_start3A_763 = arith.constant 0 : i32
      %dma_start3A_764 = tpu.memref_slice %arg17[%dma_start3A_762, %dma_start3A_763] : memref<80x128xf32, #tpu.memory_space<vmem>> -> memref<80x128xf32, #tpu.memory_space<vmem>>
      %dma_start3A_765 = arith.constant 0 : i32
      %dma_start3A_766 = tpu.memref_slice %arg20[%add3A_746, %dma_start3A_765] : memref<10000x128xf32, #tpu.memory_space<vmem_shared>> -> memref<80x128xf32, #tpu.memory_space<vmem_shared>>
      tpu.enqueue_dma source(%dma_start3A_766 : memref<80x128xf32, #tpu.memory_space<vmem_shared>>) target(%dma_start3A_764 : memref<80x128xf32, #tpu.memory_space<vmem>>) target_semaphore(%run_scoped3A : memref<!tpu.dma_semaphore, #tpu.memory_space<semaphore_mem>>)
      %dma_wait3A_767 = arith.constant 0 : i32
      %dma_wait3A_768 = arith.constant 0 : i32
      %dma_wait3A_769 = tpu.memref_slice %arg17[%dma_wait3A_767, %dma_wait3A_768] : memref<80x128xf32, #tpu.memory_space<vmem>> -> memref<80x128xf32, #tpu.memory_space<vmem>>
      %dma_wait3A_770 = arith.constant 0 : i32
      %dma_wait3A_771 = tpu.memref_slice %arg20[%add3A_746, %dma_wait3A_770] : memref<10000x128xf32, #tpu.memory_space<vmem_shared>> -> memref<80x128xf32, #tpu.memory_space<vmem_shared>>
      %dma_wait3A_772 = arith.constant 0 : i32
      %dma_wait3A_773 = arith.constant 0 : i32
      %dma_wait3A_774 = tpu.memref_slice %arg17[%dma_wait3A_772, %dma_wait3A_773] : memref<80x128xf32, #tpu.memory_space<vmem>> -> memref<80x128xf32, #tpu.memory_space<vmem>>
      %dma_wait3A_775 = arith.constant 0 : i32
      %dma_wait3A_776 = tpu.memref_slice %arg20[%add3A_746, %dma_wait3A_775] : memref<10000x128xf32, #tpu.memory_space<vmem_shared>> -> memref<80x128xf32, #tpu.memory_space<vmem_shared>>
      tpu.wait_dma2 semaphore(%run_scoped3A : memref<!tpu.dma_semaphore, #tpu.memory_space<semaphore_mem>>) src(%dma_wait3A_776 : memref<80x128xf32, #tpu.memory_space<vmem_shared>>) dst(%dma_wait3A_774 : memref<80x128xf32, #tpu.memory_space<vmem>>)
      tpu.yield
    }) : () -> ()
    "tpu.region"() ({
      %run_scoped3A = tpu.sem_alloc : memref<!tpu.dma_semaphore, #tpu.memory_space<semaphore_mem>>
      %dma_start3A_757 = arith.constant 0 : i32
      %dma_start3A_758 = arith.constant 0 : i32
      %dma_start3A_759 = tpu.memref_slice %arg17[%dma_start3A_757, %dma_start3A_758] : memref<80x128xf32, #tpu.memory_space<vmem>> -> memref<80x128xf32, #tpu.memory_space<vmem>>
      %dma_start3A_760 = arith.constant 0 : i32
      %dma_start3A_761 = tpu.memref_slice %arg4[%arg0, %add3A_746, %dma_start3A_760] : memref<2x10000x128xf32, #tpu.memory_space<hbm>> -> memref<1x80x128xf32, #tpu.memory_space<hbm>>
      %dma_start3A_762 = tpu.memref_squeeze %dma_start3A_761 : memref<1x80x128xf32, #tpu.memory_space<hbm>> -> memref<80x128xf32, #tpu.memory_space<hbm>>
      %dma_start3A_763 = arith.constant 0 : i32
      %dma_start3A_764 = tpu.memref_slice %arg4[%arg0, %add3A_746, %dma_start3A_763] : memref<2x10000x128xf32, #tpu.memory_space<hbm>> -> memref<1x80x128xf32, #tpu.memory_space<hbm>>
      %dma_start3A_765 = tpu.memref_squeeze %dma_start3A_764 : memref<1x80x128xf32, #tpu.memory_space<hbm>> -> memref<80x128xf32, #tpu.memory_space<hbm>>
      %dma_start3A_766 = arith.constant 0 : i32
      %dma_start3A_767 = arith.constant 0 : i32
      %dma_start3A_768 = tpu.memref_slice %arg17[%dma_start3A_766, %dma_start3A_767] : memref<80x128xf32, #tpu.memory_space<vmem>> -> memref<80x128xf32, #tpu.memory_space<vmem>>
      tpu.enqueue_dma source(%dma_start3A_768 : memref<80x128xf32, #tpu.memory_space<vmem>>) target(%dma_start3A_765 : memref<80x128xf32, #tpu.memory_space<hbm>>) target_semaphore(%run_scoped3A : memref<!tpu.dma_semaphore, #tpu.memory_space<semaphore_mem>>)
      %dma_wait3A_769 = arith.constant 0 : i32
      %dma_wait3A_770 = arith.constant 0 : i32
      %dma_wait3A_771 = tpu.memref_slice %arg17[%dma_wait3A_769, %dma_wait3A_770] : memref<80x128xf32, #tpu.memory_space<vmem>> -> memref<80x128xf32, #tpu.memory_space<vmem>>
      %dma_wait3A_772 = arith.constant 0 : i32
      %dma_wait3A_773 = tpu.memref_slice %arg4[%arg0, %add3A_746, %dma_wait3A_772] : memref<2x10000x128xf32, #tpu.memory_space<hbm>> -> memref<1x80x128xf32, #tpu.memory_space<hbm>>
      %dma_wait3A_774 = tpu.memref_squeeze %dma_wait3A_773 : memref<1x80x128xf32, #tpu.memory_space<hbm>> -> memref<80x128xf32, #tpu.memory_space<hbm>>
      %dma_wait3A_775 = arith.constant 0 : i32
      %dma_wait3A_776 = tpu.memref_slice %arg4[%arg0, %add3A_746, %dma_wait3A_775] : memref<2x10000x128xf32, #tpu.memory_space<hbm>> -> memref<1x80x128xf32, #tpu.memory_space<hbm>>
      %dma_wait3A_777 = tpu.memref_squeeze %dma_wait3A_776 : memref<1x80x128xf32, #tpu.memory_space<hbm>> -> memref<80x128xf32, #tpu.memory_space<hbm>>
      %dma_wait3A_778 = arith.constant 0 : i32
      %dma_wait3A_779 = arith.constant 0 : i32
      %dma_wait3A_780 = tpu.memref_slice %arg17[%dma_wait3A_778, %dma_wait3A_779] : memref<80x128xf32, #tpu.memory_space<vmem>> -> memref<80x128xf32, #tpu.memory_space<vmem>>
      tpu.wait_dma2 semaphore(%run_scoped3A : memref<!tpu.dma_semaphore, #tpu.memory_space<semaphore_mem>>) src(%dma_wait3A_780 : memref<80x128xf32, #tpu.memory_space<vmem>>) dst(%dma_wait3A_777 : memref<80x128xf32, #tpu.memory_space<hbm>>)
      tpu.yield
    }) : () -> ()
    "tpu.region"() ({
      %run_scoped3A = tpu.sem_alloc : memref<!tpu.dma_semaphore, #tpu.memory_space<semaphore_mem>>
      %dma_start3A_757 = arith.constant 0 : i32
      %dma_start3A_758 = arith.constant 0 : i32
      %dma_start3A_759 = tpu.memref_slice %arg19[%dma_start3A_757, %dma_start3A_758] : memref<80x16xf32, #tpu.memory_space<vmem>> -> memref<80x16xf32, #tpu.memory_space<vmem>>
      %dma_start3A_760 = arith.constant 0 : i32
      %dma_start3A_761 = tpu.memref_slice %arg21[%add3A_746, %dma_start3A_760] : memref<10000x16xf32, #tpu.memory_space<vmem_shared>> -> memref<80x16xf32, #tpu.memory_space<vmem_shared>>
      %dma_start3A_762 = arith.constant 0 : i32
      %dma_start3A_763 = arith.constant 0 : i32
      %dma_start3A_764 = tpu.memref_slice %arg19[%dma_start3A_762, %dma_start3A_763] : memref<80x16xf32, #tpu.memory_space<vmem>> -> memref<80x16xf32, #tpu.memory_space<vmem>>
      %dma_start3A_765 = arith.constant 0 : i32
      %dma_start3A_766 = tpu.memref_slice %arg21[%add3A_746, %dma_start3A_765] : memref<10000x16xf32, #tpu.memory_space<vmem_shared>> -> memref<80x16xf32, #tpu.memory_space<vmem_shared>>
      tpu.enqueue_dma source(%dma_start3A_766 : memref<80x16xf32, #tpu.memory_space<vmem_shared>>) target(%dma_start3A_764 : memref<80x16xf32, #tpu.memory_space<vmem>>) target_semaphore(%run_scoped3A : memref<!tpu.dma_semaphore, #tpu.memory_space<semaphore_mem>>)
      %dma_wait3A_767 = arith.constant 0 : i32
      %dma_wait3A_768 = arith.constant 0 : i32
      %dma_wait3A_769 = tpu.memref_slice %arg19[%dma_wait3A_767, %dma_wait3A_768] : memref<80x16xf32, #tpu.memory_space<vmem>> -> memref<80x16xf32, #tpu.memory_space<vmem>>
      %dma_wait3A_770 = arith.constant 0 : i32
      %dma_wait3A_771 = tpu.memref_slice %arg21[%add3A_746, %dma_wait3A_770] : memref<10000x16xf32, #tpu.memory_space<vmem_shared>> -> memref<80x16xf32, #tpu.memory_space<vmem_shared>>
      %dma_wait3A_772 = arith.constant 0 : i32
      %dma_wait3A_773 = arith.constant 0 : i32
      %dma_wait3A_774 = tpu.memref_slice %arg19[%dma_wait3A_772, %dma_wait3A_773] : memref<80x16xf32, #tpu.memory_space<vmem>> -> memref<80x16xf32, #tpu.memory_space<vmem>>
      %dma_wait3A_775 = arith.constant 0 : i32
      %dma_wait3A_776 = tpu.memref_slice %arg21[%add3A_746, %dma_wait3A_775] : memref<10000x16xf32, #tpu.memory_space<vmem_shared>> -> memref<80x16xf32, #tpu.memory_space<vmem_shared>>
      tpu.wait_dma2 semaphore(%run_scoped3A : memref<!tpu.dma_semaphore, #tpu.memory_space<semaphore_mem>>) src(%dma_wait3A_776 : memref<80x16xf32, #tpu.memory_space<vmem_shared>>) dst(%dma_wait3A_774 : memref<80x16xf32, #tpu.memory_space<vmem>>)
      tpu.yield
    }) : () -> ()
    "tpu.region"() ({
      %run_scoped3A = tpu.sem_alloc : memref<!tpu.dma_semaphore, #tpu.memory_space<semaphore_mem>>
      %dma_start3A_757 = arith.constant 0 : i32
      %dma_start3A_758 = arith.constant 0 : i32
      %dma_start3A_759 = tpu.memref_slice %arg19[%dma_start3A_757, %dma_start3A_758] : memref<80x16xf32, #tpu.memory_space<vmem>> -> memref<80x16xf32, #tpu.memory_space<vmem>>
      %dma_start3A_760 = arith.constant 0 : i32
      %dma_start3A_761 = tpu.memref_slice %arg5[%arg0, %add3A_746, %dma_start3A_760] : memref<2x10000x16xf32, #tpu.memory_space<hbm>> -> memref<1x80x16xf32, #tpu.memory_space<hbm>>
      %dma_start3A_762 = tpu.memref_squeeze %dma_start3A_761 : memref<1x80x16xf32, #tpu.memory_space<hbm>> -> memref<80x16xf32, #tpu.memory_space<hbm>>
      %dma_start3A_763 = arith.constant 0 : i32
      %dma_start3A_764 = tpu.memref_slice %arg5[%arg0, %add3A_746, %dma_start3A_763] : memref<2x10000x16xf32, #tpu.memory_space<hbm>> -> memref<1x80x16xf32, #tpu.memory_space<hbm>>
      %dma_start3A_765 = tpu.memref_squeeze %dma_start3A_764 : memref<1x80x16xf32, #tpu.memory_space<hbm>> -> memref<80x16xf32, #tpu.memory_space<hbm>>
      %dma_start3A_766 = arith.constant 0 : i32
      %dma_start3A_767 = arith.constant 0 : i32
      %dma_start3A_768 = tpu.memref_slice %arg19[%dma_start3A_766, %dma_start3A_767] : memref<80x16xf32, #tpu.memory_space<vmem>> -> memref<80x16xf32, #tpu.memory_space<vmem>>
      tpu.enqueue_dma source(%dma_start3A_768 : memref<80x16xf32, #tpu.memory_space<vmem>>) target(%dma_start3A_765 : memref<80x16xf32, #tpu.memory_space<hbm>>) target_semaphore(%run_scoped3A : memref<!tpu.dma_semaphore, #tpu.memory_space<semaphore_mem>>)
      %dma_wait3A_769 = arith.constant 0 : i32
      %dma_wait3A_770 = arith.constant 0 : i32
      %dma_wait3A_771 = tpu.memref_slice %arg19[%dma_wait3A_769, %dma_wait3A_770] : memref<80x16xf32, #tpu.memory_space<vmem>> -> memref<80x16xf32, #tpu.memory_space<vmem>>
      %dma_wait3A_772 = arith.constant 0 : i32
      %dma_wait3A_773 = tpu.memref_slice %arg5[%arg0, %add3A_746, %dma_wait3A_772] : memref<2x10000x16xf32, #tpu.memory_space<hbm>> -> memref<1x80x16xf32, #tpu.memory_space<hbm>>
      %dma_wait3A_774 = tpu.memref_squeeze %dma_wait3A_773 : memref<1x80x16xf32, #tpu.memory_space<hbm>> -> memref<80x16xf32, #tpu.memory_space<hbm>>
      %dma_wait3A_775 = arith.constant 0 : i32
      %dma_wait3A_776 = tpu.memref_slice %arg5[%arg0, %add3A_746, %dma_wait3A_775] : memref<2x10000x16xf32, #tpu.memory_space<hbm>> -> memref<1x80x16xf32, #tpu.memory_space<hbm>>
      %dma_wait3A_777 = tpu.memref_squeeze %dma_wait3A_776 : memref<1x80x16xf32, #tpu.memory_space<hbm>> -> memref<80x16xf32, #tpu.memory_space<hbm>>
      %dma_wait3A_778 = arith.constant 0 : i32
      %dma_wait3A_779 = arith.constant 0 : i32
      %dma_wait3A_780 = tpu.memref_slice %arg19[%dma_wait3A_778, %dma_wait3A_779] : memref<80x16xf32, #tpu.memory_space<vmem>> -> memref<80x16xf32, #tpu.memory_space<vmem>>
      tpu.wait_dma2 semaphore(%run_scoped3A : memref<!tpu.dma_semaphore, #tpu.memory_space<semaphore_mem>>) src(%dma_wait3A_780 : memref<80x16xf32, #tpu.memory_space<vmem>>) dst(%dma_wait3A_777 : memref<80x16xf32, #tpu.memory_space<hbm>>)
      tpu.yield
    }) : () -> ()
    %add3A_747 = arith.constant 480 : i32
    %add3A_748 = arith.addi %mul3A_2, %add3A_747 : i32
    "tpu.region"() ({
      %run_scoped3A = tpu.sem_alloc : memref<!tpu.dma_semaphore, #tpu.memory_space<semaphore_mem>>
      %dma_start3A_757 = arith.constant 0 : i32
      %dma_start3A_758 = arith.constant 0 : i32
      %dma_start3A_759 = tpu.memref_slice %arg17[%dma_start3A_757, %dma_start3A_758] : memref<80x128xf32, #tpu.memory_space<vmem>> -> memref<80x128xf32, #tpu.memory_space<vmem>>
      %dma_start3A_760 = arith.constant 0 : i32
      %dma_start3A_761 = tpu.memref_slice %arg20[%add3A_748, %dma_start3A_760] : memref<10000x128xf32, #tpu.memory_space<vmem_shared>> -> memref<80x128xf32, #tpu.memory_space<vmem_shared>>
      %dma_start3A_762 = arith.constant 0 : i32
      %dma_start3A_763 = arith.constant 0 : i32
      %dma_start3A_764 = tpu.memref_slice %arg17[%dma_start3A_762, %dma_start3A_763] : memref<80x128xf32, #tpu.memory_space<vmem>> -> memref<80x128xf32, #tpu.memory_space<vmem>>
      %dma_start3A_765 = arith.constant 0 : i32
      %dma_start3A_766 = tpu.memref_slice %arg20[%add3A_748, %dma_start3A_765] : memref<10000x128xf32, #tpu.memory_space<vmem_shared>> -> memref<80x128xf32, #tpu.memory_space<vmem_shared>>
      tpu.enqueue_dma source(%dma_start3A_766 : memref<80x128xf32, #tpu.memory_space<vmem_shared>>) target(%dma_start3A_764 : memref<80x128xf32, #tpu.memory_space<vmem>>) target_semaphore(%run_scoped3A : memref<!tpu.dma_semaphore, #tpu.memory_space<semaphore_mem>>)
      %dma_wait3A_767 = arith.constant 0 : i32
      %dma_wait3A_768 = arith.constant 0 : i32
      %dma_wait3A_769 = tpu.memref_slice %arg17[%dma_wait3A_767, %dma_wait3A_768] : memref<80x128xf32, #tpu.memory_space<vmem>> -> memref<80x128xf32, #tpu.memory_space<vmem>>
      %dma_wait3A_770 = arith.constant 0 : i32
      %dma_wait3A_771 = tpu.memref_slice %arg20[%add3A_748, %dma_wait3A_770] : memref<10000x128xf32, #tpu.memory_space<vmem_shared>> -> memref<80x128xf32, #tpu.memory_space<vmem_shared>>
      %dma_wait3A_772 = arith.constant 0 : i32
      %dma_wait3A_773 = arith.constant 0 : i32
      %dma_wait3A_774 = tpu.memref_slice %arg17[%dma_wait3A_772, %dma_wait3A_773] : memref<80x128xf32, #tpu.memory_space<vmem>> -> memref<80x128xf32, #tpu.memory_space<vmem>>
      %dma_wait3A_775 = arith.constant 0 : i32
      %dma_wait3A_776 = tpu.memref_slice %arg20[%add3A_748, %dma_wait3A_775] : memref<10000x128xf32, #tpu.memory_space<vmem_shared>> -> memref<80x128xf32, #tpu.memory_space<vmem_shared>>
      tpu.wait_dma2 semaphore(%run_scoped3A : memref<!tpu.dma_semaphore, #tpu.memory_space<semaphore_mem>>) src(%dma_wait3A_776 : memref<80x128xf32, #tpu.memory_space<vmem_shared>>) dst(%dma_wait3A_774 : memref<80x128xf32, #tpu.memory_space<vmem>>)
      tpu.yield
    }) : () -> ()
    "tpu.region"() ({
      %run_scoped3A = tpu.sem_alloc : memref<!tpu.dma_semaphore, #tpu.memory_space<semaphore_mem>>
      %dma_start3A_757 = arith.constant 0 : i32
      %dma_start3A_758 = arith.constant 0 : i32
      %dma_start3A_759 = tpu.memref_slice %arg17[%dma_start3A_757, %dma_start3A_758] : memref<80x128xf32, #tpu.memory_space<vmem>> -> memref<80x128xf32, #tpu.memory_space<vmem>>
      %dma_start3A_760 = arith.constant 0 : i32
      %dma_start3A_761 = tpu.memref_slice %arg4[%arg0, %add3A_748, %dma_start3A_760] : memref<2x10000x128xf32, #tpu.memory_space<hbm>> -> memref<1x80x128xf32, #tpu.memory_space<hbm>>
      %dma_start3A_762 = tpu.memref_squeeze %dma_start3A_761 : memref<1x80x128xf32, #tpu.memory_space<hbm>> -> memref<80x128xf32, #tpu.memory_space<hbm>>
      %dma_start3A_763 = arith.constant 0 : i32
      %dma_start3A_764 = tpu.memref_slice %arg4[%arg0, %add3A_748, %dma_start3A_763] : memref<2x10000x128xf32, #tpu.memory_space<hbm>> -> memref<1x80x128xf32, #tpu.memory_space<hbm>>
      %dma_start3A_765 = tpu.memref_squeeze %dma_start3A_764 : memref<1x80x128xf32, #tpu.memory_space<hbm>> -> memref<80x128xf32, #tpu.memory_space<hbm>>
      %dma_start3A_766 = arith.constant 0 : i32
      %dma_start3A_767 = arith.constant 0 : i32
      %dma_start3A_768 = tpu.memref_slice %arg17[%dma_start3A_766, %dma_start3A_767] : memref<80x128xf32, #tpu.memory_space<vmem>> -> memref<80x128xf32, #tpu.memory_space<vmem>>
      tpu.enqueue_dma source(%dma_start3A_768 : memref<80x128xf32, #tpu.memory_space<vmem>>) target(%dma_start3A_765 : memref<80x128xf32, #tpu.memory_space<hbm>>) target_semaphore(%run_scoped3A : memref<!tpu.dma_semaphore, #tpu.memory_space<semaphore_mem>>)
      %dma_wait3A_769 = arith.constant 0 : i32
      %dma_wait3A_770 = arith.constant 0 : i32
      %dma_wait3A_771 = tpu.memref_slice %arg17[%dma_wait3A_769, %dma_wait3A_770] : memref<80x128xf32, #tpu.memory_space<vmem>> -> memref<80x128xf32, #tpu.memory_space<vmem>>
      %dma_wait3A_772 = arith.constant 0 : i32
      %dma_wait3A_773 = tpu.memref_slice %arg4[%arg0, %add3A_748, %dma_wait3A_772] : memref<2x10000x128xf32, #tpu.memory_space<hbm>> -> memref<1x80x128xf32, #tpu.memory_space<hbm>>
      %dma_wait3A_774 = tpu.memref_squeeze %dma_wait3A_773 : memref<1x80x128xf32, #tpu.memory_space<hbm>> -> memref<80x128xf32, #tpu.memory_space<hbm>>
      %dma_wait3A_775 = arith.constant 0 : i32
      %dma_wait3A_776 = tpu.memref_slice %arg4[%arg0, %add3A_748, %dma_wait3A_775] : memref<2x10000x128xf32, #tpu.memory_space<hbm>> -> memref<1x80x128xf32, #tpu.memory_space<hbm>>
      %dma_wait3A_777 = tpu.memref_squeeze %dma_wait3A_776 : memref<1x80x128xf32, #tpu.memory_space<hbm>> -> memref<80x128xf32, #tpu.memory_space<hbm>>
      %dma_wait3A_778 = arith.constant 0 : i32
      %dma_wait3A_779 = arith.constant 0 : i32
      %dma_wait3A_780 = tpu.memref_slice %arg17[%dma_wait3A_778, %dma_wait3A_779] : memref<80x128xf32, #tpu.memory_space<vmem>> -> memref<80x128xf32, #tpu.memory_space<vmem>>
      tpu.wait_dma2 semaphore(%run_scoped3A : memref<!tpu.dma_semaphore, #tpu.memory_space<semaphore_mem>>) src(%dma_wait3A_780 : memref<80x128xf32, #tpu.memory_space<vmem>>) dst(%dma_wait3A_777 : memref<80x128xf32, #tpu.memory_space<hbm>>)
      tpu.yield
    }) : () -> ()
    "tpu.region"() ({
      %run_scoped3A = tpu.sem_alloc : memref<!tpu.dma_semaphore, #tpu.memory_space<semaphore_mem>>
      %dma_start3A_757 = arith.constant 0 : i32
      %dma_start3A_758 = arith.constant 0 : i32
      %dma_start3A_759 = tpu.memref_slice %arg19[%dma_start3A_757, %dma_start3A_758] : memref<80x16xf32, #tpu.memory_space<vmem>> -> memref<80x16xf32, #tpu.memory_space<vmem>>
      %dma_start3A_760 = arith.constant 0 : i32
      %dma_start3A_761 = tpu.memref_slice %arg21[%add3A_748, %dma_start3A_760] : memref<10000x16xf32, #tpu.memory_space<vmem_shared>> -> memref<80x16xf32, #tpu.memory_space<vmem_shared>>
      %dma_start3A_762 = arith.constant 0 : i32
      %dma_start3A_763 = arith.constant 0 : i32
      %dma_start3A_764 = tpu.memref_slice %arg19[%dma_start3A_762, %dma_start3A_763] : memref<80x16xf32, #tpu.memory_space<vmem>> -> memref<80x16xf32, #tpu.memory_space<vmem>>
      %dma_start3A_765 = arith.constant 0 : i32
      %dma_start3A_766 = tpu.memref_slice %arg21[%add3A_748, %dma_start3A_765] : memref<10000x16xf32, #tpu.memory_space<vmem_shared>> -> memref<80x16xf32, #tpu.memory_space<vmem_shared>>
      tpu.enqueue_dma source(%dma_start3A_766 : memref<80x16xf32, #tpu.memory_space<vmem_shared>>) target(%dma_start3A_764 : memref<80x16xf32, #tpu.memory_space<vmem>>) target_semaphore(%run_scoped3A : memref<!tpu.dma_semaphore, #tpu.memory_space<semaphore_mem>>)
      %dma_wait3A_767 = arith.constant 0 : i32
      %dma_wait3A_768 = arith.constant 0 : i32
      %dma_wait3A_769 = tpu.memref_slice %arg19[%dma_wait3A_767, %dma_wait3A_768] : memref<80x16xf32, #tpu.memory_space<vmem>> -> memref<80x16xf32, #tpu.memory_space<vmem>>
      %dma_wait3A_770 = arith.constant 0 : i32
      %dma_wait3A_771 = tpu.memref_slice %arg21[%add3A_748, %dma_wait3A_770] : memref<10000x16xf32, #tpu.memory_space<vmem_shared>> -> memref<80x16xf32, #tpu.memory_space<vmem_shared>>
      %dma_wait3A_772 = arith.constant 0 : i32
      %dma_wait3A_773 = arith.constant 0 : i32
      %dma_wait3A_774 = tpu.memref_slice %arg19[%dma_wait3A_772, %dma_wait3A_773] : memref<80x16xf32, #tpu.memory_space<vmem>> -> memref<80x16xf32, #tpu.memory_space<vmem>>
      %dma_wait3A_775 = arith.constant 0 : i32
      %dma_wait3A_776 = tpu.memref_slice %arg21[%add3A_748, %dma_wait3A_775] : memref<10000x16xf32, #tpu.memory_space<vmem_shared>> -> memref<80x16xf32, #tpu.memory_space<vmem_shared>>
      tpu.wait_dma2 semaphore(%run_scoped3A : memref<!tpu.dma_semaphore, #tpu.memory_space<semaphore_mem>>) src(%dma_wait3A_776 : memref<80x16xf32, #tpu.memory_space<vmem_shared>>) dst(%dma_wait3A_774 : memref<80x16xf32, #tpu.memory_space<vmem>>)
      tpu.yield
    }) : () -> ()
    "tpu.region"() ({
      %run_scoped3A = tpu.sem_alloc : memref<!tpu.dma_semaphore, #tpu.memory_space<semaphore_mem>>
      %dma_start3A_757 = arith.constant 0 : i32
      %dma_start3A_758 = arith.constant 0 : i32
      %dma_start3A_759 = tpu.memref_slice %arg19[%dma_start3A_757, %dma_start3A_758] : memref<80x16xf32, #tpu.memory_space<vmem>> -> memref<80x16xf32, #tpu.memory_space<vmem>>
      %dma_start3A_760 = arith.constant 0 : i32
      %dma_start3A_761 = tpu.memref_slice %arg5[%arg0, %add3A_748, %dma_start3A_760] : memref<2x10000x16xf32, #tpu.memory_space<hbm>> -> memref<1x80x16xf32, #tpu.memory_space<hbm>>
      %dma_start3A_762 = tpu.memref_squeeze %dma_start3A_761 : memref<1x80x16xf32, #tpu.memory_space<hbm>> -> memref<80x16xf32, #tpu.memory_space<hbm>>
      %dma_start3A_763 = arith.constant 0 : i32
      %dma_start3A_764 = tpu.memref_slice %arg5[%arg0, %add3A_748, %dma_start3A_763] : memref<2x10000x16xf32, #tpu.memory_space<hbm>> -> memref<1x80x16xf32, #tpu.memory_space<hbm>>
      %dma_start3A_765 = tpu.memref_squeeze %dma_start3A_764 : memref<1x80x16xf32, #tpu.memory_space<hbm>> -> memref<80x16xf32, #tpu.memory_space<hbm>>
      %dma_start3A_766 = arith.constant 0 : i32
      %dma_start3A_767 = arith.constant 0 : i32
      %dma_start3A_768 = tpu.memref_slice %arg19[%dma_start3A_766, %dma_start3A_767] : memref<80x16xf32, #tpu.memory_space<vmem>> -> memref<80x16xf32, #tpu.memory_space<vmem>>
      tpu.enqueue_dma source(%dma_start3A_768 : memref<80x16xf32, #tpu.memory_space<vmem>>) target(%dma_start3A_765 : memref<80x16xf32, #tpu.memory_space<hbm>>) target_semaphore(%run_scoped3A : memref<!tpu.dma_semaphore, #tpu.memory_space<semaphore_mem>>)
      %dma_wait3A_769 = arith.constant 0 : i32
      %dma_wait3A_770 = arith.constant 0 : i32
      %dma_wait3A_771 = tpu.memref_slice %arg19[%dma_wait3A_769, %dma_wait3A_770] : memref<80x16xf32, #tpu.memory_space<vmem>> -> memref<80x16xf32, #tpu.memory_space<vmem>>
      %dma_wait3A_772 = arith.constant 0 : i32
      %dma_wait3A_773 = tpu.memref_slice %arg5[%arg0, %add3A_748, %dma_wait3A_772] : memref<2x10000x16xf32, #tpu.memory_space<hbm>> -> memref<1x80x16xf32, #tpu.memory_space<hbm>>
      %dma_wait3A_774 = tpu.memref_squeeze %dma_wait3A_773 : memref<1x80x16xf32, #tpu.memory_space<hbm>> -> memref<80x16xf32, #tpu.memory_space<hbm>>
      %dma_wait3A_775 = arith.constant 0 : i32
      %dma_wait3A_776 = tpu.memref_slice %arg5[%arg0, %add3A_748, %dma_wait3A_775] : memref<2x10000x16xf32, #tpu.memory_space<hbm>> -> memref<1x80x16xf32, #tpu.memory_space<hbm>>
      %dma_wait3A_777 = tpu.memref_squeeze %dma_wait3A_776 : memref<1x80x16xf32, #tpu.memory_space<hbm>> -> memref<80x16xf32, #tpu.memory_space<hbm>>
      %dma_wait3A_778 = arith.constant 0 : i32
      %dma_wait3A_779 = arith.constant 0 : i32
      %dma_wait3A_780 = tpu.memref_slice %arg19[%dma_wait3A_778, %dma_wait3A_779] : memref<80x16xf32, #tpu.memory_space<vmem>> -> memref<80x16xf32, #tpu.memory_space<vmem>>
      tpu.wait_dma2 semaphore(%run_scoped3A : memref<!tpu.dma_semaphore, #tpu.memory_space<semaphore_mem>>) src(%dma_wait3A_780 : memref<80x16xf32, #tpu.memory_space<vmem>>) dst(%dma_wait3A_777 : memref<80x16xf32, #tpu.memory_space<hbm>>)
      tpu.yield
    }) : () -> ()
    %not3A_749 = arith.constant true
    %not3A_750 = arith.xori %eq3A_5, %not3A_749 : i1
    %convert_element_type3A_751 = arith.extui %not3A_750 : i1 to i32
    %cond3A_752 = arith.constant 0 : i32
    %cond3A_753 = arith.cmpi ne, %convert_element_type3A_751, %cond3A_752 : i32
    scf.if %cond3A_753 {
      %add3A_757 = arith.constant 560 : i32
      %add3A_758 = arith.addi %mul3A_2, %add3A_757 : i32
      "tpu.region"() ({
        %run_scoped3A = tpu.sem_alloc : memref<!tpu.dma_semaphore, #tpu.memory_space<semaphore_mem>>
        %dma_start3A_759 = arith.constant 0 : i32
        %dma_start3A_760 = arith.constant 0 : i32
        %dma_start3A_761 = tpu.memref_slice %arg17[%dma_start3A_759, %dma_start3A_760] : memref<80x128xf32, #tpu.memory_space<vmem>> -> memref<64x128xf32, #tpu.memory_space<vmem>>
        %dma_start3A_762 = arith.constant 0 : i32
        %dma_start3A_763 = tpu.memref_slice %arg20[%add3A_758, %dma_start3A_762] : memref<10000x128xf32, #tpu.memory_space<vmem_shared>> -> memref<64x128xf32, #tpu.memory_space<vmem_shared>>
        %dma_start3A_764 = arith.constant 0 : i32
        %dma_start3A_765 = arith.constant 0 : i32
        %dma_start3A_766 = tpu.memref_slice %arg17[%dma_start3A_764, %dma_start3A_765] : memref<80x128xf32, #tpu.memory_space<vmem>> -> memref<64x128xf32, #tpu.memory_space<vmem>>
        %dma_start3A_767 = arith.constant 0 : i32
        %dma_start3A_768 = tpu.memref_slice %arg20[%add3A_758, %dma_start3A_767] : memref<10000x128xf32, #tpu.memory_space<vmem_shared>> -> memref<64x128xf32, #tpu.memory_space<vmem_shared>>
        tpu.enqueue_dma source(%dma_start3A_768 : memref<64x128xf32, #tpu.memory_space<vmem_shared>>) target(%dma_start3A_766 : memref<64x128xf32, #tpu.memory_space<vmem>>) target_semaphore(%run_scoped3A : memref<!tpu.dma_semaphore, #tpu.memory_space<semaphore_mem>>)
        %dma_wait3A_769 = arith.constant 0 : i32
        %dma_wait3A_770 = arith.constant 0 : i32
        %dma_wait3A_771 = tpu.memref_slice %arg17[%dma_wait3A_769, %dma_wait3A_770] : memref<80x128xf32, #tpu.memory_space<vmem>> -> memref<64x128xf32, #tpu.memory_space<vmem>>
        %dma_wait3A_772 = arith.constant 0 : i32
        %dma_wait3A_773 = tpu.memref_slice %arg20[%add3A_758, %dma_wait3A_772] : memref<10000x128xf32, #tpu.memory_space<vmem_shared>> -> memref<64x128xf32, #tpu.memory_space<vmem_shared>>
        %dma_wait3A_774 = arith.constant 0 : i32
        %dma_wait3A_775 = arith.constant 0 : i32
        %dma_wait3A_776 = tpu.memref_slice %arg17[%dma_wait3A_774, %dma_wait3A_775] : memref<80x128xf32, #tpu.memory_space<vmem>> -> memref<64x128xf32, #tpu.memory_space<vmem>>
        %dma_wait3A_777 = arith.constant 0 : i32
        %dma_wait3A_778 = tpu.memref_slice %arg20[%add3A_758, %dma_wait3A_777] : memref<10000x128xf32, #tpu.memory_space<vmem_shared>> -> memref<64x128xf32, #tpu.memory_space<vmem_shared>>
        tpu.wait_dma2 semaphore(%run_scoped3A : memref<!tpu.dma_semaphore, #tpu.memory_space<semaphore_mem>>) src(%dma_wait3A_778 : memref<64x128xf32, #tpu.memory_space<vmem_shared>>) dst(%dma_wait3A_776 : memref<64x128xf32, #tpu.memory_space<vmem>>)
        tpu.yield
      }) : () -> ()
      "tpu.region"() ({
        %run_scoped3A = tpu.sem_alloc : memref<!tpu.dma_semaphore, #tpu.memory_space<semaphore_mem>>
        %dma_start3A_759 = arith.constant 0 : i32
        %dma_start3A_760 = arith.constant 0 : i32
        %dma_start3A_761 = tpu.memref_slice %arg17[%dma_start3A_759, %dma_start3A_760] : memref<80x128xf32, #tpu.memory_space<vmem>> -> memref<64x128xf32, #tpu.memory_space<vmem>>
        %dma_start3A_762 = arith.constant 0 : i32
        %dma_start3A_763 = tpu.memref_slice %arg4[%arg0, %add3A_758, %dma_start3A_762] : memref<2x10000x128xf32, #tpu.memory_space<hbm>> -> memref<1x64x128xf32, #tpu.memory_space<hbm>>
        %dma_start3A_764 = tpu.memref_squeeze %dma_start3A_763 : memref<1x64x128xf32, #tpu.memory_space<hbm>> -> memref<64x128xf32, #tpu.memory_space<hbm>>
        %dma_start3A_765 = arith.constant 0 : i32
        %dma_start3A_766 = tpu.memref_slice %arg4[%arg0, %add3A_758, %dma_start3A_765] : memref<2x10000x128xf32, #tpu.memory_space<hbm>> -> memref<1x64x128xf32, #tpu.memory_space<hbm>>
        %dma_start3A_767 = tpu.memref_squeeze %dma_start3A_766 : memref<1x64x128xf32, #tpu.memory_space<hbm>> -> memref<64x128xf32, #tpu.memory_space<hbm>>
        %dma_start3A_768 = arith.constant 0 : i32
        %dma_start3A_769 = arith.constant 0 : i32
        %dma_start3A_770 = tpu.memref_slice %arg17[%dma_start3A_768, %dma_start3A_769] : memref<80x128xf32, #tpu.memory_space<vmem>> -> memref<64x128xf32, #tpu.memory_space<vmem>>
        tpu.enqueue_dma source(%dma_start3A_770 : memref<64x128xf32, #tpu.memory_space<vmem>>) target(%dma_start3A_767 : memref<64x128xf32, #tpu.memory_space<hbm>>) target_semaphore(%run_scoped3A : memref<!tpu.dma_semaphore, #tpu.memory_space<semaphore_mem>>)
        %dma_wait3A_771 = arith.constant 0 : i32
        %dma_wait3A_772 = arith.constant 0 : i32
        %dma_wait3A_773 = tpu.memref_slice %arg17[%dma_wait3A_771, %dma_wait3A_772] : memref<80x128xf32, #tpu.memory_space<vmem>> -> memref<64x128xf32, #tpu.memory_space<vmem>>
        %dma_wait3A_774 = arith.constant 0 : i32
        %dma_wait3A_775 = tpu.memref_slice %arg4[%arg0, %add3A_758, %dma_wait3A_774] : memref<2x10000x128xf32, #tpu.memory_space<hbm>> -> memref<1x64x128xf32, #tpu.memory_space<hbm>>
        %dma_wait3A_776 = tpu.memref_squeeze %dma_wait3A_775 : memref<1x64x128xf32, #tpu.memory_space<hbm>> -> memref<64x128xf32, #tpu.memory_space<hbm>>
        %dma_wait3A_777 = arith.constant 0 : i32
        %dma_wait3A_778 = tpu.memref_slice %arg4[%arg0, %add3A_758, %dma_wait3A_777] : memref<2x10000x128xf32, #tpu.memory_space<hbm>> -> memref<1x64x128xf32, #tpu.memory_space<hbm>>
        %dma_wait3A_779 = tpu.memref_squeeze %dma_wait3A_778 : memref<1x64x128xf32, #tpu.memory_space<hbm>> -> memref<64x128xf32, #tpu.memory_space<hbm>>
        %dma_wait3A_780 = arith.constant 0 : i32
        %dma_wait3A_781 = arith.constant 0 : i32
        %dma_wait3A_782 = tpu.memref_slice %arg17[%dma_wait3A_780, %dma_wait3A_781] : memref<80x128xf32, #tpu.memory_space<vmem>> -> memref<64x128xf32, #tpu.memory_space<vmem>>
        tpu.wait_dma2 semaphore(%run_scoped3A : memref<!tpu.dma_semaphore, #tpu.memory_space<semaphore_mem>>) src(%dma_wait3A_782 : memref<64x128xf32, #tpu.memory_space<vmem>>) dst(%dma_wait3A_779 : memref<64x128xf32, #tpu.memory_space<hbm>>)
        tpu.yield
      }) : () -> ()
      "tpu.region"() ({
        %run_scoped3A = tpu.sem_alloc : memref<!tpu.dma_semaphore, #tpu.memory_space<semaphore_mem>>
        %dma_start3A_759 = arith.constant 0 : i32
        %dma_start3A_760 = arith.constant 0 : i32
        %dma_start3A_761 = tpu.memref_slice %arg19[%dma_start3A_759, %dma_start3A_760] : memref<80x16xf32, #tpu.memory_space<vmem>> -> memref<64x16xf32, #tpu.memory_space<vmem>>
        %dma_start3A_762 = arith.constant 0 : i32
        %dma_start3A_763 = tpu.memref_slice %arg21[%add3A_758, %dma_start3A_762] : memref<10000x16xf32, #tpu.memory_space<vmem_shared>> -> memref<64x16xf32, #tpu.memory_space<vmem_shared>>
        %dma_start3A_764 = arith.constant 0 : i32
        %dma_start3A_765 = arith.constant 0 : i32
        %dma_start3A_766 = tpu.memref_slice %arg19[%dma_start3A_764, %dma_start3A_765] : memref<80x16xf32, #tpu.memory_space<vmem>> -> memref<64x16xf32, #tpu.memory_space<vmem>>
        %dma_start3A_767 = arith.constant 0 : i32
        %dma_start3A_768 = tpu.memref_slice %arg21[%add3A_758, %dma_start3A_767] : memref<10000x16xf32, #tpu.memory_space<vmem_shared>> -> memref<64x16xf32, #tpu.memory_space<vmem_shared>>
        tpu.enqueue_dma source(%dma_start3A_768 : memref<64x16xf32, #tpu.memory_space<vmem_shared>>) target(%dma_start3A_766 : memref<64x16xf32, #tpu.memory_space<vmem>>) target_semaphore(%run_scoped3A : memref<!tpu.dma_semaphore, #tpu.memory_space<semaphore_mem>>)
        %dma_wait3A_769 = arith.constant 0 : i32
        %dma_wait3A_770 = arith.constant 0 : i32
        %dma_wait3A_771 = tpu.memref_slice %arg19[%dma_wait3A_769, %dma_wait3A_770] : memref<80x16xf32, #tpu.memory_space<vmem>> -> memref<64x16xf32, #tpu.memory_space<vmem>>
        %dma_wait3A_772 = arith.constant 0 : i32
        %dma_wait3A_773 = tpu.memref_slice %arg21[%add3A_758, %dma_wait3A_772] : memref<10000x16xf32, #tpu.memory_space<vmem_shared>> -> memref<64x16xf32, #tpu.memory_space<vmem_shared>>
        %dma_wait3A_774 = arith.constant 0 : i32
        %dma_wait3A_775 = arith.constant 0 : i32
        %dma_wait3A_776 = tpu.memref_slice %arg19[%dma_wait3A_774, %dma_wait3A_775] : memref<80x16xf32, #tpu.memory_space<vmem>> -> memref<64x16xf32, #tpu.memory_space<vmem>>
        %dma_wait3A_777 = arith.constant 0 : i32
        %dma_wait3A_778 = tpu.memref_slice %arg21[%add3A_758, %dma_wait3A_777] : memref<10000x16xf32, #tpu.memory_space<vmem_shared>> -> memref<64x16xf32, #tpu.memory_space<vmem_shared>>
        tpu.wait_dma2 semaphore(%run_scoped3A : memref<!tpu.dma_semaphore, #tpu.memory_space<semaphore_mem>>) src(%dma_wait3A_778 : memref<64x16xf32, #tpu.memory_space<vmem_shared>>) dst(%dma_wait3A_776 : memref<64x16xf32, #tpu.memory_space<vmem>>)
        tpu.yield
      }) : () -> ()
      "tpu.region"() ({
        %run_scoped3A = tpu.sem_alloc : memref<!tpu.dma_semaphore, #tpu.memory_space<semaphore_mem>>
        %dma_start3A_759 = arith.constant 0 : i32
        %dma_start3A_760 = arith.constant 0 : i32
        %dma_start3A_761 = tpu.memref_slice %arg19[%dma_start3A_759, %dma_start3A_760] : memref<80x16xf32, #tpu.memory_space<vmem>> -> memref<64x16xf32, #tpu.memory_space<vmem>>
        %dma_start3A_762 = arith.constant 0 : i32
        %dma_start3A_763 = tpu.memref_slice %arg5[%arg0, %add3A_758, %dma_start3A_762] : memref<2x10000x16xf32, #tpu.memory_space<hbm>> -> memref<1x64x16xf32, #tpu.memory_space<hbm>>
        %dma_start3A_764 = tpu.memref_squeeze %dma_start3A_763 : memref<1x64x16xf32, #tpu.memory_space<hbm>> -> memref<64x16xf32, #tpu.memory_space<hbm>>
        %dma_start3A_765 = arith.constant 0 : i32
        %dma_start3A_766 = tpu.memref_slice %arg5[%arg0, %add3A_758, %dma_start3A_765] : memref<2x10000x16xf32, #tpu.memory_space<hbm>> -> memref<1x64x16xf32, #tpu.memory_space<hbm>>
        %dma_start3A_767 = tpu.memref_squeeze %dma_start3A_766 : memref<1x64x16xf32, #tpu.memory_space<hbm>> -> memref<64x16xf32, #tpu.memory_space<hbm>>
        %dma_start3A_768 = arith.constant 0 : i32
        %dma_start3A_769 = arith.constant 0 : i32
        %dma_start3A_770 = tpu.memref_slice %arg19[%dma_start3A_768, %dma_start3A_769] : memref<80x16xf32, #tpu.memory_space<vmem>> -> memref<64x16xf32, #tpu.memory_space<vmem>>
        tpu.enqueue_dma source(%dma_start3A_770 : memref<64x16xf32, #tpu.memory_space<vmem>>) target(%dma_start3A_767 : memref<64x16xf32, #tpu.memory_space<hbm>>) target_semaphore(%run_scoped3A : memref<!tpu.dma_semaphore, #tpu.memory_space<semaphore_mem>>)
        %dma_wait3A_771 = arith.constant 0 : i32
        %dma_wait3A_772 = arith.constant 0 : i32
        %dma_wait3A_773 = tpu.memref_slice %arg19[%dma_wait3A_771, %dma_wait3A_772] : memref<80x16xf32, #tpu.memory_space<vmem>> -> memref<64x16xf32, #tpu.memory_space<vmem>>
        %dma_wait3A_774 = arith.constant 0 : i32
        %dma_wait3A_775 = tpu.memref_slice %arg5[%arg0, %add3A_758, %dma_wait3A_774] : memref<2x10000x16xf32, #tpu.memory_space<hbm>> -> memref<1x64x16xf32, #tpu.memory_space<hbm>>
        %dma_wait3A_776 = tpu.memref_squeeze %dma_wait3A_775 : memref<1x64x16xf32, #tpu.memory_space<hbm>> -> memref<64x16xf32, #tpu.memory_space<hbm>>
        %dma_wait3A_777 = arith.constant 0 : i32
        %dma_wait3A_778 = tpu.memref_slice %arg5[%arg0, %add3A_758, %dma_wait3A_777] : memref<2x10000x16xf32, #tpu.memory_space<hbm>> -> memref<1x64x16xf32, #tpu.memory_space<hbm>>
        %dma_wait3A_779 = tpu.memref_squeeze %dma_wait3A_778 : memref<1x64x16xf32, #tpu.memory_space<hbm>> -> memref<64x16xf32, #tpu.memory_space<hbm>>
        %dma_wait3A_780 = arith.constant 0 : i32
        %dma_wait3A_781 = arith.constant 0 : i32
        %dma_wait3A_782 = tpu.memref_slice %arg19[%dma_wait3A_780, %dma_wait3A_781] : memref<80x16xf32, #tpu.memory_space<vmem>> -> memref<64x16xf32, #tpu.memory_space<vmem>>
        tpu.wait_dma2 semaphore(%run_scoped3A : memref<!tpu.dma_semaphore, #tpu.memory_space<semaphore_mem>>) src(%dma_wait3A_782 : memref<64x16xf32, #tpu.memory_space<vmem>>) dst(%dma_wait3A_779 : memref<64x16xf32, #tpu.memory_space<hbm>>)
        tpu.yield
      }) : () -> ()
    } else {
    }
    %convert_element_type3A_754 = arith.extui %eq3A_5 : i1 to i32
    %cond3A_755 = arith.constant 0 : i32
    %cond3A_756 = arith.cmpi ne, %convert_element_type3A_754, %cond3A_755 : i32
    scf.if %cond3A_756 {
      %add3A_757 = arith.constant 560 : i32
      %add3A_758 = arith.addi %mul3A_2, %add3A_757 : i32
      "tpu.region"() ({
        %run_scoped3A = tpu.sem_alloc : memref<!tpu.dma_semaphore, #tpu.memory_space<semaphore_mem>>
        %dma_start3A_759 = arith.constant 0 : i32
        %dma_start3A_760 = arith.constant 0 : i32
        %dma_start3A_761 = tpu.memref_slice %arg17[%dma_start3A_759, %dma_start3A_760] : memref<80x128xf32, #tpu.memory_space<vmem>> -> memref<80x128xf32, #tpu.memory_space<vmem>>
        %dma_start3A_762 = arith.constant 0 : i32
        %dma_start3A_763 = tpu.memref_slice %arg20[%add3A_758, %dma_start3A_762] : memref<10000x128xf32, #tpu.memory_space<vmem_shared>> -> memref<80x128xf32, #tpu.memory_space<vmem_shared>>
        %dma_start3A_764 = arith.constant 0 : i32
        %dma_start3A_765 = arith.constant 0 : i32
        %dma_start3A_766 = tpu.memref_slice %arg17[%dma_start3A_764, %dma_start3A_765] : memref<80x128xf32, #tpu.memory_space<vmem>> -> memref<80x128xf32, #tpu.memory_space<vmem>>
        %dma_start3A_767 = arith.constant 0 : i32
        %dma_start3A_768 = tpu.memref_slice %arg20[%add3A_758, %dma_start3A_767] : memref<10000x128xf32, #tpu.memory_space<vmem_shared>> -> memref<80x128xf32, #tpu.memory_space<vmem_shared>>
        tpu.enqueue_dma source(%dma_start3A_768 : memref<80x128xf32, #tpu.memory_space<vmem_shared>>) target(%dma_start3A_766 : memref<80x128xf32, #tpu.memory_space<vmem>>) target_semaphore(%run_scoped3A : memref<!tpu.dma_semaphore, #tpu.memory_space<semaphore_mem>>)
        %dma_wait3A_769 = arith.constant 0 : i32
        %dma_wait3A_770 = arith.constant 0 : i32
        %dma_wait3A_771 = tpu.memref_slice %arg17[%dma_wait3A_769, %dma_wait3A_770] : memref<80x128xf32, #tpu.memory_space<vmem>> -> memref<80x128xf32, #tpu.memory_space<vmem>>
        %dma_wait3A_772 = arith.constant 0 : i32
        %dma_wait3A_773 = tpu.memref_slice %arg20[%add3A_758, %dma_wait3A_772] : memref<10000x128xf32, #tpu.memory_space<vmem_shared>> -> memref<80x128xf32, #tpu.memory_space<vmem_shared>>
        %dma_wait3A_774 = arith.constant 0 : i32
        %dma_wait3A_775 = arith.constant 0 : i32
        %dma_wait3A_776 = tpu.memref_slice %arg17[%dma_wait3A_774, %dma_wait3A_775] : memref<80x128xf32, #tpu.memory_space<vmem>> -> memref<80x128xf32, #tpu.memory_space<vmem>>
        %dma_wait3A_777 = arith.constant 0 : i32
        %dma_wait3A_778 = tpu.memref_slice %arg20[%add3A_758, %dma_wait3A_777] : memref<10000x128xf32, #tpu.memory_space<vmem_shared>> -> memref<80x128xf32, #tpu.memory_space<vmem_shared>>
        tpu.wait_dma2 semaphore(%run_scoped3A : memref<!tpu.dma_semaphore, #tpu.memory_space<semaphore_mem>>) src(%dma_wait3A_778 : memref<80x128xf32, #tpu.memory_space<vmem_shared>>) dst(%dma_wait3A_776 : memref<80x128xf32, #tpu.memory_space<vmem>>)
        tpu.yield
      }) : () -> ()
      "tpu.region"() ({
        %run_scoped3A = tpu.sem_alloc : memref<!tpu.dma_semaphore, #tpu.memory_space<semaphore_mem>>
        %dma_start3A_759 = arith.constant 0 : i32
        %dma_start3A_760 = arith.constant 0 : i32
        %dma_start3A_761 = tpu.memref_slice %arg17[%dma_start3A_759, %dma_start3A_760] : memref<80x128xf32, #tpu.memory_space<vmem>> -> memref<80x128xf32, #tpu.memory_space<vmem>>
        %dma_start3A_762 = arith.constant 0 : i32
        %dma_start3A_763 = tpu.memref_slice %arg4[%arg0, %add3A_758, %dma_start3A_762] : memref<2x10000x128xf32, #tpu.memory_space<hbm>> -> memref<1x80x128xf32, #tpu.memory_space<hbm>>
        %dma_start3A_764 = tpu.memref_squeeze %dma_start3A_763 : memref<1x80x128xf32, #tpu.memory_space<hbm>> -> memref<80x128xf32, #tpu.memory_space<hbm>>
        %dma_start3A_765 = arith.constant 0 : i32
        %dma_start3A_766 = tpu.memref_slice %arg4[%arg0, %add3A_758, %dma_start3A_765] : memref<2x10000x128xf32, #tpu.memory_space<hbm>> -> memref<1x80x128xf32, #tpu.memory_space<hbm>>
        %dma_start3A_767 = tpu.memref_squeeze %dma_start3A_766 : memref<1x80x128xf32, #tpu.memory_space<hbm>> -> memref<80x128xf32, #tpu.memory_space<hbm>>
        %dma_start3A_768 = arith.constant 0 : i32
        %dma_start3A_769 = arith.constant 0 : i32
        %dma_start3A_770 = tpu.memref_slice %arg17[%dma_start3A_768, %dma_start3A_769] : memref<80x128xf32, #tpu.memory_space<vmem>> -> memref<80x128xf32, #tpu.memory_space<vmem>>
        tpu.enqueue_dma source(%dma_start3A_770 : memref<80x128xf32, #tpu.memory_space<vmem>>) target(%dma_start3A_767 : memref<80x128xf32, #tpu.memory_space<hbm>>) target_semaphore(%run_scoped3A : memref<!tpu.dma_semaphore, #tpu.memory_space<semaphore_mem>>)
        %dma_wait3A_771 = arith.constant 0 : i32
        %dma_wait3A_772 = arith.constant 0 : i32
        %dma_wait3A_773 = tpu.memref_slice %arg17[%dma_wait3A_771, %dma_wait3A_772] : memref<80x128xf32, #tpu.memory_space<vmem>> -> memref<80x128xf32, #tpu.memory_space<vmem>>
        %dma_wait3A_774 = arith.constant 0 : i32
        %dma_wait3A_775 = tpu.memref_slice %arg4[%arg0, %add3A_758, %dma_wait3A_774] : memref<2x10000x128xf32, #tpu.memory_space<hbm>> -> memref<1x80x128xf32, #tpu.memory_space<hbm>>
        %dma_wait3A_776 = tpu.memref_squeeze %dma_wait3A_775 : memref<1x80x128xf32, #tpu.memory_space<hbm>> -> memref<80x128xf32, #tpu.memory_space<hbm>>
        %dma_wait3A_777 = arith.constant 0 : i32
        %dma_wait3A_778 = tpu.memref_slice %arg4[%arg0, %add3A_758, %dma_wait3A_777] : memref<2x10000x128xf32, #tpu.memory_space<hbm>> -> memref<1x80x128xf32, #tpu.memory_space<hbm>>
        %dma_wait3A_779 = tpu.memref_squeeze %dma_wait3A_778 : memref<1x80x128xf32, #tpu.memory_space<hbm>> -> memref<80x128xf32, #tpu.memory_space<hbm>>
        %dma_wait3A_780 = arith.constant 0 : i32
        %dma_wait3A_781 = arith.constant 0 : i32
        %dma_wait3A_782 = tpu.memref_slice %arg17[%dma_wait3A_780, %dma_wait3A_781] : memref<80x128xf32, #tpu.memory_space<vmem>> -> memref<80x128xf32, #tpu.memory_space<vmem>>
        tpu.wait_dma2 semaphore(%run_scoped3A : memref<!tpu.dma_semaphore, #tpu.memory_space<semaphore_mem>>) src(%dma_wait3A_782 : memref<80x128xf32, #tpu.memory_space<vmem>>) dst(%dma_wait3A_779 : memref<80x128xf32, #tpu.memory_space<hbm>>)
        tpu.yield
      }) : () -> ()
      "tpu.region"() ({
        %run_scoped3A = tpu.sem_alloc : memref<!tpu.dma_semaphore, #tpu.memory_space<semaphore_mem>>
        %dma_start3A_759 = arith.constant 0 : i32
        %dma_start3A_760 = arith.constant 0 : i32
        %dma_start3A_761 = tpu.memref_slice %arg19[%dma_start3A_759, %dma_start3A_760] : memref<80x16xf32, #tpu.memory_space<vmem>> -> memref<80x16xf32, #tpu.memory_space<vmem>>
        %dma_start3A_762 = arith.constant 0 : i32
        %dma_start3A_763 = tpu.memref_slice %arg21[%add3A_758, %dma_start3A_762] : memref<10000x16xf32, #tpu.memory_space<vmem_shared>> -> memref<80x16xf32, #tpu.memory_space<vmem_shared>>
        %dma_start3A_764 = arith.constant 0 : i32
        %dma_start3A_765 = arith.constant 0 : i32
        %dma_start3A_766 = tpu.memref_slice %arg19[%dma_start3A_764, %dma_start3A_765] : memref<80x16xf32, #tpu.memory_space<vmem>> -> memref<80x16xf32, #tpu.memory_space<vmem>>
        %dma_start3A_767 = arith.constant 0 : i32
        %dma_start3A_768 = tpu.memref_slice %arg21[%add3A_758, %dma_start3A_767] : memref<10000x16xf32, #tpu.memory_space<vmem_shared>> -> memref<80x16xf32, #tpu.memory_space<vmem_shared>>
        tpu.enqueue_dma source(%dma_start3A_768 : memref<80x16xf32, #tpu.memory_space<vmem_shared>>) target(%dma_start3A_766 : memref<80x16xf32, #tpu.memory_space<vmem>>) target_semaphore(%run_scoped3A : memref<!tpu.dma_semaphore, #tpu.memory_space<semaphore_mem>>)
        %dma_wait3A_769 = arith.constant 0 : i32
        %dma_wait3A_770 = arith.constant 0 : i32
        %dma_wait3A_771 = tpu.memref_slice %arg19[%dma_wait3A_769, %dma_wait3A_770] : memref<80x16xf32, #tpu.memory_space<vmem>> -> memref<80x16xf32, #tpu.memory_space<vmem>>
        %dma_wait3A_772 = arith.constant 0 : i32
        %dma_wait3A_773 = tpu.memref_slice %arg21[%add3A_758, %dma_wait3A_772] : memref<10000x16xf32, #tpu.memory_space<vmem_shared>> -> memref<80x16xf32, #tpu.memory_space<vmem_shared>>
        %dma_wait3A_774 = arith.constant 0 : i32
        %dma_wait3A_775 = arith.constant 0 : i32
        %dma_wait3A_776 = tpu.memref_slice %arg19[%dma_wait3A_774, %dma_wait3A_775] : memref<80x16xf32, #tpu.memory_space<vmem>> -> memref<80x16xf32, #tpu.memory_space<vmem>>
        %dma_wait3A_777 = arith.constant 0 : i32
        %dma_wait3A_778 = tpu.memref_slice %arg21[%add3A_758, %dma_wait3A_777] : memref<10000x16xf32, #tpu.memory_space<vmem_shared>> -> memref<80x16xf32, #tpu.memory_space<vmem_shared>>
        tpu.wait_dma2 semaphore(%run_scoped3A : memref<!tpu.dma_semaphore, #tpu.memory_space<semaphore_mem>>) src(%dma_wait3A_778 : memref<80x16xf32, #tpu.memory_space<vmem_shared>>) dst(%dma_wait3A_776 : memref<80x16xf32, #tpu.memory_space<vmem>>)
        tpu.yield
      }) : () -> ()
      "tpu.region"() ({
        %run_scoped3A = tpu.sem_alloc : memref<!tpu.dma_semaphore, #tpu.memory_space<semaphore_mem>>
        %dma_start3A_759 = arith.constant 0 : i32
        %dma_start3A_760 = arith.constant 0 : i32
        %dma_start3A_761 = tpu.memref_slice %arg19[%dma_start3A_759, %dma_start3A_760] : memref<80x16xf32, #tpu.memory_space<vmem>> -> memref<80x16xf32, #tpu.memory_space<vmem>>
        %dma_start3A_762 = arith.constant 0 : i32
        %dma_start3A_763 = tpu.memref_slice %arg5[%arg0, %add3A_758, %dma_start3A_762] : memref<2x10000x16xf32, #tpu.memory_space<hbm>> -> memref<1x80x16xf32, #tpu.memory_space<hbm>>
        %dma_start3A_764 = tpu.memref_squeeze %dma_start3A_763 : memref<1x80x16xf32, #tpu.memory_space<hbm>> -> memref<80x16xf32, #tpu.memory_space<hbm>>
        %dma_start3A_765 = arith.constant 0 : i32
        %dma_start3A_766 = tpu.memref_slice %arg5[%arg0, %add3A_758, %dma_start3A_765] : memref<2x10000x16xf32, #tpu.memory_space<hbm>> -> memref<1x80x16xf32, #tpu.memory_space<hbm>>
        %dma_start3A_767 = tpu.memref_squeeze %dma_start3A_766 : memref<1x80x16xf32, #tpu.memory_space<hbm>> -> memref<80x16xf32, #tpu.memory_space<hbm>>
        %dma_start3A_768 = arith.constant 0 : i32
        %dma_start3A_769 = arith.constant 0 : i32
        %dma_start3A_770 = tpu.memref_slice %arg19[%dma_start3A_768, %dma_start3A_769] : memref<80x16xf32, #tpu.memory_space<vmem>> -> memref<80x16xf32, #tpu.memory_space<vmem>>
        tpu.enqueue_dma source(%dma_start3A_770 : memref<80x16xf32, #tpu.memory_space<vmem>>) target(%dma_start3A_767 : memref<80x16xf32, #tpu.memory_space<hbm>>) target_semaphore(%run_scoped3A : memref<!tpu.dma_semaphore, #tpu.memory_space<semaphore_mem>>)
        %dma_wait3A_771 = arith.constant 0 : i32
        %dma_wait3A_772 = arith.constant 0 : i32
        %dma_wait3A_773 = tpu.memref_slice %arg19[%dma_wait3A_771, %dma_wait3A_772] : memref<80x16xf32, #tpu.memory_space<vmem>> -> memref<80x16xf32, #tpu.memory_space<vmem>>
        %dma_wait3A_774 = arith.constant 0 : i32
        %dma_wait3A_775 = tpu.memref_slice %arg5[%arg0, %add3A_758, %dma_wait3A_774] : memref<2x10000x16xf32, #tpu.memory_space<hbm>> -> memref<1x80x16xf32, #tpu.memory_space<hbm>>
        %dma_wait3A_776 = tpu.memref_squeeze %dma_wait3A_775 : memref<1x80x16xf32, #tpu.memory_space<hbm>> -> memref<80x16xf32, #tpu.memory_space<hbm>>
        %dma_wait3A_777 = arith.constant 0 : i32
        %dma_wait3A_778 = tpu.memref_slice %arg5[%arg0, %add3A_758, %dma_wait3A_777] : memref<2x10000x16xf32, #tpu.memory_space<hbm>> -> memref<1x80x16xf32, #tpu.memory_space<hbm>>
        %dma_wait3A_779 = tpu.memref_squeeze %dma_wait3A_778 : memref<1x80x16xf32, #tpu.memory_space<hbm>> -> memref<80x16xf32, #tpu.memory_space<hbm>>
        %dma_wait3A_780 = arith.constant 0 : i32
        %dma_wait3A_781 = arith.constant 0 : i32
        %dma_wait3A_782 = tpu.memref_slice %arg19[%dma_wait3A_780, %dma_wait3A_781] : memref<80x16xf32, #tpu.memory_space<vmem>> -> memref<80x16xf32, #tpu.memory_space<vmem>>
        tpu.wait_dma2 semaphore(%run_scoped3A : memref<!tpu.dma_semaphore, #tpu.memory_space<semaphore_mem>>) src(%dma_wait3A_782 : memref<80x16xf32, #tpu.memory_space<vmem>>) dst(%dma_wait3A_779 : memref<80x16xf32, #tpu.memory_space<hbm>>)
        tpu.yield
      }) : () -> ()
    } else {
    }
    return
  }
}

module attributes {stable_mosaic.version = 14 : i64} {
  func.func @_tc_layer_body(%arg0: i32, %arg1: memref<2x2000x128xf32, #tpu.memory_space<vmem>>, %arg2: memref<2x2000x16xf32, #tpu.memory_space<vmem>>, %arg3: memref<2000x128xf32, #tpu.memory_space<vmem>>, %arg4: memref<128x128xf32, #tpu.memory_space<vmem>>, %arg5: memref<1x128xf32, #tpu.memory_space<vmem>>, %arg6: memref<128x128xf32, #tpu.memory_space<vmem>>, %arg7: memref<1x1xf32, #tpu.memory_space<vmem>>, %arg8: memref<2000x128xf32, #tpu.memory_space<vmem>>, %arg9: memref<1x128xf32, #tpu.memory_space<vmem>>) attributes {dimension_semantics = [#tpu.dimension_semantics<arbitrary>], iteration_bounds = array<i64: 5>, scalar_prefetch = 0 : i64, scratch_operands = 0 : i64, tpu.core_type = #tpu.core_type<tc>, window_params = [{transform_indices = @transform_0, window_bounds = array<i64: 2, 2000, 128>}, {transform_indices = @transform_1, window_bounds = array<i64: 2, 2000, 16>}, {transform_indices = @transform_2, window_bounds = array<i64: 2000, 128>}, {pipeline_mode = #tpu.pipeline_mode<synchronous>, transform_indices = @transform_3, window_bounds = array<i64: 128, 128>}, {pipeline_mode = #tpu.pipeline_mode<synchronous>, transform_indices = @transform_4, window_bounds = array<i64: 1, 128>}, {pipeline_mode = #tpu.pipeline_mode<synchronous>, transform_indices = @transform_5, window_bounds = array<i64: 128, 128>}, {pipeline_mode = #tpu.pipeline_mode<synchronous>, transform_indices = @transform_6, window_bounds = array<i64: 1, 1>}, {transform_indices = @transform_7, window_bounds = array<i64: 2000, 128>}, {pipeline_mode = #tpu.pipeline_mode<synchronous>, transform_indices = @transform_8, window_bounds = array<i64: 1, 128>}]} {
    %get3A = arith.constant 0 : index
    %get3A_0 = arith.constant 0 : index
    %get3A_1 = arith.constant 0 : index
    %get3A_2 = vector.load %arg1[%get3A, %get3A_0, %get3A_1] : memref<2x2000x128xf32, #tpu.memory_space<vmem>>, vector<1x2000x128xf32>
    %get3A_3 = vector.shape_cast %get3A_2 : vector<1x2000x128xf32> to vector<2000x128xf32>
    %get3A_4 = arith.constant 1 : index
    %get3A_5 = arith.constant 0 : index
    %get3A_6 = arith.constant 0 : index
    %get3A_7 = vector.load %arg1[%get3A_4, %get3A_5, %get3A_6] : memref<2x2000x128xf32, #tpu.memory_space<vmem>>, vector<1x2000x128xf32>
    %get3A_8 = vector.shape_cast %get3A_7 : vector<1x2000x128xf32> to vector<2000x128xf32>
    %add3A = arith.addf %get3A_3, %get3A_8 : vector<2000x128xf32>
    %get3A_9 = arith.constant 0 : index
    %get3A_10 = arith.constant 0 : index
    %get3A_11 = arith.constant 0 : index
    %get3A_12 = vector.load %arg2[%get3A_9, %get3A_10, %get3A_11] : memref<2x2000x16xf32, #tpu.memory_space<vmem>>, vector<1x2000x1xf32>
    %get3A_13 = vector.shape_cast %get3A_12 : vector<1x2000x1xf32> to vector<2000x1xf32>
    %get3A_14 = arith.constant 1 : index
    %get3A_15 = arith.constant 0 : index
    %get3A_16 = arith.constant 0 : index
    %get3A_17 = vector.load %arg2[%get3A_14, %get3A_15, %get3A_16] : memref<2x2000x16xf32, #tpu.memory_space<vmem>>, vector<1x2000x1xf32>
    %get3A_18 = vector.shape_cast %get3A_17 : vector<1x2000x1xf32> to vector<2000x1xf32>
    %add3A_19 = arith.addf %get3A_13, %get3A_18 : vector<2000x1xf32>
    %max3A = arith.constant 1.000000e+00 : f32
    %max3A_20 = vector.broadcast %max3A : f32 to vector<2000x1xf32>
    %max3A_21 = arith.maximumf %add3A_19, %max3A_20 : vector<2000x1xf32>
    %div3A = vector.broadcast %max3A_21 : vector<2000x1xf32> to vector<2000x128xf32>
    %div3A_22 = arith.divf %add3A, %div3A : vector<2000x128xf32>
    %get3A_23 = arith.constant 0 : index
    %get3A_24 = arith.constant 0 : index
    %get3A_25 = vector.load %arg4[%get3A_23, %get3A_24] : memref<128x128xf32, #tpu.memory_space<vmem>>, vector<128x128xf32>
    %dot_general3A = arith.constant dense<0.000000e+00> : vector<2000x128xf32>
    %dot_general3A_26 = tpu.matmul %div3A_22, %get3A_25, %dot_general3A {dimension_numbers = #tpu.dot_dimension_numbers<[1], [0], [0], [1], [0, 0, 1, 1], [], []>, transpose_lhs_hint = false} : vector<2000x128xf32>, vector<128x128xf32>, vector<2000x128xf32> -> vector<2000x128xf32>
    %get3A_27 = arith.constant 0 : index
    %get3A_28 = arith.constant 0 : index
    %get3A_29 = vector.load %arg5[%get3A_27, %get3A_28] : memref<1x128xf32, #tpu.memory_space<vmem>>, vector<1x128xf32>
    %add3A_30 = vector.broadcast %get3A_29 : vector<1x128xf32> to vector<2000x128xf32>
    %add3A_31 = arith.addf %dot_general3A_26, %add3A_30 : vector<2000x128xf32>
    %get3A_32 = arith.constant 0 : index
    %get3A_33 = arith.constant 0 : index
    %get3A_34 = vector.load %arg3[%get3A_32, %get3A_33] : memref<2000x128xf32, #tpu.memory_space<vmem>>, vector<2000x128xf32>
    %get3A_35 = arith.constant 0 : index
    %get3A_36 = arith.constant 0 : index
    %get3A_37 = vector.load %arg6[%get3A_35, %get3A_36] : memref<128x128xf32, #tpu.memory_space<vmem>>, vector<128x128xf32>
    %dot_general3A_38 = arith.constant dense<0.000000e+00> : vector<2000x128xf32>
    %dot_general3A_39 = tpu.matmul %get3A_34, %get3A_37, %dot_general3A_38 {dimension_numbers = #tpu.dot_dimension_numbers<[1], [0], [0], [1], [0, 0, 1, 1], [], []>, transpose_lhs_hint = false} : vector<2000x128xf32>, vector<128x128xf32>, vector<2000x128xf32> -> vector<2000x128xf32>
    %add3A_40 = arith.addf %add3A_31, %dot_general3A_39 : vector<2000x128xf32>
    %get3A_41 = arith.constant 0 : index
    %get3A_42 = arith.constant 0 : index
    %get3A_43 = vector.load %arg7[%get3A_41, %get3A_42] : memref<1x1xf32, #tpu.memory_space<vmem>>, vector<1x1xf32>
    %get3A_44 = vector.extract %get3A_43[0, 0] : f32 from vector<1x1xf32>
    %max3A_45 = vector.broadcast %get3A_44 : f32 to vector<2000x128xf32>
    %max3A_46 = arith.maximumf %add3A_40, %max3A_45 : vector<2000x128xf32>
    %swap3A = arith.constant 0 : index
    %swap3A_47 = arith.constant 0 : index
    %swap3A_48 = vector.load %arg8[%swap3A, %swap3A_47] : memref<2000x128xf32, #tpu.memory_space<vmem>>, vector<2000x128xf32>
    tpu.vector_store %arg8[%swap3A, %swap3A_47], %max3A_46 {strides = array<i32>} : memref<2000x128xf32, #tpu.memory_space<vmem>>, vector<2000x128xf32>,
    %reduce_min3A = arith.constant dense<0x7F800000> : vector<128xf32>
    %reduce_min3A_49 = vector.multi_reduction <minimumf>, %max3A_46, %reduce_min3A [0] : vector<2000x128xf32> to vector<128xf32>
    %broadcast_in_dim3A = vector.shape_cast %reduce_min3A_49 : vector<128xf32> to vector<1x128xf32>
    %eq3A = arith.constant 0 : i32
    %eq3A_50 = arith.cmpi eq, %arg0, %eq3A : i32
    %convert_element_type3A = arith.extui %eq3A_50 : i1 to i32
    %cond3A = arith.constant 0 : i32
    %cond3A_51 = arith.cmpi ne, %convert_element_type3A, %cond3A : i32
    scf.if %cond3A_51 {
      %swap3A_56 = arith.constant 0 : index
      %swap3A_57 = arith.constant 0 : index
      %swap3A_58 = vector.load %arg9[%swap3A_56, %swap3A_57] : memref<1x128xf32, #tpu.memory_space<vmem>>, vector<1x128xf32>
      tpu.vector_store %arg9[%swap3A_56, %swap3A_57], %broadcast_in_dim3A {strides = array<i32>} : memref<1x128xf32, #tpu.memory_space<vmem>>, vector<1x128xf32>,
    } else {
    }
    %ne3A = arith.constant 0 : i32
    %ne3A_52 = arith.cmpi ne, %arg0, %ne3A : i32
    %convert_element_type3A_53 = arith.extui %ne3A_52 : i1 to i32
    %cond3A_54 = arith.constant 0 : i32
    %cond3A_55 = arith.cmpi ne, %convert_element_type3A_53, %cond3A_54 : i32
    scf.if %cond3A_55 {
      %get3A_56 = arith.constant 0 : index
      %get3A_57 = arith.constant 0 : index
      %get3A_58 = vector.load %arg9[%get3A_56, %get3A_57] : memref<1x128xf32, #tpu.memory_space<vmem>>, vector<1x128xf32>
      %min3A = arith.minimumf %get3A_58, %broadcast_in_dim3A : vector<1x128xf32>
      %swap3A_59 = arith.constant 0 : index
      %swap3A_60 = arith.constant 0 : index
      %swap3A_61 = vector.load %arg9[%swap3A_59, %swap3A_60] : memref<1x128xf32, #tpu.memory_space<vmem>>, vector<1x128xf32>
      tpu.vector_store %arg9[%swap3A_59, %swap3A_60], %min3A {strides = array<i32>} : memref<1x128xf32, #tpu.memory_space<vmem>>, vector<1x128xf32>,
    } else {
    }
    return
  }
  func.func @transform_0(%arg0: i32) -> (i32, i32, i32) {
    %c0_i32 = arith.constant 0 : i32
    %c0_i32_0 = arith.constant 0 : i32
    %c0_i32_1 = arith.constant 0 : i32
    return %c0_i32, %arg0, %c0_i32_0 : i32, i32, i32
  }
  func.func @transform_1(%arg0: i32) -> (i32, i32, i32) {
    %c0_i32 = arith.constant 0 : i32
    %c0_i32_0 = arith.constant 0 : i32
    %c0_i32_1 = arith.constant 0 : i32
    return %c0_i32, %arg0, %c0_i32_0 : i32, i32, i32
  }
  func.func @transform_2(%arg0: i32) -> (i32, i32) {
    %c0_i32 = arith.constant 0 : i32
    %c0_i32_0 = arith.constant 0 : i32
    return %arg0, %c0_i32 : i32, i32
  }
  func.func @transform_3(%arg0: i32) -> (i32, i32) {
    %c0_i32 = arith.constant 0 : i32
    %c0_i32_0 = arith.constant 0 : i32
    %c0_i32_1 = arith.constant 0 : i32
    return %c0_i32, %c0_i32_0 : i32, i32
  }
  func.func @transform_4(%arg0: i32) -> (i32, i32) {
    %c0_i32 = arith.constant 0 : i32
    %c0_i32_0 = arith.constant 0 : i32
    %c0_i32_1 = arith.constant 0 : i32
    return %c0_i32, %c0_i32_0 : i32, i32
  }
  func.func @transform_5(%arg0: i32) -> (i32, i32) {
    %c0_i32 = arith.constant 0 : i32
    %c0_i32_0 = arith.constant 0 : i32
    %c0_i32_1 = arith.constant 0 : i32
    return %c0_i32, %c0_i32_0 : i32, i32
  }
  func.func @transform_6(%arg0: i32) -> (i32, i32) {
    %c0_i32 = arith.constant 0 : i32
    %c0_i32_0 = arith.constant 0 : i32
    %c0_i32_1 = arith.constant 0 : i32
    return %c0_i32, %c0_i32_0 : i32, i32
  }
  func.func @transform_7(%arg0: i32) -> (i32, i32) {
    %c0_i32 = arith.constant 0 : i32
    %c0_i32_0 = arith.constant 0 : i32
    return %arg0, %c0_i32 : i32, i32
  }
  func.func @transform_8(%arg0: i32) -> (i32, i32) {
    %c0_i32 = arith.constant 0 : i32
    %c0_i32_0 = arith.constant 0 : i32
    %c0_i32_1 = arith.constant 0 : i32
    return %c0_i32, %c0_i32_0 : i32, i32
  }
}

</mosaic_0001>

<sc_bundles>
// kernel: closed_call.12.cloned.1.call-start
scs
__scs_entry_jumppad:
0x0: {  	(pc) =	sbr.rel $0x88, $3  }
0x1: {  	(tag) =	ssettag $0x0;
	lr =	simm.s32 $0x1  }
0x2: {  	[smem:$0x3F99] =	sst lr;
	_ =	strace $0xD0000000  }
0x3: {  	_ = 	snop  }
0x4: {  	_ = 	snop  }
0x5: {  	_ = 	snop  }
0x6: {  	_ = 	snop  }
0x7: {  	_ = 	snop  }
__scs_overlays_trampoline_lowered:
0x8: {  	[smem:$0x3FA8] =	sst s0  }
0x9: {  	[smem:$0x3FA9] =	sst s1  }
0xa: {  	[smem:$0x3FAA] =	sst s2  }
0xb: {  	[smem:$0x3FAB] =	sst s3  }
0xc: {  	[smem:$0x3FAC] =	sst s4  }
0xd: {  	[smem:$0x3FAD] =	sst s5  }
0xe: {  	[smem:$0x3FAE] =	sst s6  }
0xf: {  	[smem:$0x3FAF] =	sst s7  }
0x10: {  	[smem:$0x3FB0] =	sst s8  }
0x11: {  	[smem:$0x3FB1] =	sst s9;
	s0 =	simm.s32 @!p0 $0x0  }
0x12: {  	s1 =	sld [smem:$0x3F97];
	s0 =	simm.s32 @p0 $0x1  }
0x13: {  	[smem:$0x3FB2] =	sst s0;
	s0 =	simm.s32 @!p1 $0x0  }
0x14: {  	s2 =	sld [smem:$0x3F96];
	s0 =	simm.s32 @p1 $0x1  }
0x15: {  	[smem:$0x3FB3] =	sst s0;
	s0 =	simm.s32 @!p2 $0x0  }
0x16: {  	s3 =	sld [smem:$0x3FDB];
	s0 =	simm.s32 @p2 $0x1  }
0x17: {  	s4 =	simm.s32 $0x1BF5;
	[smem:$0x3FB5] =	sst s0  }
0x18: {  	s0 =	sld [smem:$0x3F98];
	_ =	swait.ge [sflag:s4], $0x0  }
0x19: {  	s7 =	sld [smem:$0x3F99]  }
0x1a: {  	s8 =	sadd.s32 $0xFFFFE003, lr  }
0x1b: {  	s9 =	sadd.s32 $0xFFFFFEF7, lr;
	s5 =	simm.s32 $0xFFFFFFFF;
	p2 =	slt.u32 s8, $0xFFFFF086  }
0x1c: {  	p1 =	slt.u32 s9, $0xF7A;
	s5 =	simm.s32 @!p2 $0x0  }
0x1d: {  	s5 =	simm.s32 @p1 $0x1;
	p0 =	seq.s32 s7, s2  }
0x1e: {  	s7 =	smul.u32 @!p0 $0xF7A, s2;
	p2 =	seq.s32 @!p0 s5, $0x0  }
0x1f: {  	s9 =	smul.u32 $0xF7A, s1;
	s8 =	simm.s32 @!p0 $0x1BF5;
	p2 =	por !p2, p0  }
0x20: {  	[sflag:s8] =	ssyncset.s32 @!p0 $0xFFFFF086;
	s6 =	sadd.s32 @!p0 s3, s7;
	s7 =	simm.s32 @!p0 $0x108  }
0x21: {  	s3 =	sadd.s32 s3, s9;
	s6 =	sadd.s32 @!p0 $0x88, s6;
	s7 =	simm.s32 @p2 $0x1082  }
0x22: {  	[simem:s7], [sflag:s8] =	dma.local @!p0 [hbm:s6], $0xF7A  }
0x23: {  	s9 =	sor.u32 $0xD0000000, s2;
	s6 =	simm.s32 $0x108;
	_ =	swait.ge @!p0 [sflag:s8], $0x0  }
0x24: {  	s3 =	sadd.s32 $0x88, s3;
	s6 =	simm.s32 @!p1 $0x1082;
	[sflag:s4] =	ssyncset.s32 $0xFFFFF086  }
0x25: {  	[simem:s6], [sflag:s4] =	dma.local [hbm:s3], $0xF7A  }
0x26: {  	[smem:$0x3F99] =	sst s1;
	(tag) =	ssettag s2;
	_ =	strace s9  }
0x27: {  	s1 =	sld [smem:$0x3FA9]  }
0x28: {  	s2 =	sld [smem:$0x3FAA]  }
0x29: {  	s4 =	sld [smem:$0x3FAC]  }
0x2a: {  	p0 =	seq.s32 s5, $0x0;
	s5 =	sld [smem:$0x3FAD]  }
0x2b: {  	s6 =	sld [smem:$0x3FAE]  }
0x2c: {  	s7 =	sld [smem:$0x3FAF]  }
0x2d: {  	s3 =	simm.s32 $0x108;
	s8 =	sld [smem:$0x3FB0]  }
0x2e: {  	s3 =	simm.s32 @!p0 $0x1082;
	s9 =	sld [smem:$0x3FB1]  }
0x2f: {  	lr =	sadd.s32 s0, s3;
	s0 =	sld [smem:$0x3FA8]  }
0x30: {  	s3 =	sld [smem:$0x3FAB]  }
0x31: {  	[smem:$0x3FB4] =	sst s10  }
0x32: {  	s10 =	sld [smem:$0x3FB2];
	_ =	sdelay $0x3  }
0x33: {  	p0 =	seq.s32 s10, $0x1;
	s10 =	sld [smem:$0x3FB4];
	_ =	sdelay $0x3  }
0x34: {  	[smem:$0x3FB4] =	sst s10  }
0x35: {  	s10 =	sld [smem:$0x3FB3];
	_ =	sdelay $0x3  }
0x36: {  	p1 =	seq.s32 s10, $0x1;
	s10 =	sld [smem:$0x3FB4];
	_ =	sdelay $0x3  }
0x37: {  	[smem:$0x3FB4] =	sst s10  }
0x38: {  	s10 =	sld [smem:$0x3FB5]  }
0x39: {  	_ = 	snop;
	(pc) =	sbr.ind lr, $3  }
0x3a: {  	_ = 	snop  }
0x3b: {  	_ = 	snop  }
0x3c: {  	p2 =	seq.s32 s10, $0x1;
	s10 =	sld [smem:$0x3FB4]  }
0x3d: {  	_ =	shalt  }
0x3e: {  	_ =	shalt  }
0x3f: {  	_ =	shalt  }
0x40: {  	_ =	shalt  }
0x41: {  	_ =	shalt  }
0x42: {  	_ =	shalt  }
0x43: {  	_ =	shalt  }
0x44: {  	_ =	shalt  }
0x45: {  	_ =	shalt  }
0x46: {  	_ =	shalt  }
0x47: {  	_ =	shalt  }
0x48: {  	_ =	shalt  }
0x49: {  	_ =	shalt  }
0x4a: {  	_ =	shalt  }
0x4b: {  	_ =	shalt  }
0x4c: {  	_ =	shalt  }
0x4d: {  	_ =	shalt  }
0x4e: {  	_ =	shalt  }
0x4f: {  	_ =	shalt  }
0x50: {  	_ =	shalt  }
0x51: {  	_ =	shalt  }
0x52: {  	_ =	shalt  }
0x53: {  	_ =	shalt  }
0x54: {  	_ =	shalt  }
0x55: {  	_ =	shalt  }
0x56: {  	_ =	shalt  }
0x57: {  	_ =	shalt  }
0x58: {  	_ =	shalt  }
0x59: {  	_ =	shalt  }
0x5a: {  	_ =	shalt  }
0x5b: {  	_ =	shalt  }
0x5c: {  	_ =	shalt  }
0x5d: {  	_ =	shalt  }
0x5e: {  	_ =	shalt  }
0x5f: {  	_ =	shalt  }
0x60: {  	_ =	shalt  }
0x61: {  	_ =	shalt  }
0x62: {  	_ =	shalt  }
0x63: {  	_ =	shalt  }
0x64: {  	_ =	shalt  }
0x65: {  	_ =	shalt  }
0x66: {  	_ =	shalt  }
0x67: {  	_ =	shalt  }
0x68: {  	_ =	shalt  }
0x69: {  	_ =	shalt  }
0x6a: {  	_ =	shalt  }
0x6b: {  	_ =	shalt  }
0x6c: {  	_ =	shalt  }
0x6d: {  	_ =	shalt  }
0x6e: {  	_ =	shalt  }
0x6f: {  	_ =	shalt  }
0x70: {  	_ =	shalt  }
0x71: {  	_ =	shalt  }
0x72: {  	_ =	shalt  }
0x73: {  	_ =	shalt  }
0x74: {  	_ =	shalt  }
0x75: {  	_ =	shalt  }
0x76: {  	_ =	shalt  }
0x77: {  	_ =	shalt  }
0x78: {  	_ =	shalt  }
0x79: {  	_ =	shalt  }
0x7a: {  	_ =	shalt  }
0x7b: {  	_ =	shalt  }
0x7c: {  	_ =	shalt  }
0x7d: {  	_ =	shalt  }
0x7e: {  	_ =	shalt  }
0x7f: {  	_ =	shalt  }
0x80: {  	_ =	shalt  }
0x81: {  	_ =	shalt  }
0x82: {  	_ =	shalt  }
0x83: {  	_ =	shalt  }
0x84: {  	_ =	shalt  }
0x85: {  	_ =	shalt  }
0x86: {  	_ =	shalt  }
0x87: {  	_ =	shalt  }
.Lfunc_end0:
.L_simem_size_0:
called_computation_lowered:
.L_overlay_start_0:
0x88: {  	s2 =	sld [smem:$0x3FD9]  }
0x89: {  	s3 =	sld [smem:$0x3FFE];
	_ =	sdelay $0x1  }
0x8a: {  	s1 =	srdreg.scid  }
0x8b: {  	s0 =	sand.u32 $0x1, s1  }
0x8c: {  	s16 =	sshll.u32 s0, $0xA;
	s2 =	sadd.s32 s3, s2  }
0x8d: {  	s2 =	sadd.s32 s2, s16  }
0x8e: {  	[smem:$0x3FC0] =	sst s2  }
0x8f: {  	_ = 	snop  }
0x90: {  	(tm) =	ssettm $0x1  }
0x91: {  	s17 =	sld [smem:$0x3FFB];
	_ =	sdelay $0x3  }
0x92: {  	_ =	strace s17  }
0x93: {  	s2 =	sld [smem:$0x3FFC];
	_ =	sdelay $0x3  }
0x94: {  	_ =	strace s2  }
0x95: {  	s2 =	sld [smem:$0x3FFD];
	_ =	sdelay $0x3  }
0x96: {  	_ =	strace s2  }
0x97: {  	_ =	strace $0x8FFFFFFF  }
0x98: {  	s18 =	sld [smem:$0x3FDB];
	_ =	sdelay $0x1  }
0x99: {  	s19 =	simm.s32 $_scs_section_size  }
0x9a: {  	s4 =	simm.s32 $_size__tile_overlayer_lowered;
	s5 =	simm.s32 $_tile_overlayer_lowered  }
0x9b: {  	s22 =	simm.s32 $0x1BFF;
	s21 =	sshll.u32 s5, $0x1;
	s2 =	sadd.s32 s19, s18  }
0x9c: {  	s6 =	simm.s32 $0x0;
	s20 =	sshll.u32 s4, $0x1;
	s4 =	sadd.s32 s21, s2  }
0x9d: {  	[timem:s6], [sflag:s22] =	dma.local [hbm:s4], s20  }
0x9e: {  	_ =	swait.ge [sflag:s22], s20  }
0x9f: {  	s3 =	ssub.s32 $0x0, s20;
	[sflag:s22] =	ssyncset.done $0x0  }
0xa0: {  	[sflag:s22] =	ssyncadd.s32 s3;
	_ =	sdelay $0x1  }
0xa1: {  	s23 =	simm.s32 $0x1B8B  }
0xa2: {  	_ =	swait.ge [sflag:s23], $0x1  }
0xa3: {  	[sflag:s23] =	ssyncset.done $0x0  }
0xa4: {  	s25 =	simm.s32 $0x1B8E;
	s24 =	sld [smem:$0x3FFE];
	[sflag:s23] =	ssyncadd.s32 $0xFFFFFFFF  }
0xa5: {  	s26 =	simm.s32 $execute0_lowered;
	[smem:$0x3FD2] =	sst s25  }
0xa6: {  	s4 =	sshll.u32 s26, $0x1;
	_ =	strace $0x80000046;
	[dreg:$0x1] =	wrdreg $0xFFFFFFFF  }
0xa7: {  	s28 =	simm.s32 $_size_execute0_lowered;
	s2 =	sadd.s32 s2, s4;
	[dreg:$0x0] =	wrdreg $0x0  }
0xa8: {  	s4 =	sshll.u32 s28, $0x1;
	[dreg:$0x2] =	wrdreg s2  }
0xa9: {  	[dreg:$0x3] =	wrdreg s4  }
0xaa: {  	[dreg:$0x4] =	wrdreg $0xC0  }
0xab: {  	_ =	task [dreg:s6], $0x5FFFF  }
0xac: {  	[dreg:$0x1] =	wrdreg $0xFFFFFFFF  }
0xad: {  	[dreg:$0x0] =	wrdreg $0x60  }
0xae: {  	[dreg:$0x2] =	wrdreg s24  }
0xaf: {  	[dreg:$0x3] =	wrdreg $0x84D00  }
0xb0: {  	[dreg:$0x4] =	wrdreg $0x1BD500  }
0xb1: {  	[dreg:$0x5] =	wrdreg $0x9  }
0xb2: {  	_ =	task.clear_ibuf [dreg:s6], $0x6FFFF;
	_ =	strace $0x90000046  }
0xb3: {  	s29 =	simm.s32 $0x9;
	_ =	strace $0x80000048  }
0xb4: {  	_ =	swait.ge [sflag:s29], $0x1  }
0xb5: {  	[sflag:s29] =	ssyncadd.s32 $0xFFFFFFFF  }
0xb6: {  	_ =	strace $0x90000048  }
0xb7: {  	_ =	sfence  }
0xb8: {  	s30 =	sld [smem:$0x0];
	_ =	sdelay $0x2  }
0xb9: {  	s31 =	sshll.u32 s1, $0xD;
	s1 =	sshrl.u32 s1, $0x2  }
0xba: {  	s3 =	sand.u32 $0x4000, s31;
	s1 =	sadd.s32 s1, s30  }
0xbb: {  	s0 =	sor.u32 s3, s0;
	s1 =	sshll.u32 s1, $0x11  }
0xbc: {  	s0 =	sor.u32 s1, s0  }
0xbd: {  	s0 =	sadd.s32 $0x8F2B, s0  }
0xbe: {  	[sflag:s0] =	ssyncadd.remote.s32 $0x1  }
0xbf: {  	_ =	sfence.sel $0xFFFF  }
0xc0: {  	[dreg:$0x0] =	wrdreg $0xFFFFFFFF;
	(pc) =	sbr.abs _section_cstart, $3  }
0xc1: {  	[dreg:$0x1] =	wrdreg $0xFFFFFFFF  }
0xc2: {  	_ =	task.clear_ibuf [dreg:s6], $0x2FFFF;
	_ =	strace $0x9FFFFFFF  }
0xc3: {  	(tm) =	ssettm $0x7FFFFFFF  }
tec
execute0_lowered:
.L_overlay_start_1:
0x0: {  	(tag) =	ssettag $0x1  }
0x1: {  	s3 =	rddreg [dreg:$0x0]  }
0x2: {  	s1 =	rddreg [dreg:$0x1];
	s31 =	stileid.u32  }
0x3: {  	s2 =	rddreg [dreg:$0x2];
	s11 =	smul.u32 $0x270, s31  }
0x4: {  	s4 =	simm.s32 $0x0;
	s0 =	srdreg.scid;
	s9 =	smul.u32 $0x13800, s31  }
0x5: {  	[smem:$0x7FF] =	sst s4;
	s5 =	sand.u32 $0x1, s0;
	s13 =	smul.u32 $0x4E20, s31  }
0x6: {  	s17 =	sadd.s32 $0x3D200, s3;
	s7 =	sshll.u32 s31, $0x1;
	s21 =	smul.u32 $0x138800, s5  }
0x7: {  	_ =	strace $0x80000047;
	s0 =	ssub.s32 $0x2, s5;
	s26 =	smul.u32 $0x2710, s5  }
0x8: {  	s15 =	smul.u32 $0x27100, s5;
	s6 =	sshrl.u32 s0, $0x1;
	s18 =	sadd.s32 $0x50, s11  }
0x9: {  	s19 =	sadd.s32 $0xA0, s11;
	s20 =	sadd.s32 $0xF0, s11;
	s22 =	sadd.s32 $0x140, s11  }
0xa: {  	s23 =	sadd.s32 $0x190, s11;
	s24 =	sadd.s32 $0x1E0, s11;
	s25 =	sadd.s32 $0x230, s11  }
0xb: {  	s0 =	ssub.s32 s0, s6;
	s6 =	sor.u32 s5, s7;
	s7 =	sshll.u32 s18, $0x7  }
0xc: {  	s8 =	sshll.u32 s19, $0x7;
	s10 =	sshll.u32 s20, $0x7;
	s12 =	sadd.s32 s9, s21  }
0xd: {  	s5 =	sadd.s32 s26, s13;
	s18 =	sshll.u32 s18, $0x4;
	s9 =	sadd.s32 s9, s1  }
0xe: {  	s16 =	sshrl.u32 s12, $0x3;
	s14 =	sadd.s32 s21, s7;
	s26 =	sadd.s32 s21, s8  }
0xf: {  	s13 =	sadd.s32 s21, s10;
	[dreg:$0x16] =	wrdreg s9;
	s0 =	smax.u32 s0, $0x1  }
0x10: {  	s11 =	sadd.s32 s17, s16;
	s16 =	sshrl.u32 s14, $0x3;
	[smem:$0x7F5] =	sst s0  }
0x11: {  	s12 =	sshrl.u32 s26, $0x3;
	[dreg:$0x6] =	wrdreg s11;
	s11 =	sadd.s32 s17, s16  }
0x12: {  	[dreg:$0x7] =	wrdreg s11;
	s11 =	sadd.s32 s17, s12;
	s12 =	sshrl.u32 s13, $0x3  }
0x13: {  	s13 =	sshll.u32 s23, $0x7;
	[dreg:$0x8] =	wrdreg s11;
	s11 =	sshll.u32 s22, $0x7  }
0x14: {  	s12 =	sadd.s32 s17, s12;
	s16 =	sadd.s32 s21, s13;
	s14 =	sadd.s32 s21, s11  }
0x15: {  	[dreg:$0x9] =	wrdreg s12;
	s12 =	sshrl.u32 s14, $0x3;
	s14 =	sshll.u32 s24, $0x7  }
0x16: {  	s16 =	sshrl.u32 s16, $0x3;
	s12 =	sadd.s32 s17, s12;
	s26 =	sadd.s32 s21, s14  }
0x17: {  	[dreg:$0xa] =	wrdreg s12;
	s12 =	sadd.s32 s17, s16;
	s26 =	sshrl.u32 s26, $0x3  }
0x18: {  	s16 =	sshll.u32 s25, $0x7;
	[dreg:$0xb] =	wrdreg s12;
	s12 =	sadd.s32 s17, s26  }
0x19: {  	s26 =	sadd.s32 $0x190, s5;
	[dreg:$0xc] =	wrdreg s12;
	s12 =	sadd.s32 s21, s16  }
0x1a: {  	s26 =	sshrl.u32 s26, $0x3;
	s28 =	sshrl.u32 s12, $0x3;
	s12 =	sadd.s32 $0x2400, s3  }
0x1b: {  	s21 =	sshrl.u32 s21, $0x3;
	s28 =	sadd.s32 s17, s28;
	s26 =	sadd.s32 s26, s12  }
0x1c: {  	s17 =	sadd.s32 s17, s21;
	s21 =	smul.u32 $0x2700, s31;
	[dreg:$0xd] =	wrdreg s28  }
0x1d: {  	s19 =	sshll.u32 s19, $0x4;
	[dreg:$0x4] =	wrdreg s26;
	s17 =	sadd.s32 $0x26C00, s17  }
0x1e: {  	s26 =	sshll.u32 s22, $0x4;
	s9 =	sadd.s32 s21, s2;
	[smem:$0x7F3] =	sst s17  }
0x1f: {  	s22 =	sadd.s32 s21, s15;
	s21 =	sadd.s32 s7, s1;
	[dreg:$0x17] =	wrdreg s9  }
0x20: {  	s29 =	sadd.s32 s15, s18;
	s7 =	sadd.s32 s18, s2;
	[dreg:$0x18] =	wrdreg s21  }
0x21: {  	s30 =	sadd.s32 s15, s19;
	s18 =	sadd.s32 s19, s2;
	[dreg:$0x19] =	wrdreg s7  }
0x22: {  	s23 =	sshll.u32 s23, $0x4;
	s19 =	sadd.s32 s10, s1;
	[dreg:$0x1b] =	wrdreg s18  }
0x23: {  	p0 =	seq.s32 s31, $0xF;
	s10 =	sadd.s32 s23, s2;
	[dreg:$0x1c] =	wrdreg s19  }
0x24: {  	s20 =	sshll.u32 s20, $0x4;
	s9 =	sadd.s32 s8, s1;
	[smem:$0x7EE] =	sst s10  }
0x25: {  	s0 =	simm.s32 $0x2;
	s21 =	sadd.s32 s20, s2;
	[dreg:$0x1a] =	wrdreg s9  }
0x26: {  	s24 =	sshll.u32 s24, $0x4;
	s7 =	sadd.s32 s11, s1;
	[dreg:$0x1d] =	wrdreg s21  }
0x27: {  	s25 =	sshll.u32 s25, $0x4;
	s8 =	sadd.s32 s26, s2;
	[dreg:$0x1e] =	wrdreg s7  }
0x28: {  	s31 =	simm.s32 $0x5230;
	s11 =	sadd.s32 s14, s1;
	[dreg:$0x1f] =	wrdreg s8  }
0x29: {  	s28 =	sadd.s32 $0x33400, s3;
	s14 =	sadd.s32 s16, s1;
	[smem:$0x7EF] =	sst s11  }
0x2a: {  	s22 =	sshrl.u32 s22, $0x3;
	s16 =	sadd.s32 s25, s2;
	[smem:$0x7F1] =	sst s14  }
0x2b: {  	s19 =	sadd.s32 $0xF0, s5;
	s10 =	simm.s32 $0x0;
	[smem:$0x7F2] =	sst s16  }
0x2c: {  	s22 =	sadd.s32 s28, s22;
	s9 =	sadd.s32 s13, s1;
	[smem:$0x7F6] =	sst s19  }
0x2d: {  	s13 =	sadd.s32 s24, s2;
	[dreg:$0xe] =	wrdreg s22;
	s22 =	sshrl.u32 s29, $0x3  }
0x2e: {  	s21 =	sadd.s32 $0x26C00, s2;
	s29 =	sshrl.u32 s30, $0x3;
	s22 =	sadd.s32 s28, s22  }
0x2f: {  	s14 =	simm.s32 $0x52D0;
	[dreg:$0xf] =	wrdreg s22;
	s22 =	sadd.s32 s28, s29  }
0x30: {  	s19 =	simm.s32 $0x7FD0;
	[dreg:$0x10] =	wrdreg s22;
	s22 =	sadd.s32 s15, s20  }
0x31: {  	s16 =	simm.s32 $0x7;
	s11 =	simm.s32 $0xF0;
	s22 =	sshrl.u32 s22, $0x3  }
0x32: {  	[smem:$0x7ED] =	sst s9;
	s29 =	sadd.s32 s15, s26;
	s22 =	sadd.s32 s28, s22  }
0x33: {  	s30 =	sadd.s32 s15, s23;
	[dreg:$0x11] =	wrdreg s22;
	s22 =	sshrl.u32 s29, $0x3  }
0x34: {  	[smem:$0x7F0] =	sst s13;
	s29 =	sshrl.u32 s30, $0x3;
	s22 =	sadd.s32 s28, s22  }
0x35: {  	s7 =	simm.s32 $0x5280;
	[dreg:$0x12] =	wrdreg s22;
	s22 =	sadd.s32 s28, s29  }
0x36: {  	s8 =	simm.s32 $0x5;
	[dreg:$0x13] =	wrdreg s22;
	s22 =	sadd.s32 s15, s24  }
0x37: {  	[smem:$0x7F8] =	sst s21;
	s21 =	simm.s32 $0x51E0;
	s22 =	sshrl.u32 s22, $0x3  }
0x38: {  	s13 =	simm.s32 $0x50;
	s29 =	sadd.s32 s15, s25;
	s22 =	sadd.s32 s28, s22  }
0x39: {  	s30 =	sadd.s32 $0x140, s5;
	[dreg:$0x14] =	wrdreg s22;
	s22 =	sshrl.u32 s29, $0x3  }
0x3a: {  	s20 =	sadd.s32 $0x136000, s1;
	s29 =	sshrl.u32 s30, $0x3;
	s22 =	sadd.s32 s28, s22  }
0x3b: {  	s15 =	sshrl.u32 s15, $0x3;
	[dreg:$0x15] =	wrdreg s22;
	s22 =	sadd.s32 s29, s12  }
0x3c: {  	[dreg:$0x5] =	wrdreg s22;
	s22 =	sadd.s32 $0xC200, s3;
	s3 =	smul.u32 $0x2710, s6  }
0x3d: {  	[smem:$0x7F7] =	sst s20;
	s20 =	simm.s32 $0x28F0;
	s15 =	sadd.s32 s28, s15  }
0x3e: {  	s5 =	simm.s32 $0x4;
	s18 =	sadd.s32 $0x4D80, s15;
	s3 =	sshrl.u32 s3, $0x3  }
0x3f: {  	s15 =	simm.s32 $0xA;
	[smem:$0x7F4] =	sst s18;
	s3 =	sadd.s32 s12, s3  }
0x40: {  	s30 =	simm.s32 $0x9;
	s23 =	sadd.s32 $0xA, s3;
	[smem:$0x7FC] =	sst s3  }
0x41: {  	s28 =	simm.s32 $0xA0;
	s24 =	sadd.s32 $0x14, s3;
	[smem:$0x7F9] =	sst s23  }
0x42: {  	s29 =	simm.s32 $0x7AD0;
	s25 =	sadd.s32 $0x4CE, s3;
	[smem:$0x7FA] =	sst s24  }
0x43: {  	s6 =	simm.s32 $0x3;
	s26 =	sadd.s32 $0x4D8, s3;
	[smem:$0x7FB] =	sst s25  }
0x44: {  	s3 =	simm.s32 $0x2990;
	[smem:$0x7FD] =	sst s26;
	s23 =	simm.s32 $0x8  }
0x45: {  	v0 =	vimm.f32 $0.0e+00;
	v1 =	vimm.f32 $1.000000000e+00;
	s24 =	simm.s32 $0x2940;
	s25 =	simm.s32 $0x29E0;
	s26 =	simm.s32 $0x1  }
.LBB2_1:
0x46: {  	s17 =	simm.s32 $0x5310  }
0x47: {  	[tilespmem:s17+$0x20] =	vst v0  }
0x48: {  	[tilespmem:s17+$0x10] =	vst v0  }
0x49: {  	[tilespmem:s17+$0x0] =	vst v0  }
0x4a: {  	[tilespmem:s17+$0xFFFFFFF0] =	vst v0  }
0x4b: {  	[tilespmem:s17+$0xFFFFFFE0] =	vst v0  }
0x4c: {  	[tilespmem:s17+$0xFFFFFFD0] =	vst v0  }
0x4d: {  	[tilespmem:s17+$0xFFFFFFC0] =	vst v0  }
0x4e: {  	[smem:$0x7EC] =	sst s10;
	s9 =	simm.s32 $0x0;
	s18 =	simm.s32 $0x40;
	[tilespmem:s17+$0x30] =	vst v0  }
.LBB2_2:
0x4f: {  	p1 =	sne.s32 s18, $0x13C0;
	[tilespmem:s9+$0x7AD0] =	vst v1  }
0x50: {  	s17 =	sadd.s32 $0x80, s17;
	[tilespmem:s9+$0x7FD0] =	vst v0  }
0x51: {  	[tilespmem:s17+$0x20] =	vst v0  }
0x52: {  	[tilespmem:s17+$0x10] =	vst v0  }
0x53: {  	[tilespmem:s17+$0x0] =	vst v0  }
.Ltmp0:
0x54: {  	[tilespmem:s17+$0xFFFFFFF0] =	vst v0;
	(pc) =	sbr.rel @p1 .LBB2_2-.Ltmp0, $4  }
0x55: {  	[tilespmem:s17+$0xFFFFFFE0] =	vst v0  }
0x56: {  	[tilespmem:s17+$0xFFFFFFD0] =	vst v0  }
0x57: {  	[tilespmem:s17+$0xFFFFFFC0] =	vst v0  }
0x58: {  	s9 =	sshra.s32 s18, $0x2;
	s18 =	sadd.s32 $0x40, s18;
	[tilespmem:s17+$0x30] =	vst v0  }
0x59: {  	[tilespmem:s9+$0x7AD0] =	vst v1  }
0x5a: {  	[tilespmem:s9+$0x7FD0] =	vst v0;
	s10 =	rddreg [dreg:$0x16]  }
0x5b: {  	[spmem:s10] =	stream.linear.scatter [tilespmem:s14], [sflag:$0xA], $0x2800, $0x38;
	[tilespmem:$0x1E460] =	vst v63  }
0x5c: {  	_ =	swait.ge [sflag:s15], $0x2800  }
0x5d: {  	[sflag:s15] =	ssyncset.done $0x0  }
0x5e: {  	s17 =	rddreg [dreg:$0x17];
	[sflag:s15] =	ssyncadd.s32 $0xFFFFD800  }
0x5f: {  	[spmem:s17] =	stream.linear.scatter [tilespmem:s19], [sflag:$0xA], $0x500, $0x38;
	[tilespmem:$0x1E460] =	vst v63  }
0x60: {  	_ =	swait.ge [sflag:s15], $0x500  }
0x61: {  	[sflag:s15] =	ssyncset.done $0x0  }
0x62: {  	s18 =	rddreg [dreg:$0x18];
	[sflag:s15] =	ssyncadd.s32 $0xFFFFFB00  }
0x63: {  	[spmem:s18] =	stream.linear.scatter [tilespmem:s14], [sflag:$0xA], $0x2800, $0x38;
	[tilespmem:$0x1E460] =	vst v63  }
0x64: {  	_ =	swait.ge [sflag:s15], $0x2800  }
0x65: {  	[sflag:s15] =	ssyncset.done $0x0  }
0x66: {  	s10 =	rddreg [dreg:$0x19];
	[sflag:s15] =	ssyncadd.s32 $0xFFFFD800  }
0x67: {  	[spmem:s10] =	stream.linear.scatter [tilespmem:s19], [sflag:$0xA], $0x500, $0x38;
	[tilespmem:$0x1E460] =	vst v63  }
0x68: {  	_ =	swait.ge [sflag:s15], $0x500  }
0x69: {  	[sflag:s15] =	ssyncset.done $0x0  }
0x6a: {  	s17 =	rddreg [dreg:$0x1a];
	[sflag:s15] =	ssyncadd.s32 $0xFFFFFB00  }
0x6b: {  	[spmem:s17] =	stream.linear.scatter [tilespmem:s14], [sflag:$0xA], $0x2800, $0x38;
	[tilespmem:$0x1E460] =	vst v63  }
0x6c: {  	_ =	swait.ge [sflag:s15], $0x2800  }
0x6d: {  	[sflag:s15] =	ssyncset.done $0x0  }
0x6e: {  	s18 =	rddreg [dreg:$0x1b];
	[sflag:s15] =	ssyncadd.s32 $0xFFFFD800  }
0x6f: {  	[spmem:s18] =	stream.linear.scatter [tilespmem:s19], [sflag:$0xA], $0x500, $0x38;
	[tilespmem:$0x1E460] =	vst v63  }
0x70: {  	_ =	swait.ge [sflag:s15], $0x500  }
0x71: {  	[sflag:s15] =	ssyncset.done $0x0  }
0x72: {  	s10 =	rddreg [dreg:$0x1c];
	[sflag:s15] =	ssyncadd.s32 $0xFFFFFB00  }
0x73: {  	[spmem:s10] =	stream.linear.scatter [tilespmem:s14], [sflag:$0xA], $0x2800, $0x38;
	[tilespmem:$0x1E460] =	vst v63  }
0x74: {  	_ =	swait.ge [sflag:s15], $0x2800  }
0x75: {  	[sflag:s15] =	ssyncset.done $0x0  }
0x76: {  	s17 =	rddreg [dreg:$0x1d];
	[sflag:s15] =	ssyncadd.s32 $0xFFFFD800  }
0x77: {  	[spmem:s17] =	stream.linear.scatter [tilespmem:s19], [sflag:$0xA], $0x500, $0x38;
	[tilespmem:$0x1E460] =	vst v63  }
0x78: {  	_ =	swait.ge [sflag:s15], $0x500  }
0x79: {  	[sflag:s15] =	ssyncset.done $0x0  }
0x7a: {  	s18 =	rddreg [dreg:$0x1e];
	[sflag:s15] =	ssyncadd.s32 $0xFFFFFB00  }
0x7b: {  	[spmem:s18] =	stream.linear.scatter [tilespmem:s14], [sflag:$0xA], $0x2800, $0x38;
	[tilespmem:$0x1E460] =	vst v63  }
0x7c: {  	_ =	swait.ge [sflag:s15], $0x2800  }
0x7d: {  	[sflag:s15] =	ssyncset.done $0x0  }
0x7e: {  	s10 =	rddreg [dreg:$0x1f];
	[sflag:s15] =	ssyncadd.s32 $0xFFFFD800  }
0x7f: {  	[spmem:s10] =	stream.linear.scatter [tilespmem:s19], [sflag:$0xA], $0x500, $0x38;
	[tilespmem:$0x1E460] =	vst v63  }
0x80: {  	_ =	swait.ge [sflag:s15], $0x500  }
0x81: {  	s17 =	sld [smem:$0x7ED]  }
0x82: {  	[sflag:s15] =	ssyncset.done $0x0  }
0x83: {  	[sflag:s15] =	ssyncadd.s32 $0xFFFFFB00  }
0x84: {  	[spmem:s17] =	stream.linear.scatter [tilespmem:s14], [sflag:$0xA], $0x2800, $0x38;
	[tilespmem:$0x1E460] =	vst v63  }
0x85: {  	_ =	swait.ge [sflag:s15], $0x2800  }
0x86: {  	s18 =	sld [smem:$0x7EE]  }
0x87: {  	[sflag:s15] =	ssyncset.done $0x0  }
0x88: {  	[sflag:s15] =	ssyncadd.s32 $0xFFFFD800  }
0x89: {  	[spmem:s18] =	stream.linear.scatter [tilespmem:s19], [sflag:$0xA], $0x500, $0x38;
	[tilespmem:$0x1E460] =	vst v63  }
0x8a: {  	_ =	swait.ge [sflag:s15], $0x500  }
0x8b: {  	s10 =	sld [smem:$0x7EF]  }
0x8c: {  	[sflag:s15] =	ssyncset.done $0x0  }
0x8d: {  	[sflag:s15] =	ssyncadd.s32 $0xFFFFFB00  }
0x8e: {  	[spmem:s10] =	stream.linear.scatter [tilespmem:s14], [sflag:$0xA], $0x2800, $0x38;
	[tilespmem:$0x1E460] =	vst v63  }
0x8f: {  	_ =	swait.ge [sflag:s15], $0x2800  }
0x90: {  	s17 =	sld [smem:$0x7F0]  }
0x91: {  	[sflag:s15] =	ssyncset.done $0x0  }
0x92: {  	[sflag:s15] =	ssyncadd.s32 $0xFFFFD800  }
0x93: {  	[spmem:s17] =	stream.linear.scatter [tilespmem:s19], [sflag:$0xA], $0x500, $0x38;
	[tilespmem:$0x1E460] =	vst v63  }
0x94: {  	_ =	swait.ge [sflag:s15], $0x500  }
0x95: {  	s10 =	sld [smem:$0x7F7]  }
0x96: {  	[sflag:s15] =	ssyncset.done $0x0  }
0x97: {  	s9 =	simm.s32 @p0 $0x52D0;
	[sflag:s15] =	ssyncadd.s32 $0xFFFFFB00  }
0x98: {  	[spmem:s10] =	stream.linear.scatter @p0 [tilespmem:s9], [sflag:$0xA], $0x2800, $0x38;
	[tilespmem:$0x1E460] =	vst v63  }
0x99: {  	s9 =	simm.s32 @p0 $0xA  }
0x9a: {  	_ =	swait.ge @p0 [sflag:s9], $0x2800  }
0x9b: {  	s10 =	sld [smem:$0x7F8]  }
0x9c: {  	[sflag:s9] =	ssyncset.done @p0 $0x0  }
0x9d: {  	s17 =	simm.s32 @p0 $0x7FD0;
	[sflag:s9] =	ssyncadd.s32 @p0 $0xFFFFD800  }
0x9e: {  	[spmem:s10] =	stream.linear.scatter @p0 [tilespmem:s17], [sflag:$0xA], $0x500, $0x38;
	[tilespmem:$0x1E460] =	vst v63  }
0x9f: {  	_ =	swait.ge @p0 [sflag:s9], $0x500  }
0xa0: {  	s10 =	sld [smem:$0x7F1]  }
0xa1: {  	[sflag:s9] =	ssyncset.done @p0 $0x0  }
0xa2: {  	[sflag:s9] =	ssyncadd.s32 @p0 $0xFFFFFB00;
	s9 =	simm.s32 @!p0 $0x52D0  }
0xa3: {  	[spmem:s10] =	stream.linear.scatter @!p0 [tilespmem:s9], [sflag:$0xA], $0x2000, $0x38;
	[tilespmem:$0x1E460] =	vst v63  }
0xa4: {  	s9 =	simm.s32 @!p0 $0xA  }
0xa5: {  	_ =	swait.ge @!p0 [sflag:s9], $0x2000  }
0xa6: {  	s10 =	sld [smem:$0x7F2]  }
0xa7: {  	[sflag:s9] =	ssyncset.done @!p0 $0x0  }
0xa8: {  	s17 =	simm.s32 @!p0 $0x7FD0;
	[sflag:s9] =	ssyncadd.s32 @!p0 $0xFFFFE000  }
0xa9: {  	[spmem:s10] =	stream.linear.scatter @!p0 [tilespmem:s17], [sflag:$0xA], $0x400, $0x38;
	[tilespmem:$0x1E460] =	vst v63  }
0xaa: {  	_ =	swait.ge @!p0 [sflag:s9], $0x400  }
0xab: {  	[sflag:s9] =	ssyncset.done @!p0 $0x0  }
0xac: {  	[sflag:s9] =	ssyncadd.s32 @!p0 $0xFFFFFC00  }
0xad: {  	[bflag:$0x0] =	sbarrier.arrive $0xFFFF  }
0xae: {  	s18 =	sld [smem:$0x7FC];
	_ =	sdelay $0x1  }
0xaf: {  	s17 =	simm.s32 $0x0;
	s10 =	sld [smem:$0x7F9]  }
0xb0: {  	[tilespmem:s17], [sflag:$0x7] =	stream.linear.gather [hbm4b:s18+s17], $0x50, $0x38;
	[tilespmem:$0x1E460] =	vst v63  }
0xb1: {  	s18 =	sld [smem:$0x7FA]  }
0xb2: {  	[tilespmem:s20], [sflag:$0x8] =	stream.linear.gather [hbm4b:s10+s17], $0x50, $0x38;
	[tilespmem:$0x1E460] =	vst v63  }
0xb3: {  	_ = 	snop  }
0xb4: {  	[tilespmem:s21], [sflag:$0x9] =	stream.linear.gather [hbm4b:s18+s17], $0x50, $0x38;
	[tilespmem:$0x1E460] =	vst v63  }
0xb5: {  	_ =	swait.ge [sflag:s16], $0x50  }
0xb6: {  	[sflag:s16] =	ssyncset.done $0x0  }
0xb7: {  	[sflag:s16] =	ssyncadd.s32 $0xFFFFFFB0  }
0xb8: {  	v2 =	vld [tilespmem:$0x0];
	_ =	sdelay $0x1  }
0xb9: {  	v3 =	vld [tilespmem:$0x10];
	_ =	sdelay $0x1  }
0xba: {  	v4 =	vld [tilespmem:$0x20]  }
0xbb: {  	v5 =	vshrl.u32 v2, $0xE  }
0xbc: {  	v60 =	vld [tilespmem:$0x30];
	v2 =	vand.u32 $0x3FFF, v2;
	[tilespmem:$0x50] =	vst v5  }
0xbd: {  	[tilespmem:$0xA0] =	vst v2;
	v2 =	vshrl.u32 v3, $0xE  }
0xbe: {  	[tilespmem:$0x60] =	vst v2;
	v2 =	vand.u32 $0x3FFF, v3;
	v3 =	vld [tilespmem:$0x40]  }
0xbf: {  	[tilespmem:$0xB0] =	vst v2;
	v2 =	vshrl.u32 v4, $0xE  }
0xc0: {  	[tilespmem:$0x70] =	vst v2;
	v2 =	vand.u32 $0x3FFF, v4  }
0xc1: {  	[tilespmem:$0xC0] =	vst v2;
	v2 =	vshrl.u32 v60, $0xE  }
0xc2: {  	[tilespmem:$0x80] =	vst v2;
	v2 =	vand.u32 $0x3FFF, v60  }
0xc3: {  	[tilespmem:$0xD0] =	vst v2;
	v2 =	vshrl.u32 v3, $0xE  }
0xc4: {  	[tilespmem:$0x90] =	vst v2;
	v2 =	vand.u32 $0x3FFF, v3  }
0xc5: {  	[tilespmem:$0xE0] =	vst v2  }
0xc6: {  	[tilespmem:s11], [sflag:$0x1] =	stream.indirect.gather [hbm4b:s22+s13], $0x80, s13, s13, $0xb8;
	[tilespmem:$0x1E460] =	vst v63  }
0xc7: {  	_ =	swait.ge [sflag:s23], $0x50  }
0xc8: {  	[sflag:s23] =	ssyncset.done $0x0  }
0xc9: {  	[sflag:s23] =	ssyncadd.s32 $0xFFFFFFB0  }
0xca: {  	v2 =	vld [tilespmem:$0x28F0];
	_ =	sdelay $0x1  }
0xcb: {  	v3 =	vld [tilespmem:$0x2900];
	_ =	sdelay $0x1  }
0xcc: {  	v61 =	vld [tilespmem:$0x2910]  }
0xcd: {  	v62 =	vshrl.u32 v2, $0xE  }
0xce: {  	v63 =	vld [tilespmem:$0x2920];
	v2 =	vand.u32 $0x3FFF, v2;
	[tilespmem:$0x2940] =	vst v62  }
0xcf: {  	[tilespmem:$0x2990] =	vst v2;
	v2 =	vshrl.u32 v3, $0xE  }
0xd0: {  	[tilespmem:$0x2950] =	vst v2;
	v2 =	vand.u32 $0x3FFF, v3;
	v3 =	vld [tilespmem:$0x2930]  }
0xd1: {  	[tilespmem:$0x29A0] =	vst v2;
	v2 =	vshrl.u32 v61, $0xE  }
0xd2: {  	[tilespmem:$0x2960] =	vst v2;
	v2 =	vand.u32 $0x3FFF, v61  }
0xd3: {  	[tilespmem:$0x29B0] =	vst v2;
	v2 =	vshrl.u32 v63, $0xE  }
0xd4: {  	[tilespmem:$0x2970] =	vst v2;
	v2 =	vand.u32 $0x3FFF, v63  }
0xd5: {  	[tilespmem:$0x29C0] =	vst v2;
	v2 =	vshrl.u32 v3, $0xE  }
0xd6: {  	[tilespmem:$0x2980] =	vst v2;
	v2 =	vand.u32 $0x3FFF, v3  }
0xd7: {  	s18 =	sld [smem:$0x7F6];
	[tilespmem:$0x29D0] =	vst v2  }
0xd8: {  	[tilespmem:s25], [sflag:$0x2] =	stream.indirect.gather [hbm4b:s22+s13], $0x80, s24, s13, $0xb8;
	[tilespmem:$0x1E460] =	vst v63  }
.LBB2_4:
0xd9: {  	_ =	swait.ge [sflag:s26], $0x2800  }
0xda: {  	[sflag:s26] =	ssyncset.done $0x0  }
0xdb: {  	p1 =	seq.s32 s17, $0x0;
	[sflag:s26] =	ssyncadd.s32 $0xFFFFD800  }
0xdc: {  	[spmem:s1] =	stream.indirect.scatter.add.f32 [tilespmem:s11], [sflag:$0x4], $0x80, s28, s13, $0xb8;
	[tilespmem:$0x1E460] =	vst v63  }
0xdd: {  	s9 =	simm.s32 @!p1 $0x6  }
0xde: {  	[spmem:s2] =	stream.indirect.scatter.add.f32 [tilespmem:s29], [sflag:$0x4], $0x10, s28, s13, $0xb8;
	[tilespmem:$0x1E460] =	vst v63  }
0xdf: {  	_ =	swait.ge @!p1 [sflag:s9], $0x2800  }
0xe0: {  	[sflag:s9] =	ssyncset.done @!p1 $0x0  }
0xe1: {  	[sflag:s9] =	ssyncadd.s32 @!p1 $0xFFFFD800  }
0xe2: {  	_ =	swait.ge @!p1 [sflag:s9], $0x500  }
0xe3: {  	[sflag:s9] =	ssyncset.done @!p1 $0x0  }
0xe4: {  	[sflag:s9] =	ssyncadd.s32 @!p1 $0xFFFFFB00  }
0xe5: {  	_ =	swait.ge [sflag:s30], $0x50  }
0xe6: {  	[sflag:s30] =	ssyncset.done $0x0  }
0xe7: {  	[sflag:s30] =	ssyncadd.s32 $0xFFFFFFB0  }
0xe8: {  	v2 =	vld [tilespmem:$0x51E0];
	_ =	sdelay $0x1  }
0xe9: {  	v3 =	vld [tilespmem:$0x51F0];
	_ =	sdelay $0x1  }
0xea: {  	v4 =	vld [tilespmem:$0x5200]  }
0xeb: {  	v5 =	vshrl.u32 v2, $0xE  }
0xec: {  	v57 =	vld [tilespmem:$0x5210];
	v2 =	vand.u32 $0x3FFF, v2;
	[tilespmem:$0x5230] =	vst v5  }
0xed: {  	[tilespmem:$0x5280] =	vst v2;
	v2 =	vshrl.u32 v3, $0xE  }
0xee: {  	[tilespmem:$0x5240] =	vst v2;
	v2 =	vand.u32 $0x3FFF, v3;
	v3 =	vld [tilespmem:$0x5220]  }
0xef: {  	[tilespmem:$0x5290] =	vst v2;
	v2 =	vshrl.u32 v4, $0xE  }
0xf0: {  	[tilespmem:$0x5250] =	vst v2;
	v2 =	vand.u32 $0x3FFF, v4  }
0xf1: {  	[tilespmem:$0x52A0] =	vst v2;
	v2 =	vshrl.u32 v57, $0xE  }
0xf2: {  	[tilespmem:$0x5260] =	vst v2;
	v2 =	vand.u32 $0x3FFF, v57  }
0xf3: {  	[tilespmem:$0x52B0] =	vst v2;
	v2 =	vshrl.u32 v3, $0xE  }
0xf4: {  	[tilespmem:$0x5270] =	vst v2;
	v2 =	vand.u32 $0x3FFF, v3  }
0xf5: {  	s10 =	sshrl.u32 s18, $0x3;
	[tilespmem:$0x52C0] =	vst v2  }
0xf6: {  	[tilespmem:s14], [sflag:$0x3] =	stream.indirect.gather [hbm4b:s22+s13], $0x80, s31, s13, $0xb8;
	[tilespmem:$0x1E460] =	vst v63  }
0xf7: {  	s9 =	sadd.s32 s12, s10  }
0xf8: {  	[tilespmem:s4], [sflag:$0x7] =	stream.linear.gather [hbm4b:s9+s4], $0x50, $0x38;
	[tilespmem:$0x1E460] =	vst v63  }
0xf9: {  	_ =	swait.ge [sflag:s0], $0x2800  }
0xfa: {  	[sflag:s0] =	ssyncset.done $0x0  }
0xfb: {  	[sflag:s0] =	ssyncadd.s32 $0xFFFFD800  }
0xfc: {  	[spmem:s1] =	stream.indirect.scatter.add.f32 [tilespmem:s25], [sflag:$0x5], $0x80, s3, s13, $0xb8;
	[tilespmem:$0x1E460] =	vst v63  }
0xfd: {  	_ = 	snop  }
0xfe: {  	[spmem:s2] =	stream.indirect.scatter.add.f32 [tilespmem:s29], [sflag:$0x5], $0x10, s3, s13, $0xb8;
	[tilespmem:$0x1E460] =	vst v63  }
0xff: {  	_ =	swait.ge [sflag:s5], $0x2800  }
0x100: {  	[sflag:s5] =	ssyncset.done $0x0  }
0x101: {  	[sflag:s5] =	ssyncadd.s32 $0xFFFFD800  }
0x102: {  	_ =	swait.ge [sflag:s5], $0x500  }
0x103: {  	[sflag:s5] =	ssyncset.done $0x0  }
0x104: {  	[sflag:s5] =	ssyncadd.s32 $0xFFFFFB00  }
0x105: {  	_ =	swait.ge [sflag:s16], $0x50  }
0x106: {  	[sflag:s16] =	ssyncset.done $0x0  }
0x107: {  	[sflag:s16] =	ssyncadd.s32 $0xFFFFFFB0  }
0x108: {  	v2 =	vld [tilespmem:$0x0];
	_ =	sdelay $0x1  }
0x109: {  	v3 =	vld [tilespmem:$0x10];
	_ =	sdelay $0x1  }
0x10a: {  	v58 =	vld [tilespmem:$0x20]  }
0x10b: {  	v59 =	vshrl.u32 v2, $0xE  }
0x10c: {  	v60 =	vld [tilespmem:$0x30];
	v2 =	vand.u32 $0x3FFF, v2;
	[tilespmem:$0x50] =	vst v59  }
0x10d: {  	[tilespmem:$0xA0] =	vst v2;
	v2 =	vshrl.u32 v3, $0xE  }
0x10e: {  	[tilespmem:$0x60] =	vst v2;
	v2 =	vand.u32 $0x3FFF, v3;
	v3 =	vld [tilespmem:$0x40]  }
0x10f: {  	[tilespmem:$0xB0] =	vst v2;
	v2 =	vshrl.u32 v58, $0xE  }
0x110: {  	[tilespmem:$0x70] =	vst v2;
	v2 =	vand.u32 $0x3FFF, v58  }
0x111: {  	[tilespmem:$0xC0] =	vst v2;
	v2 =	vshrl.u32 v60, $0xE  }
0x112: {  	[tilespmem:$0x80] =	vst v2;
	v2 =	vand.u32 $0x3FFF, v60  }
0x113: {  	[tilespmem:$0xD0] =	vst v2;
	v2 =	vshrl.u32 v3, $0xE  }
0x114: {  	[tilespmem:$0x90] =	vst v2;
	v2 =	vand.u32 $0x3FFF, v3  }
0x115: {  	s10 =	rddreg [dreg:$0x5];
	[tilespmem:$0xE0] =	vst v2  }
0x116: {  	[tilespmem:s11], [sflag:$0x1] =	stream.indirect.gather [hbm4b:s22+s13], $0x80, s13, s13, $0xb8;
	[tilespmem:$0x1E460] =	vst v63  }
0x117: {  	s9 =	sadd.s32 s17, s10  }
0x118: {  	[tilespmem:s20], [sflag:$0x8] =	stream.linear.gather [hbm4b:s9+s4], $0x50, $0x38;
	[tilespmem:$0x1E460] =	vst v63  }
0x119: {  	_ =	swait.ge [sflag:s6], $0x2800  }
0x11a: {  	[sflag:s6] =	ssyncset.done $0x0  }
0x11b: {  	[sflag:s6] =	ssyncadd.s32 $0xFFFFD800  }
0x11c: {  	[spmem:s1] =	stream.indirect.scatter.add.f32 [tilespmem:s14], [sflag:$0x6], $0x80, s7, s13, $0xb8;
	[tilespmem:$0x1E460] =	vst v63  }
0x11d: {  	_ = 	snop  }
0x11e: {  	[spmem:s2] =	stream.indirect.scatter.add.f32 [tilespmem:s29], [sflag:$0x6], $0x10, s7, s13, $0xb8;
	[tilespmem:$0x1E460] =	vst v63  }
0x11f: {  	_ =	swait.ge [sflag:s8], $0x2800  }
0x120: {  	[sflag:s8] =	ssyncset.done $0x0  }
0x121: {  	[sflag:s8] =	ssyncadd.s32 $0xFFFFD800  }
0x122: {  	_ =	swait.ge [sflag:s8], $0x500  }
0x123: {  	[sflag:s8] =	ssyncset.done $0x0  }
0x124: {  	[sflag:s8] =	ssyncadd.s32 $0xFFFFFB00  }
0x125: {  	_ =	swait.ge [sflag:s23], $0x50  }
0x126: {  	[sflag:s23] =	ssyncset.done $0x0  }
0x127: {  	[sflag:s23] =	ssyncadd.s32 $0xFFFFFFB0  }
0x128: {  	v2 =	vld [tilespmem:$0x28F0];
	_ =	sdelay $0x1  }
0x129: {  	v3 =	vld [tilespmem:$0x2900];
	_ =	sdelay $0x1  }
0x12a: {  	v61 =	vld [tilespmem:$0x2910]  }
0x12b: {  	v62 =	vshrl.u32 v2, $0xE  }
0x12c: {  	v63 =	vld [tilespmem:$0x2920];
	v2 =	vand.u32 $0x3FFF, v2;
	[tilespmem:$0x2940] =	vst v62  }
0x12d: {  	[tilespmem:$0x2990] =	vst v2;
	v2 =	vshrl.u32 v3, $0xE  }
0x12e: {  	[tilespmem:$0x2950] =	vst v2;
	v2 =	vand.u32 $0x3FFF, v3;
	v3 =	vld [tilespmem:$0x2930]  }
0x12f: {  	[tilespmem:$0x29A0] =	vst v2;
	v2 =	vshrl.u32 v61, $0xE  }
0x130: {  	[tilespmem:$0x2960] =	vst v2;
	v2 =	vand.u32 $0x3FFF, v61  }
0x131: {  	s10 =	rddreg [dreg:$0x4];
	[tilespmem:$0x29B0] =	vst v2;
	v2 =	vshrl.u32 v63, $0xE  }
0x132: {  	s9 =	sadd.s32 s17, s10;
	s17 =	sadd.s32 $0x1E, s17;
	[tilespmem:$0x2970] =	vst v2;
	v2 =	vand.u32 $0x3FFF, v63  }
0x133: {  	p1 =	sne.s32 s17, $0x4B0;
	[tilespmem:$0x29C0] =	vst v2;
	v2 =	vshrl.u32 v3, $0xE  }
.Ltmp1:
0x134: {  	[tilespmem:$0x2980] =	vst v2;
	v2 =	vand.u32 $0x3FFF, v3;
	(pc) =	sbr.rel @p1 .LBB2_4-.Ltmp1, $4  }
0x135: {  	[tilespmem:$0x29D0] =	vst v2  }
0x136: {  	[tilespmem:s25], [sflag:$0x2] =	stream.indirect.gather [hbm4b:s22+s13], $0x80, s24, s13, $0xb8;
	[tilespmem:$0x1E460] =	vst v63  }
0x137: {  	s18 =	sadd.s32 $0xF0, s18  }
0x138: {  	[tilespmem:s21], [sflag:$0x9] =	stream.linear.gather [hbm4b:s9+s4], $0x50, $0x38;
	[tilespmem:$0x1E460] =	vst v63  }
0x139: {  	_ =	swait.ge [sflag:s26], $0x2800  }
0x13a: {  	[sflag:s26] =	ssyncset.done $0x0  }
0x13b: {  	[sflag:s26] =	ssyncadd.s32 $0xFFFFD800  }
0x13c: {  	[spmem:s1] =	stream.indirect.scatter.add.f32 [tilespmem:s11], [sflag:$0x4], $0x80, s28, s13, $0xb8;
	[tilespmem:$0x1E460] =	vst v63  }
0x13d: {  	s10 =	simm.s32 $0x6  }
0x13e: {  	[spmem:s2] =	stream.indirect.scatter.add.f32 [tilespmem:s29], [sflag:$0x4], $0x10, s28, s13, $0xb8;
	[tilespmem:$0x1E460] =	vst v63  }
0x13f: {  	_ =	swait.ge [sflag:s10], $0x2800  }
0x140: {  	[sflag:s10] =	ssyncset.done $0x0  }
0x141: {  	[sflag:s10] =	ssyncadd.s32 $0xFFFFD800  }
0x142: {  	_ =	swait.ge [sflag:s10], $0x500  }
0x143: {  	[sflag:s10] =	ssyncset.done $0x0  }
0x144: {  	[sflag:s10] =	ssyncadd.s32 $0xFFFFFB00  }
0x145: {  	_ =	swait.ge [sflag:s30], $0x50  }
0x146: {  	[sflag:s30] =	ssyncset.done $0x0  }
0x147: {  	[sflag:s30] =	ssyncadd.s32 $0xFFFFFFB0  }
0x148: {  	v2 =	vld [tilespmem:$0x51E0];
	_ =	sdelay $0x1  }
0x149: {  	v3 =	vld [tilespmem:$0x51F0];
	_ =	sdelay $0x1  }
0x14a: {  	v4 =	vld [tilespmem:$0x5200]  }
0x14b: {  	v5 =	vshrl.u32 v2, $0xE  }
0x14c: {  	v57 =	vld [tilespmem:$0x5210];
	v2 =	vand.u32 $0x3FFF, v2;
	[tilespmem:$0x5230] =	vst v5  }
0x14d: {  	[tilespmem:$0x5280] =	vst v2;
	v2 =	vshrl.u32 v3, $0xE  }
0x14e: {  	[tilespmem:$0x5240] =	vst v2;
	v2 =	vand.u32 $0x3FFF, v3;
	v3 =	vld [tilespmem:$0x5220]  }
0x14f: {  	[tilespmem:$0x5290] =	vst v2;
	v2 =	vshrl.u32 v4, $0xE  }
0x150: {  	[tilespmem:$0x5250] =	vst v2;
	v2 =	vand.u32 $0x3FFF, v4  }
0x151: {  	[tilespmem:$0x52A0] =	vst v2;
	v2 =	vshrl.u32 v57, $0xE  }
0x152: {  	[tilespmem:$0x5260] =	vst v2;
	v2 =	vand.u32 $0x3FFF, v57  }
0x153: {  	[tilespmem:$0x52B0] =	vst v2;
	v2 =	vshrl.u32 v3, $0xE  }
0x154: {  	[tilespmem:$0x5270] =	vst v2;
	v2 =	vand.u32 $0x3FFF, v3  }
0x155: {  	s9 =	sld [smem:$0x7FB];
	[tilespmem:$0x52C0] =	vst v2  }
0x156: {  	[tilespmem:s14], [sflag:$0x3] =	stream.indirect.gather [hbm4b:s22+s13], $0x80, s31, s13, $0xb8;
	[tilespmem:$0x1E460] =	vst v63  }
0x157: {  	_ = 	snop  }
0x158: {  	[tilespmem:s4], [sflag:$0x7] =	stream.linear.gather [hbm4b:s9+s4], $0x50, $0x38;
	[tilespmem:$0x1E460] =	vst v63  }
0x159: {  	_ =	swait.ge [sflag:s0], $0x2800  }
0x15a: {  	[sflag:s0] =	ssyncset.done $0x0  }
0x15b: {  	[sflag:s0] =	ssyncadd.s32 $0xFFFFD800  }
0x15c: {  	[spmem:s1] =	stream.indirect.scatter.add.f32 [tilespmem:s25], [sflag:$0x5], $0x80, s3, s13, $0xb8;
	[tilespmem:$0x1E460] =	vst v63  }
0x15d: {  	_ = 	snop  }
0x15e: {  	[spmem:s2] =	stream.indirect.scatter.add.f32 [tilespmem:s29], [sflag:$0x5], $0x10, s3, s13, $0xb8;
	[tilespmem:$0x1E460] =	vst v63  }
0x15f: {  	_ =	swait.ge [sflag:s5], $0x2800  }
0x160: {  	[sflag:s5] =	ssyncset.done $0x0  }
0x161: {  	[sflag:s5] =	ssyncadd.s32 $0xFFFFD800  }
0x162: {  	_ =	swait.ge [sflag:s5], $0x500  }
0x163: {  	[sflag:s5] =	ssyncset.done $0x0  }
0x164: {  	[sflag:s5] =	ssyncadd.s32 $0xFFFFFB00  }
0x165: {  	_ =	swait.ge [sflag:s16], $0x50  }
0x166: {  	[sflag:s16] =	ssyncset.done $0x0  }
0x167: {  	[sflag:s16] =	ssyncadd.s32 $0xFFFFFFB0  }
0x168: {  	v2 =	vld [tilespmem:$0x0];
	_ =	sdelay $0x1  }
0x169: {  	v3 =	vld [tilespmem:$0x10];
	_ =	sdelay $0x1  }
0x16a: {  	v58 =	vld [tilespmem:$0x20]  }
0x16b: {  	v59 =	vshrl.u32 v2, $0xE  }
0x16c: {  	v60 =	vld [tilespmem:$0x30];
	v2 =	vand.u32 $0x3FFF, v2;
	[tilespmem:$0x50] =	vst v59  }
0x16d: {  	[tilespmem:$0xA0] =	vst v2;
	v2 =	vshrl.u32 v3, $0xE  }
0x16e: {  	[tilespmem:$0x60] =	vst v2;
	v2 =	vand.u32 $0x3FFF, v3;
	v3 =	vld [tilespmem:$0x40]  }
0x16f: {  	[tilespmem:$0xB0] =	vst v2;
	v2 =	vshrl.u32 v58, $0xE  }
0x170: {  	[tilespmem:$0x70] =	vst v2;
	v2 =	vand.u32 $0x3FFF, v58  }
0x171: {  	[tilespmem:$0xC0] =	vst v2;
	v2 =	vshrl.u32 v60, $0xE  }
0x172: {  	[tilespmem:$0x80] =	vst v2;
	v2 =	vand.u32 $0x3FFF, v60  }
0x173: {  	[tilespmem:$0xD0] =	vst v2;
	v2 =	vshrl.u32 v3, $0xE  }
0x174: {  	[tilespmem:$0x90] =	vst v2;
	v2 =	vand.u32 $0x3FFF, v3  }
0x175: {  	s17 =	sld [smem:$0x7FD];
	[tilespmem:$0xE0] =	vst v2  }
0x176: {  	[tilespmem:s11], [sflag:$0x1] =	stream.indirect.gather [hbm4b:s22+s13], $0x80, s13, s13, $0xb8;
	[tilespmem:$0x1E460] =	vst v63  }
0x177: {  	_ = 	snop  }
0x178: {  	[tilespmem:s20], [sflag:$0x8] =	stream.linear.gather [hbm4b:s17+s4], $0x50, $0x38;
	[tilespmem:$0x1E460] =	vst v63  }
0x179: {  	_ =	swait.ge [sflag:s6], $0x2800  }
0x17a: {  	[sflag:s6] =	ssyncset.done $0x0  }
0x17b: {  	[sflag:s6] =	ssyncadd.s32 $0xFFFFD800  }
0x17c: {  	[spmem:s1] =	stream.indirect.scatter.add.f32 [tilespmem:s14], [sflag:$0x6], $0x80, s7, s13, $0xb8;
	[tilespmem:$0x1E460] =	vst v63  }
0x17d: {  	_ = 	snop  }
0x17e: {  	[spmem:s2] =	stream.indirect.scatter.add.f32 [tilespmem:s29], [sflag:$0x6], $0x10, s7, s13, $0xb8;
	[tilespmem:$0x1E460] =	vst v63  }
0x17f: {  	_ =	swait.ge [sflag:s8], $0x2800  }
0x180: {  	[sflag:s8] =	ssyncset.done $0x0  }
0x181: {  	[sflag:s8] =	ssyncadd.s32 $0xFFFFD800  }
0x182: {  	_ =	swait.ge [sflag:s8], $0x500  }
0x183: {  	[sflag:s8] =	ssyncset.done $0x0  }
0x184: {  	[sflag:s8] =	ssyncadd.s32 $0xFFFFFB00  }
0x185: {  	_ =	swait.ge [sflag:s23], $0x50  }
0x186: {  	[sflag:s23] =	ssyncset.done $0x0  }
0x187: {  	[sflag:s23] =	ssyncadd.s32 $0xFFFFFFB0  }
0x188: {  	v2 =	vld [tilespmem:$0x28F0];
	_ =	sdelay $0x1  }
0x189: {  	v3 =	vld [tilespmem:$0x2900];
	_ =	sdelay $0x1  }
0x18a: {  	v61 =	vld [tilespmem:$0x2910]  }
0x18b: {  	v62 =	vshrl.u32 v2, $0xE  }
0x18c: {  	v63 =	vld [tilespmem:$0x2920];
	v2 =	vand.u32 $0x3FFF, v2;
	[tilespmem:$0x2940] =	vst v62  }
0x18d: {  	[tilespmem:$0x2990] =	vst v2;
	v2 =	vshrl.u32 v3, $0xE  }
0x18e: {  	[tilespmem:$0x2950] =	vst v2;
	v2 =	vand.u32 $0x3FFF, v3;
	v3 =	vld [tilespmem:$0x2930]  }
0x18f: {  	[tilespmem:$0x29A0] =	vst v2;
	v2 =	vshrl.u32 v61, $0xE  }
0x190: {  	[tilespmem:$0x2960] =	vst v2;
	v2 =	vand.u32 $0x3FFF, v61  }
0x191: {  	[tilespmem:$0x29B0] =	vst v2;
	v2 =	vshrl.u32 v63, $0xE  }
0x192: {  	[tilespmem:$0x2970] =	vst v2;
	v2 =	vand.u32 $0x3FFF, v63  }
0x193: {  	[tilespmem:$0x29C0] =	vst v2;
	v2 =	vshrl.u32 v3, $0xE  }
0x194: {  	[tilespmem:$0x2980] =	vst v2;
	v2 =	vand.u32 $0x3FFF, v3  }
0x195: {  	[tilespmem:$0x29D0] =	vst v2  }
0x196: {  	[tilespmem:s25], [sflag:$0x2] =	stream.indirect.gather [hbm4b:s22+s13], $0x80, s24, s13, $0xb8;
	[tilespmem:$0x1E460] =	vst v63  }
0x197: {  	_ =	swait.ge [sflag:s26], $0x2800  }
0x198: {  	[sflag:s26] =	ssyncset.done $0x0  }
0x199: {  	[sflag:s26] =	ssyncadd.s32 $0xFFFFD800  }
0x19a: {  	[spmem:s1] =	stream.indirect.scatter.add.f32 [tilespmem:s11], [sflag:$0x4], $0x80, s28, s13, $0xb8;
	[tilespmem:$0x1E460] =	vst v63  }
0x19b: {  	_ = 	snop  }
0x19c: {  	[spmem:s2] =	stream.indirect.scatter.add.f32 [tilespmem:s29], [sflag:$0x4], $0x10, s28, s13, $0xb8;
	[tilespmem:$0x1E460] =	vst v63  }
0x19d: {  	_ =	swait.ge [sflag:s10], $0x2800  }
0x19e: {  	[sflag:s10] =	ssyncset.done $0x0  }
0x19f: {  	[sflag:s10] =	ssyncadd.s32 $0xFFFFD800  }
0x1a0: {  	_ =	swait.ge [sflag:s10], $0x500  }
0x1a1: {  	[sflag:s10] =	ssyncset.done $0x0  }
0x1a2: {  	[sflag:s10] =	ssyncadd.s32 $0xFFFFFB00  }
0x1a3: {  	_ =	swait.ge [sflag:s0], $0x2800  }
0x1a4: {  	[sflag:s0] =	ssyncset.done $0x0  }
0x1a5: {  	[sflag:s0] =	ssyncadd.s32 $0xFFFFD800  }
0x1a6: {  	[spmem:s1] =	stream.indirect.scatter.add.f32 [tilespmem:s25], [sflag:$0x5], $0x80, s3, s13, $0xb8;
	[tilespmem:$0x1E460] =	vst v63  }
0x1a7: {  	_ = 	snop  }
0x1a8: {  	[spmem:s2] =	stream.indirect.scatter.add.f32 [tilespmem:s29], [sflag:$0x5], $0x10, s3, s13, $0xb8;
	[tilespmem:$0x1E460] =	vst v63  }
0x1a9: {  	_ =	swait.ge [sflag:s5], $0x2800  }
0x1aa: {  	[sflag:s5] =	ssyncset.done $0x0  }
0x1ab: {  	[sflag:s5] =	ssyncadd.s32 $0xFFFFD800  }
0x1ac: {  	_ =	swait.ge [sflag:s5], $0x500  }
0x1ad: {  	[sflag:s5] =	ssyncset.done $0x0  }
0x1ae: {  	[sflag:s5] =	ssyncadd.s32 $0xFFFFFB00  }
0x1af: {  	_ =	swait.ge [sflag:s8], $0x2800  }
0x1b0: {  	[sflag:s8] =	ssyncset.done $0x0  }
0x1b1: {  	[sflag:s8] =	ssyncadd.s32 $0xFFFFD800  }
0x1b2: {  	_ =	swait.ge [sflag:s8], $0x500  }
0x1b3: {  	[sflag:s8] =	ssyncset.done $0x0  }
0x1b4: {  	[sflag:s8] =	ssyncadd.s32 $0xFFFFFB00  }
0x1b5: {  	[bflag:$0x0] =	sbarrier.arrive $0xFFFF  }
0x1b6: {  	s18 =	rddreg [dreg:$0x16]  }
0x1b7: {  	[tilespmem:s14], [sflag:$0xA] =	stream.linear.gather [spmem:s18], $0x2800, $0x38;
	[tilespmem:$0x1E460] =	vst v63  }
0x1b8: {  	_ =	swait.ge [sflag:s15], $0x2800  }
0x1b9: {  	[sflag:s15] =	ssyncset.done $0x0  }
0x1ba: {  	s10 =	rddreg [dreg:$0x6];
	[sflag:s15] =	ssyncadd.s32 $0xFFFFD800  }
0x1bb: {  	[hbm4b:s10+s4] =	stream.linear.scatter [tilespmem:s14], [sflag:$0xA], $0x2800, $0x38;
	[tilespmem:$0x1E460] =	vst v63  }
0x1bc: {  	_ =	swait.ge [sflag:s15], $0x2800  }
0x1bd: {  	[sflag:s15] =	ssyncset.done $0x0  }
0x1be: {  	s17 =	rddreg [dreg:$0x17];
	[sflag:s15] =	ssyncadd.s32 $0xFFFFD800  }
0x1bf: {  	[tilespmem:s19], [sflag:$0xA] =	stream.linear.gather [spmem:s17], $0x500, $0x38;
	[tilespmem:$0x1E460] =	vst v63  }
0x1c0: {  	_ =	swait.ge [sflag:s15], $0x500  }
0x1c1: {  	[sflag:s15] =	ssyncset.done $0x0  }
0x1c2: {  	s18 =	rddreg [dreg:$0xe];
	[sflag:s15] =	ssyncadd.s32 $0xFFFFFB00  }
0x1c3: {  	[hbm4b:s18+s4] =	stream.linear.scatter [tilespmem:s19], [sflag:$0xA], $0x500, $0x38;
	[tilespmem:$0x1E460] =	vst v63  }
0x1c4: {  	_ =	swait.ge [sflag:s15], $0x500  }
0x1c5: {  	[sflag:s15] =	ssyncset.done $0x0  }
0x1c6: {  	s10 =	rddreg [dreg:$0x18];
	[sflag:s15] =	ssyncadd.s32 $0xFFFFFB00  }
0x1c7: {  	[tilespmem:s14], [sflag:$0xA] =	stream.linear.gather [spmem:s10], $0x2800, $0x38;
	[tilespmem:$0x1E460] =	vst v63  }
0x1c8: {  	_ =	swait.ge [sflag:s15], $0x2800  }
0x1c9: {  	[sflag:s15] =	ssyncset.done $0x0  }
0x1ca: {  	s17 =	rddreg [dreg:$0x7];
	[sflag:s15] =	ssyncadd.s32 $0xFFFFD800  }
0x1cb: {  	[hbm4b:s17+s4] =	stream.linear.scatter [tilespmem:s14], [sflag:$0xA], $0x2800, $0x38;
	[tilespmem:$0x1E460] =	vst v63  }
0x1cc: {  	_ =	swait.ge [sflag:s15], $0x2800  }
0x1cd: {  	[sflag:s15] =	ssyncset.done $0x0  }
0x1ce: {  	s18 =	rddreg [dreg:$0x19];
	[sflag:s15] =	ssyncadd.s32 $0xFFFFD800  }
0x1cf: {  	[tilespmem:s19], [sflag:$0xA] =	stream.linear.gather [spmem:s18], $0x500, $0x38;
	[tilespmem:$0x1E460] =	vst v63  }
0x1d0: {  	_ =	swait.ge [sflag:s15], $0x500  }
0x1d1: {  	[sflag:s15] =	ssyncset.done $0x0  }
0x1d2: {  	s10 =	rddreg [dreg:$0xf];
	[sflag:s15] =	ssyncadd.s32 $0xFFFFFB00  }
0x1d3: {  	[hbm4b:s10+s4] =	stream.linear.scatter [tilespmem:s19], [sflag:$0xA], $0x500, $0x38;
	[tilespmem:$0x1E460] =	vst v63  }
0x1d4: {  	_ =	swait.ge [sflag:s15], $0x500  }
0x1d5: {  	[sflag:s15] =	ssyncset.done $0x0  }
0x1d6: {  	s17 =	rddreg [dreg:$0x1a];
	[sflag:s15] =	ssyncadd.s32 $0xFFFFFB00  }
0x1d7: {  	[tilespmem:s14], [sflag:$0xA] =	stream.linear.gather [spmem:s17], $0x2800, $0x38;
	[tilespmem:$0x1E460] =	vst v63  }
0x1d8: {  	_ =	swait.ge [sflag:s15], $0x2800  }
0x1d9: {  	[sflag:s15] =	ssyncset.done $0x0  }
0x1da: {  	s18 =	rddreg [dreg:$0x8];
	[sflag:s15] =	ssyncadd.s32 $0xFFFFD800  }
0x1db: {  	[hbm4b:s18+s4] =	stream.linear.scatter [tilespmem:s14], [sflag:$0xA], $0x2800, $0x38;
	[tilespmem:$0x1E460] =	vst v63  }
0x1dc: {  	_ =	swait.ge [sflag:s15], $0x2800  }
0x1dd: {  	[sflag:s15] =	ssyncset.done $0x0  }
0x1de: {  	s10 =	rddreg [dreg:$0x1b];
	[sflag:s15] =	ssyncadd.s32 $0xFFFFD800  }
0x1df: {  	[tilespmem:s19], [sflag:$0xA] =	stream.linear.gather [spmem:s10], $0x500, $0x38;
	[tilespmem:$0x1E460] =	vst v63  }
0x1e0: {  	_ =	swait.ge [sflag:s15], $0x500  }
0x1e1: {  	[sflag:s15] =	ssyncset.done $0x0  }
0x1e2: {  	s17 =	rddreg [dreg:$0x10];
	[sflag:s15] =	ssyncadd.s32 $0xFFFFFB00  }
0x1e3: {  	[hbm4b:s17+s4] =	stream.linear.scatter [tilespmem:s19], [sflag:$0xA], $0x500, $0x38;
	[tilespmem:$0x1E460] =	vst v63  }
0x1e4: {  	_ =	swait.ge [sflag:s15], $0x500  }
0x1e5: {  	[sflag:s15] =	ssyncset.done $0x0  }
0x1e6: {  	s18 =	rddreg [dreg:$0x1c];
	[sflag:s15] =	ssyncadd.s32 $0xFFFFFB00  }
0x1e7: {  	[tilespmem:s14], [sflag:$0xA] =	stream.linear.gather [spmem:s18], $0x2800, $0x38;
	[tilespmem:$0x1E460] =	vst v63  }
0x1e8: {  	_ =	swait.ge [sflag:s15], $0x2800  }
0x1e9: {  	[sflag:s15] =	ssyncset.done $0x0  }
0x1ea: {  	s10 =	rddreg [dreg:$0x9];
	[sflag:s15] =	ssyncadd.s32 $0xFFFFD800  }
0x1eb: {  	[hbm4b:s10+s4] =	stream.linear.scatter [tilespmem:s14], [sflag:$0xA], $0x2800, $0x38;
	[tilespmem:$0x1E460] =	vst v63  }
0x1ec: {  	_ =	swait.ge [sflag:s15], $0x2800  }
0x1ed: {  	[sflag:s15] =	ssyncset.done $0x0  }
0x1ee: {  	s17 =	rddreg [dreg:$0x1d];
	[sflag:s15] =	ssyncadd.s32 $0xFFFFD800  }
0x1ef: {  	[tilespmem:s19], [sflag:$0xA] =	stream.linear.gather [spmem:s17], $0x500, $0x38;
	[tilespmem:$0x1E460] =	vst v63  }
0x1f0: {  	_ =	swait.ge [sflag:s15], $0x500  }
0x1f1: {  	[sflag:s15] =	ssyncset.done $0x0  }
0x1f2: {  	s18 =	rddreg [dreg:$0x11];
	[sflag:s15] =	ssyncadd.s32 $0xFFFFFB00  }
0x1f3: {  	[hbm4b:s18+s4] =	stream.linear.scatter [tilespmem:s19], [sflag:$0xA], $0x500, $0x38;
	[tilespmem:$0x1E460] =	vst v63  }
0x1f4: {  	_ =	swait.ge [sflag:s15], $0x500  }
0x1f5: {  	[sflag:s15] =	ssyncset.done $0x0  }
0x1f6: {  	s10 =	rddreg [dreg:$0x1e];
	[sflag:s15] =	ssyncadd.s32 $0xFFFFFB00  }
0x1f7: {  	[tilespmem:s14], [sflag:$0xA] =	stream.linear.gather [spmem:s10], $0x2800, $0x38;
	[tilespmem:$0x1E460] =	vst v63  }
0x1f8: {  	_ =	swait.ge [sflag:s15], $0x2800  }
0x1f9: {  	[sflag:s15] =	ssyncset.done $0x0  }
0x1fa: {  	s17 =	rddreg [dreg:$0xa];
	[sflag:s15] =	ssyncadd.s32 $0xFFFFD800  }
0x1fb: {  	[hbm4b:s17+s4] =	stream.linear.scatter [tilespmem:s14], [sflag:$0xA], $0x2800, $0x38;
	[tilespmem:$0x1E460] =	vst v63  }
0x1fc: {  	_ =	swait.ge [sflag:s15], $0x2800  }
0x1fd: {  	[sflag:s15] =	ssyncset.done $0x0  }
0x1fe: {  	s18 =	rddreg [dreg:$0x1f];
	[sflag:s15] =	ssyncadd.s32 $0xFFFFD800  }
0x1ff: {  	[tilespmem:s19], [sflag:$0xA] =	stream.linear.gather [spmem:s18], $0x500, $0x38;
	[tilespmem:$0x1E460] =	vst v63  }
0x200: {  	_ =	swait.ge [sflag:s15], $0x500  }
0x201: {  	[sflag:s15] =	ssyncset.done $0x0  }
0x202: {  	s10 =	rddreg [dreg:$0x12];
	[sflag:s15] =	ssyncadd.s32 $0xFFFFFB00  }
0x203: {  	[hbm4b:s10+s4] =	stream.linear.scatter [tilespmem:s19], [sflag:$0xA], $0x500, $0x38;
	[tilespmem:$0x1E460] =	vst v63  }
0x204: {  	_ =	swait.ge [sflag:s15], $0x500  }
0x205: {  	s17 =	sld [smem:$0x7ED]  }
0x206: {  	[sflag:s15] =	ssyncset.done $0x0  }
0x207: {  	[sflag:s15] =	ssyncadd.s32 $0xFFFFFB00  }
0x208: {  	[tilespmem:s14], [sflag:$0xA] =	stream.linear.gather [spmem:s17], $0x2800, $0x38;
	[tilespmem:$0x1E460] =	vst v63  }
0x209: {  	_ =	swait.ge [sflag:s15], $0x2800  }
0x20a: {  	[sflag:s15] =	ssyncset.done $0x0  }
0x20b: {  	s18 =	rddreg [dreg:$0xb];
	[sflag:s15] =	ssyncadd.s32 $0xFFFFD800  }
0x20c: {  	[hbm4b:s18+s4] =	stream.linear.scatter [tilespmem:s14], [sflag:$0xA], $0x2800, $0x38;
	[tilespmem:$0x1E460] =	vst v63  }
0x20d: {  	_ =	swait.ge [sflag:s15], $0x2800  }
0x20e: {  	s10 =	sld [smem:$0x7EE]  }
0x20f: {  	[sflag:s15] =	ssyncset.done $0x0  }
0x210: {  	[sflag:s15] =	ssyncadd.s32 $0xFFFFD800  }
0x211: {  	[tilespmem:s19], [sflag:$0xA] =	stream.linear.gather [spmem:s10], $0x500, $0x38;
	[tilespmem:$0x1E460] =	vst v63  }
0x212: {  	_ =	swait.ge [sflag:s15], $0x500  }
0x213: {  	[sflag:s15] =	ssyncset.done $0x0  }
0x214: {  	s17 =	rddreg [dreg:$0x13];
	[sflag:s15] =	ssyncadd.s32 $0xFFFFFB00  }
0x215: {  	[hbm4b:s17+s4] =	stream.linear.scatter [tilespmem:s19], [sflag:$0xA], $0x500, $0x38;
	[tilespmem:$0x1E460] =	vst v63  }
0x216: {  	_ =	swait.ge [sflag:s15], $0x500  }
0x217: {  	s18 =	sld [smem:$0x7EF]  }
0x218: {  	[sflag:s15] =	ssyncset.done $0x0  }
0x219: {  	[sflag:s15] =	ssyncadd.s32 $0xFFFFFB00  }
0x21a: {  	[tilespmem:s14], [sflag:$0xA] =	stream.linear.gather [spmem:s18], $0x2800, $0x38;
	[tilespmem:$0x1E460] =	vst v63  }
0x21b: {  	_ =	swait.ge [sflag:s15], $0x2800  }
0x21c: {  	[sflag:s15] =	ssyncset.done $0x0  }
0x21d: {  	s10 =	rddreg [dreg:$0xc];
	[sflag:s15] =	ssyncadd.s32 $0xFFFFD800  }
0x21e: {  	[hbm4b:s10+s4] =	stream.linear.scatter [tilespmem:s14], [sflag:$0xA], $0x2800, $0x38;
	[tilespmem:$0x1E460] =	vst v63  }
0x21f: {  	_ =	swait.ge [sflag:s15], $0x2800  }
0x220: {  	s17 =	sld [smem:$0x7F0]  }
0x221: {  	[sflag:s15] =	ssyncset.done $0x0  }
0x222: {  	[sflag:s15] =	ssyncadd.s32 $0xFFFFD800  }
0x223: {  	[tilespmem:s19], [sflag:$0xA] =	stream.linear.gather [spmem:s17], $0x500, $0x38;
	[tilespmem:$0x1E460] =	vst v63  }
0x224: {  	_ =	swait.ge [sflag:s15], $0x500  }
0x225: {  	[sflag:s15] =	ssyncset.done $0x0  }
0x226: {  	s18 =	rddreg [dreg:$0x14];
	[sflag:s15] =	ssyncadd.s32 $0xFFFFFB00  }
0x227: {  	[hbm4b:s18+s4] =	stream.linear.scatter [tilespmem:s19], [sflag:$0xA], $0x500, $0x38;
	[tilespmem:$0x1E460] =	vst v63  }
0x228: {  	_ =	swait.ge [sflag:s15], $0x500  }
0x229: {  	s10 =	sld [smem:$0x7F7]  }
0x22a: {  	[sflag:s15] =	ssyncset.done $0x0  }
0x22b: {  	s9 =	simm.s32 @p0 $0x52D0;
	s17 =	simm.s32 @p0 $0xA;
	[sflag:s15] =	ssyncadd.s32 $0xFFFFFB00  }
0x22c: {  	[tilespmem:s9], [sflag:$0xA] =	stream.linear.gather @p0 [spmem:s10], $0x2800, $0x38;
	[tilespmem:$0x1E460] =	vst v63  }
0x22d: {  	_ =	swait.ge @p0 [sflag:s17], $0x2800  }
0x22e: {  	s10 =	sld [smem:$0x7F3]  }
0x22f: {  	[sflag:s17] =	ssyncset.done @p0 $0x0  }
0x230: {  	s18 =	simm.s32 @p0 $0x0;
	[sflag:s17] =	ssyncadd.s32 @p0 $0xFFFFD800  }
0x231: {  	[hbm4b:s10+s18] =	stream.linear.scatter @p0 [tilespmem:s9], [sflag:$0xA], $0x2800, $0x38;
	[tilespmem:$0x1E460] =	vst v63  }
0x232: {  	_ =	swait.ge @p0 [sflag:s17], $0x2800  }
0x233: {  	s10 =	sld [smem:$0x7F8]  }
0x234: {  	[sflag:s17] =	ssyncset.done @p0 $0x0  }
0x235: {  	s9 =	simm.s32 @p0 $0x7FD0;
	[sflag:s17] =	ssyncadd.s32 @p0 $0xFFFFD800  }
0x236: {  	[tilespmem:s9], [sflag:$0xA] =	stream.linear.gather @p0 [spmem:s10], $0x500, $0x38;
	[tilespmem:$0x1E460] =	vst v63  }
0x237: {  	_ =	swait.ge @p0 [sflag:s17], $0x500  }
0x238: {  	s10 =	sld [smem:$0x7F4]  }
0x239: {  	[sflag:s17] =	ssyncset.done @p0 $0x0  }
0x23a: {  	[sflag:s17] =	ssyncadd.s32 @p0 $0xFFFFFB00  }
0x23b: {  	[hbm4b:s10+s18] =	stream.linear.scatter @p0 [tilespmem:s9], [sflag:$0xA], $0x500, $0x38;
	[tilespmem:$0x1E460] =	vst v63  }
0x23c: {  	_ =	swait.ge @p0 [sflag:s17], $0x500  }
0x23d: {  	s10 =	sld [smem:$0x7F1]  }
0x23e: {  	[sflag:s17] =	ssyncset.done @p0 $0x0  }
0x23f: {  	s9 =	simm.s32 @!p0 $0x52D0;
	[sflag:s17] =	ssyncadd.s32 @p0 $0xFFFFFB00;
	s17 =	simm.s32 @!p0 $0xA  }
0x240: {  	[tilespmem:s9], [sflag:$0xA] =	stream.linear.gather @!p0 [spmem:s10], $0x2000, $0x38;
	[tilespmem:$0x1E460] =	vst v63  }
0x241: {  	_ =	swait.ge @!p0 [sflag:s17], $0x2000  }
0x242: {  	[sflag:s17] =	ssyncset.done @!p0 $0x0  }
0x243: {  	s18 =	simm.s32 @!p0 $0x0;
	s10 =	rddreg [dreg:$0xd];
	[sflag:s17] =	ssyncadd.s32 @!p0 $0xFFFFE000  }
0x244: {  	[hbm4b:s10+s18] =	stream.linear.scatter @!p0 [tilespmem:s9], [sflag:$0xA], $0x2000, $0x38;
	[tilespmem:$0x1E460] =	vst v63  }
0x245: {  	_ =	swait.ge @!p0 [sflag:s17], $0x2000  }
0x246: {  	s10 =	sld [smem:$0x7F2]  }
0x247: {  	[sflag:s17] =	ssyncset.done @!p0 $0x0  }
0x248: {  	s9 =	simm.s32 @!p0 $0x7FD0;
	[sflag:s17] =	ssyncadd.s32 @!p0 $0xFFFFE000  }
0x249: {  	[tilespmem:s9], [sflag:$0xA] =	stream.linear.gather @!p0 [spmem:s10], $0x400, $0x38;
	[tilespmem:$0x1E460] =	vst v63  }
0x24a: {  	_ =	swait.ge @!p0 [sflag:s17], $0x400  }
0x24b: {  	[sflag:s17] =	ssyncset.done @!p0 $0x0  }
0x24c: {  	s10 =	rddreg [dreg:$0x15];
	[sflag:s17] =	ssyncadd.s32 @!p0 $0xFFFFFC00  }
0x24d: {  	[hbm4b:s10+s18] =	stream.linear.scatter @!p0 [tilespmem:s9], [sflag:$0xA], $0x400, $0x38;
	[tilespmem:$0x1E460] =	vst v63  }
0x24e: {  	_ =	swait.ge @!p0 [sflag:s17], $0x400  }
0x24f: {  	s9 =	sld [smem:$0x7EC]  }
0x250: {  	s18 =	sld [smem:$0x7F5];
	_ =	sdelay $0x1  }
0x251: {  	s10 =	sadd.s32 $0x1, s9  }
0x252: {  	p1 =	sne.s32 s10, s18  }
.Ltmp2:
0x253: {  	_ = 	snop;
	(pc) =	sbr.rel @p1 .LBB2_1-.Ltmp2, $3  }
0x254: {  	_ =	sdelay $0x1  }
0x255: {  	[sflag:s17] =	ssyncset.done @!p0 $0x0  }
0x256: {  	[sflag:s17] =	ssyncadd.s32 @!p0 $0xFFFFFC00  }
0x257: {  	_ =	sfence.sel $0x180000  }
0x258: {  	[bflag:$0x0] =	sbarrier.arrive $0xFFFF  }
0x259: {  	_ =	strace $0x90000047  }
0x25a: {  	s0 =	stileid.u32;
	[bflag:$0x2] =	sbarrier.arrive $0xFFFF  }
0x25b: {  	p0 =	sne.s32 s0, $0x0;
	s0 =	rddreg [dreg:$0x3]  }
0x25c: {  	s0 =	sadd.s32 @!p0 $0x100000, s0  }
0x25d: {  	[sflag:s0] =	ssyncadd.tile.s32 @!p0 $0x1;
	_ =	shalt  }
.Lfunc_end2:
_tile_overlayer_lowered:
.L_overlay_start_2:
0x25e: {  	(tag) =	ssettag $0x2  }
0x25f: {  	s0 =	rddreg [dreg:$0x0];
	s2 =	stileid.u32  }
0x260: {  	s1 =	rddreg [dreg:$0x1];
	p0 =	sne.s32 s2, $0x0  }
0x261: {  	s3 =	rddreg [dreg:$0x2];
	[bflag:$0x3] =	sbarrier.arrive $0xFFFF;
	s2 =	simm.s32 @!p0 $0x1C0A  }
0x262: {  	[timem:s3], [sflag:s2] =	dma.local @!p0 [hbm:s0], s1  }
0x263: {  	s0 =	simm.s32 @!p0 $0xA  }
0x264: {  	_ =	swait.ge @!p0 [sflag:s0], s1  }
0x265: {  	s1 =	ssub.s32 @!p0 $0x0, s1;
	[sflag:s0] =	ssyncset.done @!p0 $0x0  }
0x266: {  	[sflag:s0] =	ssyncadd.s32 @!p0 s1  }
0x267: {  	[bflag:$0x3] =	sbarrier.arrive $0xFFFF  }
0x268: {  	_ =	shalt  }

</sc_bundles>
